<compile_context>
chip_gen: v7x
topology: tpu7x:2x2x1
jax: 0.10.2.dev20260603
libtpu: 0.0.44.dev20260713+nightly
codegen_flags: <defaults>
</compile_context>

<pallas_src>
import functools

import jax
import jax.numpy as jnp
from jax import lax
from jax.experimental import pallas as pl
from jax.experimental.pallas import tpu as pltpu
from jax.experimental.pallas import tpu_sc as plsc

NC = 2
NS = 16
CH = 128


def _make_seg_sum(npad, d, epad, f0=0.5):
    nw = NC * NS
    total_chunks = epad // CH
    nch0 = int(round(total_chunks * f0 / (NS * 8))) * 8
    nch0 = max(8, min(nch0, total_chunks // NS - 8))
    nch1 = total_chunks // NS - nch0
    c0_rows = NS * nch0
    rps = npad // NS
    mesh = plsc.VectorSubcoreMesh(core_axis_name="c", subcore_axis_name="s")

    @functools.partial(
        pl.kernel,
        mesh=mesh,
        out_type=[
            jax.ShapeDtypeStruct((NC, npad, d), jnp.float32),
            jax.ShapeDtypeStruct((NC, npad, d), jnp.float32),
            jax.ShapeDtypeStruct((NC, npad, d), jnp.float32),
        ],
        scratch_types=[
            pltpu.VMEM_SHARED((npad, d), jnp.float32),
            pltpu.VMEM((8, CH), jnp.int32),
            pltpu.VMEM((8, CH), jnp.int32),
            pltpu.VMEM((2, CH, d), jnp.float32),
            pltpu.SemaphoreType.DMA,
            pltpu.SemaphoreType.DMA,
            pltpu.SemaphoreType.DMA,
            pltpu.SemaphoreType.DMA,
        ],
    )
    def seg_sum(x_hbm, h_hbm, src_hbm, dst_hbm, zr_hbm, on_hbm,
                px_hbm, ph_hbm, pc_hbm,
                acc, src_v, dst_v, rows_v, gs0, gs1, ss0, ss1):
        cid = lax.axis_index("c")
        sid = lax.axis_index("s")
        own = pl.ds(sid * rps, rps)
        gsem = (gs0, gs1)
        ssem = (ss0, ss1)
        wbase = jnp.where(cid == 0, sid * nch0, c0_rows + sid * nch1)
        ngroups = jnp.where(cid == 0, nch0 // 8, nch1 // 8)

        def zero_acc():
            pltpu.sync_copy(zr_hbm, acc.at[own])

        def dump(out_hbm):
            pltpu.sync_copy(acc.at[own], out_hbm.at[cid].at[own])

        def cnt_phase():
            pltpu.sync_copy(on_hbm, rows_v.at[0])

            def group(g, carry):
                base = wbase + g * 8
                pltpu.sync_copy(dst_hbm.at[pl.ds(base, 8)], dst_v)
                sca = []
                for k in range(8):
                    if k >= 2:
                        sca[k - 2].wait()
                    sca.append(pltpu.async_copy(
                        rows_v.at[0], acc.at[dst_v.at[k]],
                        ssem[k % 2], add=True))
                sca[6].wait()
                sca[7].wait()
                return carry

            lax.fori_loop(0, ngroups, group, 0)

        def agg_phase(table_hbm):
            def group(g, carry):
                base = wbase + g * 8
                pltpu.sync_copy(src_hbm.at[pl.ds(base, 8)], src_v)
                pltpu.sync_copy(dst_hbm.at[pl.ds(base, 8)], dst_v)
                gat = [pltpu.async_copy(
                    table_hbm.at[src_v.at[0]], rows_v.at[0], gsem[0])]
                sca = []
                for k in range(8):
                    gat[k].wait()
                    sca.append(pltpu.async_copy(
                        rows_v.at[k % 2], acc.at[dst_v.at[k]],
                        ssem[k % 2], add=True))
                    if k < 7:
                        if k >= 1:
                            sca[k - 1].wait()
                        gat.append(pltpu.async_copy(
                            table_hbm.at[src_v.at[k + 1]],
                            rows_v.at[(k + 1) % 2], gsem[(k + 1) % 2]))
                sca[6].wait()
                sca[7].wait()
                return carry

            lax.fori_loop(0, ngroups, group, 0)

        zero_acc()
        plsc.subcore_barrier()
        cnt_phase()
        plsc.subcore_barrier()
        dump(pc_hbm)

        zero_acc()
        plsc.subcore_barrier()
        agg_phase(x_hbm)
        plsc.subcore_barrier()
        dump(px_hbm)

        zero_acc()
        plsc.subcore_barrier()
        agg_phase(h_hbm)
        plsc.subcore_barrier()
        dump(ph_hbm)

    return seg_sum


def _tc_body(px, ph, pc, x, h, c, w, b, wi, wf, wo, bi, bf, bc, bo,
             o_ref, hn_ref, cn_ref):
    sx = px[0] + px[1]
    sh = ph[0] + ph[1]
    cnt = jnp.maximum(pc[0][:, 0:1] + pc[1][:, 0:1], 1.0)
    agg_x = sx / cnt
    agg_h = sh / cnt
    a = jnp.concatenate([agg_x, x[...], agg_h, h[...]], axis=1)
    z = jnp.dot(a, w[...], preferred_element_type=jnp.float32) + b[...]
    hd = x.shape[1]
    c0 = c[...]
    zi = z[:, 0 * hd:1 * hd]
    zf = z[:, 1 * hd:2 * hd]
    zc = z[:, 2 * hd:3 * hd]
    zo = z[:, 3 * hd:4 * hd]
    gi = jax.nn.sigmoid(zi + wi[...] * c0 + bi[...])
    gf = jax.nn.sigmoid(zf + wf[...] * c0 + bf[...])
    cn = gf * c0 + gi * jnp.tanh(zc + bc[...])
    go = jax.nn.sigmoid(zo + wo[...] * cn + bo[...])
    o_ref[...] = go
    hn_ref[...] = go * jnp.tanh(cn)
    cn_ref[...] = cn


def kernel(X, edge_index, h, c,
           ix_Wl, ix_bl, ix_Wr, ih_Wl, ih_bl, ih_Wr,
           fx_Wl, fx_bl, fx_Wr, fh_Wl, fh_bl, fh_Wr,
           cx_Wl, cx_bl, cx_Wr, ch_Wl, ch_bl, ch_Wr,
           ox_Wl, ox_bl, ox_Wr, oh_Wl, oh_bl, oh_Wr,
           w_i, w_f, w_o, b_i, b_f, b_c, b_o):
    n, d = X.shape
    e = edge_index.shape[1]
    hd = h.shape[1]
    nw = NC * NS
    npad = -(-n // (8 * NS)) * (8 * NS)
    rps = npad // NS
    estep = nw * CH * 8
    epad = -(-e // estep) * estep

    src = edge_index[0]
    dst = edge_index[1]
    if epad != e:
        src = jnp.concatenate([src, jnp.zeros((epad - e,), jnp.int32)])
        dst = jnp.concatenate(
            [dst, jnp.full((epad - e,), npad - 1, jnp.int32)])
    srcm = src.reshape(-1, CH)
    dstm = dst.reshape(-1, CH)
    zr = jnp.zeros((rps, d), jnp.float32)
    on = jnp.ones((CH, d), jnp.float32)

    px, ph, pc = _make_seg_sum(npad, d, epad, f0=0.90)(X, h, srcm, dstm, zr, on)

    wcols = []
    for wl_x, wr_x, wl_h, wr_h in (
        (ix_Wl, ix_Wr, ih_Wl, ih_Wr),
        (fx_Wl, fx_Wr, fh_Wl, fh_Wr),
        (cx_Wl, cx_Wr, ch_Wl, ch_Wr),
        (ox_Wl, ox_Wr, oh_Wl, oh_Wr),
    ):
        wcols.append(jnp.concatenate([wl_x.T, wr_x.T, wl_h.T, wr_h.T], axis=0))
    wstack = jnp.concatenate(wcols, axis=1)
    bias = jnp.concatenate(
        [ix_bl + ih_bl, fx_bl + fh_bl, cx_bl + ch_bl, ox_bl + oh_bl]
    ).reshape(1, 4 * hd)

    blk = 400
    grid = (n // blk,)
    full = lambda i: (0, 0)
    row = lambda i: (i, 0)
    part3 = lambda i: (0, i, 0)
    part2 = lambda i: (0, i)
    o, hn, cn = pl.pallas_call(
        _tc_body,
        grid=grid,
        in_specs=[
            pl.BlockSpec((NC, blk, d), part3),
            pl.BlockSpec((NC, blk, d), part3),
            pl.BlockSpec((NC, blk, d), part3),
            pl.BlockSpec((blk, d), row),
            pl.BlockSpec((blk, hd), row),
            pl.BlockSpec((blk, hd), row),
            pl.BlockSpec((2 * d + 2 * hd, 4 * hd), full),
            pl.BlockSpec((1, 4 * hd), full),
            pl.BlockSpec((1, hd), full),
            pl.BlockSpec((1, hd), full),
            pl.BlockSpec((1, hd), full),
            pl.BlockSpec((1, hd), full),
            pl.BlockSpec((1, hd), full),
            pl.BlockSpec((1, hd), full),
            pl.BlockSpec((1, hd), full),
        ],
        out_specs=[
            pl.BlockSpec((blk, hd), row),
            pl.BlockSpec((blk, hd), row),
            pl.BlockSpec((blk, hd), row),
        ],
        out_shape=[
            jax.ShapeDtypeStruct((n, hd), jnp.float32),
            jax.ShapeDtypeStruct((n, hd), jnp.float32),
            jax.ShapeDtypeStruct((n, hd), jnp.float32),
        ],
    )(px, ph, pc, X, h, c, wstack, bias, w_i, w_f, w_o, b_i, b_f, b_c, b_o)

    return (o, (hn, cn))

# --- scband reference (transcript-rebuilt; emitter-appended) ---
"""Pipeline reference for scband-graph-recurrent-neural-network-15470472200625 (READ-ONLY COPY).

The authoritative reference and input builder live on the scoring server;
editing this copy changes nothing except your own understanding.
"""

import jax, jax.numpy as jnp
import numpy as np

N = 10000
E = 320000
D = 128
H = 128


def _glorot(key, shape):
    s = float(np.sqrt(6.0 / (shape[0] + shape[1])))
    return jax.random.uniform(key, shape, jnp.float32, -s, s)


def setup_inputs(seed: int = 0):
    key = jax.random.key(seed)
    inp = {}
    inp["X"] = jax.random.normal(jax.random.fold_in(key, 1), (N, D), dtype=jnp.float32)
    inp["edge_index"] = jax.random.randint(jax.random.fold_in(key, 2), (2, E), 0, N, dtype=jnp.int32)
    inp["h"] = jax.random.normal(jax.random.fold_in(key, 3), (N, H), dtype=jnp.float32)
    inp["c"] = jax.random.normal(jax.random.fold_in(key, 4), (N, H), dtype=jnp.float32)
    idx = 10
    for g in ["i", "f", "c", "o"]:
        inp[g + "x_Wl"] = _glorot(jax.random.fold_in(key, idx), (H, D)); idx += 1
        inp[g + "x_bl"] = jnp.zeros((H,), jnp.float32)
        inp[g + "x_Wr"] = _glorot(jax.random.fold_in(key, idx), (H, D)); idx += 1
        inp[g + "h_Wl"] = _glorot(jax.random.fold_in(key, idx), (H, H)); idx += 1
        inp[g + "h_bl"] = jnp.zeros((H,), jnp.float32)
        inp[g + "h_Wr"] = _glorot(jax.random.fold_in(key, idx), (H, H)); idx += 1
    for g in ["i", "f", "o"]:
        inp["w_" + g] = _glorot(jax.random.fold_in(key, idx), (1, H)); idx += 1
    for g in ["i", "f", "c", "o"]:
        inp["b_" + g] = jnp.zeros((1, H), jnp.float32)
    return inp


def _gcn(x, src, dst, Wl, bl, Wr, n):
    # PyG MessagePassing(aggr='mean'): message = x_j (source features), mean-aggregated at dst
    msg = jnp.take(x, src, axis=0)
    s = jax.ops.segment_sum(msg, dst, num_segments=n)
    cnt = jax.ops.segment_sum(jnp.ones((src.shape[0],), x.dtype), dst, num_segments=n)
    agg = s / jnp.maximum(cnt, 1.0)[:, None]
    # out = Linear(agg) + Linear_nobias(x)
    return agg @ Wl.T + bl + x @ Wr.T


def _forward(X, h, c, edge_index, p):
    src = edge_index[0]
    dst = edge_index[1]
    n = X.shape[0]

    def gc(g, xh, x):
        return _gcn(x, src, dst, p[g + xh + "_Wl"], p[g + xh + "_bl"], p[g + xh + "_Wr"], n)

    i = jax.nn.sigmoid(gc("i", "x", X) + gc("i", "h", h) + p["w_i"] * c + p["b_i"])
    f = jax.nn.sigmoid(gc("f", "x", X) + gc("f", "h", h) + p["w_f"] * c + p["b_f"])
    cn = f * c + i * jnp.tanh(gc("c", "x", X) + gc("c", "h", h) + p["b_c"])
    o = jax.nn.sigmoid(gc("o", "x", X) + gc("o", "h", h) + p["w_o"] * cn + p["b_o"])
    hn = o * jnp.tanh(cn)
    return o, hn, cn


def reference(
    X, edge_index, h, c,
    ix_Wl, ix_bl, ix_Wr, ih_Wl, ih_bl, ih_Wr,
    fx_Wl, fx_bl, fx_Wr, fh_Wl, fh_bl, fh_Wr,
    cx_Wl, cx_bl, cx_Wr, ch_Wl, ch_bl, ch_Wr,
    ox_Wl, ox_bl, ox_Wr, oh_Wl, oh_bl, oh_Wr,
    w_i, w_f, w_o, b_i, b_f, b_c, b_o,
):
    p = dict(locals())
    for k in ("X", "edge_index", "h", "c"):
        p.pop(k)
    o, hn, cn = _forward(X, h, c, edge_index, p)
    return (o, (hn, cn))

if __name__ == "__main__":
    import jax
    _d = setup_inputs()
    print(jax.jit(kernel)(*tuple(_d.values())))

</pallas_src>

<mosaic_0001>
#map = affine_map<(d0, d1) -> (0, 0)>
#map1 = affine_map<(d0, d1) -> (0, 0, 0)>
module attributes {stable_mosaic.version = 14 : i64} {
  func.func @seg_sum(%arg0: i32, %arg1: i32, %arg2: memref<10000x128xf32, #tpu.memory_space<hbm>>, %arg3: memref<10000x128xf32, #tpu.memory_space<hbm>>, %arg4: memref<2560x128xi32, #tpu.memory_space<hbm>>, %arg5: memref<2560x128xi32, #tpu.memory_space<hbm>>, %arg6: memref<632x128xf32, #tpu.memory_space<hbm>>, %arg7: memref<128x128xf32, #tpu.memory_space<hbm>>, %arg8: memref<2x10112x128xf32, #tpu.memory_space<hbm>>, %arg9: memref<2x10112x128xf32, #tpu.memory_space<hbm>>, %arg10: memref<2x10112x128xf32, #tpu.memory_space<hbm>>, %arg11: memref<10112x128xf32, #tpu.memory_space<vmem_shared>>, %arg12: memref<8x128xi32, #tpu.memory_space<vmem>>, %arg13: memref<8x128xi32, #tpu.memory_space<vmem>>, %arg14: memref<2x128x128xf32, #tpu.memory_space<vmem>>, %arg15: memref<!tpu.dma_semaphore, #tpu.memory_space<semaphore_mem>>, %arg16: memref<!tpu.dma_semaphore, #tpu.memory_space<semaphore_mem>>, %arg17: memref<!tpu.dma_semaphore, #tpu.memory_space<semaphore_mem>>, %arg18: memref<!tpu.dma_semaphore, #tpu.memory_space<semaphore_mem>>) attributes {dimension_semantics = [#tpu.dimension_semantics<core_parallel>, #tpu.dimension_semantics<subcore_parallel>], iteration_bounds = array<i64: 2, 16>, scalar_prefetch = 0 : i64, scratch_operands = 8 : i64, tpu.core_type = #tpu.core_type<sc_vector_subcore>, window_params = [{transform_indices = #map}, {transform_indices = #map}, {transform_indices = #map}, {transform_indices = #map}, {transform_indices = #map}, {transform_indices = #map}, {transform_indices = #map1}, {transform_indices = #map1}, {transform_indices = #map1}]} {
    %mul3A = arith.constant 632 : i32
    %mul3A_0 = arith.muli %arg1, %mul3A : i32
    %eq3A = arith.constant 0 : i32
    %eq3A_1 = arith.cmpi eq, %arg0, %eq3A : i32
    %mul3A_2 = arith.constant 144 : i32
    %mul3A_3 = arith.muli %arg1, %mul3A_2 : i32
    %mul3A_4 = arith.constant 16 : i32
    %mul3A_5 = arith.muli %arg1, %mul3A_4 : i32
    %add3A = arith.constant 2304 : i32
    %add3A_6 = arith.addi %add3A, %mul3A_5 : i32
    %select_n3A = arith.select %eq3A_1, %mul3A_3, %add3A_6 : i32
    %eq3A_7 = arith.constant 0 : i32
    %eq3A_8 = arith.cmpi eq, %arg0, %eq3A_7 : i32
    %jit3A = arith.constant 18 : i32
    %jit3A_9 = arith.constant 2 : i32
    %select_n3A_10 = arith.select %eq3A_8, %jit3A, %jit3A_9 : i32
    "tpu.region"() ({
      %run_scoped3A_45 = tpu.sem_alloc : memref<!tpu.dma_semaphore, #tpu.memory_space<semaphore_mem>>
      %dma_start3A = arith.constant 0 : i32
      %dma_start3A_46 = tpu.memref_slice %arg11[%mul3A_0, %dma_start3A] : memref<10112x128xf32, #tpu.memory_space<vmem_shared>> -> memref<632x128xf32, #tpu.memory_space<vmem_shared>>
      tpu.enqueue_dma source(%arg6 : memref<632x128xf32, #tpu.memory_space<hbm>>) target(%dma_start3A_46 : memref<632x128xf32, #tpu.memory_space<vmem_shared>>) target_semaphore(%run_scoped3A_45 : memref<!tpu.dma_semaphore, #tpu.memory_space<semaphore_mem>>)
      %dma_wait3A = arith.constant 0 : i32
      %dma_wait3A_47 = tpu.memref_slice %arg11[%mul3A_0, %dma_wait3A] : memref<10112x128xf32, #tpu.memory_space<vmem_shared>> -> memref<632x128xf32, #tpu.memory_space<vmem_shared>>
      tpu.wait_dma2 semaphore(%run_scoped3A_45 : memref<!tpu.dma_semaphore, #tpu.memory_space<semaphore_mem>>) src(%arg6 : memref<632x128xf32, #tpu.memory_space<hbm>>) dst(%dma_wait3A_47 : memref<632x128xf32, #tpu.memory_space<vmem_shared>>)
      tpu.yield
    }) : () -> ()
    %barrier3A = arith.constant 0 : index
    tpu.barrier barrier_id(%barrier3A)
    %run_scoped3A = arith.constant 0 : i32
    "tpu.region"() ({
      %run_scoped3A_45 = tpu.sem_alloc : memref<!tpu.dma_semaphore, #tpu.memory_space<semaphore_mem>>
      %dma_start3A = arith.constant 0 : i32
      %dma_start3A_46 = arith.constant 0 : i32
      %dma_start3A_47 = tpu.memref_slice %arg14[%run_scoped3A, %dma_start3A, %dma_start3A_46] : memref<2x128x128xf32, #tpu.memory_space<vmem>> -> memref<1x128x128xf32, #tpu.memory_space<vmem>>
      %dma_start3A_48 = tpu.memref_squeeze %dma_start3A_47 : memref<1x128x128xf32, #tpu.memory_space<vmem>> -> memref<128x128xf32, #tpu.memory_space<vmem>>
      %dma_start3A_49 = arith.constant 0 : i32
      %dma_start3A_50 = arith.constant 0 : i32
      %dma_start3A_51 = tpu.memref_slice %arg14[%run_scoped3A, %dma_start3A_49, %dma_start3A_50] : memref<2x128x128xf32, #tpu.memory_space<vmem>> -> memref<1x128x128xf32, #tpu.memory_space<vmem>>
      %dma_start3A_52 = tpu.memref_squeeze %dma_start3A_51 : memref<1x128x128xf32, #tpu.memory_space<vmem>> -> memref<128x128xf32, #tpu.memory_space<vmem>>
      tpu.enqueue_dma source(%arg7 : memref<128x128xf32, #tpu.memory_space<hbm>>) target(%dma_start3A_52 : memref<128x128xf32, #tpu.memory_space<vmem>>) target_semaphore(%run_scoped3A_45 : memref<!tpu.dma_semaphore, #tpu.memory_space<semaphore_mem>>)
      %dma_wait3A = arith.constant 0 : i32
      %dma_wait3A_53 = arith.constant 0 : i32
      %dma_wait3A_54 = tpu.memref_slice %arg14[%run_scoped3A, %dma_wait3A, %dma_wait3A_53] : memref<2x128x128xf32, #tpu.memory_space<vmem>> -> memref<1x128x128xf32, #tpu.memory_space<vmem>>
      %dma_wait3A_55 = tpu.memref_squeeze %dma_wait3A_54 : memref<1x128x128xf32, #tpu.memory_space<vmem>> -> memref<128x128xf32, #tpu.memory_space<vmem>>
      %dma_wait3A_56 = arith.constant 0 : i32
      %dma_wait3A_57 = arith.constant 0 : i32
      %dma_wait3A_58 = tpu.memref_slice %arg14[%run_scoped3A, %dma_wait3A_56, %dma_wait3A_57] : memref<2x128x128xf32, #tpu.memory_space<vmem>> -> memref<1x128x128xf32, #tpu.memory_space<vmem>>
      %dma_wait3A_59 = tpu.memref_squeeze %dma_wait3A_58 : memref<1x128x128xf32, #tpu.memory_space<vmem>> -> memref<128x128xf32, #tpu.memory_space<vmem>>
      tpu.wait_dma2 semaphore(%run_scoped3A_45 : memref<!tpu.dma_semaphore, #tpu.memory_space<semaphore_mem>>) src(%arg7 : memref<128x128xf32, #tpu.memory_space<hbm>>) dst(%dma_wait3A_59 : memref<128x128xf32, #tpu.memory_space<vmem>>)
      tpu.yield
    }) : () -> ()
    %while3A = arith.constant 0 : i32
    %while3A_11 = arith.constant 0 : i32
    %while3A_12 = arith.subi %select_n3A_10, %while3A_11 : i32
    %while3A_13 = arith.addi %while3A_11, %while3A_12 : i32
    %while3A_14 = arith.constant 1 : i32
    %while3A_15 = arith.divsi %while3A_12, %while3A_14 : i32
    %while3A_16 = arith.muli %while3A_15, %while3A_14 : i32
    %while3A_17 = arith.addi %while3A_11, %while3A_16 : i32
    %while3A_18 = arith.constant 1 : i32
    scf.for %while3A_45 = %while3A_11 to %while3A_17 step %while3A_18  : i32 {
      %mul3A_46 = arith.constant 8 : i32
      %mul3A_47 = arith.muli %while3A_45, %mul3A_46 : i32
      %add3A_48 = arith.addi %select_n3A, %mul3A_47 : i32
      "tpu.region"() ({
        %run_scoped3A_239 = tpu.sem_alloc : memref<!tpu.dma_semaphore, #tpu.memory_space<semaphore_mem>>
        %dma_start3A_240 = arith.constant 0 : i32
        %dma_start3A_241 = tpu.memref_slice %arg5[%add3A_48, %dma_start3A_240] : memref<2560x128xi32, #tpu.memory_space<hbm>> -> memref<8x128xi32, #tpu.memory_space<hbm>>
        %dma_start3A_242 = arith.constant 0 : i32
        %dma_start3A_243 = tpu.memref_slice %arg5[%add3A_48, %dma_start3A_242] : memref<2560x128xi32, #tpu.memory_space<hbm>> -> memref<8x128xi32, #tpu.memory_space<hbm>>
        tpu.enqueue_dma source(%dma_start3A_243 : memref<8x128xi32, #tpu.memory_space<hbm>>) target(%arg13 : memref<8x128xi32, #tpu.memory_space<vmem>>) target_semaphore(%run_scoped3A_239 : memref<!tpu.dma_semaphore, #tpu.memory_space<semaphore_mem>>)
        %dma_wait3A_244 = arith.constant 0 : i32
        %dma_wait3A_245 = tpu.memref_slice %arg5[%add3A_48, %dma_wait3A_244] : memref<2560x128xi32, #tpu.memory_space<hbm>> -> memref<8x128xi32, #tpu.memory_space<hbm>>
        %dma_wait3A_246 = arith.constant 0 : i32
        %dma_wait3A_247 = tpu.memref_slice %arg5[%add3A_48, %dma_wait3A_246] : memref<2560x128xi32, #tpu.memory_space<hbm>> -> memref<8x128xi32, #tpu.memory_space<hbm>>
        tpu.wait_dma2 semaphore(%run_scoped3A_239 : memref<!tpu.dma_semaphore, #tpu.memory_space<semaphore_mem>>) src(%dma_wait3A_247 : memref<8x128xi32, #tpu.memory_space<hbm>>) dst(%arg13 : memref<8x128xi32, #tpu.memory_space<vmem>>)
        tpu.yield
      }) : () -> ()
      %dma_start3A = arith.constant 0 : i32
      %dma_start3A_49 = arith.constant 0 : i32
      %dma_start3A_50 = arith.constant 0 : i32
      %dma_start3A_51 = arith.constant 0 : i32
      %dma_start3A_52 = tpu.memref_slice %arg14[%dma_start3A, %dma_start3A_50, %dma_start3A_51] : memref<2x128x128xf32, #tpu.memory_space<vmem>> -> memref<1x128x128xf32, #tpu.memory_space<vmem>>
      %dma_start3A_53 = tpu.memref_squeeze %dma_start3A_52 : memref<1x128x128xf32, #tpu.memory_space<vmem>> -> memref<128x128xf32, #tpu.memory_space<vmem>>
      %dma_start3A_54 = arith.constant 0 : i32
      %dma_start3A_55 = tpu.memref_slice %arg13[%dma_start3A_49, %dma_start3A_54] : memref<8x128xi32, #tpu.memory_space<vmem>> -> memref<1x128xi32, #tpu.memory_space<vmem>>
      %dma_start3A_56 = tpu.memref_squeeze %dma_start3A_55 : memref<1x128xi32, #tpu.memory_space<vmem>> -> memref<128xi32, #tpu.memory_space<vmem>>
      %dma_start3A_57 = arith.constant 0 : i32
      %dma_start3A_58 = arith.constant 0 : i32
      %dma_start3A_59 = tpu.memref_slice %arg11[%dma_start3A_57, %dma_start3A_58] : memref<10112x128xf32, #tpu.memory_space<vmem_shared>> -> memref<10112x128xf32, #tpu.memory_space<vmem_shared>>
      tpu.enqueue_indirect_dma source(%dma_start3A_53 : memref<128x128xf32, #tpu.memory_space<vmem>>) target(%dma_start3A_59 : memref<10112x128xf32, #tpu.memory_space<vmem_shared>>) offsets(%dma_start3A_56 : memref<128xi32, #tpu.memory_space<vmem>>) semaphore(%arg17 : memref<!tpu.dma_semaphore, #tpu.memory_space<semaphore_mem>>) {add = true}
      %dma_start3A_60 = arith.constant 0 : i32
      %dma_start3A_61 = arith.constant 1 : i32
      %dma_start3A_62 = arith.constant 0 : i32
      %dma_start3A_63 = arith.constant 0 : i32
      %dma_start3A_64 = tpu.memref_slice %arg14[%dma_start3A_60, %dma_start3A_62, %dma_start3A_63] : memref<2x128x128xf32, #tpu.memory_space<vmem>> -> memref<1x128x128xf32, #tpu.memory_space<vmem>>
      %dma_start3A_65 = tpu.memref_squeeze %dma_start3A_64 : memref<1x128x128xf32, #tpu.memory_space<vmem>> -> memref<128x128xf32, #tpu.memory_space<vmem>>
      %dma_start3A_66 = arith.constant 0 : i32
      %dma_start3A_67 = tpu.memref_slice %arg13[%dma_start3A_61, %dma_start3A_66] : memref<8x128xi32, #tpu.memory_space<vmem>> -> memref<1x128xi32, #tpu.memory_space<vmem>>
      %dma_start3A_68 = tpu.memref_squeeze %dma_start3A_67 : memref<1x128xi32, #tpu.memory_space<vmem>> -> memref<128xi32, #tpu.memory_space<vmem>>
      %dma_start3A_69 = arith.constant 0 : i32
      %dma_start3A_70 = arith.constant 0 : i32
      %dma_start3A_71 = tpu.memref_slice %arg11[%dma_start3A_69, %dma_start3A_70] : memref<10112x128xf32, #tpu.memory_space<vmem_shared>> -> memref<10112x128xf32, #tpu.memory_space<vmem_shared>>
      tpu.enqueue_indirect_dma source(%dma_start3A_65 : memref<128x128xf32, #tpu.memory_space<vmem>>) target(%dma_start3A_71 : memref<10112x128xf32, #tpu.memory_space<vmem_shared>>) offsets(%dma_start3A_68 : memref<128xi32, #tpu.memory_space<vmem>>) semaphore(%arg18 : memref<!tpu.dma_semaphore, #tpu.memory_space<semaphore_mem>>) {add = true}
      %dma_wait3A = arith.constant 0 : i32
      %dma_wait3A_72 = arith.constant 0 : i32
      %dma_wait3A_73 = arith.constant 0 : i32
      %dma_wait3A_74 = arith.constant 0 : i32
      %dma_wait3A_75 = tpu.memref_slice %arg14[%dma_wait3A, %dma_wait3A_73, %dma_wait3A_74] : memref<2x128x128xf32, #tpu.memory_space<vmem>> -> memref<1x128x128xf32, #tpu.memory_space<vmem>>
      %dma_wait3A_76 = tpu.memref_squeeze %dma_wait3A_75 : memref<1x128x128xf32, #tpu.memory_space<vmem>> -> memref<128x128xf32, #tpu.memory_space<vmem>>
      %dma_wait3A_77 = arith.constant 0 : i32
      %dma_wait3A_78 = tpu.memref_slice %arg13[%dma_wait3A_72, %dma_wait3A_77] : memref<8x128xi32, #tpu.memory_space<vmem>> -> memref<1x128xi32, #tpu.memory_space<vmem>>
      %dma_wait3A_79 = tpu.memref_squeeze %dma_wait3A_78 : memref<1x128xi32, #tpu.memory_space<vmem>> -> memref<128xi32, #tpu.memory_space<vmem>>
      %dma_wait3A_80 = arith.constant 0 : i32
      %dma_wait3A_81 = arith.constant 0 : i32
      %dma_wait3A_82 = tpu.memref_slice %arg11[%dma_wait3A_80, %dma_wait3A_81] : memref<10112x128xf32, #tpu.memory_space<vmem_shared>> -> memref<10112x128xf32, #tpu.memory_space<vmem_shared>>
      tpu.wait_indirect_dma semaphore(%arg17 : memref<!tpu.dma_semaphore, #tpu.memory_space<semaphore_mem>>) src(%dma_wait3A_76 : memref<128x128xf32, #tpu.memory_space<vmem>>) dst(%dma_wait3A_82 : memref<10112x128xf32, #tpu.memory_space<vmem_shared>>)
      %dma_start3A_83 = arith.constant 0 : i32
      %dma_start3A_84 = arith.constant 2 : i32
      %dma_start3A_85 = arith.constant 0 : i32
      %dma_start3A_86 = arith.constant 0 : i32
      %dma_start3A_87 = tpu.memref_slice %arg14[%dma_start3A_83, %dma_start3A_85, %dma_start3A_86] : memref<2x128x128xf32, #tpu.memory_space<vmem>> -> memref<1x128x128xf32, #tpu.memory_space<vmem>>
      %dma_start3A_88 = tpu.memref_squeeze %dma_start3A_87 : memref<1x128x128xf32, #tpu.memory_space<vmem>> -> memref<128x128xf32, #tpu.memory_space<vmem>>
      %dma_start3A_89 = arith.constant 0 : i32
      %dma_start3A_90 = tpu.memref_slice %arg13[%dma_start3A_84, %dma_start3A_89] : memref<8x128xi32, #tpu.memory_space<vmem>> -> memref<1x128xi32, #tpu.memory_space<vmem>>
      %dma_start3A_91 = tpu.memref_squeeze %dma_start3A_90 : memref<1x128xi32, #tpu.memory_space<vmem>> -> memref<128xi32, #tpu.memory_space<vmem>>
      %dma_start3A_92 = arith.constant 0 : i32
      %dma_start3A_93 = arith.constant 0 : i32
      %dma_start3A_94 = tpu.memref_slice %arg11[%dma_start3A_92, %dma_start3A_93] : memref<10112x128xf32, #tpu.memory_space<vmem_shared>> -> memref<10112x128xf32, #tpu.memory_space<vmem_shared>>
      tpu.enqueue_indirect_dma source(%dma_start3A_88 : memref<128x128xf32, #tpu.memory_space<vmem>>) target(%dma_start3A_94 : memref<10112x128xf32, #tpu.memory_space<vmem_shared>>) offsets(%dma_start3A_91 : memref<128xi32, #tpu.memory_space<vmem>>) semaphore(%arg17 : memref<!tpu.dma_semaphore, #tpu.memory_space<semaphore_mem>>) {add = true}
      %dma_wait3A_95 = arith.constant 0 : i32
      %dma_wait3A_96 = arith.constant 1 : i32
      %dma_wait3A_97 = arith.constant 0 : i32
      %dma_wait3A_98 = arith.constant 0 : i32
      %dma_wait3A_99 = tpu.memref_slice %arg14[%dma_wait3A_95, %dma_wait3A_97, %dma_wait3A_98] : memref<2x128x128xf32, #tpu.memory_space<vmem>> -> memref<1x128x128xf32, #tpu.memory_space<vmem>>
      %dma_wait3A_100 = tpu.memref_squeeze %dma_wait3A_99 : memref<1x128x128xf32, #tpu.memory_space<vmem>> -> memref<128x128xf32, #tpu.memory_space<vmem>>
      %dma_wait3A_101 = arith.constant 0 : i32
      %dma_wait3A_102 = tpu.memref_slice %arg13[%dma_wait3A_96, %dma_wait3A_101] : memref<8x128xi32, #tpu.memory_space<vmem>> -> memref<1x128xi32, #tpu.memory_space<vmem>>
      %dma_wait3A_103 = tpu.memref_squeeze %dma_wait3A_102 : memref<1x128xi32, #tpu.memory_space<vmem>> -> memref<128xi32, #tpu.memory_space<vmem>>
      %dma_wait3A_104 = arith.constant 0 : i32
      %dma_wait3A_105 = arith.constant 0 : i32
      %dma_wait3A_106 = tpu.memref_slice %arg11[%dma_wait3A_104, %dma_wait3A_105] : memref<10112x128xf32, #tpu.memory_space<vmem_shared>> -> memref<10112x128xf32, #tpu.memory_space<vmem_shared>>
      tpu.wait_indirect_dma semaphore(%arg18 : memref<!tpu.dma_semaphore, #tpu.memory_space<semaphore_mem>>) src(%dma_wait3A_100 : memref<128x128xf32, #tpu.memory_space<vmem>>) dst(%dma_wait3A_106 : memref<10112x128xf32, #tpu.memory_space<vmem_shared>>)
      %dma_start3A_107 = arith.constant 0 : i32
      %dma_start3A_108 = arith.constant 3 : i32
      %dma_start3A_109 = arith.constant 0 : i32
      %dma_start3A_110 = arith.constant 0 : i32
      %dma_start3A_111 = tpu.memref_slice %arg14[%dma_start3A_107, %dma_start3A_109, %dma_start3A_110] : memref<2x128x128xf32, #tpu.memory_space<vmem>> -> memref<1x128x128xf32, #tpu.memory_space<vmem>>
      %dma_start3A_112 = tpu.memref_squeeze %dma_start3A_111 : memref<1x128x128xf32, #tpu.memory_space<vmem>> -> memref<128x128xf32, #tpu.memory_space<vmem>>
      %dma_start3A_113 = arith.constant 0 : i32
      %dma_start3A_114 = tpu.memref_slice %arg13[%dma_start3A_108, %dma_start3A_113] : memref<8x128xi32, #tpu.memory_space<vmem>> -> memref<1x128xi32, #tpu.memory_space<vmem>>
      %dma_start3A_115 = tpu.memref_squeeze %dma_start3A_114 : memref<1x128xi32, #tpu.memory_space<vmem>> -> memref<128xi32, #tpu.memory_space<vmem>>
      %dma_start3A_116 = arith.constant 0 : i32
      %dma_start3A_117 = arith.constant 0 : i32
      %dma_start3A_118 = tpu.memref_slice %arg11[%dma_start3A_116, %dma_start3A_117] : memref<10112x128xf32, #tpu.memory_space<vmem_shared>> -> memref<10112x128xf32, #tpu.memory_space<vmem_shared>>
      tpu.enqueue_indirect_dma source(%dma_start3A_112 : memref<128x128xf32, #tpu.memory_space<vmem>>) target(%dma_start3A_118 : memref<10112x128xf32, #tpu.memory_space<vmem_shared>>) offsets(%dma_start3A_115 : memref<128xi32, #tpu.memory_space<vmem>>) semaphore(%arg18 : memref<!tpu.dma_semaphore, #tpu.memory_space<semaphore_mem>>) {add = true}
      %dma_wait3A_119 = arith.constant 0 : i32
      %dma_wait3A_120 = arith.constant 2 : i32
      %dma_wait3A_121 = arith.constant 0 : i32
      %dma_wait3A_122 = arith.constant 0 : i32
      %dma_wait3A_123 = tpu.memref_slice %arg14[%dma_wait3A_119, %dma_wait3A_121, %dma_wait3A_122] : memref<2x128x128xf32, #tpu.memory_space<vmem>> -> memref<1x128x128xf32, #tpu.memory_space<vmem>>
      %dma_wait3A_124 = tpu.memref_squeeze %dma_wait3A_123 : memref<1x128x128xf32, #tpu.memory_space<vmem>> -> memref<128x128xf32, #tpu.memory_space<vmem>>
      %dma_wait3A_125 = arith.constant 0 : i32
      %dma_wait3A_126 = tpu.memref_slice %arg13[%dma_wait3A_120, %dma_wait3A_125] : memref<8x128xi32, #tpu.memory_space<vmem>> -> memref<1x128xi32, #tpu.memory_space<vmem>>
      %dma_wait3A_127 = tpu.memref_squeeze %dma_wait3A_126 : memref<1x128xi32, #tpu.memory_space<vmem>> -> memref<128xi32, #tpu.memory_space<vmem>>
      %dma_wait3A_128 = arith.constant 0 : i32
      %dma_wait3A_129 = arith.constant 0 : i32
      %dma_wait3A_130 = tpu.memref_slice %arg11[%dma_wait3A_128, %dma_wait3A_129] : memref<10112x128xf32, #tpu.memory_space<vmem_shared>> -> memref<10112x128xf32, #tpu.memory_space<vmem_shared>>
      tpu.wait_indirect_dma semaphore(%arg17 : memref<!tpu.dma_semaphore, #tpu.memory_space<semaphore_mem>>) src(%dma_wait3A_124 : memref<128x128xf32, #tpu.memory_space<vmem>>) dst(%dma_wait3A_130 : memref<10112x128xf32, #tpu.memory_space<vmem_shared>>)
      %dma_start3A_131 = arith.constant 0 : i32
      %dma_start3A_132 = arith.constant 4 : i32
      %dma_start3A_133 = arith.constant 0 : i32
      %dma_start3A_134 = arith.constant 0 : i32
      %dma_start3A_135 = tpu.memref_slice %arg14[%dma_start3A_131, %dma_start3A_133, %dma_start3A_134] : memref<2x128x128xf32, #tpu.memory_space<vmem>> -> memref<1x128x128xf32, #tpu.memory_space<vmem>>
      %dma_start3A_136 = tpu.memref_squeeze %dma_start3A_135 : memref<1x128x128xf32, #tpu.memory_space<vmem>> -> memref<128x128xf32, #tpu.memory_space<vmem>>
      %dma_start3A_137 = arith.constant 0 : i32
      %dma_start3A_138 = tpu.memref_slice %arg13[%dma_start3A_132, %dma_start3A_137] : memref<8x128xi32, #tpu.memory_space<vmem>> -> memref<1x128xi32, #tpu.memory_space<vmem>>
      %dma_start3A_139 = tpu.memref_squeeze %dma_start3A_138 : memref<1x128xi32, #tpu.memory_space<vmem>> -> memref<128xi32, #tpu.memory_space<vmem>>
      %dma_start3A_140 = arith.constant 0 : i32
      %dma_start3A_141 = arith.constant 0 : i32
      %dma_start3A_142 = tpu.memref_slice %arg11[%dma_start3A_140, %dma_start3A_141] : memref<10112x128xf32, #tpu.memory_space<vmem_shared>> -> memref<10112x128xf32, #tpu.memory_space<vmem_shared>>
      tpu.enqueue_indirect_dma source(%dma_start3A_136 : memref<128x128xf32, #tpu.memory_space<vmem>>) target(%dma_start3A_142 : memref<10112x128xf32, #tpu.memory_space<vmem_shared>>) offsets(%dma_start3A_139 : memref<128xi32, #tpu.memory_space<vmem>>) semaphore(%arg17 : memref<!tpu.dma_semaphore, #tpu.memory_space<semaphore_mem>>) {add = true}
      %dma_wait3A_143 = arith.constant 0 : i32
      %dma_wait3A_144 = arith.constant 3 : i32
      %dma_wait3A_145 = arith.constant 0 : i32
      %dma_wait3A_146 = arith.constant 0 : i32
      %dma_wait3A_147 = tpu.memref_slice %arg14[%dma_wait3A_143, %dma_wait3A_145, %dma_wait3A_146] : memref<2x128x128xf32, #tpu.memory_space<vmem>> -> memref<1x128x128xf32, #tpu.memory_space<vmem>>
      %dma_wait3A_148 = tpu.memref_squeeze %dma_wait3A_147 : memref<1x128x128xf32, #tpu.memory_space<vmem>> -> memref<128x128xf32, #tpu.memory_space<vmem>>
      %dma_wait3A_149 = arith.constant 0 : i32
      %dma_wait3A_150 = tpu.memref_slice %arg13[%dma_wait3A_144, %dma_wait3A_149] : memref<8x128xi32, #tpu.memory_space<vmem>> -> memref<1x128xi32, #tpu.memory_space<vmem>>
      %dma_wait3A_151 = tpu.memref_squeeze %dma_wait3A_150 : memref<1x128xi32, #tpu.memory_space<vmem>> -> memref<128xi32, #tpu.memory_space<vmem>>
      %dma_wait3A_152 = arith.constant 0 : i32
      %dma_wait3A_153 = arith.constant 0 : i32
      %dma_wait3A_154 = tpu.memref_slice %arg11[%dma_wait3A_152, %dma_wait3A_153] : memref<10112x128xf32, #tpu.memory_space<vmem_shared>> -> memref<10112x128xf32, #tpu.memory_space<vmem_shared>>
      tpu.wait_indirect_dma semaphore(%arg18 : memref<!tpu.dma_semaphore, #tpu.memory_space<semaphore_mem>>) src(%dma_wait3A_148 : memref<128x128xf32, #tpu.memory_space<vmem>>) dst(%dma_wait3A_154 : memref<10112x128xf32, #tpu.memory_space<vmem_shared>>)
      %dma_start3A_155 = arith.constant 0 : i32
      %dma_start3A_156 = arith.constant 5 : i32
      %dma_start3A_157 = arith.constant 0 : i32
      %dma_start3A_158 = arith.constant 0 : i32
      %dma_start3A_159 = tpu.memref_slice %arg14[%dma_start3A_155, %dma_start3A_157, %dma_start3A_158] : memref<2x128x128xf32, #tpu.memory_space<vmem>> -> memref<1x128x128xf32, #tpu.memory_space<vmem>>
      %dma_start3A_160 = tpu.memref_squeeze %dma_start3A_159 : memref<1x128x128xf32, #tpu.memory_space<vmem>> -> memref<128x128xf32, #tpu.memory_space<vmem>>
      %dma_start3A_161 = arith.constant 0 : i32
      %dma_start3A_162 = tpu.memref_slice %arg13[%dma_start3A_156, %dma_start3A_161] : memref<8x128xi32, #tpu.memory_space<vmem>> -> memref<1x128xi32, #tpu.memory_space<vmem>>
      %dma_start3A_163 = tpu.memref_squeeze %dma_start3A_162 : memref<1x128xi32, #tpu.memory_space<vmem>> -> memref<128xi32, #tpu.memory_space<vmem>>
      %dma_start3A_164 = arith.constant 0 : i32
      %dma_start3A_165 = arith.constant 0 : i32
      %dma_start3A_166 = tpu.memref_slice %arg11[%dma_start3A_164, %dma_start3A_165] : memref<10112x128xf32, #tpu.memory_space<vmem_shared>> -> memref<10112x128xf32, #tpu.memory_space<vmem_shared>>
      tpu.enqueue_indirect_dma source(%dma_start3A_160 : memref<128x128xf32, #tpu.memory_space<vmem>>) target(%dma_start3A_166 : memref<10112x128xf32, #tpu.memory_space<vmem_shared>>) offsets(%dma_start3A_163 : memref<128xi32, #tpu.memory_space<vmem>>) semaphore(%arg18 : memref<!tpu.dma_semaphore, #tpu.memory_space<semaphore_mem>>) {add = true}
      %dma_wait3A_167 = arith.constant 0 : i32
      %dma_wait3A_168 = arith.constant 4 : i32
      %dma_wait3A_169 = arith.constant 0 : i32
      %dma_wait3A_170 = arith.constant 0 : i32
      %dma_wait3A_171 = tpu.memref_slice %arg14[%dma_wait3A_167, %dma_wait3A_169, %dma_wait3A_170] : memref<2x128x128xf32, #tpu.memory_space<vmem>> -> memref<1x128x128xf32, #tpu.memory_space<vmem>>
      %dma_wait3A_172 = tpu.memref_squeeze %dma_wait3A_171 : memref<1x128x128xf32, #tpu.memory_space<vmem>> -> memref<128x128xf32, #tpu.memory_space<vmem>>
      %dma_wait3A_173 = arith.constant 0 : i32
      %dma_wait3A_174 = tpu.memref_slice %arg13[%dma_wait3A_168, %dma_wait3A_173] : memref<8x128xi32, #tpu.memory_space<vmem>> -> memref<1x128xi32, #tpu.memory_space<vmem>>
      %dma_wait3A_175 = tpu.memref_squeeze %dma_wait3A_174 : memref<1x128xi32, #tpu.memory_space<vmem>> -> memref<128xi32, #tpu.memory_space<vmem>>
      %dma_wait3A_176 = arith.constant 0 : i32
      %dma_wait3A_177 = arith.constant 0 : i32
      %dma_wait3A_178 = tpu.memref_slice %arg11[%dma_wait3A_176, %dma_wait3A_177] : memref<10112x128xf32, #tpu.memory_space<vmem_shared>> -> memref<10112x128xf32, #tpu.memory_space<vmem_shared>>
      tpu.wait_indirect_dma semaphore(%arg17 : memref<!tpu.dma_semaphore, #tpu.memory_space<semaphore_mem>>) src(%dma_wait3A_172 : memref<128x128xf32, #tpu.memory_space<vmem>>) dst(%dma_wait3A_178 : memref<10112x128xf32, #tpu.memory_space<vmem_shared>>)
      %dma_start3A_179 = arith.constant 0 : i32
      %dma_start3A_180 = arith.constant 6 : i32
      %dma_start3A_181 = arith.constant 0 : i32
      %dma_start3A_182 = arith.constant 0 : i32
      %dma_start3A_183 = tpu.memref_slice %arg14[%dma_start3A_179, %dma_start3A_181, %dma_start3A_182] : memref<2x128x128xf32, #tpu.memory_space<vmem>> -> memref<1x128x128xf32, #tpu.memory_space<vmem>>
      %dma_start3A_184 = tpu.memref_squeeze %dma_start3A_183 : memref<1x128x128xf32, #tpu.memory_space<vmem>> -> memref<128x128xf32, #tpu.memory_space<vmem>>
      %dma_start3A_185 = arith.constant 0 : i32
      %dma_start3A_186 = tpu.memref_slice %arg13[%dma_start3A_180, %dma_start3A_185] : memref<8x128xi32, #tpu.memory_space<vmem>> -> memref<1x128xi32, #tpu.memory_space<vmem>>
      %dma_start3A_187 = tpu.memref_squeeze %dma_start3A_186 : memref<1x128xi32, #tpu.memory_space<vmem>> -> memref<128xi32, #tpu.memory_space<vmem>>
      %dma_start3A_188 = arith.constant 0 : i32
      %dma_start3A_189 = arith.constant 0 : i32
      %dma_start3A_190 = tpu.memref_slice %arg11[%dma_start3A_188, %dma_start3A_189] : memref<10112x128xf32, #tpu.memory_space<vmem_shared>> -> memref<10112x128xf32, #tpu.memory_space<vmem_shared>>
      tpu.enqueue_indirect_dma source(%dma_start3A_184 : memref<128x128xf32, #tpu.memory_space<vmem>>) target(%dma_start3A_190 : memref<10112x128xf32, #tpu.memory_space<vmem_shared>>) offsets(%dma_start3A_187 : memref<128xi32, #tpu.memory_space<vmem>>) semaphore(%arg17 : memref<!tpu.dma_semaphore, #tpu.memory_space<semaphore_mem>>) {add = true}
      %dma_wait3A_191 = arith.constant 0 : i32
      %dma_wait3A_192 = arith.constant 5 : i32
      %dma_wait3A_193 = arith.constant 0 : i32
      %dma_wait3A_194 = arith.constant 0 : i32
      %dma_wait3A_195 = tpu.memref_slice %arg14[%dma_wait3A_191, %dma_wait3A_193, %dma_wait3A_194] : memref<2x128x128xf32, #tpu.memory_space<vmem>> -> memref<1x128x128xf32, #tpu.memory_space<vmem>>
      %dma_wait3A_196 = tpu.memref_squeeze %dma_wait3A_195 : memref<1x128x128xf32, #tpu.memory_space<vmem>> -> memref<128x128xf32, #tpu.memory_space<vmem>>
      %dma_wait3A_197 = arith.constant 0 : i32
      %dma_wait3A_198 = tpu.memref_slice %arg13[%dma_wait3A_192, %dma_wait3A_197] : memref<8x128xi32, #tpu.memory_space<vmem>> -> memref<1x128xi32, #tpu.memory_space<vmem>>
      %dma_wait3A_199 = tpu.memref_squeeze %dma_wait3A_198 : memref<1x128xi32, #tpu.memory_space<vmem>> -> memref<128xi32, #tpu.memory_space<vmem>>
      %dma_wait3A_200 = arith.constant 0 : i32
      %dma_wait3A_201 = arith.constant 0 : i32
      %dma_wait3A_202 = tpu.memref_slice %arg11[%dma_wait3A_200, %dma_wait3A_201] : memref<10112x128xf32, #tpu.memory_space<vmem_shared>> -> memref<10112x128xf32, #tpu.memory_space<vmem_shared>>
      tpu.wait_indirect_dma semaphore(%arg18 : memref<!tpu.dma_semaphore, #tpu.memory_space<semaphore_mem>>) src(%dma_wait3A_196 : memref<128x128xf32, #tpu.memory_space<vmem>>) dst(%dma_wait3A_202 : memref<10112x128xf32, #tpu.memory_space<vmem_shared>>)
      %dma_start3A_203 = arith.constant 0 : i32
      %dma_start3A_204 = arith.constant 7 : i32
      %dma_start3A_205 = arith.constant 0 : i32
      %dma_start3A_206 = arith.constant 0 : i32
      %dma_start3A_207 = tpu.memref_slice %arg14[%dma_start3A_203, %dma_start3A_205, %dma_start3A_206] : memref<2x128x128xf32, #tpu.memory_space<vmem>> -> memref<1x128x128xf32, #tpu.memory_space<vmem>>
      %dma_start3A_208 = tpu.memref_squeeze %dma_start3A_207 : memref<1x128x128xf32, #tpu.memory_space<vmem>> -> memref<128x128xf32, #tpu.memory_space<vmem>>
      %dma_start3A_209 = arith.constant 0 : i32
      %dma_start3A_210 = tpu.memref_slice %arg13[%dma_start3A_204, %dma_start3A_209] : memref<8x128xi32, #tpu.memory_space<vmem>> -> memref<1x128xi32, #tpu.memory_space<vmem>>
      %dma_start3A_211 = tpu.memref_squeeze %dma_start3A_210 : memref<1x128xi32, #tpu.memory_space<vmem>> -> memref<128xi32, #tpu.memory_space<vmem>>
      %dma_start3A_212 = arith.constant 0 : i32
      %dma_start3A_213 = arith.constant 0 : i32
      %dma_start3A_214 = tpu.memref_slice %arg11[%dma_start3A_212, %dma_start3A_213] : memref<10112x128xf32, #tpu.memory_space<vmem_shared>> -> memref<10112x128xf32, #tpu.memory_space<vmem_shared>>
      tpu.enqueue_indirect_dma source(%dma_start3A_208 : memref<128x128xf32, #tpu.memory_space<vmem>>) target(%dma_start3A_214 : memref<10112x128xf32, #tpu.memory_space<vmem_shared>>) offsets(%dma_start3A_211 : memref<128xi32, #tpu.memory_space<vmem>>) semaphore(%arg18 : memref<!tpu.dma_semaphore, #tpu.memory_space<semaphore_mem>>) {add = true}
      %dma_wait3A_215 = arith.constant 0 : i32
      %dma_wait3A_216 = arith.constant 6 : i32
      %dma_wait3A_217 = arith.constant 0 : i32
      %dma_wait3A_218 = arith.constant 0 : i32
      %dma_wait3A_219 = tpu.memref_slice %arg14[%dma_wait3A_215, %dma_wait3A_217, %dma_wait3A_218] : memref<2x128x128xf32, #tpu.memory_space<vmem>> -> memref<1x128x128xf32, #tpu.memory_space<vmem>>
      %dma_wait3A_220 = tpu.memref_squeeze %dma_wait3A_219 : memref<1x128x128xf32, #tpu.memory_space<vmem>> -> memref<128x128xf32, #tpu.memory_space<vmem>>
      %dma_wait3A_221 = arith.constant 0 : i32
      %dma_wait3A_222 = tpu.memref_slice %arg13[%dma_wait3A_216, %dma_wait3A_221] : memref<8x128xi32, #tpu.memory_space<vmem>> -> memref<1x128xi32, #tpu.memory_space<vmem>>
      %dma_wait3A_223 = tpu.memref_squeeze %dma_wait3A_222 : memref<1x128xi32, #tpu.memory_space<vmem>> -> memref<128xi32, #tpu.memory_space<vmem>>
      %dma_wait3A_224 = arith.constant 0 : i32
      %dma_wait3A_225 = arith.constant 0 : i32
      %dma_wait3A_226 = tpu.memref_slice %arg11[%dma_wait3A_224, %dma_wait3A_225] : memref<10112x128xf32, #tpu.memory_space<vmem_shared>> -> memref<10112x128xf32, #tpu.memory_space<vmem_shared>>
      tpu.wait_indirect_dma semaphore(%arg17 : memref<!tpu.dma_semaphore, #tpu.memory_space<semaphore_mem>>) src(%dma_wait3A_220 : memref<128x128xf32, #tpu.memory_space<vmem>>) dst(%dma_wait3A_226 : memref<10112x128xf32, #tpu.memory_space<vmem_shared>>)
      %dma_wait3A_227 = arith.constant 0 : i32
      %dma_wait3A_228 = arith.constant 7 : i32
      %dma_wait3A_229 = arith.constant 0 : i32
      %dma_wait3A_230 = arith.constant 0 : i32
      %dma_wait3A_231 = tpu.memref_slice %arg14[%dma_wait3A_227, %dma_wait3A_229, %dma_wait3A_230] : memref<2x128x128xf32, #tpu.memory_space<vmem>> -> memref<1x128x128xf32, #tpu.memory_space<vmem>>
      %dma_wait3A_232 = tpu.memref_squeeze %dma_wait3A_231 : memref<1x128x128xf32, #tpu.memory_space<vmem>> -> memref<128x128xf32, #tpu.memory_space<vmem>>
      %dma_wait3A_233 = arith.constant 0 : i32
      %dma_wait3A_234 = tpu.memref_slice %arg13[%dma_wait3A_228, %dma_wait3A_233] : memref<8x128xi32, #tpu.memory_space<vmem>> -> memref<1x128xi32, #tpu.memory_space<vmem>>
      %dma_wait3A_235 = tpu.memref_squeeze %dma_wait3A_234 : memref<1x128xi32, #tpu.memory_space<vmem>> -> memref<128xi32, #tpu.memory_space<vmem>>
      %dma_wait3A_236 = arith.constant 0 : i32
      %dma_wait3A_237 = arith.constant 0 : i32
      %dma_wait3A_238 = tpu.memref_slice %arg11[%dma_wait3A_236, %dma_wait3A_237] : memref<10112x128xf32, #tpu.memory_space<vmem_shared>> -> memref<10112x128xf32, #tpu.memory_space<vmem_shared>>
      tpu.wait_indirect_dma semaphore(%arg18 : memref<!tpu.dma_semaphore, #tpu.memory_space<semaphore_mem>>) src(%dma_wait3A_232 : memref<128x128xf32, #tpu.memory_space<vmem>>) dst(%dma_wait3A_238 : memref<10112x128xf32, #tpu.memory_space<vmem_shared>>)
    }
    %while3A_19 = arith.constant 1 : i32
    scf.for %while3A_45 = %while3A_17 to %while3A_13 step %while3A_19  : i32 {
      %mul3A_46 = arith.constant 8 : i32
      %mul3A_47 = arith.muli %while3A_45, %mul3A_46 : i32
      %add3A_48 = arith.addi %select_n3A, %mul3A_47 : i32
      "tpu.region"() ({
        %run_scoped3A_239 = tpu.sem_alloc : memref<!tpu.dma_semaphore, #tpu.memory_space<semaphore_mem>>
        %dma_start3A_240 = arith.constant 0 : i32
        %dma_start3A_241 = tpu.memref_slice %arg5[%add3A_48, %dma_start3A_240] : memref<2560x128xi32, #tpu.memory_space<hbm>> -> memref<8x128xi32, #tpu.memory_space<hbm>>
        %dma_start3A_242 = arith.constant 0 : i32
        %dma_start3A_243 = tpu.memref_slice %arg5[%add3A_48, %dma_start3A_242] : memref<2560x128xi32, #tpu.memory_space<hbm>> -> memref<8x128xi32, #tpu.memory_space<hbm>>
        tpu.enqueue_dma source(%dma_start3A_243 : memref<8x128xi32, #tpu.memory_space<hbm>>) target(%arg13 : memref<8x128xi32, #tpu.memory_space<vmem>>) target_semaphore(%run_scoped3A_239 : memref<!tpu.dma_semaphore, #tpu.memory_space<semaphore_mem>>)
        %dma_wait3A_244 = arith.constant 0 : i32
        %dma_wait3A_245 = tpu.memref_slice %arg5[%add3A_48, %dma_wait3A_244] : memref<2560x128xi32, #tpu.memory_space<hbm>> -> memref<8x128xi32, #tpu.memory_space<hbm>>
        %dma_wait3A_246 = arith.constant 0 : i32
        %dma_wait3A_247 = tpu.memref_slice %arg5[%add3A_48, %dma_wait3A_246] : memref<2560x128xi32, #tpu.memory_space<hbm>> -> memref<8x128xi32, #tpu.memory_space<hbm>>
        tpu.wait_dma2 semaphore(%run_scoped3A_239 : memref<!tpu.dma_semaphore, #tpu.memory_space<semaphore_mem>>) src(%dma_wait3A_247 : memref<8x128xi32, #tpu.memory_space<hbm>>) dst(%arg13 : memref<8x128xi32, #tpu.memory_space<vmem>>)
        tpu.yield
      }) : () -> ()
      %dma_start3A = arith.constant 0 : i32
      %dma_start3A_49 = arith.constant 0 : i32
      %dma_start3A_50 = arith.constant 0 : i32
      %dma_start3A_51 = arith.constant 0 : i32
      %dma_start3A_52 = tpu.memref_slice %arg14[%dma_start3A, %dma_start3A_50, %dma_start3A_51] : memref<2x128x128xf32, #tpu.memory_space<vmem>> -> memref<1x128x128xf32, #tpu.memory_space<vmem>>
      %dma_start3A_53 = tpu.memref_squeeze %dma_start3A_52 : memref<1x128x128xf32, #tpu.memory_space<vmem>> -> memref<128x128xf32, #tpu.memory_space<vmem>>
      %dma_start3A_54 = arith.constant 0 : i32
      %dma_start3A_55 = tpu.memref_slice %arg13[%dma_start3A_49, %dma_start3A_54] : memref<8x128xi32, #tpu.memory_space<vmem>> -> memref<1x128xi32, #tpu.memory_space<vmem>>
      %dma_start3A_56 = tpu.memref_squeeze %dma_start3A_55 : memref<1x128xi32, #tpu.memory_space<vmem>> -> memref<128xi32, #tpu.memory_space<vmem>>
      %dma_start3A_57 = arith.constant 0 : i32
      %dma_start3A_58 = arith.constant 0 : i32
      %dma_start3A_59 = tpu.memref_slice %arg11[%dma_start3A_57, %dma_start3A_58] : memref<10112x128xf32, #tpu.memory_space<vmem_shared>> -> memref<10112x128xf32, #tpu.memory_space<vmem_shared>>
      tpu.enqueue_indirect_dma source(%dma_start3A_53 : memref<128x128xf32, #tpu.memory_space<vmem>>) target(%dma_start3A_59 : memref<10112x128xf32, #tpu.memory_space<vmem_shared>>) offsets(%dma_start3A_56 : memref<128xi32, #tpu.memory_space<vmem>>) semaphore(%arg17 : memref<!tpu.dma_semaphore, #tpu.memory_space<semaphore_mem>>) {add = true}
      %dma_start3A_60 = arith.constant 0 : i32
      %dma_start3A_61 = arith.constant 1 : i32
      %dma_start3A_62 = arith.constant 0 : i32
      %dma_start3A_63 = arith.constant 0 : i32
      %dma_start3A_64 = tpu.memref_slice %arg14[%dma_start3A_60, %dma_start3A_62, %dma_start3A_63] : memref<2x128x128xf32, #tpu.memory_space<vmem>> -> memref<1x128x128xf32, #tpu.memory_space<vmem>>
      %dma_start3A_65 = tpu.memref_squeeze %dma_start3A_64 : memref<1x128x128xf32, #tpu.memory_space<vmem>> -> memref<128x128xf32, #tpu.memory_space<vmem>>
      %dma_start3A_66 = arith.constant 0 : i32
      %dma_start3A_67 = tpu.memref_slice %arg13[%dma_start3A_61, %dma_start3A_66] : memref<8x128xi32, #tpu.memory_space<vmem>> -> memref<1x128xi32, #tpu.memory_space<vmem>>
      %dma_start3A_68 = tpu.memref_squeeze %dma_start3A_67 : memref<1x128xi32, #tpu.memory_space<vmem>> -> memref<128xi32, #tpu.memory_space<vmem>>
      %dma_start3A_69 = arith.constant 0 : i32
      %dma_start3A_70 = arith.constant 0 : i32
      %dma_start3A_71 = tpu.memref_slice %arg11[%dma_start3A_69, %dma_start3A_70] : memref<10112x128xf32, #tpu.memory_space<vmem_shared>> -> memref<10112x128xf32, #tpu.memory_space<vmem_shared>>
      tpu.enqueue_indirect_dma source(%dma_start3A_65 : memref<128x128xf32, #tpu.memory_space<vmem>>) target(%dma_start3A_71 : memref<10112x128xf32, #tpu.memory_space<vmem_shared>>) offsets(%dma_start3A_68 : memref<128xi32, #tpu.memory_space<vmem>>) semaphore(%arg18 : memref<!tpu.dma_semaphore, #tpu.memory_space<semaphore_mem>>) {add = true}
      %dma_wait3A = arith.constant 0 : i32
      %dma_wait3A_72 = arith.constant 0 : i32
      %dma_wait3A_73 = arith.constant 0 : i32
      %dma_wait3A_74 = arith.constant 0 : i32
      %dma_wait3A_75 = tpu.memref_slice %arg14[%dma_wait3A, %dma_wait3A_73, %dma_wait3A_74] : memref<2x128x128xf32, #tpu.memory_space<vmem>> -> memref<1x128x128xf32, #tpu.memory_space<vmem>>
      %dma_wait3A_76 = tpu.memref_squeeze %dma_wait3A_75 : memref<1x128x128xf32, #tpu.memory_space<vmem>> -> memref<128x128xf32, #tpu.memory_space<vmem>>
      %dma_wait3A_77 = arith.constant 0 : i32
      %dma_wait3A_78 = tpu.memref_slice %arg13[%dma_wait3A_72, %dma_wait3A_77] : memref<8x128xi32, #tpu.memory_space<vmem>> -> memref<1x128xi32, #tpu.memory_space<vmem>>
      %dma_wait3A_79 = tpu.memref_squeeze %dma_wait3A_78 : memref<1x128xi32, #tpu.memory_space<vmem>> -> memref<128xi32, #tpu.memory_space<vmem>>
      %dma_wait3A_80 = arith.constant 0 : i32
      %dma_wait3A_81 = arith.constant 0 : i32
      %dma_wait3A_82 = tpu.memref_slice %arg11[%dma_wait3A_80, %dma_wait3A_81] : memref<10112x128xf32, #tpu.memory_space<vmem_shared>> -> memref<10112x128xf32, #tpu.memory_space<vmem_shared>>
      tpu.wait_indirect_dma semaphore(%arg17 : memref<!tpu.dma_semaphore, #tpu.memory_space<semaphore_mem>>) src(%dma_wait3A_76 : memref<128x128xf32, #tpu.memory_space<vmem>>) dst(%dma_wait3A_82 : memref<10112x128xf32, #tpu.memory_space<vmem_shared>>)
      %dma_start3A_83 = arith.constant 0 : i32
      %dma_start3A_84 = arith.constant 2 : i32
      %dma_start3A_85 = arith.constant 0 : i32
      %dma_start3A_86 = arith.constant 0 : i32
      %dma_start3A_87 = tpu.memref_slice %arg14[%dma_start3A_83, %dma_start3A_85, %dma_start3A_86] : memref<2x128x128xf32, #tpu.memory_space<vmem>> -> memref<1x128x128xf32, #tpu.memory_space<vmem>>
      %dma_start3A_88 = tpu.memref_squeeze %dma_start3A_87 : memref<1x128x128xf32, #tpu.memory_space<vmem>> -> memref<128x128xf32, #tpu.memory_space<vmem>>
      %dma_start3A_89 = arith.constant 0 : i32
      %dma_start3A_90 = tpu.memref_slice %arg13[%dma_start3A_84, %dma_start3A_89] : memref<8x128xi32, #tpu.memory_space<vmem>> -> memref<1x128xi32, #tpu.memory_space<vmem>>
      %dma_start3A_91 = tpu.memref_squeeze %dma_start3A_90 : memref<1x128xi32, #tpu.memory_space<vmem>> -> memref<128xi32, #tpu.memory_space<vmem>>
      %dma_start3A_92 = arith.constant 0 : i32
      %dma_start3A_93 = arith.constant 0 : i32
      %dma_start3A_94 = tpu.memref_slice %arg11[%dma_start3A_92, %dma_start3A_93] : memref<10112x128xf32, #tpu.memory_space<vmem_shared>> -> memref<10112x128xf32, #tpu.memory_space<vmem_shared>>
      tpu.enqueue_indirect_dma source(%dma_start3A_88 : memref<128x128xf32, #tpu.memory_space<vmem>>) target(%dma_start3A_94 : memref<10112x128xf32, #tpu.memory_space<vmem_shared>>) offsets(%dma_start3A_91 : memref<128xi32, #tpu.memory_space<vmem>>) semaphore(%arg17 : memref<!tpu.dma_semaphore, #tpu.memory_space<semaphore_mem>>) {add = true}
      %dma_wait3A_95 = arith.constant 0 : i32
      %dma_wait3A_96 = arith.constant 1 : i32
      %dma_wait3A_97 = arith.constant 0 : i32
      %dma_wait3A_98 = arith.constant 0 : i32
      %dma_wait3A_99 = tpu.memref_slice %arg14[%dma_wait3A_95, %dma_wait3A_97, %dma_wait3A_98] : memref<2x128x128xf32, #tpu.memory_space<vmem>> -> memref<1x128x128xf32, #tpu.memory_space<vmem>>
      %dma_wait3A_100 = tpu.memref_squeeze %dma_wait3A_99 : memref<1x128x128xf32, #tpu.memory_space<vmem>> -> memref<128x128xf32, #tpu.memory_space<vmem>>
      %dma_wait3A_101 = arith.constant 0 : i32
      %dma_wait3A_102 = tpu.memref_slice %arg13[%dma_wait3A_96, %dma_wait3A_101] : memref<8x128xi32, #tpu.memory_space<vmem>> -> memref<1x128xi32, #tpu.memory_space<vmem>>
      %dma_wait3A_103 = tpu.memref_squeeze %dma_wait3A_102 : memref<1x128xi32, #tpu.memory_space<vmem>> -> memref<128xi32, #tpu.memory_space<vmem>>
      %dma_wait3A_104 = arith.constant 0 : i32
      %dma_wait3A_105 = arith.constant 0 : i32
      %dma_wait3A_106 = tpu.memref_slice %arg11[%dma_wait3A_104, %dma_wait3A_105] : memref<10112x128xf32, #tpu.memory_space<vmem_shared>> -> memref<10112x128xf32, #tpu.memory_space<vmem_shared>>
      tpu.wait_indirect_dma semaphore(%arg18 : memref<!tpu.dma_semaphore, #tpu.memory_space<semaphore_mem>>) src(%dma_wait3A_100 : memref<128x128xf32, #tpu.memory_space<vmem>>) dst(%dma_wait3A_106 : memref<10112x128xf32, #tpu.memory_space<vmem_shared>>)
      %dma_start3A_107 = arith.constant 0 : i32
      %dma_start3A_108 = arith.constant 3 : i32
      %dma_start3A_109 = arith.constant 0 : i32
      %dma_start3A_110 = arith.constant 0 : i32
      %dma_start3A_111 = tpu.memref_slice %arg14[%dma_start3A_107, %dma_start3A_109, %dma_start3A_110] : memref<2x128x128xf32, #tpu.memory_space<vmem>> -> memref<1x128x128xf32, #tpu.memory_space<vmem>>
      %dma_start3A_112 = tpu.memref_squeeze %dma_start3A_111 : memref<1x128x128xf32, #tpu.memory_space<vmem>> -> memref<128x128xf32, #tpu.memory_space<vmem>>
      %dma_start3A_113 = arith.constant 0 : i32
      %dma_start3A_114 = tpu.memref_slice %arg13[%dma_start3A_108, %dma_start3A_113] : memref<8x128xi32, #tpu.memory_space<vmem>> -> memref<1x128xi32, #tpu.memory_space<vmem>>
      %dma_start3A_115 = tpu.memref_squeeze %dma_start3A_114 : memref<1x128xi32, #tpu.memory_space<vmem>> -> memref<128xi32, #tpu.memory_space<vmem>>
      %dma_start3A_116 = arith.constant 0 : i32
      %dma_start3A_117 = arith.constant 0 : i32
      %dma_start3A_118 = tpu.memref_slice %arg11[%dma_start3A_116, %dma_start3A_117] : memref<10112x128xf32, #tpu.memory_space<vmem_shared>> -> memref<10112x128xf32, #tpu.memory_space<vmem_shared>>
      tpu.enqueue_indirect_dma source(%dma_start3A_112 : memref<128x128xf32, #tpu.memory_space<vmem>>) target(%dma_start3A_118 : memref<10112x128xf32, #tpu.memory_space<vmem_shared>>) offsets(%dma_start3A_115 : memref<128xi32, #tpu.memory_space<vmem>>) semaphore(%arg18 : memref<!tpu.dma_semaphore, #tpu.memory_space<semaphore_mem>>) {add = true}
      %dma_wait3A_119 = arith.constant 0 : i32
      %dma_wait3A_120 = arith.constant 2 : i32
      %dma_wait3A_121 = arith.constant 0 : i32
      %dma_wait3A_122 = arith.constant 0 : i32
      %dma_wait3A_123 = tpu.memref_slice %arg14[%dma_wait3A_119, %dma_wait3A_121, %dma_wait3A_122] : memref<2x128x128xf32, #tpu.memory_space<vmem>> -> memref<1x128x128xf32, #tpu.memory_space<vmem>>
      %dma_wait3A_124 = tpu.memref_squeeze %dma_wait3A_123 : memref<1x128x128xf32, #tpu.memory_space<vmem>> -> memref<128x128xf32, #tpu.memory_space<vmem>>
      %dma_wait3A_125 = arith.constant 0 : i32
      %dma_wait3A_126 = tpu.memref_slice %arg13[%dma_wait3A_120, %dma_wait3A_125] : memref<8x128xi32, #tpu.memory_space<vmem>> -> memref<1x128xi32, #tpu.memory_space<vmem>>
      %dma_wait3A_127 = tpu.memref_squeeze %dma_wait3A_126 : memref<1x128xi32, #tpu.memory_space<vmem>> -> memref<128xi32, #tpu.memory_space<vmem>>
      %dma_wait3A_128 = arith.constant 0 : i32
      %dma_wait3A_129 = arith.constant 0 : i32
      %dma_wait3A_130 = tpu.memref_slice %arg11[%dma_wait3A_128, %dma_wait3A_129] : memref<10112x128xf32, #tpu.memory_space<vmem_shared>> -> memref<10112x128xf32, #tpu.memory_space<vmem_shared>>
      tpu.wait_indirect_dma semaphore(%arg17 : memref<!tpu.dma_semaphore, #tpu.memory_space<semaphore_mem>>) src(%dma_wait3A_124 : memref<128x128xf32, #tpu.memory_space<vmem>>) dst(%dma_wait3A_130 : memref<10112x128xf32, #tpu.memory_space<vmem_shared>>)
      %dma_start3A_131 = arith.constant 0 : i32
      %dma_start3A_132 = arith.constant 4 : i32
      %dma_start3A_133 = arith.constant 0 : i32
      %dma_start3A_134 = arith.constant 0 : i32
      %dma_start3A_135 = tpu.memref_slice %arg14[%dma_start3A_131, %dma_start3A_133, %dma_start3A_134] : memref<2x128x128xf32, #tpu.memory_space<vmem>> -> memref<1x128x128xf32, #tpu.memory_space<vmem>>
      %dma_start3A_136 = tpu.memref_squeeze %dma_start3A_135 : memref<1x128x128xf32, #tpu.memory_space<vmem>> -> memref<128x128xf32, #tpu.memory_space<vmem>>
      %dma_start3A_137 = arith.constant 0 : i32
      %dma_start3A_138 = tpu.memref_slice %arg13[%dma_start3A_132, %dma_start3A_137] : memref<8x128xi32, #tpu.memory_space<vmem>> -> memref<1x128xi32, #tpu.memory_space<vmem>>
      %dma_start3A_139 = tpu.memref_squeeze %dma_start3A_138 : memref<1x128xi32, #tpu.memory_space<vmem>> -> memref<128xi32, #tpu.memory_space<vmem>>
      %dma_start3A_140 = arith.constant 0 : i32
      %dma_start3A_141 = arith.constant 0 : i32
      %dma_start3A_142 = tpu.memref_slice %arg11[%dma_start3A_140, %dma_start3A_141] : memref<10112x128xf32, #tpu.memory_space<vmem_shared>> -> memref<10112x128xf32, #tpu.memory_space<vmem_shared>>
      tpu.enqueue_indirect_dma source(%dma_start3A_136 : memref<128x128xf32, #tpu.memory_space<vmem>>) target(%dma_start3A_142 : memref<10112x128xf32, #tpu.memory_space<vmem_shared>>) offsets(%dma_start3A_139 : memref<128xi32, #tpu.memory_space<vmem>>) semaphore(%arg17 : memref<!tpu.dma_semaphore, #tpu.memory_space<semaphore_mem>>) {add = true}
      %dma_wait3A_143 = arith.constant 0 : i32
      %dma_wait3A_144 = arith.constant 3 : i32
      %dma_wait3A_145 = arith.constant 0 : i32
      %dma_wait3A_146 = arith.constant 0 : i32
      %dma_wait3A_147 = tpu.memref_slice %arg14[%dma_wait3A_143, %dma_wait3A_145, %dma_wait3A_146] : memref<2x128x128xf32, #tpu.memory_space<vmem>> -> memref<1x128x128xf32, #tpu.memory_space<vmem>>
      %dma_wait3A_148 = tpu.memref_squeeze %dma_wait3A_147 : memref<1x128x128xf32, #tpu.memory_space<vmem>> -> memref<128x128xf32, #tpu.memory_space<vmem>>
      %dma_wait3A_149 = arith.constant 0 : i32
      %dma_wait3A_150 = tpu.memref_slice %arg13[%dma_wait3A_144, %dma_wait3A_149] : memref<8x128xi32, #tpu.memory_space<vmem>> -> memref<1x128xi32, #tpu.memory_space<vmem>>
      %dma_wait3A_151 = tpu.memref_squeeze %dma_wait3A_150 : memref<1x128xi32, #tpu.memory_space<vmem>> -> memref<128xi32, #tpu.memory_space<vmem>>
      %dma_wait3A_152 = arith.constant 0 : i32
      %dma_wait3A_153 = arith.constant 0 : i32
      %dma_wait3A_154 = tpu.memref_slice %arg11[%dma_wait3A_152, %dma_wait3A_153] : memref<10112x128xf32, #tpu.memory_space<vmem_shared>> -> memref<10112x128xf32, #tpu.memory_space<vmem_shared>>
      tpu.wait_indirect_dma semaphore(%arg18 : memref<!tpu.dma_semaphore, #tpu.memory_space<semaphore_mem>>) src(%dma_wait3A_148 : memref<128x128xf32, #tpu.memory_space<vmem>>) dst(%dma_wait3A_154 : memref<10112x128xf32, #tpu.memory_space<vmem_shared>>)
      %dma_start3A_155 = arith.constant 0 : i32
      %dma_start3A_156 = arith.constant 5 : i32
      %dma_start3A_157 = arith.constant 0 : i32
      %dma_start3A_158 = arith.constant 0 : i32
      %dma_start3A_159 = tpu.memref_slice %arg14[%dma_start3A_155, %dma_start3A_157, %dma_start3A_158] : memref<2x128x128xf32, #tpu.memory_space<vmem>> -> memref<1x128x128xf32, #tpu.memory_space<vmem>>
      %dma_start3A_160 = tpu.memref_squeeze %dma_start3A_159 : memref<1x128x128xf32, #tpu.memory_space<vmem>> -> memref<128x128xf32, #tpu.memory_space<vmem>>
      %dma_start3A_161 = arith.constant 0 : i32
      %dma_start3A_162 = tpu.memref_slice %arg13[%dma_start3A_156, %dma_start3A_161] : memref<8x128xi32, #tpu.memory_space<vmem>> -> memref<1x128xi32, #tpu.memory_space<vmem>>
      %dma_start3A_163 = tpu.memref_squeeze %dma_start3A_162 : memref<1x128xi32, #tpu.memory_space<vmem>> -> memref<128xi32, #tpu.memory_space<vmem>>
      %dma_start3A_164 = arith.constant 0 : i32
      %dma_start3A_165 = arith.constant 0 : i32
      %dma_start3A_166 = tpu.memref_slice %arg11[%dma_start3A_164, %dma_start3A_165] : memref<10112x128xf32, #tpu.memory_space<vmem_shared>> -> memref<10112x128xf32, #tpu.memory_space<vmem_shared>>
      tpu.enqueue_indirect_dma source(%dma_start3A_160 : memref<128x128xf32, #tpu.memory_space<vmem>>) target(%dma_start3A_166 : memref<10112x128xf32, #tpu.memory_space<vmem_shared>>) offsets(%dma_start3A_163 : memref<128xi32, #tpu.memory_space<vmem>>) semaphore(%arg18 : memref<!tpu.dma_semaphore, #tpu.memory_space<semaphore_mem>>) {add = true}
      %dma_wait3A_167 = arith.constant 0 : i32
      %dma_wait3A_168 = arith.constant 4 : i32
      %dma_wait3A_169 = arith.constant 0 : i32
      %dma_wait3A_170 = arith.constant 0 : i32
      %dma_wait3A_171 = tpu.memref_slice %arg14[%dma_wait3A_167, %dma_wait3A_169, %dma_wait3A_170] : memref<2x128x128xf32, #tpu.memory_space<vmem>> -> memref<1x128x128xf32, #tpu.memory_space<vmem>>
      %dma_wait3A_172 = tpu.memref_squeeze %dma_wait3A_171 : memref<1x128x128xf32, #tpu.memory_space<vmem>> -> memref<128x128xf32, #tpu.memory_space<vmem>>
      %dma_wait3A_173 = arith.constant 0 : i32
      %dma_wait3A_174 = tpu.memref_slice %arg13[%dma_wait3A_168, %dma_wait3A_173] : memref<8x128xi32, #tpu.memory_space<vmem>> -> memref<1x128xi32, #tpu.memory_space<vmem>>
      %dma_wait3A_175 = tpu.memref_squeeze %dma_wait3A_174 : memref<1x128xi32, #tpu.memory_space<vmem>> -> memref<128xi32, #tpu.memory_space<vmem>>
      %dma_wait3A_176 = arith.constant 0 : i32
      %dma_wait3A_177 = arith.constant 0 : i32
      %dma_wait3A_178 = tpu.memref_slice %arg11[%dma_wait3A_176, %dma_wait3A_177] : memref<10112x128xf32, #tpu.memory_space<vmem_shared>> -> memref<10112x128xf32, #tpu.memory_space<vmem_shared>>
      tpu.wait_indirect_dma semaphore(%arg17 : memref<!tpu.dma_semaphore, #tpu.memory_space<semaphore_mem>>) src(%dma_wait3A_172 : memref<128x128xf32, #tpu.memory_space<vmem>>) dst(%dma_wait3A_178 : memref<10112x128xf32, #tpu.memory_space<vmem_shared>>)
      %dma_start3A_179 = arith.constant 0 : i32
      %dma_start3A_180 = arith.constant 6 : i32
      %dma_start3A_181 = arith.constant 0 : i32
      %dma_start3A_182 = arith.constant 0 : i32
      %dma_start3A_183 = tpu.memref_slice %arg14[%dma_start3A_179, %dma_start3A_181, %dma_start3A_182] : memref<2x128x128xf32, #tpu.memory_space<vmem>> -> memref<1x128x128xf32, #tpu.memory_space<vmem>>
      %dma_start3A_184 = tpu.memref_squeeze %dma_start3A_183 : memref<1x128x128xf32, #tpu.memory_space<vmem>> -> memref<128x128xf32, #tpu.memory_space<vmem>>
      %dma_start3A_185 = arith.constant 0 : i32
      %dma_start3A_186 = tpu.memref_slice %arg13[%dma_start3A_180, %dma_start3A_185] : memref<8x128xi32, #tpu.memory_space<vmem>> -> memref<1x128xi32, #tpu.memory_space<vmem>>
      %dma_start3A_187 = tpu.memref_squeeze %dma_start3A_186 : memref<1x128xi32, #tpu.memory_space<vmem>> -> memref<128xi32, #tpu.memory_space<vmem>>
      %dma_start3A_188 = arith.constant 0 : i32
      %dma_start3A_189 = arith.constant 0 : i32
      %dma_start3A_190 = tpu.memref_slice %arg11[%dma_start3A_188, %dma_start3A_189] : memref<10112x128xf32, #tpu.memory_space<vmem_shared>> -> memref<10112x128xf32, #tpu.memory_space<vmem_shared>>
      tpu.enqueue_indirect_dma source(%dma_start3A_184 : memref<128x128xf32, #tpu.memory_space<vmem>>) target(%dma_start3A_190 : memref<10112x128xf32, #tpu.memory_space<vmem_shared>>) offsets(%dma_start3A_187 : memref<128xi32, #tpu.memory_space<vmem>>) semaphore(%arg17 : memref<!tpu.dma_semaphore, #tpu.memory_space<semaphore_mem>>) {add = true}
      %dma_wait3A_191 = arith.constant 0 : i32
      %dma_wait3A_192 = arith.constant 5 : i32
      %dma_wait3A_193 = arith.constant 0 : i32
      %dma_wait3A_194 = arith.constant 0 : i32
      %dma_wait3A_195 = tpu.memref_slice %arg14[%dma_wait3A_191, %dma_wait3A_193, %dma_wait3A_194] : memref<2x128x128xf32, #tpu.memory_space<vmem>> -> memref<1x128x128xf32, #tpu.memory_space<vmem>>
      %dma_wait3A_196 = tpu.memref_squeeze %dma_wait3A_195 : memref<1x128x128xf32, #tpu.memory_space<vmem>> -> memref<128x128xf32, #tpu.memory_space<vmem>>
      %dma_wait3A_197 = arith.constant 0 : i32
      %dma_wait3A_198 = tpu.memref_slice %arg13[%dma_wait3A_192, %dma_wait3A_197] : memref<8x128xi32, #tpu.memory_space<vmem>> -> memref<1x128xi32, #tpu.memory_space<vmem>>
      %dma_wait3A_199 = tpu.memref_squeeze %dma_wait3A_198 : memref<1x128xi32, #tpu.memory_space<vmem>> -> memref<128xi32, #tpu.memory_space<vmem>>
      %dma_wait3A_200 = arith.constant 0 : i32
      %dma_wait3A_201 = arith.constant 0 : i32
      %dma_wait3A_202 = tpu.memref_slice %arg11[%dma_wait3A_200, %dma_wait3A_201] : memref<10112x128xf32, #tpu.memory_space<vmem_shared>> -> memref<10112x128xf32, #tpu.memory_space<vmem_shared>>
      tpu.wait_indirect_dma semaphore(%arg18 : memref<!tpu.dma_semaphore, #tpu.memory_space<semaphore_mem>>) src(%dma_wait3A_196 : memref<128x128xf32, #tpu.memory_space<vmem>>) dst(%dma_wait3A_202 : memref<10112x128xf32, #tpu.memory_space<vmem_shared>>)
      %dma_start3A_203 = arith.constant 0 : i32
      %dma_start3A_204 = arith.constant 7 : i32
      %dma_start3A_205 = arith.constant 0 : i32
      %dma_start3A_206 = arith.constant 0 : i32
      %dma_start3A_207 = tpu.memref_slice %arg14[%dma_start3A_203, %dma_start3A_205, %dma_start3A_206] : memref<2x128x128xf32, #tpu.memory_space<vmem>> -> memref<1x128x128xf32, #tpu.memory_space<vmem>>
      %dma_start3A_208 = tpu.memref_squeeze %dma_start3A_207 : memref<1x128x128xf32, #tpu.memory_space<vmem>> -> memref<128x128xf32, #tpu.memory_space<vmem>>
      %dma_start3A_209 = arith.constant 0 : i32
      %dma_start3A_210 = tpu.memref_slice %arg13[%dma_start3A_204, %dma_start3A_209] : memref<8x128xi32, #tpu.memory_space<vmem>> -> memref<1x128xi32, #tpu.memory_space<vmem>>
      %dma_start3A_211 = tpu.memref_squeeze %dma_start3A_210 : memref<1x128xi32, #tpu.memory_space<vmem>> -> memref<128xi32, #tpu.memory_space<vmem>>
      %dma_start3A_212 = arith.constant 0 : i32
      %dma_start3A_213 = arith.constant 0 : i32
      %dma_start3A_214 = tpu.memref_slice %arg11[%dma_start3A_212, %dma_start3A_213] : memref<10112x128xf32, #tpu.memory_space<vmem_shared>> -> memref<10112x128xf32, #tpu.memory_space<vmem_shared>>
      tpu.enqueue_indirect_dma source(%dma_start3A_208 : memref<128x128xf32, #tpu.memory_space<vmem>>) target(%dma_start3A_214 : memref<10112x128xf32, #tpu.memory_space<vmem_shared>>) offsets(%dma_start3A_211 : memref<128xi32, #tpu.memory_space<vmem>>) semaphore(%arg18 : memref<!tpu.dma_semaphore, #tpu.memory_space<semaphore_mem>>) {add = true}
      %dma_wait3A_215 = arith.constant 0 : i32
      %dma_wait3A_216 = arith.constant 6 : i32
      %dma_wait3A_217 = arith.constant 0 : i32
      %dma_wait3A_218 = arith.constant 0 : i32
      %dma_wait3A_219 = tpu.memref_slice %arg14[%dma_wait3A_215, %dma_wait3A_217, %dma_wait3A_218] : memref<2x128x128xf32, #tpu.memory_space<vmem>> -> memref<1x128x128xf32, #tpu.memory_space<vmem>>
      %dma_wait3A_220 = tpu.memref_squeeze %dma_wait3A_219 : memref<1x128x128xf32, #tpu.memory_space<vmem>> -> memref<128x128xf32, #tpu.memory_space<vmem>>
      %dma_wait3A_221 = arith.constant 0 : i32
      %dma_wait3A_222 = tpu.memref_slice %arg13[%dma_wait3A_216, %dma_wait3A_221] : memref<8x128xi32, #tpu.memory_space<vmem>> -> memref<1x128xi32, #tpu.memory_space<vmem>>
      %dma_wait3A_223 = tpu.memref_squeeze %dma_wait3A_222 : memref<1x128xi32, #tpu.memory_space<vmem>> -> memref<128xi32, #tpu.memory_space<vmem>>
      %dma_wait3A_224 = arith.constant 0 : i32
      %dma_wait3A_225 = arith.constant 0 : i32
      %dma_wait3A_226 = tpu.memref_slice %arg11[%dma_wait3A_224, %dma_wait3A_225] : memref<10112x128xf32, #tpu.memory_space<vmem_shared>> -> memref<10112x128xf32, #tpu.memory_space<vmem_shared>>
      tpu.wait_indirect_dma semaphore(%arg17 : memref<!tpu.dma_semaphore, #tpu.memory_space<semaphore_mem>>) src(%dma_wait3A_220 : memref<128x128xf32, #tpu.memory_space<vmem>>) dst(%dma_wait3A_226 : memref<10112x128xf32, #tpu.memory_space<vmem_shared>>)
      %dma_wait3A_227 = arith.constant 0 : i32
      %dma_wait3A_228 = arith.constant 7 : i32
      %dma_wait3A_229 = arith.constant 0 : i32
      %dma_wait3A_230 = arith.constant 0 : i32
      %dma_wait3A_231 = tpu.memref_slice %arg14[%dma_wait3A_227, %dma_wait3A_229, %dma_wait3A_230] : memref<2x128x128xf32, #tpu.memory_space<vmem>> -> memref<1x128x128xf32, #tpu.memory_space<vmem>>
      %dma_wait3A_232 = tpu.memref_squeeze %dma_wait3A_231 : memref<1x128x128xf32, #tpu.memory_space<vmem>> -> memref<128x128xf32, #tpu.memory_space<vmem>>
      %dma_wait3A_233 = arith.constant 0 : i32
      %dma_wait3A_234 = tpu.memref_slice %arg13[%dma_wait3A_228, %dma_wait3A_233] : memref<8x128xi32, #tpu.memory_space<vmem>> -> memref<1x128xi32, #tpu.memory_space<vmem>>
      %dma_wait3A_235 = tpu.memref_squeeze %dma_wait3A_234 : memref<1x128xi32, #tpu.memory_space<vmem>> -> memref<128xi32, #tpu.memory_space<vmem>>
      %dma_wait3A_236 = arith.constant 0 : i32
      %dma_wait3A_237 = arith.constant 0 : i32
      %dma_wait3A_238 = tpu.memref_slice %arg11[%dma_wait3A_236, %dma_wait3A_237] : memref<10112x128xf32, #tpu.memory_space<vmem_shared>> -> memref<10112x128xf32, #tpu.memory_space<vmem_shared>>
      tpu.wait_indirect_dma semaphore(%arg18 : memref<!tpu.dma_semaphore, #tpu.memory_space<semaphore_mem>>) src(%dma_wait3A_232 : memref<128x128xf32, #tpu.memory_space<vmem>>) dst(%dma_wait3A_238 : memref<10112x128xf32, #tpu.memory_space<vmem_shared>>)
    }
    %barrier3A_20 = arith.constant 0 : index
    tpu.barrier barrier_id(%barrier3A_20)
    "tpu.region"() ({
      %run_scoped3A_45 = tpu.sem_alloc : memref<!tpu.dma_semaphore, #tpu.memory_space<semaphore_mem>>
      %dma_start3A = arith.constant 0 : i32
      %dma_start3A_46 = arith.constant 0 : i32
      %dma_start3A_47 = tpu.memref_slice %arg10[%arg0, %dma_start3A, %dma_start3A_46] : memref<2x10112x128xf32, #tpu.memory_space<hbm>> -> memref<1x10112x128xf32, #tpu.memory_space<hbm>>
      %dma_start3A_48 = tpu.memref_squeeze %dma_start3A_47 : memref<1x10112x128xf32, #tpu.memory_space<hbm>> -> memref<10112x128xf32, #tpu.memory_space<hbm>>
      %dma_start3A_49 = arith.constant 0 : i32
      %dma_start3A_50 = tpu.memref_slice %dma_start3A_48[%mul3A_0, %dma_start3A_49] : memref<10112x128xf32, #tpu.memory_space<hbm>> -> memref<632x128xf32, #tpu.memory_space<hbm>>
      %dma_start3A_51 = arith.constant 0 : i32
      %dma_start3A_52 = tpu.memref_slice %arg11[%mul3A_0, %dma_start3A_51] : memref<10112x128xf32, #tpu.memory_space<vmem_shared>> -> memref<632x128xf32, #tpu.memory_space<vmem_shared>>
      tpu.enqueue_dma source(%dma_start3A_52 : memref<632x128xf32, #tpu.memory_space<vmem_shared>>) target(%dma_start3A_50 : memref<632x128xf32, #tpu.memory_space<hbm>>) target_semaphore(%run_scoped3A_45 : memref<!tpu.dma_semaphore, #tpu.memory_space<semaphore_mem>>)
      %dma_wait3A = arith.constant 0 : i32
      %dma_wait3A_53 = arith.constant 0 : i32
      %dma_wait3A_54 = tpu.memref_slice %arg10[%arg0, %dma_wait3A, %dma_wait3A_53] : memref<2x10112x128xf32, #tpu.memory_space<hbm>> -> memref<1x10112x128xf32, #tpu.memory_space<hbm>>
      %dma_wait3A_55 = tpu.memref_squeeze %dma_wait3A_54 : memref<1x10112x128xf32, #tpu.memory_space<hbm>> -> memref<10112x128xf32, #tpu.memory_space<hbm>>
      %dma_wait3A_56 = arith.constant 0 : i32
      %dma_wait3A_57 = tpu.memref_slice %dma_wait3A_55[%mul3A_0, %dma_wait3A_56] : memref<10112x128xf32, #tpu.memory_space<hbm>> -> memref<632x128xf32, #tpu.memory_space<hbm>>
      %dma_wait3A_58 = arith.constant 0 : i32
      %dma_wait3A_59 = tpu.memref_slice %arg11[%mul3A_0, %dma_wait3A_58] : memref<10112x128xf32, #tpu.memory_space<vmem_shared>> -> memref<632x128xf32, #tpu.memory_space<vmem_shared>>
      tpu.wait_dma2 semaphore(%run_scoped3A_45 : memref<!tpu.dma_semaphore, #tpu.memory_space<semaphore_mem>>) src(%dma_wait3A_59 : memref<632x128xf32, #tpu.memory_space<vmem_shared>>) dst(%dma_wait3A_57 : memref<632x128xf32, #tpu.memory_space<hbm>>)
      tpu.yield
    }) : () -> ()
    "tpu.region"() ({
      %run_scoped3A_45 = tpu.sem_alloc : memref<!tpu.dma_semaphore, #tpu.memory_space<semaphore_mem>>
      %dma_start3A = arith.constant 0 : i32
      %dma_start3A_46 = tpu.memref_slice %arg11[%mul3A_0, %dma_start3A] : memref<10112x128xf32, #tpu.memory_space<vmem_shared>> -> memref<632x128xf32, #tpu.memory_space<vmem_shared>>
      tpu.enqueue_dma source(%arg6 : memref<632x128xf32, #tpu.memory_space<hbm>>) target(%dma_start3A_46 : memref<632x128xf32, #tpu.memory_space<vmem_shared>>) target_semaphore(%run_scoped3A_45 : memref<!tpu.dma_semaphore, #tpu.memory_space<semaphore_mem>>)
      %dma_wait3A = arith.constant 0 : i32
      %dma_wait3A_47 = tpu.memref_slice %arg11[%mul3A_0, %dma_wait3A] : memref<10112x128xf32, #tpu.memory_space<vmem_shared>> -> memref<632x128xf32, #tpu.memory_space<vmem_shared>>
      tpu.wait_dma2 semaphore(%run_scoped3A_45 : memref<!tpu.dma_semaphore, #tpu.memory_space<semaphore_mem>>) src(%arg6 : memref<632x128xf32, #tpu.memory_space<hbm>>) dst(%dma_wait3A_47 : memref<632x128xf32, #tpu.memory_space<vmem_shared>>)
      tpu.yield
    }) : () -> ()
    %barrier3A_21 = arith.constant 0 : index
    tpu.barrier barrier_id(%barrier3A_21)
    %while3A_22 = arith.constant 0 : i32
    %while3A_23 = arith.constant 0 : i32
    %while3A_24 = arith.subi %select_n3A_10, %while3A_23 : i32
    %while3A_25 = arith.addi %while3A_23, %while3A_24 : i32
    %while3A_26 = arith.constant 1 : i32
    %while3A_27 = arith.divsi %while3A_24, %while3A_26 : i32
    %while3A_28 = arith.muli %while3A_27, %while3A_26 : i32
    %while3A_29 = arith.addi %while3A_23, %while3A_28 : i32
    %while3A_30 = arith.constant 1 : i32
    scf.for %while3A_45 = %while3A_23 to %while3A_29 step %while3A_30  : i32 {
      %mul3A_46 = arith.constant 8 : i32
      %mul3A_47 = arith.muli %while3A_45, %mul3A_46 : i32
      %add3A_48 = arith.addi %select_n3A, %mul3A_47 : i32
      "tpu.region"() ({
        %run_scoped3A_431 = tpu.sem_alloc : memref<!tpu.dma_semaphore, #tpu.memory_space<semaphore_mem>>
        %dma_start3A_432 = arith.constant 0 : i32
        %dma_start3A_433 = tpu.memref_slice %arg4[%add3A_48, %dma_start3A_432] : memref<2560x128xi32, #tpu.memory_space<hbm>> -> memref<8x128xi32, #tpu.memory_space<hbm>>
        %dma_start3A_434 = arith.constant 0 : i32
        %dma_start3A_435 = tpu.memref_slice %arg4[%add3A_48, %dma_start3A_434] : memref<2560x128xi32, #tpu.memory_space<hbm>> -> memref<8x128xi32, #tpu.memory_space<hbm>>
        tpu.enqueue_dma source(%dma_start3A_435 : memref<8x128xi32, #tpu.memory_space<hbm>>) target(%arg12 : memref<8x128xi32, #tpu.memory_space<vmem>>) target_semaphore(%run_scoped3A_431 : memref<!tpu.dma_semaphore, #tpu.memory_space<semaphore_mem>>)
        %dma_wait3A_436 = arith.constant 0 : i32
        %dma_wait3A_437 = tpu.memref_slice %arg4[%add3A_48, %dma_wait3A_436] : memref<2560x128xi32, #tpu.memory_space<hbm>> -> memref<8x128xi32, #tpu.memory_space<hbm>>
        %dma_wait3A_438 = arith.constant 0 : i32
        %dma_wait3A_439 = tpu.memref_slice %arg4[%add3A_48, %dma_wait3A_438] : memref<2560x128xi32, #tpu.memory_space<hbm>> -> memref<8x128xi32, #tpu.memory_space<hbm>>
        tpu.wait_dma2 semaphore(%run_scoped3A_431 : memref<!tpu.dma_semaphore, #tpu.memory_space<semaphore_mem>>) src(%dma_wait3A_439 : memref<8x128xi32, #tpu.memory_space<hbm>>) dst(%arg12 : memref<8x128xi32, #tpu.memory_space<vmem>>)
        tpu.yield
      }) : () -> ()
      "tpu.region"() ({
        %run_scoped3A_431 = tpu.sem_alloc : memref<!tpu.dma_semaphore, #tpu.memory_space<semaphore_mem>>
        %dma_start3A_432 = arith.constant 0 : i32
        %dma_start3A_433 = tpu.memref_slice %arg5[%add3A_48, %dma_start3A_432] : memref<2560x128xi32, #tpu.memory_space<hbm>> -> memref<8x128xi32, #tpu.memory_space<hbm>>
        %dma_start3A_434 = arith.constant 0 : i32
        %dma_start3A_435 = tpu.memref_slice %arg5[%add3A_48, %dma_start3A_434] : memref<2560x128xi32, #tpu.memory_space<hbm>> -> memref<8x128xi32, #tpu.memory_space<hbm>>
        tpu.enqueue_dma source(%dma_start3A_435 : memref<8x128xi32, #tpu.memory_space<hbm>>) target(%arg13 : memref<8x128xi32, #tpu.memory_space<vmem>>) target_semaphore(%run_scoped3A_431 : memref<!tpu.dma_semaphore, #tpu.memory_space<semaphore_mem>>)
        %dma_wait3A_436 = arith.constant 0 : i32
        %dma_wait3A_437 = tpu.memref_slice %arg5[%add3A_48, %dma_wait3A_436] : memref<2560x128xi32, #tpu.memory_space<hbm>> -> memref<8x128xi32, #tpu.memory_space<hbm>>
        %dma_wait3A_438 = arith.constant 0 : i32
        %dma_wait3A_439 = tpu.memref_slice %arg5[%add3A_48, %dma_wait3A_438] : memref<2560x128xi32, #tpu.memory_space<hbm>> -> memref<8x128xi32, #tpu.memory_space<hbm>>
        tpu.wait_dma2 semaphore(%run_scoped3A_431 : memref<!tpu.dma_semaphore, #tpu.memory_space<semaphore_mem>>) src(%dma_wait3A_439 : memref<8x128xi32, #tpu.memory_space<hbm>>) dst(%arg13 : memref<8x128xi32, #tpu.memory_space<vmem>>)
        tpu.yield
      }) : () -> ()
      %dma_start3A = arith.constant 0 : i32
      %dma_start3A_49 = arith.constant 0 : i32
      %dma_start3A_50 = arith.constant 0 : i32
      %dma_start3A_51 = arith.constant 0 : i32
      %dma_start3A_52 = tpu.memref_slice %arg14[%dma_start3A_49, %dma_start3A_50, %dma_start3A_51] : memref<2x128x128xf32, #tpu.memory_space<vmem>> -> memref<1x128x128xf32, #tpu.memory_space<vmem>>
      %dma_start3A_53 = tpu.memref_squeeze %dma_start3A_52 : memref<1x128x128xf32, #tpu.memory_space<vmem>> -> memref<128x128xf32, #tpu.memory_space<vmem>>
      %dma_start3A_54 = arith.constant 0 : i32
      %dma_start3A_55 = tpu.memref_slice %arg12[%dma_start3A, %dma_start3A_54] : memref<8x128xi32, #tpu.memory_space<vmem>> -> memref<1x128xi32, #tpu.memory_space<vmem>>
      %dma_start3A_56 = tpu.memref_squeeze %dma_start3A_55 : memref<1x128xi32, #tpu.memory_space<vmem>> -> memref<128xi32, #tpu.memory_space<vmem>>
      %dma_start3A_57 = arith.constant 0 : i32
      %dma_start3A_58 = arith.constant 0 : i32
      %dma_start3A_59 = tpu.memref_slice %arg2[%dma_start3A_57, %dma_start3A_58] : memref<10000x128xf32, #tpu.memory_space<hbm>> -> memref<10000x128xf32, #tpu.memory_space<hbm>>
      tpu.enqueue_indirect_dma source(%dma_start3A_59 : memref<10000x128xf32, #tpu.memory_space<hbm>>) target(%dma_start3A_53 : memref<128x128xf32, #tpu.memory_space<vmem>>) offsets(%dma_start3A_56 : memref<128xi32, #tpu.memory_space<vmem>>) semaphore(%arg15 : memref<!tpu.dma_semaphore, #tpu.memory_space<semaphore_mem>>)
      %dma_wait3A = arith.constant 0 : i32
      %dma_wait3A_60 = arith.constant 0 : i32
      %dma_wait3A_61 = arith.constant 0 : i32
      %dma_wait3A_62 = arith.constant 0 : i32
      %dma_wait3A_63 = tpu.memref_slice %arg14[%dma_wait3A_60, %dma_wait3A_61, %dma_wait3A_62] : memref<2x128x128xf32, #tpu.memory_space<vmem>> -> memref<1x128x128xf32, #tpu.memory_space<vmem>>
      %dma_wait3A_64 = tpu.memref_squeeze %dma_wait3A_63 : memref<1x128x128xf32, #tpu.memory_space<vmem>> -> memref<128x128xf32, #tpu.memory_space<vmem>>
      %dma_wait3A_65 = arith.constant 0 : i32
      %dma_wait3A_66 = tpu.memref_slice %arg12[%dma_wait3A, %dma_wait3A_65] : memref<8x128xi32, #tpu.memory_space<vmem>> -> memref<1x128xi32, #tpu.memory_space<vmem>>
      %dma_wait3A_67 = tpu.memref_squeeze %dma_wait3A_66 : memref<1x128xi32, #tpu.memory_space<vmem>> -> memref<128xi32, #tpu.memory_space<vmem>>
      %dma_wait3A_68 = arith.constant 0 : i32
      %dma_wait3A_69 = arith.constant 0 : i32
      %dma_wait3A_70 = tpu.memref_slice %arg2[%dma_wait3A_68, %dma_wait3A_69] : memref<10000x128xf32, #tpu.memory_space<hbm>> -> memref<10000x128xf32, #tpu.memory_space<hbm>>
      tpu.wait_indirect_dma semaphore(%arg15 : memref<!tpu.dma_semaphore, #tpu.memory_space<semaphore_mem>>) src(%dma_wait3A_70 : memref<10000x128xf32, #tpu.memory_space<hbm>>) dst(%dma_wait3A_64 : memref<128x128xf32, #tpu.memory_space<vmem>>)
      %dma_start3A_71 = arith.constant 0 : i32
      %dma_start3A_72 = arith.constant 0 : i32
      %dma_start3A_73 = arith.constant 0 : i32
      %dma_start3A_74 = arith.constant 0 : i32
      %dma_start3A_75 = tpu.memref_slice %arg14[%dma_start3A_71, %dma_start3A_73, %dma_start3A_74] : memref<2x128x128xf32, #tpu.memory_space<vmem>> -> memref<1x128x128xf32, #tpu.memory_space<vmem>>
      %dma_start3A_76 = tpu.memref_squeeze %dma_start3A_75 : memref<1x128x128xf32, #tpu.memory_space<vmem>> -> memref<128x128xf32, #tpu.memory_space<vmem>>
      %dma_start3A_77 = arith.constant 0 : i32
      %dma_start3A_78 = tpu.memref_slice %arg13[%dma_start3A_72, %dma_start3A_77] : memref<8x128xi32, #tpu.memory_space<vmem>> -> memref<1x128xi32, #tpu.memory_space<vmem>>
      %dma_start3A_79 = tpu.memref_squeeze %dma_start3A_78 : memref<1x128xi32, #tpu.memory_space<vmem>> -> memref<128xi32, #tpu.memory_space<vmem>>
      %dma_start3A_80 = arith.constant 0 : i32
      %dma_start3A_81 = arith.constant 0 : i32
      %dma_start3A_82 = tpu.memref_slice %arg11[%dma_start3A_80, %dma_start3A_81] : memref<10112x128xf32, #tpu.memory_space<vmem_shared>> -> memref<10112x128xf32, #tpu.memory_space<vmem_shared>>
      tpu.enqueue_indirect_dma source(%dma_start3A_76 : memref<128x128xf32, #tpu.memory_space<vmem>>) target(%dma_start3A_82 : memref<10112x128xf32, #tpu.memory_space<vmem_shared>>) offsets(%dma_start3A_79 : memref<128xi32, #tpu.memory_space<vmem>>) semaphore(%arg17 : memref<!tpu.dma_semaphore, #tpu.memory_space<semaphore_mem>>) {add = true}
      %dma_start3A_83 = arith.constant 1 : i32
      %dma_start3A_84 = arith.constant 1 : i32
      %dma_start3A_85 = arith.constant 0 : i32
      %dma_start3A_86 = arith.constant 0 : i32
      %dma_start3A_87 = tpu.memref_slice %arg14[%dma_start3A_84, %dma_start3A_85, %dma_start3A_86] : memref<2x128x128xf32, #tpu.memory_space<vmem>> -> memref<1x128x128xf32, #tpu.memory_space<vmem>>
      %dma_start3A_88 = tpu.memref_squeeze %dma_start3A_87 : memref<1x128x128xf32, #tpu.memory_space<vmem>> -> memref<128x128xf32, #tpu.memory_space<vmem>>
      %dma_start3A_89 = arith.constant 0 : i32
      %dma_start3A_90 = tpu.memref_slice %arg12[%dma_start3A_83, %dma_start3A_89] : memref<8x128xi32, #tpu.memory_space<vmem>> -> memref<1x128xi32, #tpu.memory_space<vmem>>
      %dma_start3A_91 = tpu.memref_squeeze %dma_start3A_90 : memref<1x128xi32, #tpu.memory_space<vmem>> -> memref<128xi32, #tpu.memory_space<vmem>>
      %dma_start3A_92 = arith.constant 0 : i32
      %dma_start3A_93 = arith.constant 0 : i32
      %dma_start3A_94 = tpu.memref_slice %arg2[%dma_start3A_92, %dma_start3A_93] : memref<10000x128xf32, #tpu.memory_space<hbm>> -> memref<10000x128xf32, #tpu.memory_space<hbm>>
      tpu.enqueue_indirect_dma source(%dma_start3A_94 : memref<10000x128xf32, #tpu.memory_space<hbm>>) target(%dma_start3A_88 : memref<128x128xf32, #tpu.memory_space<vmem>>) offsets(%dma_start3A_91 : memref<128xi32, #tpu.memory_space<vmem>>) semaphore(%arg16 : memref<!tpu.dma_semaphore, #tpu.memory_space<semaphore_mem>>)
      %dma_wait3A_95 = arith.constant 1 : i32
      %dma_wait3A_96 = arith.constant 1 : i32
      %dma_wait3A_97 = arith.constant 0 : i32
      %dma_wait3A_98 = arith.constant 0 : i32
      %dma_wait3A_99 = tpu.memref_slice %arg14[%dma_wait3A_96, %dma_wait3A_97, %dma_wait3A_98] : memref<2x128x128xf32, #tpu.memory_space<vmem>> -> memref<1x128x128xf32, #tpu.memory_space<vmem>>
      %dma_wait3A_100 = tpu.memref_squeeze %dma_wait3A_99 : memref<1x128x128xf32, #tpu.memory_space<vmem>> -> memref<128x128xf32, #tpu.memory_space<vmem>>
      %dma_wait3A_101 = arith.constant 0 : i32
      %dma_wait3A_102 = tpu.memref_slice %arg12[%dma_wait3A_95, %dma_wait3A_101] : memref<8x128xi32, #tpu.memory_space<vmem>> -> memref<1x128xi32, #tpu.memory_space<vmem>>
      %dma_wait3A_103 = tpu.memref_squeeze %dma_wait3A_102 : memref<1x128xi32, #tpu.memory_space<vmem>> -> memref<128xi32, #tpu.memory_space<vmem>>
      %dma_wait3A_104 = arith.constant 0 : i32
      %dma_wait3A_105 = arith.constant 0 : i32
      %dma_wait3A_106 = tpu.memref_slice %arg2[%dma_wait3A_104, %dma_wait3A_105] : memref<10000x128xf32, #tpu.memory_space<hbm>> -> memref<10000x128xf32, #tpu.memory_space<hbm>>
      tpu.wait_indirect_dma semaphore(%arg16 : memref<!tpu.dma_semaphore, #tpu.memory_space<semaphore_mem>>) src(%dma_wait3A_106 : memref<10000x128xf32, #tpu.memory_space<hbm>>) dst(%dma_wait3A_100 : memref<128x128xf32, #tpu.memory_space<vmem>>)
      %dma_start3A_107 = arith.constant 1 : i32
      %dma_start3A_108 = arith.constant 1 : i32
      %dma_start3A_109 = arith.constant 0 : i32
      %dma_start3A_110 = arith.constant 0 : i32
      %dma_start3A_111 = tpu.memref_slice %arg14[%dma_start3A_107, %dma_start3A_109, %dma_start3A_110] : memref<2x128x128xf32, #tpu.memory_space<vmem>> -> memref<1x128x128xf32, #tpu.memory_space<vmem>>
      %dma_start3A_112 = tpu.memref_squeeze %dma_start3A_111 : memref<1x128x128xf32, #tpu.memory_space<vmem>> -> memref<128x128xf32, #tpu.memory_space<vmem>>
      %dma_start3A_113 = arith.constant 0 : i32
      %dma_start3A_114 = tpu.memref_slice %arg13[%dma_start3A_108, %dma_start3A_113] : memref<8x128xi32, #tpu.memory_space<vmem>> -> memref<1x128xi32, #tpu.memory_space<vmem>>
      %dma_start3A_115 = tpu.memref_squeeze %dma_start3A_114 : memref<1x128xi32, #tpu.memory_space<vmem>> -> memref<128xi32, #tpu.memory_space<vmem>>
      %dma_start3A_116 = arith.constant 0 : i32
      %dma_start3A_117 = arith.constant 0 : i32
      %dma_start3A_118 = tpu.memref_slice %arg11[%dma_start3A_116, %dma_start3A_117] : memref<10112x128xf32, #tpu.memory_space<vmem_shared>> -> memref<10112x128xf32, #tpu.memory_space<vmem_shared>>
      tpu.enqueue_indirect_dma source(%dma_start3A_112 : memref<128x128xf32, #tpu.memory_space<vmem>>) target(%dma_start3A_118 : memref<10112x128xf32, #tpu.memory_space<vmem_shared>>) offsets(%dma_start3A_115 : memref<128xi32, #tpu.memory_space<vmem>>) semaphore(%arg18 : memref<!tpu.dma_semaphore, #tpu.memory_space<semaphore_mem>>) {add = true}
      %dma_wait3A_119 = arith.constant 0 : i32
      %dma_wait3A_120 = arith.constant 0 : i32
      %dma_wait3A_121 = arith.constant 0 : i32
      %dma_wait3A_122 = arith.constant 0 : i32
      %dma_wait3A_123 = tpu.memref_slice %arg14[%dma_wait3A_119, %dma_wait3A_121, %dma_wait3A_122] : memref<2x128x128xf32, #tpu.memory_space<vmem>> -> memref<1x128x128xf32, #tpu.memory_space<vmem>>
      %dma_wait3A_124 = tpu.memref_squeeze %dma_wait3A_123 : memref<1x128x128xf32, #tpu.memory_space<vmem>> -> memref<128x128xf32, #tpu.memory_space<vmem>>
      %dma_wait3A_125 = arith.constant 0 : i32
      %dma_wait3A_126 = tpu.memref_slice %arg13[%dma_wait3A_120, %dma_wait3A_125] : memref<8x128xi32, #tpu.memory_space<vmem>> -> memref<1x128xi32, #tpu.memory_space<vmem>>
      %dma_wait3A_127 = tpu.memref_squeeze %dma_wait3A_126 : memref<1x128xi32, #tpu.memory_space<vmem>> -> memref<128xi32, #tpu.memory_space<vmem>>
      %dma_wait3A_128 = arith.constant 0 : i32
      %dma_wait3A_129 = arith.constant 0 : i32
      %dma_wait3A_130 = tpu.memref_slice %arg11[%dma_wait3A_128, %dma_wait3A_129] : memref<10112x128xf32, #tpu.memory_space<vmem_shared>> -> memref<10112x128xf32, #tpu.memory_space<vmem_shared>>
      tpu.wait_indirect_dma semaphore(%arg17 : memref<!tpu.dma_semaphore, #tpu.memory_space<semaphore_mem>>) src(%dma_wait3A_124 : memref<128x128xf32, #tpu.memory_space<vmem>>) dst(%dma_wait3A_130 : memref<10112x128xf32, #tpu.memory_space<vmem_shared>>)
      %dma_start3A_131 = arith.constant 2 : i32
      %dma_start3A_132 = arith.constant 0 : i32
      %dma_start3A_133 = arith.constant 0 : i32
      %dma_start3A_134 = arith.constant 0 : i32
      %dma_start3A_135 = tpu.memref_slice %arg14[%dma_start3A_132, %dma_start3A_133, %dma_start3A_134] : memref<2x128x128xf32, #tpu.memory_space<vmem>> -> memref<1x128x128xf32, #tpu.memory_space<vmem>>
      %dma_start3A_136 = tpu.memref_squeeze %dma_start3A_135 : memref<1x128x128xf32, #tpu.memory_space<vmem>> -> memref<128x128xf32, #tpu.memory_space<vmem>>
      %dma_start3A_137 = arith.constant 0 : i32
      %dma_start3A_138 = tpu.memref_slice %arg12[%dma_start3A_131, %dma_start3A_137] : memref<8x128xi32, #tpu.memory_space<vmem>> -> memref<1x128xi32, #tpu.memory_space<vmem>>
      %dma_start3A_139 = tpu.memref_squeeze %dma_start3A_138 : memref<1x128xi32, #tpu.memory_space<vmem>> -> memref<128xi32, #tpu.memory_space<vmem>>
      %dma_start3A_140 = arith.constant 0 : i32
      %dma_start3A_141 = arith.constant 0 : i32
      %dma_start3A_142 = tpu.memref_slice %arg2[%dma_start3A_140, %dma_start3A_141] : memref<10000x128xf32, #tpu.memory_space<hbm>> -> memref<10000x128xf32, #tpu.memory_space<hbm>>
      tpu.enqueue_indirect_dma source(%dma_start3A_142 : memref<10000x128xf32, #tpu.memory_space<hbm>>) target(%dma_start3A_136 : memref<128x128xf32, #tpu.memory_space<vmem>>) offsets(%dma_start3A_139 : memref<128xi32, #tpu.memory_space<vmem>>) semaphore(%arg15 : memref<!tpu.dma_semaphore, #tpu.memory_space<semaphore_mem>>)
      %dma_wait3A_143 = arith.constant 2 : i32
      %dma_wait3A_144 = arith.constant 0 : i32
      %dma_wait3A_145 = arith.constant 0 : i32
      %dma_wait3A_146 = arith.constant 0 : i32
      %dma_wait3A_147 = tpu.memref_slice %arg14[%dma_wait3A_144, %dma_wait3A_145, %dma_wait3A_146] : memref<2x128x128xf32, #tpu.memory_space<vmem>> -> memref<1x128x128xf32, #tpu.memory_space<vmem>>
      %dma_wait3A_148 = tpu.memref_squeeze %dma_wait3A_147 : memref<1x128x128xf32, #tpu.memory_space<vmem>> -> memref<128x128xf32, #tpu.memory_space<vmem>>
      %dma_wait3A_149 = arith.constant 0 : i32
      %dma_wait3A_150 = tpu.memref_slice %arg12[%dma_wait3A_143, %dma_wait3A_149] : memref<8x128xi32, #tpu.memory_space<vmem>> -> memref<1x128xi32, #tpu.memory_space<vmem>>
      %dma_wait3A_151 = tpu.memref_squeeze %dma_wait3A_150 : memref<1x128xi32, #tpu.memory_space<vmem>> -> memref<128xi32, #tpu.memory_space<vmem>>
      %dma_wait3A_152 = arith.constant 0 : i32
      %dma_wait3A_153 = arith.constant 0 : i32
      %dma_wait3A_154 = tpu.memref_slice %arg2[%dma_wait3A_152, %dma_wait3A_153] : memref<10000x128xf32, #tpu.memory_space<hbm>> -> memref<10000x128xf32, #tpu.memory_space<hbm>>
      tpu.wait_indirect_dma semaphore(%arg15 : memref<!tpu.dma_semaphore, #tpu.memory_space<semaphore_mem>>) src(%dma_wait3A_154 : memref<10000x128xf32, #tpu.memory_space<hbm>>) dst(%dma_wait3A_148 : memref<128x128xf32, #tpu.memory_space<vmem>>)
      %dma_start3A_155 = arith.constant 0 : i32
      %dma_start3A_156 = arith.constant 2 : i32
      %dma_start3A_157 = arith.constant 0 : i32
      %dma_start3A_158 = arith.constant 0 : i32
      %dma_start3A_159 = tpu.memref_slice %arg14[%dma_start3A_155, %dma_start3A_157, %dma_start3A_158] : memref<2x128x128xf32, #tpu.memory_space<vmem>> -> memref<1x128x128xf32, #tpu.memory_space<vmem>>
      %dma_start3A_160 = tpu.memref_squeeze %dma_start3A_159 : memref<1x128x128xf32, #tpu.memory_space<vmem>> -> memref<128x128xf32, #tpu.memory_space<vmem>>
      %dma_start3A_161 = arith.constant 0 : i32
      %dma_start3A_162 = tpu.memref_slice %arg13[%dma_start3A_156, %dma_start3A_161] : memref<8x128xi32, #tpu.memory_space<vmem>> -> memref<1x128xi32, #tpu.memory_space<vmem>>
      %dma_start3A_163 = tpu.memref_squeeze %dma_start3A_162 : memref<1x128xi32, #tpu.memory_space<vmem>> -> memref<128xi32, #tpu.memory_space<vmem>>
      %dma_start3A_164 = arith.constant 0 : i32
      %dma_start3A_165 = arith.constant 0 : i32
      %dma_start3A_166 = tpu.memref_slice %arg11[%dma_start3A_164, %dma_start3A_165] : memref<10112x128xf32, #tpu.memory_space<vmem_shared>> -> memref<10112x128xf32, #tpu.memory_space<vmem_shared>>
      tpu.enqueue_indirect_dma source(%dma_start3A_160 : memref<128x128xf32, #tpu.memory_space<vmem>>) target(%dma_start3A_166 : memref<10112x128xf32, #tpu.memory_space<vmem_shared>>) offsets(%dma_start3A_163 : memref<128xi32, #tpu.memory_space<vmem>>) semaphore(%arg17 : memref<!tpu.dma_semaphore, #tpu.memory_space<semaphore_mem>>) {add = true}
      %dma_wait3A_167 = arith.constant 1 : i32
      %dma_wait3A_168 = arith.constant 1 : i32
      %dma_wait3A_169 = arith.constant 0 : i32
      %dma_wait3A_170 = arith.constant 0 : i32
      %dma_wait3A_171 = tpu.memref_slice %arg14[%dma_wait3A_167, %dma_wait3A_169, %dma_wait3A_170] : memref<2x128x128xf32, #tpu.memory_space<vmem>> -> memref<1x128x128xf32, #tpu.memory_space<vmem>>
      %dma_wait3A_172 = tpu.memref_squeeze %dma_wait3A_171 : memref<1x128x128xf32, #tpu.memory_space<vmem>> -> memref<128x128xf32, #tpu.memory_space<vmem>>
      %dma_wait3A_173 = arith.constant 0 : i32
      %dma_wait3A_174 = tpu.memref_slice %arg13[%dma_wait3A_168, %dma_wait3A_173] : memref<8x128xi32, #tpu.memory_space<vmem>> -> memref<1x128xi32, #tpu.memory_space<vmem>>
      %dma_wait3A_175 = tpu.memref_squeeze %dma_wait3A_174 : memref<1x128xi32, #tpu.memory_space<vmem>> -> memref<128xi32, #tpu.memory_space<vmem>>
      %dma_wait3A_176 = arith.constant 0 : i32
      %dma_wait3A_177 = arith.constant 0 : i32
      %dma_wait3A_178 = tpu.memref_slice %arg11[%dma_wait3A_176, %dma_wait3A_177] : memref<10112x128xf32, #tpu.memory_space<vmem_shared>> -> memref<10112x128xf32, #tpu.memory_space<vmem_shared>>
      tpu.wait_indirect_dma semaphore(%arg18 : memref<!tpu.dma_semaphore, #tpu.memory_space<semaphore_mem>>) src(%dma_wait3A_172 : memref<128x128xf32, #tpu.memory_space<vmem>>) dst(%dma_wait3A_178 : memref<10112x128xf32, #tpu.memory_space<vmem_shared>>)
      %dma_start3A_179 = arith.constant 3 : i32
      %dma_start3A_180 = arith.constant 1 : i32
      %dma_start3A_181 = arith.constant 0 : i32
      %dma_start3A_182 = arith.constant 0 : i32
      %dma_start3A_183 = tpu.memref_slice %arg14[%dma_start3A_180, %dma_start3A_181, %dma_start3A_182] : memref<2x128x128xf32, #tpu.memory_space<vmem>> -> memref<1x128x128xf32, #tpu.memory_space<vmem>>
      %dma_start3A_184 = tpu.memref_squeeze %dma_start3A_183 : memref<1x128x128xf32, #tpu.memory_space<vmem>> -> memref<128x128xf32, #tpu.memory_space<vmem>>
      %dma_start3A_185 = arith.constant 0 : i32
      %dma_start3A_186 = tpu.memref_slice %arg12[%dma_start3A_179, %dma_start3A_185] : memref<8x128xi32, #tpu.memory_space<vmem>> -> memref<1x128xi32, #tpu.memory_space<vmem>>
      %dma_start3A_187 = tpu.memref_squeeze %dma_start3A_186 : memref<1x128xi32, #tpu.memory_space<vmem>> -> memref<128xi32, #tpu.memory_space<vmem>>
      %dma_start3A_188 = arith.constant 0 : i32
      %dma_start3A_189 = arith.constant 0 : i32
      %dma_start3A_190 = tpu.memref_slice %arg2[%dma_start3A_188, %dma_start3A_189] : memref<10000x128xf32, #tpu.memory_space<hbm>> -> memref<10000x128xf32, #tpu.memory_space<hbm>>
      tpu.enqueue_indirect_dma source(%dma_start3A_190 : memref<10000x128xf32, #tpu.memory_space<hbm>>) target(%dma_start3A_184 : memref<128x128xf32, #tpu.memory_space<vmem>>) offsets(%dma_start3A_187 : memref<128xi32, #tpu.memory_space<vmem>>) semaphore(%arg16 : memref<!tpu.dma_semaphore, #tpu.memory_space<semaphore_mem>>)
      %dma_wait3A_191 = arith.constant 3 : i32
      %dma_wait3A_192 = arith.constant 1 : i32
      %dma_wait3A_193 = arith.constant 0 : i32
      %dma_wait3A_194 = arith.constant 0 : i32
      %dma_wait3A_195 = tpu.memref_slice %arg14[%dma_wait3A_192, %dma_wait3A_193, %dma_wait3A_194] : memref<2x128x128xf32, #tpu.memory_space<vmem>> -> memref<1x128x128xf32, #tpu.memory_space<vmem>>
      %dma_wait3A_196 = tpu.memref_squeeze %dma_wait3A_195 : memref<1x128x128xf32, #tpu.memory_space<vmem>> -> memref<128x128xf32, #tpu.memory_space<vmem>>
      %dma_wait3A_197 = arith.constant 0 : i32
      %dma_wait3A_198 = tpu.memref_slice %arg12[%dma_wait3A_191, %dma_wait3A_197] : memref<8x128xi32, #tpu.memory_space<vmem>> -> memref<1x128xi32, #tpu.memory_space<vmem>>
      %dma_wait3A_199 = tpu.memref_squeeze %dma_wait3A_198 : memref<1x128xi32, #tpu.memory_space<vmem>> -> memref<128xi32, #tpu.memory_space<vmem>>
      %dma_wait3A_200 = arith.constant 0 : i32
      %dma_wait3A_201 = arith.constant 0 : i32
      %dma_wait3A_202 = tpu.memref_slice %arg2[%dma_wait3A_200, %dma_wait3A_201] : memref<10000x128xf32, #tpu.memory_space<hbm>> -> memref<10000x128xf32, #tpu.memory_space<hbm>>
      tpu.wait_indirect_dma semaphore(%arg16 : memref<!tpu.dma_semaphore, #tpu.memory_space<semaphore_mem>>) src(%dma_wait3A_202 : memref<10000x128xf32, #tpu.memory_space<hbm>>) dst(%dma_wait3A_196 : memref<128x128xf32, #tpu.memory_space<vmem>>)
      %dma_start3A_203 = arith.constant 1 : i32
      %dma_start3A_204 = arith.constant 3 : i32
      %dma_start3A_205 = arith.constant 0 : i32
      %dma_start3A_206 = arith.constant 0 : i32
      %dma_start3A_207 = tpu.memref_slice %arg14[%dma_start3A_203, %dma_start3A_205, %dma_start3A_206] : memref<2x128x128xf32, #tpu.memory_space<vmem>> -> memref<1x128x128xf32, #tpu.memory_space<vmem>>
      %dma_start3A_208 = tpu.memref_squeeze %dma_start3A_207 : memref<1x128x128xf32, #tpu.memory_space<vmem>> -> memref<128x128xf32, #tpu.memory_space<vmem>>
      %dma_start3A_209 = arith.constant 0 : i32
      %dma_start3A_210 = tpu.memref_slice %arg13[%dma_start3A_204, %dma_start3A_209] : memref<8x128xi32, #tpu.memory_space<vmem>> -> memref<1x128xi32, #tpu.memory_space<vmem>>
      %dma_start3A_211 = tpu.memref_squeeze %dma_start3A_210 : memref<1x128xi32, #tpu.memory_space<vmem>> -> memref<128xi32, #tpu.memory_space<vmem>>
      %dma_start3A_212 = arith.constant 0 : i32
      %dma_start3A_213 = arith.constant 0 : i32
      %dma_start3A_214 = tpu.memref_slice %arg11[%dma_start3A_212, %dma_start3A_213] : memref<10112x128xf32, #tpu.memory_space<vmem_shared>> -> memref<10112x128xf32, #tpu.memory_space<vmem_shared>>
      tpu.enqueue_indirect_dma source(%dma_start3A_208 : memref<128x128xf32, #tpu.memory_space<vmem>>) target(%dma_start3A_214 : memref<10112x128xf32, #tpu.memory_space<vmem_shared>>) offsets(%dma_start3A_211 : memref<128xi32, #tpu.memory_space<vmem>>) semaphore(%arg18 : memref<!tpu.dma_semaphore, #tpu.memory_space<semaphore_mem>>) {add = true}
      %dma_wait3A_215 = arith.constant 0 : i32
      %dma_wait3A_216 = arith.constant 2 : i32
      %dma_wait3A_217 = arith.constant 0 : i32
      %dma_wait3A_218 = arith.constant 0 : i32
      %dma_wait3A_219 = tpu.memref_slice %arg14[%dma_wait3A_215, %dma_wait3A_217, %dma_wait3A_218] : memref<2x128x128xf32, #tpu.memory_space<vmem>> -> memref<1x128x128xf32, #tpu.memory_space<vmem>>
      %dma_wait3A_220 = tpu.memref_squeeze %dma_wait3A_219 : memref<1x128x128xf32, #tpu.memory_space<vmem>> -> memref<128x128xf32, #tpu.memory_space<vmem>>
      %dma_wait3A_221 = arith.constant 0 : i32
      %dma_wait3A_222 = tpu.memref_slice %arg13[%dma_wait3A_216, %dma_wait3A_221] : memref<8x128xi32, #tpu.memory_space<vmem>> -> memref<1x128xi32, #tpu.memory_space<vmem>>
      %dma_wait3A_223 = tpu.memref_squeeze %dma_wait3A_222 : memref<1x128xi32, #tpu.memory_space<vmem>> -> memref<128xi32, #tpu.memory_space<vmem>>
      %dma_wait3A_224 = arith.constant 0 : i32
      %dma_wait3A_225 = arith.constant 0 : i32
      %dma_wait3A_226 = tpu.memref_slice %arg11[%dma_wait3A_224, %dma_wait3A_225] : memref<10112x128xf32, #tpu.memory_space<vmem_shared>> -> memref<10112x128xf32, #tpu.memory_space<vmem_shared>>
      tpu.wait_indirect_dma semaphore(%arg17 : memref<!tpu.dma_semaphore, #tpu.memory_space<semaphore_mem>>) src(%dma_wait3A_220 : memref<128x128xf32, #tpu.memory_space<vmem>>) dst(%dma_wait3A_226 : memref<10112x128xf32, #tpu.memory_space<vmem_shared>>)
      %dma_start3A_227 = arith.constant 4 : i32
      %dma_start3A_228 = arith.constant 0 : i32
      %dma_start3A_229 = arith.constant 0 : i32
      %dma_start3A_230 = arith.constant 0 : i32
      %dma_start3A_231 = tpu.memref_slice %arg14[%dma_start3A_228, %dma_start3A_229, %dma_start3A_230] : memref<2x128x128xf32, #tpu.memory_space<vmem>> -> memref<1x128x128xf32, #tpu.memory_space<vmem>>
      %dma_start3A_232 = tpu.memref_squeeze %dma_start3A_231 : memref<1x128x128xf32, #tpu.memory_space<vmem>> -> memref<128x128xf32, #tpu.memory_space<vmem>>
      %dma_start3A_233 = arith.constant 0 : i32
      %dma_start3A_234 = tpu.memref_slice %arg12[%dma_start3A_227, %dma_start3A_233] : memref<8x128xi32, #tpu.memory_space<vmem>> -> memref<1x128xi32, #tpu.memory_space<vmem>>
      %dma_start3A_235 = tpu.memref_squeeze %dma_start3A_234 : memref<1x128xi32, #tpu.memory_space<vmem>> -> memref<128xi32, #tpu.memory_space<vmem>>
      %dma_start3A_236 = arith.constant 0 : i32
      %dma_start3A_237 = arith.constant 0 : i32
      %dma_start3A_238 = tpu.memref_slice %arg2[%dma_start3A_236, %dma_start3A_237] : memref<10000x128xf32, #tpu.memory_space<hbm>> -> memref<10000x128xf32, #tpu.memory_space<hbm>>
      tpu.enqueue_indirect_dma source(%dma_start3A_238 : memref<10000x128xf32, #tpu.memory_space<hbm>>) target(%dma_start3A_232 : memref<128x128xf32, #tpu.memory_space<vmem>>) offsets(%dma_start3A_235 : memref<128xi32, #tpu.memory_space<vmem>>) semaphore(%arg15 : memref<!tpu.dma_semaphore, #tpu.memory_space<semaphore_mem>>)
      %dma_wait3A_239 = arith.constant 4 : i32
      %dma_wait3A_240 = arith.constant 0 : i32
      %dma_wait3A_241 = arith.constant 0 : i32
      %dma_wait3A_242 = arith.constant 0 : i32
      %dma_wait3A_243 = tpu.memref_slice %arg14[%dma_wait3A_240, %dma_wait3A_241, %dma_wait3A_242] : memref<2x128x128xf32, #tpu.memory_space<vmem>> -> memref<1x128x128xf32, #tpu.memory_space<vmem>>
      %dma_wait3A_244 = tpu.memref_squeeze %dma_wait3A_243 : memref<1x128x128xf32, #tpu.memory_space<vmem>> -> memref<128x128xf32, #tpu.memory_space<vmem>>
      %dma_wait3A_245 = arith.constant 0 : i32
      %dma_wait3A_246 = tpu.memref_slice %arg12[%dma_wait3A_239, %dma_wait3A_245] : memref<8x128xi32, #tpu.memory_space<vmem>> -> memref<1x128xi32, #tpu.memory_space<vmem>>
      %dma_wait3A_247 = tpu.memref_squeeze %dma_wait3A_246 : memref<1x128xi32, #tpu.memory_space<vmem>> -> memref<128xi32, #tpu.memory_space<vmem>>
      %dma_wait3A_248 = arith.constant 0 : i32
      %dma_wait3A_249 = arith.constant 0 : i32
      %dma_wait3A_250 = tpu.memref_slice %arg2[%dma_wait3A_248, %dma_wait3A_249] : memref<10000x128xf32, #tpu.memory_space<hbm>> -> memref<10000x128xf32, #tpu.memory_space<hbm>>
      tpu.wait_indirect_dma semaphore(%arg15 : memref<!tpu.dma_semaphore, #tpu.memory_space<semaphore_mem>>) src(%dma_wait3A_250 : memref<10000x128xf32, #tpu.memory_space<hbm>>) dst(%dma_wait3A_244 : memref<128x128xf32, #tpu.memory_space<vmem>>)
      %dma_start3A_251 = arith.constant 0 : i32
      %dma_start3A_252 = arith.constant 4 : i32
      %dma_start3A_253 = arith.constant 0 : i32
      %dma_start3A_254 = arith.constant 0 : i32
      %dma_start3A_255 = tpu.memref_slice %arg14[%dma_start3A_251, %dma_start3A_253, %dma_start3A_254] : memref<2x128x128xf32, #tpu.memory_space<vmem>> -> memref<1x128x128xf32, #tpu.memory_space<vmem>>
      %dma_start3A_256 = tpu.memref_squeeze %dma_start3A_255 : memref<1x128x128xf32, #tpu.memory_space<vmem>> -> memref<128x128xf32, #tpu.memory_space<vmem>>
      %dma_start3A_257 = arith.constant 0 : i32
      %dma_start3A_258 = tpu.memref_slice %arg13[%dma_start3A_252, %dma_start3A_257] : memref<8x128xi32, #tpu.memory_space<vmem>> -> memref<1x128xi32, #tpu.memory_space<vmem>>
      %dma_start3A_259 = tpu.memref_squeeze %dma_start3A_258 : memref<1x128xi32, #tpu.memory_space<vmem>> -> memref<128xi32, #tpu.memory_space<vmem>>
      %dma_start3A_260 = arith.constant 0 : i32
      %dma_start3A_261 = arith.constant 0 : i32
      %dma_start3A_262 = tpu.memref_slice %arg11[%dma_start3A_260, %dma_start3A_261] : memref<10112x128xf32, #tpu.memory_space<vmem_shared>> -> memref<10112x128xf32, #tpu.memory_space<vmem_shared>>
      tpu.enqueue_indirect_dma source(%dma_start3A_256 : memref<128x128xf32, #tpu.memory_space<vmem>>) target(%dma_start3A_262 : memref<10112x128xf32, #tpu.memory_space<vmem_shared>>) offsets(%dma_start3A_259 : memref<128xi32, #tpu.memory_space<vmem>>) semaphore(%arg17 : memref<!tpu.dma_semaphore, #tpu.memory_space<semaphore_mem>>) {add = true}
      %dma_wait3A_263 = arith.constant 1 : i32
      %dma_wait3A_264 = arith.constant 3 : i32
      %dma_wait3A_265 = arith.constant 0 : i32
      %dma_wait3A_266 = arith.constant 0 : i32
      %dma_wait3A_267 = tpu.memref_slice %arg14[%dma_wait3A_263, %dma_wait3A_265, %dma_wait3A_266] : memref<2x128x128xf32, #tpu.memory_space<vmem>> -> memref<1x128x128xf32, #tpu.memory_space<vmem>>
      %dma_wait3A_268 = tpu.memref_squeeze %dma_wait3A_267 : memref<1x128x128xf32, #tpu.memory_space<vmem>> -> memref<128x128xf32, #tpu.memory_space<vmem>>
      %dma_wait3A_269 = arith.constant 0 : i32
      %dma_wait3A_270 = tpu.memref_slice %arg13[%dma_wait3A_264, %dma_wait3A_269] : memref<8x128xi32, #tpu.memory_space<vmem>> -> memref<1x128xi32, #tpu.memory_space<vmem>>
      %dma_wait3A_271 = tpu.memref_squeeze %dma_wait3A_270 : memref<1x128xi32, #tpu.memory_space<vmem>> -> memref<128xi32, #tpu.memory_space<vmem>>
      %dma_wait3A_272 = arith.constant 0 : i32
      %dma_wait3A_273 = arith.constant 0 : i32
      %dma_wait3A_274 = tpu.memref_slice %arg11[%dma_wait3A_272, %dma_wait3A_273] : memref<10112x128xf32, #tpu.memory_space<vmem_shared>> -> memref<10112x128xf32, #tpu.memory_space<vmem_shared>>
      tpu.wait_indirect_dma semaphore(%arg18 : memref<!tpu.dma_semaphore, #tpu.memory_space<semaphore_mem>>) src(%dma_wait3A_268 : memref<128x128xf32, #tpu.memory_space<vmem>>) dst(%dma_wait3A_274 : memref<10112x128xf32, #tpu.memory_space<vmem_shared>>)
      %dma_start3A_275 = arith.constant 5 : i32
      %dma_start3A_276 = arith.constant 1 : i32
      %dma_start3A_277 = arith.constant 0 : i32
      %dma_start3A_278 = arith.constant 0 : i32
      %dma_start3A_279 = tpu.memref_slice %arg14[%dma_start3A_276, %dma_start3A_277, %dma_start3A_278] : memref<2x128x128xf32, #tpu.memory_space<vmem>> -> memref<1x128x128xf32, #tpu.memory_space<vmem>>
      %dma_start3A_280 = tpu.memref_squeeze %dma_start3A_279 : memref<1x128x128xf32, #tpu.memory_space<vmem>> -> memref<128x128xf32, #tpu.memory_space<vmem>>
      %dma_start3A_281 = arith.constant 0 : i32
      %dma_start3A_282 = tpu.memref_slice %arg12[%dma_start3A_275, %dma_start3A_281] : memref<8x128xi32, #tpu.memory_space<vmem>> -> memref<1x128xi32, #tpu.memory_space<vmem>>
      %dma_start3A_283 = tpu.memref_squeeze %dma_start3A_282 : memref<1x128xi32, #tpu.memory_space<vmem>> -> memref<128xi32, #tpu.memory_space<vmem>>
      %dma_start3A_284 = arith.constant 0 : i32
      %dma_start3A_285 = arith.constant 0 : i32
      %dma_start3A_286 = tpu.memref_slice %arg2[%dma_start3A_284, %dma_start3A_285] : memref<10000x128xf32, #tpu.memory_space<hbm>> -> memref<10000x128xf32, #tpu.memory_space<hbm>>
      tpu.enqueue_indirect_dma source(%dma_start3A_286 : memref<10000x128xf32, #tpu.memory_space<hbm>>) target(%dma_start3A_280 : memref<128x128xf32, #tpu.memory_space<vmem>>) offsets(%dma_start3A_283 : memref<128xi32, #tpu.memory_space<vmem>>) semaphore(%arg16 : memref<!tpu.dma_semaphore, #tpu.memory_space<semaphore_mem>>)
      %dma_wait3A_287 = arith.constant 5 : i32
      %dma_wait3A_288 = arith.constant 1 : i32
      %dma_wait3A_289 = arith.constant 0 : i32
      %dma_wait3A_290 = arith.constant 0 : i32
      %dma_wait3A_291 = tpu.memref_slice %arg14[%dma_wait3A_288, %dma_wait3A_289, %dma_wait3A_290] : memref<2x128x128xf32, #tpu.memory_space<vmem>> -> memref<1x128x128xf32, #tpu.memory_space<vmem>>
      %dma_wait3A_292 = tpu.memref_squeeze %dma_wait3A_291 : memref<1x128x128xf32, #tpu.memory_space<vmem>> -> memref<128x128xf32, #tpu.memory_space<vmem>>
      %dma_wait3A_293 = arith.constant 0 : i32
      %dma_wait3A_294 = tpu.memref_slice %arg12[%dma_wait3A_287, %dma_wait3A_293] : memref<8x128xi32, #tpu.memory_space<vmem>> -> memref<1x128xi32, #tpu.memory_space<vmem>>
      %dma_wait3A_295 = tpu.memref_squeeze %dma_wait3A_294 : memref<1x128xi32, #tpu.memory_space<vmem>> -> memref<128xi32, #tpu.memory_space<vmem>>
      %dma_wait3A_296 = arith.constant 0 : i32
      %dma_wait3A_297 = arith.constant 0 : i32
      %dma_wait3A_298 = tpu.memref_slice %arg2[%dma_wait3A_296, %dma_wait3A_297] : memref<10000x128xf32, #tpu.memory_space<hbm>> -> memref<10000x128xf32, #tpu.memory_space<hbm>>
      tpu.wait_indirect_dma semaphore(%arg16 : memref<!tpu.dma_semaphore, #tpu.memory_space<semaphore_mem>>) src(%dma_wait3A_298 : memref<10000x128xf32, #tpu.memory_space<hbm>>) dst(%dma_wait3A_292 : memref<128x128xf32, #tpu.memory_space<vmem>>)
      %dma_start3A_299 = arith.constant 1 : i32
      %dma_start3A_300 = arith.constant 5 : i32
      %dma_start3A_301 = arith.constant 0 : i32
      %dma_start3A_302 = arith.constant 0 : i32
      %dma_start3A_303 = tpu.memref_slice %arg14[%dma_start3A_299, %dma_start3A_301, %dma_start3A_302] : memref<2x128x128xf32, #tpu.memory_space<vmem>> -> memref<1x128x128xf32, #tpu.memory_space<vmem>>
      %dma_start3A_304 = tpu.memref_squeeze %dma_start3A_303 : memref<1x128x128xf32, #tpu.memory_space<vmem>> -> memref<128x128xf32, #tpu.memory_space<vmem>>
      %dma_start3A_305 = arith.constant 0 : i32
      %dma_start3A_306 = tpu.memref_slice %arg13[%dma_start3A_300, %dma_start3A_305] : memref<8x128xi32, #tpu.memory_space<vmem>> -> memref<1x128xi32, #tpu.memory_space<vmem>>
      %dma_start3A_307 = tpu.memref_squeeze %dma_start3A_306 : memref<1x128xi32, #tpu.memory_space<vmem>> -> memref<128xi32, #tpu.memory_space<vmem>>
      %dma_start3A_308 = arith.constant 0 : i32
      %dma_start3A_309 = arith.constant 0 : i32
      %dma_start3A_310 = tpu.memref_slice %arg11[%dma_start3A_308, %dma_start3A_309] : memref<10112x128xf32, #tpu.memory_space<vmem_shared>> -> memref<10112x128xf32, #tpu.memory_space<vmem_shared>>
      tpu.enqueue_indirect_dma source(%dma_start3A_304 : memref<128x128xf32, #tpu.memory_space<vmem>>) target(%dma_start3A_310 : memref<10112x128xf32, #tpu.memory_space<vmem_shared>>) offsets(%dma_start3A_307 : memref<128xi32, #tpu.memory_space<vmem>>) semaphore(%arg18 : memref<!tpu.dma_semaphore, #tpu.memory_space<semaphore_mem>>) {add = true}
      %dma_wait3A_311 = arith.constant 0 : i32
      %dma_wait3A_312 = arith.constant 4 : i32
      %dma_wait3A_313 = arith.constant 0 : i32
      %dma_wait3A_314 = arith.constant 0 : i32
      %dma_wait3A_315 = tpu.memref_slice %arg14[%dma_wait3A_311, %dma_wait3A_313, %dma_wait3A_314] : memref<2x128x128xf32, #tpu.memory_space<vmem>> -> memref<1x128x128xf32, #tpu.memory_space<vmem>>
      %dma_wait3A_316 = tpu.memref_squeeze %dma_wait3A_315 : memref<1x128x128xf32, #tpu.memory_space<vmem>> -> memref<128x128xf32, #tpu.memory_space<vmem>>
      %dma_wait3A_317 = arith.constant 0 : i32
      %dma_wait3A_318 = tpu.memref_slice %arg13[%dma_wait3A_312, %dma_wait3A_317] : memref<8x128xi32, #tpu.memory_space<vmem>> -> memref<1x128xi32, #tpu.memory_space<vmem>>
      %dma_wait3A_319 = tpu.memref_squeeze %dma_wait3A_318 : memref<1x128xi32, #tpu.memory_space<vmem>> -> memref<128xi32, #tpu.memory_space<vmem>>
      %dma_wait3A_320 = arith.constant 0 : i32
      %dma_wait3A_321 = arith.constant 0 : i32
      %dma_wait3A_322 = tpu.memref_slice %arg11[%dma_wait3A_320, %dma_wait3A_321] : memref<10112x128xf32, #tpu.memory_space<vmem_shared>> -> memref<10112x128xf32, #tpu.memory_space<vmem_shared>>
      tpu.wait_indirect_dma semaphore(%arg17 : memref<!tpu.dma_semaphore, #tpu.memory_space<semaphore_mem>>) src(%dma_wait3A_316 : memref<128x128xf32, #tpu.memory_space<vmem>>) dst(%dma_wait3A_322 : memref<10112x128xf32, #tpu.memory_space<vmem_shared>>)
      %dma_start3A_323 = arith.constant 6 : i32
      %dma_start3A_324 = arith.constant 0 : i32
      %dma_start3A_325 = arith.constant 0 : i32
      %dma_start3A_326 = arith.constant 0 : i32
      %dma_start3A_327 = tpu.memref_slice %arg14[%dma_start3A_324, %dma_start3A_325, %dma_start3A_326] : memref<2x128x128xf32, #tpu.memory_space<vmem>> -> memref<1x128x128xf32, #tpu.memory_space<vmem>>
      %dma_start3A_328 = tpu.memref_squeeze %dma_start3A_327 : memref<1x128x128xf32, #tpu.memory_space<vmem>> -> memref<128x128xf32, #tpu.memory_space<vmem>>
      %dma_start3A_329 = arith.constant 0 : i32
      %dma_start3A_330 = tpu.memref_slice %arg12[%dma_start3A_323, %dma_start3A_329] : memref<8x128xi32, #tpu.memory_space<vmem>> -> memref<1x128xi32, #tpu.memory_space<vmem>>
      %dma_start3A_331 = tpu.memref_squeeze %dma_start3A_330 : memref<1x128xi32, #tpu.memory_space<vmem>> -> memref<128xi32, #tpu.memory_space<vmem>>
      %dma_start3A_332 = arith.constant 0 : i32
      %dma_start3A_333 = arith.constant 0 : i32
      %dma_start3A_334 = tpu.memref_slice %arg2[%dma_start3A_332, %dma_start3A_333] : memref<10000x128xf32, #tpu.memory_space<hbm>> -> memref<10000x128xf32, #tpu.memory_space<hbm>>
      tpu.enqueue_indirect_dma source(%dma_start3A_334 : memref<10000x128xf32, #tpu.memory_space<hbm>>) target(%dma_start3A_328 : memref<128x128xf32, #tpu.memory_space<vmem>>) offsets(%dma_start3A_331 : memref<128xi32, #tpu.memory_space<vmem>>) semaphore(%arg15 : memref<!tpu.dma_semaphore, #tpu.memory_space<semaphore_mem>>)
      %dma_wait3A_335 = arith.constant 6 : i32
      %dma_wait3A_336 = arith.constant 0 : i32
      %dma_wait3A_337 = arith.constant 0 : i32
      %dma_wait3A_338 = arith.constant 0 : i32
      %dma_wait3A_339 = tpu.memref_slice %arg14[%dma_wait3A_336, %dma_wait3A_337, %dma_wait3A_338] : memref<2x128x128xf32, #tpu.memory_space<vmem>> -> memref<1x128x128xf32, #tpu.memory_space<vmem>>
      %dma_wait3A_340 = tpu.memref_squeeze %dma_wait3A_339 : memref<1x128x128xf32, #tpu.memory_space<vmem>> -> memref<128x128xf32, #tpu.memory_space<vmem>>
      %dma_wait3A_341 = arith.constant 0 : i32
      %dma_wait3A_342 = tpu.memref_slice %arg12[%dma_wait3A_335, %dma_wait3A_341] : memref<8x128xi32, #tpu.memory_space<vmem>> -> memref<1x128xi32, #tpu.memory_space<vmem>>
      %dma_wait3A_343 = tpu.memref_squeeze %dma_wait3A_342 : memref<1x128xi32, #tpu.memory_space<vmem>> -> memref<128xi32, #tpu.memory_space<vmem>>
      %dma_wait3A_344 = arith.constant 0 : i32
      %dma_wait3A_345 = arith.constant 0 : i32
      %dma_wait3A_346 = tpu.memref_slice %arg2[%dma_wait3A_344, %dma_wait3A_345] : memref<10000x128xf32, #tpu.memory_space<hbm>> -> memref<10000x128xf32, #tpu.memory_space<hbm>>
      tpu.wait_indirect_dma semaphore(%arg15 : memref<!tpu.dma_semaphore, #tpu.memory_space<semaphore_mem>>) src(%dma_wait3A_346 : memref<10000x128xf32, #tpu.memory_space<hbm>>) dst(%dma_wait3A_340 : memref<128x128xf32, #tpu.memory_space<vmem>>)
      %dma_start3A_347 = arith.constant 0 : i32
      %dma_start3A_348 = arith.constant 6 : i32
      %dma_start3A_349 = arith.constant 0 : i32
      %dma_start3A_350 = arith.constant 0 : i32
      %dma_start3A_351 = tpu.memref_slice %arg14[%dma_start3A_347, %dma_start3A_349, %dma_start3A_350] : memref<2x128x128xf32, #tpu.memory_space<vmem>> -> memref<1x128x128xf32, #tpu.memory_space<vmem>>
      %dma_start3A_352 = tpu.memref_squeeze %dma_start3A_351 : memref<1x128x128xf32, #tpu.memory_space<vmem>> -> memref<128x128xf32, #tpu.memory_space<vmem>>
      %dma_start3A_353 = arith.constant 0 : i32
      %dma_start3A_354 = tpu.memref_slice %arg13[%dma_start3A_348, %dma_start3A_353] : memref<8x128xi32, #tpu.memory_space<vmem>> -> memref<1x128xi32, #tpu.memory_space<vmem>>
      %dma_start3A_355 = tpu.memref_squeeze %dma_start3A_354 : memref<1x128xi32, #tpu.memory_space<vmem>> -> memref<128xi32, #tpu.memory_space<vmem>>
      %dma_start3A_356 = arith.constant 0 : i32
      %dma_start3A_357 = arith.constant 0 : i32
      %dma_start3A_358 = tpu.memref_slice %arg11[%dma_start3A_356, %dma_start3A_357] : memref<10112x128xf32, #tpu.memory_space<vmem_shared>> -> memref<10112x128xf32, #tpu.memory_space<vmem_shared>>
      tpu.enqueue_indirect_dma source(%dma_start3A_352 : memref<128x128xf32, #tpu.memory_space<vmem>>) target(%dma_start3A_358 : memref<10112x128xf32, #tpu.memory_space<vmem_shared>>) offsets(%dma_start3A_355 : memref<128xi32, #tpu.memory_space<vmem>>) semaphore(%arg17 : memref<!tpu.dma_semaphore, #tpu.memory_space<semaphore_mem>>) {add = true}
      %dma_wait3A_359 = arith.constant 1 : i32
      %dma_wait3A_360 = arith.constant 5 : i32
      %dma_wait3A_361 = arith.constant 0 : i32
      %dma_wait3A_362 = arith.constant 0 : i32
      %dma_wait3A_363 = tpu.memref_slice %arg14[%dma_wait3A_359, %dma_wait3A_361, %dma_wait3A_362] : memref<2x128x128xf32, #tpu.memory_space<vmem>> -> memref<1x128x128xf32, #tpu.memory_space<vmem>>
      %dma_wait3A_364 = tpu.memref_squeeze %dma_wait3A_363 : memref<1x128x128xf32, #tpu.memory_space<vmem>> -> memref<128x128xf32, #tpu.memory_space<vmem>>
      %dma_wait3A_365 = arith.constant 0 : i32
      %dma_wait3A_366 = tpu.memref_slice %arg13[%dma_wait3A_360, %dma_wait3A_365] : memref<8x128xi32, #tpu.memory_space<vmem>> -> memref<1x128xi32, #tpu.memory_space<vmem>>
      %dma_wait3A_367 = tpu.memref_squeeze %dma_wait3A_366 : memref<1x128xi32, #tpu.memory_space<vmem>> -> memref<128xi32, #tpu.memory_space<vmem>>
      %dma_wait3A_368 = arith.constant 0 : i32
      %dma_wait3A_369 = arith.constant 0 : i32
      %dma_wait3A_370 = tpu.memref_slice %arg11[%dma_wait3A_368, %dma_wait3A_369] : memref<10112x128xf32, #tpu.memory_space<vmem_shared>> -> memref<10112x128xf32, #tpu.memory_space<vmem_shared>>
      tpu.wait_indirect_dma semaphore(%arg18 : memref<!tpu.dma_semaphore, #tpu.memory_space<semaphore_mem>>) src(%dma_wait3A_364 : memref<128x128xf32, #tpu.memory_space<vmem>>) dst(%dma_wait3A_370 : memref<10112x128xf32, #tpu.memory_space<vmem_shared>>)
      %dma_start3A_371 = arith.constant 7 : i32
      %dma_start3A_372 = arith.constant 1 : i32
      %dma_start3A_373 = arith.constant 0 : i32
      %dma_start3A_374 = arith.constant 0 : i32
      %dma_start3A_375 = tpu.memref_slice %arg14[%dma_start3A_372, %dma_start3A_373, %dma_start3A_374] : memref<2x128x128xf32, #tpu.memory_space<vmem>> -> memref<1x128x128xf32, #tpu.memory_space<vmem>>
      %dma_start3A_376 = tpu.memref_squeeze %dma_start3A_375 : memref<1x128x128xf32, #tpu.memory_space<vmem>> -> memref<128x128xf32, #tpu.memory_space<vmem>>
      %dma_start3A_377 = arith.constant 0 : i32
      %dma_start3A_378 = tpu.memref_slice %arg12[%dma_start3A_371, %dma_start3A_377] : memref<8x128xi32, #tpu.memory_space<vmem>> -> memref<1x128xi32, #tpu.memory_space<vmem>>
      %dma_start3A_379 = tpu.memref_squeeze %dma_start3A_378 : memref<1x128xi32, #tpu.memory_space<vmem>> -> memref<128xi32, #tpu.memory_space<vmem>>
      %dma_start3A_380 = arith.constant 0 : i32
      %dma_start3A_381 = arith.constant 0 : i32
      %dma_start3A_382 = tpu.memref_slice %arg2[%dma_start3A_380, %dma_start3A_381] : memref<10000x128xf32, #tpu.memory_space<hbm>> -> memref<10000x128xf32, #tpu.memory_space<hbm>>
      tpu.enqueue_indirect_dma source(%dma_start3A_382 : memref<10000x128xf32, #tpu.memory_space<hbm>>) target(%dma_start3A_376 : memref<128x128xf32, #tpu.memory_space<vmem>>) offsets(%dma_start3A_379 : memref<128xi32, #tpu.memory_space<vmem>>) semaphore(%arg16 : memref<!tpu.dma_semaphore, #tpu.memory_space<semaphore_mem>>)
      %dma_wait3A_383 = arith.constant 7 : i32
      %dma_wait3A_384 = arith.constant 1 : i32
      %dma_wait3A_385 = arith.constant 0 : i32
      %dma_wait3A_386 = arith.constant 0 : i32
      %dma_wait3A_387 = tpu.memref_slice %arg14[%dma_wait3A_384, %dma_wait3A_385, %dma_wait3A_386] : memref<2x128x128xf32, #tpu.memory_space<vmem>> -> memref<1x128x128xf32, #tpu.memory_space<vmem>>
      %dma_wait3A_388 = tpu.memref_squeeze %dma_wait3A_387 : memref<1x128x128xf32, #tpu.memory_space<vmem>> -> memref<128x128xf32, #tpu.memory_space<vmem>>
      %dma_wait3A_389 = arith.constant 0 : i32
      %dma_wait3A_390 = tpu.memref_slice %arg12[%dma_wait3A_383, %dma_wait3A_389] : memref<8x128xi32, #tpu.memory_space<vmem>> -> memref<1x128xi32, #tpu.memory_space<vmem>>
      %dma_wait3A_391 = tpu.memref_squeeze %dma_wait3A_390 : memref<1x128xi32, #tpu.memory_space<vmem>> -> memref<128xi32, #tpu.memory_space<vmem>>
      %dma_wait3A_392 = arith.constant 0 : i32
      %dma_wait3A_393 = arith.constant 0 : i32
      %dma_wait3A_394 = tpu.memref_slice %arg2[%dma_wait3A_392, %dma_wait3A_393] : memref<10000x128xf32, #tpu.memory_space<hbm>> -> memref<10000x128xf32, #tpu.memory_space<hbm>>
      tpu.wait_indirect_dma semaphore(%arg16 : memref<!tpu.dma_semaphore, #tpu.memory_space<semaphore_mem>>) src(%dma_wait3A_394 : memref<10000x128xf32, #tpu.memory_space<hbm>>) dst(%dma_wait3A_388 : memref<128x128xf32, #tpu.memory_space<vmem>>)
      %dma_start3A_395 = arith.constant 1 : i32
      %dma_start3A_396 = arith.constant 7 : i32
      %dma_start3A_397 = arith.constant 0 : i32
      %dma_start3A_398 = arith.constant 0 : i32
      %dma_start3A_399 = tpu.memref_slice %arg14[%dma_start3A_395, %dma_start3A_397, %dma_start3A_398] : memref<2x128x128xf32, #tpu.memory_space<vmem>> -> memref<1x128x128xf32, #tpu.memory_space<vmem>>
      %dma_start3A_400 = tpu.memref_squeeze %dma_start3A_399 : memref<1x128x128xf32, #tpu.memory_space<vmem>> -> memref<128x128xf32, #tpu.memory_space<vmem>>
      %dma_start3A_401 = arith.constant 0 : i32
      %dma_start3A_402 = tpu.memref_slice %arg13[%dma_start3A_396, %dma_start3A_401] : memref<8x128xi32, #tpu.memory_space<vmem>> -> memref<1x128xi32, #tpu.memory_space<vmem>>
      %dma_start3A_403 = tpu.memref_squeeze %dma_start3A_402 : memref<1x128xi32, #tpu.memory_space<vmem>> -> memref<128xi32, #tpu.memory_space<vmem>>
      %dma_start3A_404 = arith.constant 0 : i32
      %dma_start3A_405 = arith.constant 0 : i32
      %dma_start3A_406 = tpu.memref_slice %arg11[%dma_start3A_404, %dma_start3A_405] : memref<10112x128xf32, #tpu.memory_space<vmem_shared>> -> memref<10112x128xf32, #tpu.memory_space<vmem_shared>>
      tpu.enqueue_indirect_dma source(%dma_start3A_400 : memref<128x128xf32, #tpu.memory_space<vmem>>) target(%dma_start3A_406 : memref<10112x128xf32, #tpu.memory_space<vmem_shared>>) offsets(%dma_start3A_403 : memref<128xi32, #tpu.memory_space<vmem>>) semaphore(%arg18 : memref<!tpu.dma_semaphore, #tpu.memory_space<semaphore_mem>>) {add = true}
      %dma_wait3A_407 = arith.constant 0 : i32
      %dma_wait3A_408 = arith.constant 6 : i32
      %dma_wait3A_409 = arith.constant 0 : i32
      %dma_wait3A_410 = arith.constant 0 : i32
      %dma_wait3A_411 = tpu.memref_slice %arg14[%dma_wait3A_407, %dma_wait3A_409, %dma_wait3A_410] : memref<2x128x128xf32, #tpu.memory_space<vmem>> -> memref<1x128x128xf32, #tpu.memory_space<vmem>>
      %dma_wait3A_412 = tpu.memref_squeeze %dma_wait3A_411 : memref<1x128x128xf32, #tpu.memory_space<vmem>> -> memref<128x128xf32, #tpu.memory_space<vmem>>
      %dma_wait3A_413 = arith.constant 0 : i32
      %dma_wait3A_414 = tpu.memref_slice %arg13[%dma_wait3A_408, %dma_wait3A_413] : memref<8x128xi32, #tpu.memory_space<vmem>> -> memref<1x128xi32, #tpu.memory_space<vmem>>
      %dma_wait3A_415 = tpu.memref_squeeze %dma_wait3A_414 : memref<1x128xi32, #tpu.memory_space<vmem>> -> memref<128xi32, #tpu.memory_space<vmem>>
      %dma_wait3A_416 = arith.constant 0 : i32
      %dma_wait3A_417 = arith.constant 0 : i32
      %dma_wait3A_418 = tpu.memref_slice %arg11[%dma_wait3A_416, %dma_wait3A_417] : memref<10112x128xf32, #tpu.memory_space<vmem_shared>> -> memref<10112x128xf32, #tpu.memory_space<vmem_shared>>
      tpu.wait_indirect_dma semaphore(%arg17 : memref<!tpu.dma_semaphore, #tpu.memory_space<semaphore_mem>>) src(%dma_wait3A_412 : memref<128x128xf32, #tpu.memory_space<vmem>>) dst(%dma_wait3A_418 : memref<10112x128xf32, #tpu.memory_space<vmem_shared>>)
      %dma_wait3A_419 = arith.constant 1 : i32
      %dma_wait3A_420 = arith.constant 7 : i32
      %dma_wait3A_421 = arith.constant 0 : i32
      %dma_wait3A_422 = arith.constant 0 : i32
      %dma_wait3A_423 = tpu.memref_slice %arg14[%dma_wait3A_419, %dma_wait3A_421, %dma_wait3A_422] : memref<2x128x128xf32, #tpu.memory_space<vmem>> -> memref<1x128x128xf32, #tpu.memory_space<vmem>>
      %dma_wait3A_424 = tpu.memref_squeeze %dma_wait3A_423 : memref<1x128x128xf32, #tpu.memory_space<vmem>> -> memref<128x128xf32, #tpu.memory_space<vmem>>
      %dma_wait3A_425 = arith.constant 0 : i32
      %dma_wait3A_426 = tpu.memref_slice %arg13[%dma_wait3A_420, %dma_wait3A_425] : memref<8x128xi32, #tpu.memory_space<vmem>> -> memref<1x128xi32, #tpu.memory_space<vmem>>
      %dma_wait3A_427 = tpu.memref_squeeze %dma_wait3A_426 : memref<1x128xi32, #tpu.memory_space<vmem>> -> memref<128xi32, #tpu.memory_space<vmem>>
      %dma_wait3A_428 = arith.constant 0 : i32
      %dma_wait3A_429 = arith.constant 0 : i32
      %dma_wait3A_430 = tpu.memref_slice %arg11[%dma_wait3A_428, %dma_wait3A_429] : memref<10112x128xf32, #tpu.memory_space<vmem_shared>> -> memref<10112x128xf32, #tpu.memory_space<vmem_shared>>
      tpu.wait_indirect_dma semaphore(%arg18 : memref<!tpu.dma_semaphore, #tpu.memory_space<semaphore_mem>>) src(%dma_wait3A_424 : memref<128x128xf32, #tpu.memory_space<vmem>>) dst(%dma_wait3A_430 : memref<10112x128xf32, #tpu.memory_space<vmem_shared>>)
    }
    %while3A_31 = arith.constant 1 : i32
    scf.for %while3A_45 = %while3A_29 to %while3A_25 step %while3A_31  : i32 {
      %mul3A_46 = arith.constant 8 : i32
      %mul3A_47 = arith.muli %while3A_45, %mul3A_46 : i32
      %add3A_48 = arith.addi %select_n3A, %mul3A_47 : i32
      "tpu.region"() ({
        %run_scoped3A_431 = tpu.sem_alloc : memref<!tpu.dma_semaphore, #tpu.memory_space<semaphore_mem>>
        %dma_start3A_432 = arith.constant 0 : i32
        %dma_start3A_433 = tpu.memref_slice %arg4[%add3A_48, %dma_start3A_432] : memref<2560x128xi32, #tpu.memory_space<hbm>> -> memref<8x128xi32, #tpu.memory_space<hbm>>
        %dma_start3A_434 = arith.constant 0 : i32
        %dma_start3A_435 = tpu.memref_slice %arg4[%add3A_48, %dma_start3A_434] : memref<2560x128xi32, #tpu.memory_space<hbm>> -> memref<8x128xi32, #tpu.memory_space<hbm>>
        tpu.enqueue_dma source(%dma_start3A_435 : memref<8x128xi32, #tpu.memory_space<hbm>>) target(%arg12 : memref<8x128xi32, #tpu.memory_space<vmem>>) target_semaphore(%run_scoped3A_431 : memref<!tpu.dma_semaphore, #tpu.memory_space<semaphore_mem>>)
        %dma_wait3A_436 = arith.constant 0 : i32
        %dma_wait3A_437 = tpu.memref_slice %arg4[%add3A_48, %dma_wait3A_436] : memref<2560x128xi32, #tpu.memory_space<hbm>> -> memref<8x128xi32, #tpu.memory_space<hbm>>
        %dma_wait3A_438 = arith.constant 0 : i32
        %dma_wait3A_439 = tpu.memref_slice %arg4[%add3A_48, %dma_wait3A_438] : memref<2560x128xi32, #tpu.memory_space<hbm>> -> memref<8x128xi32, #tpu.memory_space<hbm>>
        tpu.wait_dma2 semaphore(%run_scoped3A_431 : memref<!tpu.dma_semaphore, #tpu.memory_space<semaphore_mem>>) src(%dma_wait3A_439 : memref<8x128xi32, #tpu.memory_space<hbm>>) dst(%arg12 : memref<8x128xi32, #tpu.memory_space<vmem>>)
        tpu.yield
      }) : () -> ()
      "tpu.region"() ({
        %run_scoped3A_431 = tpu.sem_alloc : memref<!tpu.dma_semaphore, #tpu.memory_space<semaphore_mem>>
        %dma_start3A_432 = arith.constant 0 : i32
        %dma_start3A_433 = tpu.memref_slice %arg5[%add3A_48, %dma_start3A_432] : memref<2560x128xi32, #tpu.memory_space<hbm>> -> memref<8x128xi32, #tpu.memory_space<hbm>>
        %dma_start3A_434 = arith.constant 0 : i32
        %dma_start3A_435 = tpu.memref_slice %arg5[%add3A_48, %dma_start3A_434] : memref<2560x128xi32, #tpu.memory_space<hbm>> -> memref<8x128xi32, #tpu.memory_space<hbm>>
        tpu.enqueue_dma source(%dma_start3A_435 : memref<8x128xi32, #tpu.memory_space<hbm>>) target(%arg13 : memref<8x128xi32, #tpu.memory_space<vmem>>) target_semaphore(%run_scoped3A_431 : memref<!tpu.dma_semaphore, #tpu.memory_space<semaphore_mem>>)
        %dma_wait3A_436 = arith.constant 0 : i32
        %dma_wait3A_437 = tpu.memref_slice %arg5[%add3A_48, %dma_wait3A_436] : memref<2560x128xi32, #tpu.memory_space<hbm>> -> memref<8x128xi32, #tpu.memory_space<hbm>>
        %dma_wait3A_438 = arith.constant 0 : i32
        %dma_wait3A_439 = tpu.memref_slice %arg5[%add3A_48, %dma_wait3A_438] : memref<2560x128xi32, #tpu.memory_space<hbm>> -> memref<8x128xi32, #tpu.memory_space<hbm>>
        tpu.wait_dma2 semaphore(%run_scoped3A_431 : memref<!tpu.dma_semaphore, #tpu.memory_space<semaphore_mem>>) src(%dma_wait3A_439 : memref<8x128xi32, #tpu.memory_space<hbm>>) dst(%arg13 : memref<8x128xi32, #tpu.memory_space<vmem>>)
        tpu.yield
      }) : () -> ()
      %dma_start3A = arith.constant 0 : i32
      %dma_start3A_49 = arith.constant 0 : i32
      %dma_start3A_50 = arith.constant 0 : i32
      %dma_start3A_51 = arith.constant 0 : i32
      %dma_start3A_52 = tpu.memref_slice %arg14[%dma_start3A_49, %dma_start3A_50, %dma_start3A_51] : memref<2x128x128xf32, #tpu.memory_space<vmem>> -> memref<1x128x128xf32, #tpu.memory_space<vmem>>
      %dma_start3A_53 = tpu.memref_squeeze %dma_start3A_52 : memref<1x128x128xf32, #tpu.memory_space<vmem>> -> memref<128x128xf32, #tpu.memory_space<vmem>>
      %dma_start3A_54 = arith.constant 0 : i32
      %dma_start3A_55 = tpu.memref_slice %arg12[%dma_start3A, %dma_start3A_54] : memref<8x128xi32, #tpu.memory_space<vmem>> -> memref<1x128xi32, #tpu.memory_space<vmem>>
      %dma_start3A_56 = tpu.memref_squeeze %dma_start3A_55 : memref<1x128xi32, #tpu.memory_space<vmem>> -> memref<128xi32, #tpu.memory_space<vmem>>
      %dma_start3A_57 = arith.constant 0 : i32
      %dma_start3A_58 = arith.constant 0 : i32
      %dma_start3A_59 = tpu.memref_slice %arg2[%dma_start3A_57, %dma_start3A_58] : memref<10000x128xf32, #tpu.memory_space<hbm>> -> memref<10000x128xf32, #tpu.memory_space<hbm>>
      tpu.enqueue_indirect_dma source(%dma_start3A_59 : memref<10000x128xf32, #tpu.memory_space<hbm>>) target(%dma_start3A_53 : memref<128x128xf32, #tpu.memory_space<vmem>>) offsets(%dma_start3A_56 : memref<128xi32, #tpu.memory_space<vmem>>) semaphore(%arg15 : memref<!tpu.dma_semaphore, #tpu.memory_space<semaphore_mem>>)
      %dma_wait3A = arith.constant 0 : i32
      %dma_wait3A_60 = arith.constant 0 : i32
      %dma_wait3A_61 = arith.constant 0 : i32
      %dma_wait3A_62 = arith.constant 0 : i32
      %dma_wait3A_63 = tpu.memref_slice %arg14[%dma_wait3A_60, %dma_wait3A_61, %dma_wait3A_62] : memref<2x128x128xf32, #tpu.memory_space<vmem>> -> memref<1x128x128xf32, #tpu.memory_space<vmem>>
      %dma_wait3A_64 = tpu.memref_squeeze %dma_wait3A_63 : memref<1x128x128xf32, #tpu.memory_space<vmem>> -> memref<128x128xf32, #tpu.memory_space<vmem>>
      %dma_wait3A_65 = arith.constant 0 : i32
      %dma_wait3A_66 = tpu.memref_slice %arg12[%dma_wait3A, %dma_wait3A_65] : memref<8x128xi32, #tpu.memory_space<vmem>> -> memref<1x128xi32, #tpu.memory_space<vmem>>
      %dma_wait3A_67 = tpu.memref_squeeze %dma_wait3A_66 : memref<1x128xi32, #tpu.memory_space<vmem>> -> memref<128xi32, #tpu.memory_space<vmem>>
      %dma_wait3A_68 = arith.constant 0 : i32
      %dma_wait3A_69 = arith.constant 0 : i32
      %dma_wait3A_70 = tpu.memref_slice %arg2[%dma_wait3A_68, %dma_wait3A_69] : memref<10000x128xf32, #tpu.memory_space<hbm>> -> memref<10000x128xf32, #tpu.memory_space<hbm>>
      tpu.wait_indirect_dma semaphore(%arg15 : memref<!tpu.dma_semaphore, #tpu.memory_space<semaphore_mem>>) src(%dma_wait3A_70 : memref<10000x128xf32, #tpu.memory_space<hbm>>) dst(%dma_wait3A_64 : memref<128x128xf32, #tpu.memory_space<vmem>>)
      %dma_start3A_71 = arith.constant 0 : i32
      %dma_start3A_72 = arith.constant 0 : i32
      %dma_start3A_73 = arith.constant 0 : i32
      %dma_start3A_74 = arith.constant 0 : i32
      %dma_start3A_75 = tpu.memref_slice %arg14[%dma_start3A_71, %dma_start3A_73, %dma_start3A_74] : memref<2x128x128xf32, #tpu.memory_space<vmem>> -> memref<1x128x128xf32, #tpu.memory_space<vmem>>
      %dma_start3A_76 = tpu.memref_squeeze %dma_start3A_75 : memref<1x128x128xf32, #tpu.memory_space<vmem>> -> memref<128x128xf32, #tpu.memory_space<vmem>>
      %dma_start3A_77 = arith.constant 0 : i32
      %dma_start3A_78 = tpu.memref_slice %arg13[%dma_start3A_72, %dma_start3A_77] : memref<8x128xi32, #tpu.memory_space<vmem>> -> memref<1x128xi32, #tpu.memory_space<vmem>>
      %dma_start3A_79 = tpu.memref_squeeze %dma_start3A_78 : memref<1x128xi32, #tpu.memory_space<vmem>> -> memref<128xi32, #tpu.memory_space<vmem>>
      %dma_start3A_80 = arith.constant 0 : i32
      %dma_start3A_81 = arith.constant 0 : i32
      %dma_start3A_82 = tpu.memref_slice %arg11[%dma_start3A_80, %dma_start3A_81] : memref<10112x128xf32, #tpu.memory_space<vmem_shared>> -> memref<10112x128xf32, #tpu.memory_space<vmem_shared>>
      tpu.enqueue_indirect_dma source(%dma_start3A_76 : memref<128x128xf32, #tpu.memory_space<vmem>>) target(%dma_start3A_82 : memref<10112x128xf32, #tpu.memory_space<vmem_shared>>) offsets(%dma_start3A_79 : memref<128xi32, #tpu.memory_space<vmem>>) semaphore(%arg17 : memref<!tpu.dma_semaphore, #tpu.memory_space<semaphore_mem>>) {add = true}
      %dma_start3A_83 = arith.constant 1 : i32
      %dma_start3A_84 = arith.constant 1 : i32
      %dma_start3A_85 = arith.constant 0 : i32
      %dma_start3A_86 = arith.constant 0 : i32
      %dma_start3A_87 = tpu.memref_slice %arg14[%dma_start3A_84, %dma_start3A_85, %dma_start3A_86] : memref<2x128x128xf32, #tpu.memory_space<vmem>> -> memref<1x128x128xf32, #tpu.memory_space<vmem>>
      %dma_start3A_88 = tpu.memref_squeeze %dma_start3A_87 : memref<1x128x128xf32, #tpu.memory_space<vmem>> -> memref<128x128xf32, #tpu.memory_space<vmem>>
      %dma_start3A_89 = arith.constant 0 : i32
      %dma_start3A_90 = tpu.memref_slice %arg12[%dma_start3A_83, %dma_start3A_89] : memref<8x128xi32, #tpu.memory_space<vmem>> -> memref<1x128xi32, #tpu.memory_space<vmem>>
      %dma_start3A_91 = tpu.memref_squeeze %dma_start3A_90 : memref<1x128xi32, #tpu.memory_space<vmem>> -> memref<128xi32, #tpu.memory_space<vmem>>
      %dma_start3A_92 = arith.constant 0 : i32
      %dma_start3A_93 = arith.constant 0 : i32
      %dma_start3A_94 = tpu.memref_slice %arg2[%dma_start3A_92, %dma_start3A_93] : memref<10000x128xf32, #tpu.memory_space<hbm>> -> memref<10000x128xf32, #tpu.memory_space<hbm>>
      tpu.enqueue_indirect_dma source(%dma_start3A_94 : memref<10000x128xf32, #tpu.memory_space<hbm>>) target(%dma_start3A_88 : memref<128x128xf32, #tpu.memory_space<vmem>>) offsets(%dma_start3A_91 : memref<128xi32, #tpu.memory_space<vmem>>) semaphore(%arg16 : memref<!tpu.dma_semaphore, #tpu.memory_space<semaphore_mem>>)
      %dma_wait3A_95 = arith.constant 1 : i32
      %dma_wait3A_96 = arith.constant 1 : i32
      %dma_wait3A_97 = arith.constant 0 : i32
      %dma_wait3A_98 = arith.constant 0 : i32
      %dma_wait3A_99 = tpu.memref_slice %arg14[%dma_wait3A_96, %dma_wait3A_97, %dma_wait3A_98] : memref<2x128x128xf32, #tpu.memory_space<vmem>> -> memref<1x128x128xf32, #tpu.memory_space<vmem>>
      %dma_wait3A_100 = tpu.memref_squeeze %dma_wait3A_99 : memref<1x128x128xf32, #tpu.memory_space<vmem>> -> memref<128x128xf32, #tpu.memory_space<vmem>>
      %dma_wait3A_101 = arith.constant 0 : i32
      %dma_wait3A_102 = tpu.memref_slice %arg12[%dma_wait3A_95, %dma_wait3A_101] : memref<8x128xi32, #tpu.memory_space<vmem>> -> memref<1x128xi32, #tpu.memory_space<vmem>>
      %dma_wait3A_103 = tpu.memref_squeeze %dma_wait3A_102 : memref<1x128xi32, #tpu.memory_space<vmem>> -> memref<128xi32, #tpu.memory_space<vmem>>
      %dma_wait3A_104 = arith.constant 0 : i32
      %dma_wait3A_105 = arith.constant 0 : i32
      %dma_wait3A_106 = tpu.memref_slice %arg2[%dma_wait3A_104, %dma_wait3A_105] : memref<10000x128xf32, #tpu.memory_space<hbm>> -> memref<10000x128xf32, #tpu.memory_space<hbm>>
      tpu.wait_indirect_dma semaphore(%arg16 : memref<!tpu.dma_semaphore, #tpu.memory_space<semaphore_mem>>) src(%dma_wait3A_106 : memref<10000x128xf32, #tpu.memory_space<hbm>>) dst(%dma_wait3A_100 : memref<128x128xf32, #tpu.memory_space<vmem>>)
      %dma_start3A_107 = arith.constant 1 : i32
      %dma_start3A_108 = arith.constant 1 : i32
      %dma_start3A_109 = arith.constant 0 : i32
      %dma_start3A_110 = arith.constant 0 : i32
      %dma_start3A_111 = tpu.memref_slice %arg14[%dma_start3A_107, %dma_start3A_109, %dma_start3A_110] : memref<2x128x128xf32, #tpu.memory_space<vmem>> -> memref<1x128x128xf32, #tpu.memory_space<vmem>>
      %dma_start3A_112 = tpu.memref_squeeze %dma_start3A_111 : memref<1x128x128xf32, #tpu.memory_space<vmem>> -> memref<128x128xf32, #tpu.memory_space<vmem>>
      %dma_start3A_113 = arith.constant 0 : i32
      %dma_start3A_114 = tpu.memref_slice %arg13[%dma_start3A_108, %dma_start3A_113] : memref<8x128xi32, #tpu.memory_space<vmem>> -> memref<1x128xi32, #tpu.memory_space<vmem>>
      %dma_start3A_115 = tpu.memref_squeeze %dma_start3A_114 : memref<1x128xi32, #tpu.memory_space<vmem>> -> memref<128xi32, #tpu.memory_space<vmem>>
      %dma_start3A_116 = arith.constant 0 : i32
      %dma_start3A_117 = arith.constant 0 : i32
      %dma_start3A_118 = tpu.memref_slice %arg11[%dma_start3A_116, %dma_start3A_117] : memref<10112x128xf32, #tpu.memory_space<vmem_shared>> -> memref<10112x128xf32, #tpu.memory_space<vmem_shared>>
      tpu.enqueue_indirect_dma source(%dma_start3A_112 : memref<128x128xf32, #tpu.memory_space<vmem>>) target(%dma_start3A_118 : memref<10112x128xf32, #tpu.memory_space<vmem_shared>>) offsets(%dma_start3A_115 : memref<128xi32, #tpu.memory_space<vmem>>) semaphore(%arg18 : memref<!tpu.dma_semaphore, #tpu.memory_space<semaphore_mem>>) {add = true}
      %dma_wait3A_119 = arith.constant 0 : i32
      %dma_wait3A_120 = arith.constant 0 : i32
      %dma_wait3A_121 = arith.constant 0 : i32
      %dma_wait3A_122 = arith.constant 0 : i32
      %dma_wait3A_123 = tpu.memref_slice %arg14[%dma_wait3A_119, %dma_wait3A_121, %dma_wait3A_122] : memref<2x128x128xf32, #tpu.memory_space<vmem>> -> memref<1x128x128xf32, #tpu.memory_space<vmem>>
      %dma_wait3A_124 = tpu.memref_squeeze %dma_wait3A_123 : memref<1x128x128xf32, #tpu.memory_space<vmem>> -> memref<128x128xf32, #tpu.memory_space<vmem>>
      %dma_wait3A_125 = arith.constant 0 : i32
      %dma_wait3A_126 = tpu.memref_slice %arg13[%dma_wait3A_120, %dma_wait3A_125] : memref<8x128xi32, #tpu.memory_space<vmem>> -> memref<1x128xi32, #tpu.memory_space<vmem>>
      %dma_wait3A_127 = tpu.memref_squeeze %dma_wait3A_126 : memref<1x128xi32, #tpu.memory_space<vmem>> -> memref<128xi32, #tpu.memory_space<vmem>>
      %dma_wait3A_128 = arith.constant 0 : i32
      %dma_wait3A_129 = arith.constant 0 : i32
      %dma_wait3A_130 = tpu.memref_slice %arg11[%dma_wait3A_128, %dma_wait3A_129] : memref<10112x128xf32, #tpu.memory_space<vmem_shared>> -> memref<10112x128xf32, #tpu.memory_space<vmem_shared>>
      tpu.wait_indirect_dma semaphore(%arg17 : memref<!tpu.dma_semaphore, #tpu.memory_space<semaphore_mem>>) src(%dma_wait3A_124 : memref<128x128xf32, #tpu.memory_space<vmem>>) dst(%dma_wait3A_130 : memref<10112x128xf32, #tpu.memory_space<vmem_shared>>)
      %dma_start3A_131 = arith.constant 2 : i32
      %dma_start3A_132 = arith.constant 0 : i32
      %dma_start3A_133 = arith.constant 0 : i32
      %dma_start3A_134 = arith.constant 0 : i32
      %dma_start3A_135 = tpu.memref_slice %arg14[%dma_start3A_132, %dma_start3A_133, %dma_start3A_134] : memref<2x128x128xf32, #tpu.memory_space<vmem>> -> memref<1x128x128xf32, #tpu.memory_space<vmem>>
      %dma_start3A_136 = tpu.memref_squeeze %dma_start3A_135 : memref<1x128x128xf32, #tpu.memory_space<vmem>> -> memref<128x128xf32, #tpu.memory_space<vmem>>
      %dma_start3A_137 = arith.constant 0 : i32
      %dma_start3A_138 = tpu.memref_slice %arg12[%dma_start3A_131, %dma_start3A_137] : memref<8x128xi32, #tpu.memory_space<vmem>> -> memref<1x128xi32, #tpu.memory_space<vmem>>
      %dma_start3A_139 = tpu.memref_squeeze %dma_start3A_138 : memref<1x128xi32, #tpu.memory_space<vmem>> -> memref<128xi32, #tpu.memory_space<vmem>>
      %dma_start3A_140 = arith.constant 0 : i32
      %dma_start3A_141 = arith.constant 0 : i32
      %dma_start3A_142 = tpu.memref_slice %arg2[%dma_start3A_140, %dma_start3A_141] : memref<10000x128xf32, #tpu.memory_space<hbm>> -> memref<10000x128xf32, #tpu.memory_space<hbm>>
      tpu.enqueue_indirect_dma source(%dma_start3A_142 : memref<10000x128xf32, #tpu.memory_space<hbm>>) target(%dma_start3A_136 : memref<128x128xf32, #tpu.memory_space<vmem>>) offsets(%dma_start3A_139 : memref<128xi32, #tpu.memory_space<vmem>>) semaphore(%arg15 : memref<!tpu.dma_semaphore, #tpu.memory_space<semaphore_mem>>)
      %dma_wait3A_143 = arith.constant 2 : i32
      %dma_wait3A_144 = arith.constant 0 : i32
      %dma_wait3A_145 = arith.constant 0 : i32
      %dma_wait3A_146 = arith.constant 0 : i32
      %dma_wait3A_147 = tpu.memref_slice %arg14[%dma_wait3A_144, %dma_wait3A_145, %dma_wait3A_146] : memref<2x128x128xf32, #tpu.memory_space<vmem>> -> memref<1x128x128xf32, #tpu.memory_space<vmem>>
      %dma_wait3A_148 = tpu.memref_squeeze %dma_wait3A_147 : memref<1x128x128xf32, #tpu.memory_space<vmem>> -> memref<128x128xf32, #tpu.memory_space<vmem>>
      %dma_wait3A_149 = arith.constant 0 : i32
      %dma_wait3A_150 = tpu.memref_slice %arg12[%dma_wait3A_143, %dma_wait3A_149] : memref<8x128xi32, #tpu.memory_space<vmem>> -> memref<1x128xi32, #tpu.memory_space<vmem>>
      %dma_wait3A_151 = tpu.memref_squeeze %dma_wait3A_150 : memref<1x128xi32, #tpu.memory_space<vmem>> -> memref<128xi32, #tpu.memory_space<vmem>>
      %dma_wait3A_152 = arith.constant 0 : i32
      %dma_wait3A_153 = arith.constant 0 : i32
      %dma_wait3A_154 = tpu.memref_slice %arg2[%dma_wait3A_152, %dma_wait3A_153] : memref<10000x128xf32, #tpu.memory_space<hbm>> -> memref<10000x128xf32, #tpu.memory_space<hbm>>
      tpu.wait_indirect_dma semaphore(%arg15 : memref<!tpu.dma_semaphore, #tpu.memory_space<semaphore_mem>>) src(%dma_wait3A_154 : memref<10000x128xf32, #tpu.memory_space<hbm>>) dst(%dma_wait3A_148 : memref<128x128xf32, #tpu.memory_space<vmem>>)
      %dma_start3A_155 = arith.constant 0 : i32
      %dma_start3A_156 = arith.constant 2 : i32
      %dma_start3A_157 = arith.constant 0 : i32
      %dma_start3A_158 = arith.constant 0 : i32
      %dma_start3A_159 = tpu.memref_slice %arg14[%dma_start3A_155, %dma_start3A_157, %dma_start3A_158] : memref<2x128x128xf32, #tpu.memory_space<vmem>> -> memref<1x128x128xf32, #tpu.memory_space<vmem>>
      %dma_start3A_160 = tpu.memref_squeeze %dma_start3A_159 : memref<1x128x128xf32, #tpu.memory_space<vmem>> -> memref<128x128xf32, #tpu.memory_space<vmem>>
      %dma_start3A_161 = arith.constant 0 : i32
      %dma_start3A_162 = tpu.memref_slice %arg13[%dma_start3A_156, %dma_start3A_161] : memref<8x128xi32, #tpu.memory_space<vmem>> -> memref<1x128xi32, #tpu.memory_space<vmem>>
      %dma_start3A_163 = tpu.memref_squeeze %dma_start3A_162 : memref<1x128xi32, #tpu.memory_space<vmem>> -> memref<128xi32, #tpu.memory_space<vmem>>
      %dma_start3A_164 = arith.constant 0 : i32
      %dma_start3A_165 = arith.constant 0 : i32
      %dma_start3A_166 = tpu.memref_slice %arg11[%dma_start3A_164, %dma_start3A_165] : memref<10112x128xf32, #tpu.memory_space<vmem_shared>> -> memref<10112x128xf32, #tpu.memory_space<vmem_shared>>
      tpu.enqueue_indirect_dma source(%dma_start3A_160 : memref<128x128xf32, #tpu.memory_space<vmem>>) target(%dma_start3A_166 : memref<10112x128xf32, #tpu.memory_space<vmem_shared>>) offsets(%dma_start3A_163 : memref<128xi32, #tpu.memory_space<vmem>>) semaphore(%arg17 : memref<!tpu.dma_semaphore, #tpu.memory_space<semaphore_mem>>) {add = true}
      %dma_wait3A_167 = arith.constant 1 : i32
      %dma_wait3A_168 = arith.constant 1 : i32
      %dma_wait3A_169 = arith.constant 0 : i32
      %dma_wait3A_170 = arith.constant 0 : i32
      %dma_wait3A_171 = tpu.memref_slice %arg14[%dma_wait3A_167, %dma_wait3A_169, %dma_wait3A_170] : memref<2x128x128xf32, #tpu.memory_space<vmem>> -> memref<1x128x128xf32, #tpu.memory_space<vmem>>
      %dma_wait3A_172 = tpu.memref_squeeze %dma_wait3A_171 : memref<1x128x128xf32, #tpu.memory_space<vmem>> -> memref<128x128xf32, #tpu.memory_space<vmem>>
      %dma_wait3A_173 = arith.constant 0 : i32
      %dma_wait3A_174 = tpu.memref_slice %arg13[%dma_wait3A_168, %dma_wait3A_173] : memref<8x128xi32, #tpu.memory_space<vmem>> -> memref<1x128xi32, #tpu.memory_space<vmem>>
      %dma_wait3A_175 = tpu.memref_squeeze %dma_wait3A_174 : memref<1x128xi32, #tpu.memory_space<vmem>> -> memref<128xi32, #tpu.memory_space<vmem>>
      %dma_wait3A_176 = arith.constant 0 : i32
      %dma_wait3A_177 = arith.constant 0 : i32
      %dma_wait3A_178 = tpu.memref_slice %arg11[%dma_wait3A_176, %dma_wait3A_177] : memref<10112x128xf32, #tpu.memory_space<vmem_shared>> -> memref<10112x128xf32, #tpu.memory_space<vmem_shared>>
      tpu.wait_indirect_dma semaphore(%arg18 : memref<!tpu.dma_semaphore, #tpu.memory_space<semaphore_mem>>) src(%dma_wait3A_172 : memref<128x128xf32, #tpu.memory_space<vmem>>) dst(%dma_wait3A_178 : memref<10112x128xf32, #tpu.memory_space<vmem_shared>>)
      %dma_start3A_179 = arith.constant 3 : i32
      %dma_start3A_180 = arith.constant 1 : i32
      %dma_start3A_181 = arith.constant 0 : i32
      %dma_start3A_182 = arith.constant 0 : i32
      %dma_start3A_183 = tpu.memref_slice %arg14[%dma_start3A_180, %dma_start3A_181, %dma_start3A_182] : memref<2x128x128xf32, #tpu.memory_space<vmem>> -> memref<1x128x128xf32, #tpu.memory_space<vmem>>
      %dma_start3A_184 = tpu.memref_squeeze %dma_start3A_183 : memref<1x128x128xf32, #tpu.memory_space<vmem>> -> memref<128x128xf32, #tpu.memory_space<vmem>>
      %dma_start3A_185 = arith.constant 0 : i32
      %dma_start3A_186 = tpu.memref_slice %arg12[%dma_start3A_179, %dma_start3A_185] : memref<8x128xi32, #tpu.memory_space<vmem>> -> memref<1x128xi32, #tpu.memory_space<vmem>>
      %dma_start3A_187 = tpu.memref_squeeze %dma_start3A_186 : memref<1x128xi32, #tpu.memory_space<vmem>> -> memref<128xi32, #tpu.memory_space<vmem>>
      %dma_start3A_188 = arith.constant 0 : i32
      %dma_start3A_189 = arith.constant 0 : i32
      %dma_start3A_190 = tpu.memref_slice %arg2[%dma_start3A_188, %dma_start3A_189] : memref<10000x128xf32, #tpu.memory_space<hbm>> -> memref<10000x128xf32, #tpu.memory_space<hbm>>
      tpu.enqueue_indirect_dma source(%dma_start3A_190 : memref<10000x128xf32, #tpu.memory_space<hbm>>) target(%dma_start3A_184 : memref<128x128xf32, #tpu.memory_space<vmem>>) offsets(%dma_start3A_187 : memref<128xi32, #tpu.memory_space<vmem>>) semaphore(%arg16 : memref<!tpu.dma_semaphore, #tpu.memory_space<semaphore_mem>>)
      %dma_wait3A_191 = arith.constant 3 : i32
      %dma_wait3A_192 = arith.constant 1 : i32
      %dma_wait3A_193 = arith.constant 0 : i32
      %dma_wait3A_194 = arith.constant 0 : i32
      %dma_wait3A_195 = tpu.memref_slice %arg14[%dma_wait3A_192, %dma_wait3A_193, %dma_wait3A_194] : memref<2x128x128xf32, #tpu.memory_space<vmem>> -> memref<1x128x128xf32, #tpu.memory_space<vmem>>
      %dma_wait3A_196 = tpu.memref_squeeze %dma_wait3A_195 : memref<1x128x128xf32, #tpu.memory_space<vmem>> -> memref<128x128xf32, #tpu.memory_space<vmem>>
      %dma_wait3A_197 = arith.constant 0 : i32
      %dma_wait3A_198 = tpu.memref_slice %arg12[%dma_wait3A_191, %dma_wait3A_197] : memref<8x128xi32, #tpu.memory_space<vmem>> -> memref<1x128xi32, #tpu.memory_space<vmem>>
      %dma_wait3A_199 = tpu.memref_squeeze %dma_wait3A_198 : memref<1x128xi32, #tpu.memory_space<vmem>> -> memref<128xi32, #tpu.memory_space<vmem>>
      %dma_wait3A_200 = arith.constant 0 : i32
      %dma_wait3A_201 = arith.constant 0 : i32
      %dma_wait3A_202 = tpu.memref_slice %arg2[%dma_wait3A_200, %dma_wait3A_201] : memref<10000x128xf32, #tpu.memory_space<hbm>> -> memref<10000x128xf32, #tpu.memory_space<hbm>>
      tpu.wait_indirect_dma semaphore(%arg16 : memref<!tpu.dma_semaphore, #tpu.memory_space<semaphore_mem>>) src(%dma_wait3A_202 : memref<10000x128xf32, #tpu.memory_space<hbm>>) dst(%dma_wait3A_196 : memref<128x128xf32, #tpu.memory_space<vmem>>)
      %dma_start3A_203 = arith.constant 1 : i32
      %dma_start3A_204 = arith.constant 3 : i32
      %dma_start3A_205 = arith.constant 0 : i32
      %dma_start3A_206 = arith.constant 0 : i32
      %dma_start3A_207 = tpu.memref_slice %arg14[%dma_start3A_203, %dma_start3A_205, %dma_start3A_206] : memref<2x128x128xf32, #tpu.memory_space<vmem>> -> memref<1x128x128xf32, #tpu.memory_space<vmem>>
      %dma_start3A_208 = tpu.memref_squeeze %dma_start3A_207 : memref<1x128x128xf32, #tpu.memory_space<vmem>> -> memref<128x128xf32, #tpu.memory_space<vmem>>
      %dma_start3A_209 = arith.constant 0 : i32
      %dma_start3A_210 = tpu.memref_slice %arg13[%dma_start3A_204, %dma_start3A_209] : memref<8x128xi32, #tpu.memory_space<vmem>> -> memref<1x128xi32, #tpu.memory_space<vmem>>
      %dma_start3A_211 = tpu.memref_squeeze %dma_start3A_210 : memref<1x128xi32, #tpu.memory_space<vmem>> -> memref<128xi32, #tpu.memory_space<vmem>>
      %dma_start3A_212 = arith.constant 0 : i32
      %dma_start3A_213 = arith.constant 0 : i32
      %dma_start3A_214 = tpu.memref_slice %arg11[%dma_start3A_212, %dma_start3A_213] : memref<10112x128xf32, #tpu.memory_space<vmem_shared>> -> memref<10112x128xf32, #tpu.memory_space<vmem_shared>>
      tpu.enqueue_indirect_dma source(%dma_start3A_208 : memref<128x128xf32, #tpu.memory_space<vmem>>) target(%dma_start3A_214 : memref<10112x128xf32, #tpu.memory_space<vmem_shared>>) offsets(%dma_start3A_211 : memref<128xi32, #tpu.memory_space<vmem>>) semaphore(%arg18 : memref<!tpu.dma_semaphore, #tpu.memory_space<semaphore_mem>>) {add = true}
      %dma_wait3A_215 = arith.constant 0 : i32
      %dma_wait3A_216 = arith.constant 2 : i32
      %dma_wait3A_217 = arith.constant 0 : i32
      %dma_wait3A_218 = arith.constant 0 : i32
      %dma_wait3A_219 = tpu.memref_slice %arg14[%dma_wait3A_215, %dma_wait3A_217, %dma_wait3A_218] : memref<2x128x128xf32, #tpu.memory_space<vmem>> -> memref<1x128x128xf32, #tpu.memory_space<vmem>>
      %dma_wait3A_220 = tpu.memref_squeeze %dma_wait3A_219 : memref<1x128x128xf32, #tpu.memory_space<vmem>> -> memref<128x128xf32, #tpu.memory_space<vmem>>
      %dma_wait3A_221 = arith.constant 0 : i32
      %dma_wait3A_222 = tpu.memref_slice %arg13[%dma_wait3A_216, %dma_wait3A_221] : memref<8x128xi32, #tpu.memory_space<vmem>> -> memref<1x128xi32, #tpu.memory_space<vmem>>
      %dma_wait3A_223 = tpu.memref_squeeze %dma_wait3A_222 : memref<1x128xi32, #tpu.memory_space<vmem>> -> memref<128xi32, #tpu.memory_space<vmem>>
      %dma_wait3A_224 = arith.constant 0 : i32
      %dma_wait3A_225 = arith.constant 0 : i32
      %dma_wait3A_226 = tpu.memref_slice %arg11[%dma_wait3A_224, %dma_wait3A_225] : memref<10112x128xf32, #tpu.memory_space<vmem_shared>> -> memref<10112x128xf32, #tpu.memory_space<vmem_shared>>
      tpu.wait_indirect_dma semaphore(%arg17 : memref<!tpu.dma_semaphore, #tpu.memory_space<semaphore_mem>>) src(%dma_wait3A_220 : memref<128x128xf32, #tpu.memory_space<vmem>>) dst(%dma_wait3A_226 : memref<10112x128xf32, #tpu.memory_space<vmem_shared>>)
      %dma_start3A_227 = arith.constant 4 : i32
      %dma_start3A_228 = arith.constant 0 : i32
      %dma_start3A_229 = arith.constant 0 : i32
      %dma_start3A_230 = arith.constant 0 : i32
      %dma_start3A_231 = tpu.memref_slice %arg14[%dma_start3A_228, %dma_start3A_229, %dma_start3A_230] : memref<2x128x128xf32, #tpu.memory_space<vmem>> -> memref<1x128x128xf32, #tpu.memory_space<vmem>>
      %dma_start3A_232 = tpu.memref_squeeze %dma_start3A_231 : memref<1x128x128xf32, #tpu.memory_space<vmem>> -> memref<128x128xf32, #tpu.memory_space<vmem>>
      %dma_start3A_233 = arith.constant 0 : i32
      %dma_start3A_234 = tpu.memref_slice %arg12[%dma_start3A_227, %dma_start3A_233] : memref<8x128xi32, #tpu.memory_space<vmem>> -> memref<1x128xi32, #tpu.memory_space<vmem>>
      %dma_start3A_235 = tpu.memref_squeeze %dma_start3A_234 : memref<1x128xi32, #tpu.memory_space<vmem>> -> memref<128xi32, #tpu.memory_space<vmem>>
      %dma_start3A_236 = arith.constant 0 : i32
      %dma_start3A_237 = arith.constant 0 : i32
      %dma_start3A_238 = tpu.memref_slice %arg2[%dma_start3A_236, %dma_start3A_237] : memref<10000x128xf32, #tpu.memory_space<hbm>> -> memref<10000x128xf32, #tpu.memory_space<hbm>>
      tpu.enqueue_indirect_dma source(%dma_start3A_238 : memref<10000x128xf32, #tpu.memory_space<hbm>>) target(%dma_start3A_232 : memref<128x128xf32, #tpu.memory_space<vmem>>) offsets(%dma_start3A_235 : memref<128xi32, #tpu.memory_space<vmem>>) semaphore(%arg15 : memref<!tpu.dma_semaphore, #tpu.memory_space<semaphore_mem>>)
      %dma_wait3A_239 = arith.constant 4 : i32
      %dma_wait3A_240 = arith.constant 0 : i32
      %dma_wait3A_241 = arith.constant 0 : i32
      %dma_wait3A_242 = arith.constant 0 : i32
      %dma_wait3A_243 = tpu.memref_slice %arg14[%dma_wait3A_240, %dma_wait3A_241, %dma_wait3A_242] : memref<2x128x128xf32, #tpu.memory_space<vmem>> -> memref<1x128x128xf32, #tpu.memory_space<vmem>>
      %dma_wait3A_244 = tpu.memref_squeeze %dma_wait3A_243 : memref<1x128x128xf32, #tpu.memory_space<vmem>> -> memref<128x128xf32, #tpu.memory_space<vmem>>
      %dma_wait3A_245 = arith.constant 0 : i32
      %dma_wait3A_246 = tpu.memref_slice %arg12[%dma_wait3A_239, %dma_wait3A_245] : memref<8x128xi32, #tpu.memory_space<vmem>> -> memref<1x128xi32, #tpu.memory_space<vmem>>
      %dma_wait3A_247 = tpu.memref_squeeze %dma_wait3A_246 : memref<1x128xi32, #tpu.memory_space<vmem>> -> memref<128xi32, #tpu.memory_space<vmem>>
      %dma_wait3A_248 = arith.constant 0 : i32
      %dma_wait3A_249 = arith.constant 0 : i32
      %dma_wait3A_250 = tpu.memref_slice %arg2[%dma_wait3A_248, %dma_wait3A_249] : memref<10000x128xf32, #tpu.memory_space<hbm>> -> memref<10000x128xf32, #tpu.memory_space<hbm>>
      tpu.wait_indirect_dma semaphore(%arg15 : memref<!tpu.dma_semaphore, #tpu.memory_space<semaphore_mem>>) src(%dma_wait3A_250 : memref<10000x128xf32, #tpu.memory_space<hbm>>) dst(%dma_wait3A_244 : memref<128x128xf32, #tpu.memory_space<vmem>>)
      %dma_start3A_251 = arith.constant 0 : i32
      %dma_start3A_252 = arith.constant 4 : i32
      %dma_start3A_253 = arith.constant 0 : i32
      %dma_start3A_254 = arith.constant 0 : i32
      %dma_start3A_255 = tpu.memref_slice %arg14[%dma_start3A_251, %dma_start3A_253, %dma_start3A_254] : memref<2x128x128xf32, #tpu.memory_space<vmem>> -> memref<1x128x128xf32, #tpu.memory_space<vmem>>
      %dma_start3A_256 = tpu.memref_squeeze %dma_start3A_255 : memref<1x128x128xf32, #tpu.memory_space<vmem>> -> memref<128x128xf32, #tpu.memory_space<vmem>>
      %dma_start3A_257 = arith.constant 0 : i32
      %dma_start3A_258 = tpu.memref_slice %arg13[%dma_start3A_252, %dma_start3A_257] : memref<8x128xi32, #tpu.memory_space<vmem>> -> memref<1x128xi32, #tpu.memory_space<vmem>>
      %dma_start3A_259 = tpu.memref_squeeze %dma_start3A_258 : memref<1x128xi32, #tpu.memory_space<vmem>> -> memref<128xi32, #tpu.memory_space<vmem>>
      %dma_start3A_260 = arith.constant 0 : i32
      %dma_start3A_261 = arith.constant 0 : i32
      %dma_start3A_262 = tpu.memref_slice %arg11[%dma_start3A_260, %dma_start3A_261] : memref<10112x128xf32, #tpu.memory_space<vmem_shared>> -> memref<10112x128xf32, #tpu.memory_space<vmem_shared>>
      tpu.enqueue_indirect_dma source(%dma_start3A_256 : memref<128x128xf32, #tpu.memory_space<vmem>>) target(%dma_start3A_262 : memref<10112x128xf32, #tpu.memory_space<vmem_shared>>) offsets(%dma_start3A_259 : memref<128xi32, #tpu.memory_space<vmem>>) semaphore(%arg17 : memref<!tpu.dma_semaphore, #tpu.memory_space<semaphore_mem>>) {add = true}
      %dma_wait3A_263 = arith.constant 1 : i32
      %dma_wait3A_264 = arith.constant 3 : i32
      %dma_wait3A_265 = arith.constant 0 : i32
      %dma_wait3A_266 = arith.constant 0 : i32
      %dma_wait3A_267 = tpu.memref_slice %arg14[%dma_wait3A_263, %dma_wait3A_265, %dma_wait3A_266] : memref<2x128x128xf32, #tpu.memory_space<vmem>> -> memref<1x128x128xf32, #tpu.memory_space<vmem>>
      %dma_wait3A_268 = tpu.memref_squeeze %dma_wait3A_267 : memref<1x128x128xf32, #tpu.memory_space<vmem>> -> memref<128x128xf32, #tpu.memory_space<vmem>>
      %dma_wait3A_269 = arith.constant 0 : i32
      %dma_wait3A_270 = tpu.memref_slice %arg13[%dma_wait3A_264, %dma_wait3A_269] : memref<8x128xi32, #tpu.memory_space<vmem>> -> memref<1x128xi32, #tpu.memory_space<vmem>>
      %dma_wait3A_271 = tpu.memref_squeeze %dma_wait3A_270 : memref<1x128xi32, #tpu.memory_space<vmem>> -> memref<128xi32, #tpu.memory_space<vmem>>
      %dma_wait3A_272 = arith.constant 0 : i32
      %dma_wait3A_273 = arith.constant 0 : i32
      %dma_wait3A_274 = tpu.memref_slice %arg11[%dma_wait3A_272, %dma_wait3A_273] : memref<10112x128xf32, #tpu.memory_space<vmem_shared>> -> memref<10112x128xf32, #tpu.memory_space<vmem_shared>>
      tpu.wait_indirect_dma semaphore(%arg18 : memref<!tpu.dma_semaphore, #tpu.memory_space<semaphore_mem>>) src(%dma_wait3A_268 : memref<128x128xf32, #tpu.memory_space<vmem>>) dst(%dma_wait3A_274 : memref<10112x128xf32, #tpu.memory_space<vmem_shared>>)
      %dma_start3A_275 = arith.constant 5 : i32
      %dma_start3A_276 = arith.constant 1 : i32
      %dma_start3A_277 = arith.constant 0 : i32
      %dma_start3A_278 = arith.constant 0 : i32
      %dma_start3A_279 = tpu.memref_slice %arg14[%dma_start3A_276, %dma_start3A_277, %dma_start3A_278] : memref<2x128x128xf32, #tpu.memory_space<vmem>> -> memref<1x128x128xf32, #tpu.memory_space<vmem>>
      %dma_start3A_280 = tpu.memref_squeeze %dma_start3A_279 : memref<1x128x128xf32, #tpu.memory_space<vmem>> -> memref<128x128xf32, #tpu.memory_space<vmem>>
      %dma_start3A_281 = arith.constant 0 : i32
      %dma_start3A_282 = tpu.memref_slice %arg12[%dma_start3A_275, %dma_start3A_281] : memref<8x128xi32, #tpu.memory_space<vmem>> -> memref<1x128xi32, #tpu.memory_space<vmem>>
      %dma_start3A_283 = tpu.memref_squeeze %dma_start3A_282 : memref<1x128xi32, #tpu.memory_space<vmem>> -> memref<128xi32, #tpu.memory_space<vmem>>
      %dma_start3A_284 = arith.constant 0 : i32
      %dma_start3A_285 = arith.constant 0 : i32
      %dma_start3A_286 = tpu.memref_slice %arg2[%dma_start3A_284, %dma_start3A_285] : memref<10000x128xf32, #tpu.memory_space<hbm>> -> memref<10000x128xf32, #tpu.memory_space<hbm>>
      tpu.enqueue_indirect_dma source(%dma_start3A_286 : memref<10000x128xf32, #tpu.memory_space<hbm>>) target(%dma_start3A_280 : memref<128x128xf32, #tpu.memory_space<vmem>>) offsets(%dma_start3A_283 : memref<128xi32, #tpu.memory_space<vmem>>) semaphore(%arg16 : memref<!tpu.dma_semaphore, #tpu.memory_space<semaphore_mem>>)
      %dma_wait3A_287 = arith.constant 5 : i32
      %dma_wait3A_288 = arith.constant 1 : i32
      %dma_wait3A_289 = arith.constant 0 : i32
      %dma_wait3A_290 = arith.constant 0 : i32
      %dma_wait3A_291 = tpu.memref_slice %arg14[%dma_wait3A_288, %dma_wait3A_289, %dma_wait3A_290] : memref<2x128x128xf32, #tpu.memory_space<vmem>> -> memref<1x128x128xf32, #tpu.memory_space<vmem>>
      %dma_wait3A_292 = tpu.memref_squeeze %dma_wait3A_291 : memref<1x128x128xf32, #tpu.memory_space<vmem>> -> memref<128x128xf32, #tpu.memory_space<vmem>>
      %dma_wait3A_293 = arith.constant 0 : i32
      %dma_wait3A_294 = tpu.memref_slice %arg12[%dma_wait3A_287, %dma_wait3A_293] : memref<8x128xi32, #tpu.memory_space<vmem>> -> memref<1x128xi32, #tpu.memory_space<vmem>>
      %dma_wait3A_295 = tpu.memref_squeeze %dma_wait3A_294 : memref<1x128xi32, #tpu.memory_space<vmem>> -> memref<128xi32, #tpu.memory_space<vmem>>
      %dma_wait3A_296 = arith.constant 0 : i32
      %dma_wait3A_297 = arith.constant 0 : i32
      %dma_wait3A_298 = tpu.memref_slice %arg2[%dma_wait3A_296, %dma_wait3A_297] : memref<10000x128xf32, #tpu.memory_space<hbm>> -> memref<10000x128xf32, #tpu.memory_space<hbm>>
      tpu.wait_indirect_dma semaphore(%arg16 : memref<!tpu.dma_semaphore, #tpu.memory_space<semaphore_mem>>) src(%dma_wait3A_298 : memref<10000x128xf32, #tpu.memory_space<hbm>>) dst(%dma_wait3A_292 : memref<128x128xf32, #tpu.memory_space<vmem>>)
      %dma_start3A_299 = arith.constant 1 : i32
      %dma_start3A_300 = arith.constant 5 : i32
      %dma_start3A_301 = arith.constant 0 : i32
      %dma_start3A_302 = arith.constant 0 : i32
      %dma_start3A_303 = tpu.memref_slice %arg14[%dma_start3A_299, %dma_start3A_301, %dma_start3A_302] : memref<2x128x128xf32, #tpu.memory_space<vmem>> -> memref<1x128x128xf32, #tpu.memory_space<vmem>>
      %dma_start3A_304 = tpu.memref_squeeze %dma_start3A_303 : memref<1x128x128xf32, #tpu.memory_space<vmem>> -> memref<128x128xf32, #tpu.memory_space<vmem>>
      %dma_start3A_305 = arith.constant 0 : i32
      %dma_start3A_306 = tpu.memref_slice %arg13[%dma_start3A_300, %dma_start3A_305] : memref<8x128xi32, #tpu.memory_space<vmem>> -> memref<1x128xi32, #tpu.memory_space<vmem>>
      %dma_start3A_307 = tpu.memref_squeeze %dma_start3A_306 : memref<1x128xi32, #tpu.memory_space<vmem>> -> memref<128xi32, #tpu.memory_space<vmem>>
      %dma_start3A_308 = arith.constant 0 : i32
      %dma_start3A_309 = arith.constant 0 : i32
      %dma_start3A_310 = tpu.memref_slice %arg11[%dma_start3A_308, %dma_start3A_309] : memref<10112x128xf32, #tpu.memory_space<vmem_shared>> -> memref<10112x128xf32, #tpu.memory_space<vmem_shared>>
      tpu.enqueue_indirect_dma source(%dma_start3A_304 : memref<128x128xf32, #tpu.memory_space<vmem>>) target(%dma_start3A_310 : memref<10112x128xf32, #tpu.memory_space<vmem_shared>>) offsets(%dma_start3A_307 : memref<128xi32, #tpu.memory_space<vmem>>) semaphore(%arg18 : memref<!tpu.dma_semaphore, #tpu.memory_space<semaphore_mem>>) {add = true}
      %dma_wait3A_311 = arith.constant 0 : i32
      %dma_wait3A_312 = arith.constant 4 : i32
      %dma_wait3A_313 = arith.constant 0 : i32
      %dma_wait3A_314 = arith.constant 0 : i32
      %dma_wait3A_315 = tpu.memref_slice %arg14[%dma_wait3A_311, %dma_wait3A_313, %dma_wait3A_314] : memref<2x128x128xf32, #tpu.memory_space<vmem>> -> memref<1x128x128xf32, #tpu.memory_space<vmem>>
      %dma_wait3A_316 = tpu.memref_squeeze %dma_wait3A_315 : memref<1x128x128xf32, #tpu.memory_space<vmem>> -> memref<128x128xf32, #tpu.memory_space<vmem>>
      %dma_wait3A_317 = arith.constant 0 : i32
      %dma_wait3A_318 = tpu.memref_slice %arg13[%dma_wait3A_312, %dma_wait3A_317] : memref<8x128xi32, #tpu.memory_space<vmem>> -> memref<1x128xi32, #tpu.memory_space<vmem>>
      %dma_wait3A_319 = tpu.memref_squeeze %dma_wait3A_318 : memref<1x128xi32, #tpu.memory_space<vmem>> -> memref<128xi32, #tpu.memory_space<vmem>>
      %dma_wait3A_320 = arith.constant 0 : i32
      %dma_wait3A_321 = arith.constant 0 : i32
      %dma_wait3A_322 = tpu.memref_slice %arg11[%dma_wait3A_320, %dma_wait3A_321] : memref<10112x128xf32, #tpu.memory_space<vmem_shared>> -> memref<10112x128xf32, #tpu.memory_space<vmem_shared>>
      tpu.wait_indirect_dma semaphore(%arg17 : memref<!tpu.dma_semaphore, #tpu.memory_space<semaphore_mem>>) src(%dma_wait3A_316 : memref<128x128xf32, #tpu.memory_space<vmem>>) dst(%dma_wait3A_322 : memref<10112x128xf32, #tpu.memory_space<vmem_shared>>)
      %dma_start3A_323 = arith.constant 6 : i32
      %dma_start3A_324 = arith.constant 0 : i32
      %dma_start3A_325 = arith.constant 0 : i32
      %dma_start3A_326 = arith.constant 0 : i32
      %dma_start3A_327 = tpu.memref_slice %arg14[%dma_start3A_324, %dma_start3A_325, %dma_start3A_326] : memref<2x128x128xf32, #tpu.memory_space<vmem>> -> memref<1x128x128xf32, #tpu.memory_space<vmem>>
      %dma_start3A_328 = tpu.memref_squeeze %dma_start3A_327 : memref<1x128x128xf32, #tpu.memory_space<vmem>> -> memref<128x128xf32, #tpu.memory_space<vmem>>
      %dma_start3A_329 = arith.constant 0 : i32
      %dma_start3A_330 = tpu.memref_slice %arg12[%dma_start3A_323, %dma_start3A_329] : memref<8x128xi32, #tpu.memory_space<vmem>> -> memref<1x128xi32, #tpu.memory_space<vmem>>
      %dma_start3A_331 = tpu.memref_squeeze %dma_start3A_330 : memref<1x128xi32, #tpu.memory_space<vmem>> -> memref<128xi32, #tpu.memory_space<vmem>>
      %dma_start3A_332 = arith.constant 0 : i32
      %dma_start3A_333 = arith.constant 0 : i32
      %dma_start3A_334 = tpu.memref_slice %arg2[%dma_start3A_332, %dma_start3A_333] : memref<10000x128xf32, #tpu.memory_space<hbm>> -> memref<10000x128xf32, #tpu.memory_space<hbm>>
      tpu.enqueue_indirect_dma source(%dma_start3A_334 : memref<10000x128xf32, #tpu.memory_space<hbm>>) target(%dma_start3A_328 : memref<128x128xf32, #tpu.memory_space<vmem>>) offsets(%dma_start3A_331 : memref<128xi32, #tpu.memory_space<vmem>>) semaphore(%arg15 : memref<!tpu.dma_semaphore, #tpu.memory_space<semaphore_mem>>)
      %dma_wait3A_335 = arith.constant 6 : i32
      %dma_wait3A_336 = arith.constant 0 : i32
      %dma_wait3A_337 = arith.constant 0 : i32
      %dma_wait3A_338 = arith.constant 0 : i32
      %dma_wait3A_339 = tpu.memref_slice %arg14[%dma_wait3A_336, %dma_wait3A_337, %dma_wait3A_338] : memref<2x128x128xf32, #tpu.memory_space<vmem>> -> memref<1x128x128xf32, #tpu.memory_space<vmem>>
      %dma_wait3A_340 = tpu.memref_squeeze %dma_wait3A_339 : memref<1x128x128xf32, #tpu.memory_space<vmem>> -> memref<128x128xf32, #tpu.memory_space<vmem>>
      %dma_wait3A_341 = arith.constant 0 : i32
      %dma_wait3A_342 = tpu.memref_slice %arg12[%dma_wait3A_335, %dma_wait3A_341] : memref<8x128xi32, #tpu.memory_space<vmem>> -> memref<1x128xi32, #tpu.memory_space<vmem>>
      %dma_wait3A_343 = tpu.memref_squeeze %dma_wait3A_342 : memref<1x128xi32, #tpu.memory_space<vmem>> -> memref<128xi32, #tpu.memory_space<vmem>>
      %dma_wait3A_344 = arith.constant 0 : i32
      %dma_wait3A_345 = arith.constant 0 : i32
      %dma_wait3A_346 = tpu.memref_slice %arg2[%dma_wait3A_344, %dma_wait3A_345] : memref<10000x128xf32, #tpu.memory_space<hbm>> -> memref<10000x128xf32, #tpu.memory_space<hbm>>
      tpu.wait_indirect_dma semaphore(%arg15 : memref<!tpu.dma_semaphore, #tpu.memory_space<semaphore_mem>>) src(%dma_wait3A_346 : memref<10000x128xf32, #tpu.memory_space<hbm>>) dst(%dma_wait3A_340 : memref<128x128xf32, #tpu.memory_space<vmem>>)
      %dma_start3A_347 = arith.constant 0 : i32
      %dma_start3A_348 = arith.constant 6 : i32
      %dma_start3A_349 = arith.constant 0 : i32
      %dma_start3A_350 = arith.constant 0 : i32
      %dma_start3A_351 = tpu.memref_slice %arg14[%dma_start3A_347, %dma_start3A_349, %dma_start3A_350] : memref<2x128x128xf32, #tpu.memory_space<vmem>> -> memref<1x128x128xf32, #tpu.memory_space<vmem>>
      %dma_start3A_352 = tpu.memref_squeeze %dma_start3A_351 : memref<1x128x128xf32, #tpu.memory_space<vmem>> -> memref<128x128xf32, #tpu.memory_space<vmem>>
      %dma_start3A_353 = arith.constant 0 : i32
      %dma_start3A_354 = tpu.memref_slice %arg13[%dma_start3A_348, %dma_start3A_353] : memref<8x128xi32, #tpu.memory_space<vmem>> -> memref<1x128xi32, #tpu.memory_space<vmem>>
      %dma_start3A_355 = tpu.memref_squeeze %dma_start3A_354 : memref<1x128xi32, #tpu.memory_space<vmem>> -> memref<128xi32, #tpu.memory_space<vmem>>
      %dma_start3A_356 = arith.constant 0 : i32
      %dma_start3A_357 = arith.constant 0 : i32
      %dma_start3A_358 = tpu.memref_slice %arg11[%dma_start3A_356, %dma_start3A_357] : memref<10112x128xf32, #tpu.memory_space<vmem_shared>> -> memref<10112x128xf32, #tpu.memory_space<vmem_shared>>
      tpu.enqueue_indirect_dma source(%dma_start3A_352 : memref<128x128xf32, #tpu.memory_space<vmem>>) target(%dma_start3A_358 : memref<10112x128xf32, #tpu.memory_space<vmem_shared>>) offsets(%dma_start3A_355 : memref<128xi32, #tpu.memory_space<vmem>>) semaphore(%arg17 : memref<!tpu.dma_semaphore, #tpu.memory_space<semaphore_mem>>) {add = true}
      %dma_wait3A_359 = arith.constant 1 : i32
      %dma_wait3A_360 = arith.constant 5 : i32
      %dma_wait3A_361 = arith.constant 0 : i32
      %dma_wait3A_362 = arith.constant 0 : i32
      %dma_wait3A_363 = tpu.memref_slice %arg14[%dma_wait3A_359, %dma_wait3A_361, %dma_wait3A_362] : memref<2x128x128xf32, #tpu.memory_space<vmem>> -> memref<1x128x128xf32, #tpu.memory_space<vmem>>
      %dma_wait3A_364 = tpu.memref_squeeze %dma_wait3A_363 : memref<1x128x128xf32, #tpu.memory_space<vmem>> -> memref<128x128xf32, #tpu.memory_space<vmem>>
      %dma_wait3A_365 = arith.constant 0 : i32
      %dma_wait3A_366 = tpu.memref_slice %arg13[%dma_wait3A_360, %dma_wait3A_365] : memref<8x128xi32, #tpu.memory_space<vmem>> -> memref<1x128xi32, #tpu.memory_space<vmem>>
      %dma_wait3A_367 = tpu.memref_squeeze %dma_wait3A_366 : memref<1x128xi32, #tpu.memory_space<vmem>> -> memref<128xi32, #tpu.memory_space<vmem>>
      %dma_wait3A_368 = arith.constant 0 : i32
      %dma_wait3A_369 = arith.constant 0 : i32
      %dma_wait3A_370 = tpu.memref_slice %arg11[%dma_wait3A_368, %dma_wait3A_369] : memref<10112x128xf32, #tpu.memory_space<vmem_shared>> -> memref<10112x128xf32, #tpu.memory_space<vmem_shared>>
      tpu.wait_indirect_dma semaphore(%arg18 : memref<!tpu.dma_semaphore, #tpu.memory_space<semaphore_mem>>) src(%dma_wait3A_364 : memref<128x128xf32, #tpu.memory_space<vmem>>) dst(%dma_wait3A_370 : memref<10112x128xf32, #tpu.memory_space<vmem_shared>>)
      %dma_start3A_371 = arith.constant 7 : i32
      %dma_start3A_372 = arith.constant 1 : i32
      %dma_start3A_373 = arith.constant 0 : i32
      %dma_start3A_374 = arith.constant 0 : i32
      %dma_start3A_375 = tpu.memref_slice %arg14[%dma_start3A_372, %dma_start3A_373, %dma_start3A_374] : memref<2x128x128xf32, #tpu.memory_space<vmem>> -> memref<1x128x128xf32, #tpu.memory_space<vmem>>
      %dma_start3A_376 = tpu.memref_squeeze %dma_start3A_375 : memref<1x128x128xf32, #tpu.memory_space<vmem>> -> memref<128x128xf32, #tpu.memory_space<vmem>>
      %dma_start3A_377 = arith.constant 0 : i32
      %dma_start3A_378 = tpu.memref_slice %arg12[%dma_start3A_371, %dma_start3A_377] : memref<8x128xi32, #tpu.memory_space<vmem>> -> memref<1x128xi32, #tpu.memory_space<vmem>>
      %dma_start3A_379 = tpu.memref_squeeze %dma_start3A_378 : memref<1x128xi32, #tpu.memory_space<vmem>> -> memref<128xi32, #tpu.memory_space<vmem>>
      %dma_start3A_380 = arith.constant 0 : i32
      %dma_start3A_381 = arith.constant 0 : i32
      %dma_start3A_382 = tpu.memref_slice %arg2[%dma_start3A_380, %dma_start3A_381] : memref<10000x128xf32, #tpu.memory_space<hbm>> -> memref<10000x128xf32, #tpu.memory_space<hbm>>
      tpu.enqueue_indirect_dma source(%dma_start3A_382 : memref<10000x128xf32, #tpu.memory_space<hbm>>) target(%dma_start3A_376 : memref<128x128xf32, #tpu.memory_space<vmem>>) offsets(%dma_start3A_379 : memref<128xi32, #tpu.memory_space<vmem>>) semaphore(%arg16 : memref<!tpu.dma_semaphore, #tpu.memory_space<semaphore_mem>>)
      %dma_wait3A_383 = arith.constant 7 : i32
      %dma_wait3A_384 = arith.constant 1 : i32
      %dma_wait3A_385 = arith.constant 0 : i32
      %dma_wait3A_386 = arith.constant 0 : i32
      %dma_wait3A_387 = tpu.memref_slice %arg14[%dma_wait3A_384, %dma_wait3A_385, %dma_wait3A_386] : memref<2x128x128xf32, #tpu.memory_space<vmem>> -> memref<1x128x128xf32, #tpu.memory_space<vmem>>
      %dma_wait3A_388 = tpu.memref_squeeze %dma_wait3A_387 : memref<1x128x128xf32, #tpu.memory_space<vmem>> -> memref<128x128xf32, #tpu.memory_space<vmem>>
      %dma_wait3A_389 = arith.constant 0 : i32
      %dma_wait3A_390 = tpu.memref_slice %arg12[%dma_wait3A_383, %dma_wait3A_389] : memref<8x128xi32, #tpu.memory_space<vmem>> -> memref<1x128xi32, #tpu.memory_space<vmem>>
      %dma_wait3A_391 = tpu.memref_squeeze %dma_wait3A_390 : memref<1x128xi32, #tpu.memory_space<vmem>> -> memref<128xi32, #tpu.memory_space<vmem>>
      %dma_wait3A_392 = arith.constant 0 : i32
      %dma_wait3A_393 = arith.constant 0 : i32
      %dma_wait3A_394 = tpu.memref_slice %arg2[%dma_wait3A_392, %dma_wait3A_393] : memref<10000x128xf32, #tpu.memory_space<hbm>> -> memref<10000x128xf32, #tpu.memory_space<hbm>>
      tpu.wait_indirect_dma semaphore(%arg16 : memref<!tpu.dma_semaphore, #tpu.memory_space<semaphore_mem>>) src(%dma_wait3A_394 : memref<10000x128xf32, #tpu.memory_space<hbm>>) dst(%dma_wait3A_388 : memref<128x128xf32, #tpu.memory_space<vmem>>)
      %dma_start3A_395 = arith.constant 1 : i32
      %dma_start3A_396 = arith.constant 7 : i32
      %dma_start3A_397 = arith.constant 0 : i32
      %dma_start3A_398 = arith.constant 0 : i32
      %dma_start3A_399 = tpu.memref_slice %arg14[%dma_start3A_395, %dma_start3A_397, %dma_start3A_398] : memref<2x128x128xf32, #tpu.memory_space<vmem>> -> memref<1x128x128xf32, #tpu.memory_space<vmem>>
      %dma_start3A_400 = tpu.memref_squeeze %dma_start3A_399 : memref<1x128x128xf32, #tpu.memory_space<vmem>> -> memref<128x128xf32, #tpu.memory_space<vmem>>
      %dma_start3A_401 = arith.constant 0 : i32
      %dma_start3A_402 = tpu.memref_slice %arg13[%dma_start3A_396, %dma_start3A_401] : memref<8x128xi32, #tpu.memory_space<vmem>> -> memref<1x128xi32, #tpu.memory_space<vmem>>
      %dma_start3A_403 = tpu.memref_squeeze %dma_start3A_402 : memref<1x128xi32, #tpu.memory_space<vmem>> -> memref<128xi32, #tpu.memory_space<vmem>>
      %dma_start3A_404 = arith.constant 0 : i32
      %dma_start3A_405 = arith.constant 0 : i32
      %dma_start3A_406 = tpu.memref_slice %arg11[%dma_start3A_404, %dma_start3A_405] : memref<10112x128xf32, #tpu.memory_space<vmem_shared>> -> memref<10112x128xf32, #tpu.memory_space<vmem_shared>>
      tpu.enqueue_indirect_dma source(%dma_start3A_400 : memref<128x128xf32, #tpu.memory_space<vmem>>) target(%dma_start3A_406 : memref<10112x128xf32, #tpu.memory_space<vmem_shared>>) offsets(%dma_start3A_403 : memref<128xi32, #tpu.memory_space<vmem>>) semaphore(%arg18 : memref<!tpu.dma_semaphore, #tpu.memory_space<semaphore_mem>>) {add = true}
      %dma_wait3A_407 = arith.constant 0 : i32
      %dma_wait3A_408 = arith.constant 6 : i32
      %dma_wait3A_409 = arith.constant 0 : i32
      %dma_wait3A_410 = arith.constant 0 : i32
      %dma_wait3A_411 = tpu.memref_slice %arg14[%dma_wait3A_407, %dma_wait3A_409, %dma_wait3A_410] : memref<2x128x128xf32, #tpu.memory_space<vmem>> -> memref<1x128x128xf32, #tpu.memory_space<vmem>>
      %dma_wait3A_412 = tpu.memref_squeeze %dma_wait3A_411 : memref<1x128x128xf32, #tpu.memory_space<vmem>> -> memref<128x128xf32, #tpu.memory_space<vmem>>
      %dma_wait3A_413 = arith.constant 0 : i32
      %dma_wait3A_414 = tpu.memref_slice %arg13[%dma_wait3A_408, %dma_wait3A_413] : memref<8x128xi32, #tpu.memory_space<vmem>> -> memref<1x128xi32, #tpu.memory_space<vmem>>
      %dma_wait3A_415 = tpu.memref_squeeze %dma_wait3A_414 : memref<1x128xi32, #tpu.memory_space<vmem>> -> memref<128xi32, #tpu.memory_space<vmem>>
      %dma_wait3A_416 = arith.constant 0 : i32
      %dma_wait3A_417 = arith.constant 0 : i32
      %dma_wait3A_418 = tpu.memref_slice %arg11[%dma_wait3A_416, %dma_wait3A_417] : memref<10112x128xf32, #tpu.memory_space<vmem_shared>> -> memref<10112x128xf32, #tpu.memory_space<vmem_shared>>
      tpu.wait_indirect_dma semaphore(%arg17 : memref<!tpu.dma_semaphore, #tpu.memory_space<semaphore_mem>>) src(%dma_wait3A_412 : memref<128x128xf32, #tpu.memory_space<vmem>>) dst(%dma_wait3A_418 : memref<10112x128xf32, #tpu.memory_space<vmem_shared>>)
      %dma_wait3A_419 = arith.constant 1 : i32
      %dma_wait3A_420 = arith.constant 7 : i32
      %dma_wait3A_421 = arith.constant 0 : i32
      %dma_wait3A_422 = arith.constant 0 : i32
      %dma_wait3A_423 = tpu.memref_slice %arg14[%dma_wait3A_419, %dma_wait3A_421, %dma_wait3A_422] : memref<2x128x128xf32, #tpu.memory_space<vmem>> -> memref<1x128x128xf32, #tpu.memory_space<vmem>>
      %dma_wait3A_424 = tpu.memref_squeeze %dma_wait3A_423 : memref<1x128x128xf32, #tpu.memory_space<vmem>> -> memref<128x128xf32, #tpu.memory_space<vmem>>
      %dma_wait3A_425 = arith.constant 0 : i32
      %dma_wait3A_426 = tpu.memref_slice %arg13[%dma_wait3A_420, %dma_wait3A_425] : memref<8x128xi32, #tpu.memory_space<vmem>> -> memref<1x128xi32, #tpu.memory_space<vmem>>
      %dma_wait3A_427 = tpu.memref_squeeze %dma_wait3A_426 : memref<1x128xi32, #tpu.memory_space<vmem>> -> memref<128xi32, #tpu.memory_space<vmem>>
      %dma_wait3A_428 = arith.constant 0 : i32
      %dma_wait3A_429 = arith.constant 0 : i32
      %dma_wait3A_430 = tpu.memref_slice %arg11[%dma_wait3A_428, %dma_wait3A_429] : memref<10112x128xf32, #tpu.memory_space<vmem_shared>> -> memref<10112x128xf32, #tpu.memory_space<vmem_shared>>
      tpu.wait_indirect_dma semaphore(%arg18 : memref<!tpu.dma_semaphore, #tpu.memory_space<semaphore_mem>>) src(%dma_wait3A_424 : memref<128x128xf32, #tpu.memory_space<vmem>>) dst(%dma_wait3A_430 : memref<10112x128xf32, #tpu.memory_space<vmem_shared>>)
    }
    %barrier3A_32 = arith.constant 0 : index
    tpu.barrier barrier_id(%barrier3A_32)
    "tpu.region"() ({
      %run_scoped3A_45 = tpu.sem_alloc : memref<!tpu.dma_semaphore, #tpu.memory_space<semaphore_mem>>
      %dma_start3A = arith.constant 0 : i32
      %dma_start3A_46 = arith.constant 0 : i32
      %dma_start3A_47 = tpu.memref_slice %arg8[%arg0, %dma_start3A, %dma_start3A_46] : memref<2x10112x128xf32, #tpu.memory_space<hbm>> -> memref<1x10112x128xf32, #tpu.memory_space<hbm>>
      %dma_start3A_48 = tpu.memref_squeeze %dma_start3A_47 : memref<1x10112x128xf32, #tpu.memory_space<hbm>> -> memref<10112x128xf32, #tpu.memory_space<hbm>>
      %dma_start3A_49 = arith.constant 0 : i32
      %dma_start3A_50 = tpu.memref_slice %dma_start3A_48[%mul3A_0, %dma_start3A_49] : memref<10112x128xf32, #tpu.memory_space<hbm>> -> memref<632x128xf32, #tpu.memory_space<hbm>>
      %dma_start3A_51 = arith.constant 0 : i32
      %dma_start3A_52 = tpu.memref_slice %arg11[%mul3A_0, %dma_start3A_51] : memref<10112x128xf32, #tpu.memory_space<vmem_shared>> -> memref<632x128xf32, #tpu.memory_space<vmem_shared>>
      tpu.enqueue_dma source(%dma_start3A_52 : memref<632x128xf32, #tpu.memory_space<vmem_shared>>) target(%dma_start3A_50 : memref<632x128xf32, #tpu.memory_space<hbm>>) target_semaphore(%run_scoped3A_45 : memref<!tpu.dma_semaphore, #tpu.memory_space<semaphore_mem>>)
      %dma_wait3A = arith.constant 0 : i32
      %dma_wait3A_53 = arith.constant 0 : i32
      %dma_wait3A_54 = tpu.memref_slice %arg8[%arg0, %dma_wait3A, %dma_wait3A_53] : memref<2x10112x128xf32, #tpu.memory_space<hbm>> -> memref<1x10112x128xf32, #tpu.memory_space<hbm>>
      %dma_wait3A_55 = tpu.memref_squeeze %dma_wait3A_54 : memref<1x10112x128xf32, #tpu.memory_space<hbm>> -> memref<10112x128xf32, #tpu.memory_space<hbm>>
      %dma_wait3A_56 = arith.constant 0 : i32
      %dma_wait3A_57 = tpu.memref_slice %dma_wait3A_55[%mul3A_0, %dma_wait3A_56] : memref<10112x128xf32, #tpu.memory_space<hbm>> -> memref<632x128xf32, #tpu.memory_space<hbm>>
      %dma_wait3A_58 = arith.constant 0 : i32
      %dma_wait3A_59 = tpu.memref_slice %arg11[%mul3A_0, %dma_wait3A_58] : memref<10112x128xf32, #tpu.memory_space<vmem_shared>> -> memref<632x128xf32, #tpu.memory_space<vmem_shared>>
      tpu.wait_dma2 semaphore(%run_scoped3A_45 : memref<!tpu.dma_semaphore, #tpu.memory_space<semaphore_mem>>) src(%dma_wait3A_59 : memref<632x128xf32, #tpu.memory_space<vmem_shared>>) dst(%dma_wait3A_57 : memref<632x128xf32, #tpu.memory_space<hbm>>)
      tpu.yield
    }) : () -> ()
    "tpu.region"() ({
      %run_scoped3A_45 = tpu.sem_alloc : memref<!tpu.dma_semaphore, #tpu.memory_space<semaphore_mem>>
      %dma_start3A = arith.constant 0 : i32
      %dma_start3A_46 = tpu.memref_slice %arg11[%mul3A_0, %dma_start3A] : memref<10112x128xf32, #tpu.memory_space<vmem_shared>> -> memref<632x128xf32, #tpu.memory_space<vmem_shared>>
      tpu.enqueue_dma source(%arg6 : memref<632x128xf32, #tpu.memory_space<hbm>>) target(%dma_start3A_46 : memref<632x128xf32, #tpu.memory_space<vmem_shared>>) target_semaphore(%run_scoped3A_45 : memref<!tpu.dma_semaphore, #tpu.memory_space<semaphore_mem>>)
      %dma_wait3A = arith.constant 0 : i32
      %dma_wait3A_47 = tpu.memref_slice %arg11[%mul3A_0, %dma_wait3A] : memref<10112x128xf32, #tpu.memory_space<vmem_shared>> -> memref<632x128xf32, #tpu.memory_space<vmem_shared>>
      tpu.wait_dma2 semaphore(%run_scoped3A_45 : memref<!tpu.dma_semaphore, #tpu.memory_space<semaphore_mem>>) src(%arg6 : memref<632x128xf32, #tpu.memory_space<hbm>>) dst(%dma_wait3A_47 : memref<632x128xf32, #tpu.memory_space<vmem_shared>>)
      tpu.yield
    }) : () -> ()
    %barrier3A_33 = arith.constant 0 : index
    tpu.barrier barrier_id(%barrier3A_33)
    %while3A_34 = arith.constant 0 : i32
    %while3A_35 = arith.constant 0 : i32
    %while3A_36 = arith.subi %select_n3A_10, %while3A_35 : i32
    %while3A_37 = arith.addi %while3A_35, %while3A_36 : i32
    %while3A_38 = arith.constant 1 : i32
    %while3A_39 = arith.divsi %while3A_36, %while3A_38 : i32
    %while3A_40 = arith.muli %while3A_39, %while3A_38 : i32
    %while3A_41 = arith.addi %while3A_35, %while3A_40 : i32
    %while3A_42 = arith.constant 1 : i32
    scf.for %while3A_45 = %while3A_35 to %while3A_41 step %while3A_42  : i32 {
      %mul3A_46 = arith.constant 8 : i32
      %mul3A_47 = arith.muli %while3A_45, %mul3A_46 : i32
      %add3A_48 = arith.addi %select_n3A, %mul3A_47 : i32
      "tpu.region"() ({
        %run_scoped3A_431 = tpu.sem_alloc : memref<!tpu.dma_semaphore, #tpu.memory_space<semaphore_mem>>
        %dma_start3A_432 = arith.constant 0 : i32
        %dma_start3A_433 = tpu.memref_slice %arg4[%add3A_48, %dma_start3A_432] : memref<2560x128xi32, #tpu.memory_space<hbm>> -> memref<8x128xi32, #tpu.memory_space<hbm>>
        %dma_start3A_434 = arith.constant 0 : i32
        %dma_start3A_435 = tpu.memref_slice %arg4[%add3A_48, %dma_start3A_434] : memref<2560x128xi32, #tpu.memory_space<hbm>> -> memref<8x128xi32, #tpu.memory_space<hbm>>
        tpu.enqueue_dma source(%dma_start3A_435 : memref<8x128xi32, #tpu.memory_space<hbm>>) target(%arg12 : memref<8x128xi32, #tpu.memory_space<vmem>>) target_semaphore(%run_scoped3A_431 : memref<!tpu.dma_semaphore, #tpu.memory_space<semaphore_mem>>)
        %dma_wait3A_436 = arith.constant 0 : i32
        %dma_wait3A_437 = tpu.memref_slice %arg4[%add3A_48, %dma_wait3A_436] : memref<2560x128xi32, #tpu.memory_space<hbm>> -> memref<8x128xi32, #tpu.memory_space<hbm>>
        %dma_wait3A_438 = arith.constant 0 : i32
        %dma_wait3A_439 = tpu.memref_slice %arg4[%add3A_48, %dma_wait3A_438] : memref<2560x128xi32, #tpu.memory_space<hbm>> -> memref<8x128xi32, #tpu.memory_space<hbm>>
        tpu.wait_dma2 semaphore(%run_scoped3A_431 : memref<!tpu.dma_semaphore, #tpu.memory_space<semaphore_mem>>) src(%dma_wait3A_439 : memref<8x128xi32, #tpu.memory_space<hbm>>) dst(%arg12 : memref<8x128xi32, #tpu.memory_space<vmem>>)
        tpu.yield
      }) : () -> ()
      "tpu.region"() ({
        %run_scoped3A_431 = tpu.sem_alloc : memref<!tpu.dma_semaphore, #tpu.memory_space<semaphore_mem>>
        %dma_start3A_432 = arith.constant 0 : i32
        %dma_start3A_433 = tpu.memref_slice %arg5[%add3A_48, %dma_start3A_432] : memref<2560x128xi32, #tpu.memory_space<hbm>> -> memref<8x128xi32, #tpu.memory_space<hbm>>
        %dma_start3A_434 = arith.constant 0 : i32
        %dma_start3A_435 = tpu.memref_slice %arg5[%add3A_48, %dma_start3A_434] : memref<2560x128xi32, #tpu.memory_space<hbm>> -> memref<8x128xi32, #tpu.memory_space<hbm>>
        tpu.enqueue_dma source(%dma_start3A_435 : memref<8x128xi32, #tpu.memory_space<hbm>>) target(%arg13 : memref<8x128xi32, #tpu.memory_space<vmem>>) target_semaphore(%run_scoped3A_431 : memref<!tpu.dma_semaphore, #tpu.memory_space<semaphore_mem>>)
        %dma_wait3A_436 = arith.constant 0 : i32
        %dma_wait3A_437 = tpu.memref_slice %arg5[%add3A_48, %dma_wait3A_436] : memref<2560x128xi32, #tpu.memory_space<hbm>> -> memref<8x128xi32, #tpu.memory_space<hbm>>
        %dma_wait3A_438 = arith.constant 0 : i32
        %dma_wait3A_439 = tpu.memref_slice %arg5[%add3A_48, %dma_wait3A_438] : memref<2560x128xi32, #tpu.memory_space<hbm>> -> memref<8x128xi32, #tpu.memory_space<hbm>>
        tpu.wait_dma2 semaphore(%run_scoped3A_431 : memref<!tpu.dma_semaphore, #tpu.memory_space<semaphore_mem>>) src(%dma_wait3A_439 : memref<8x128xi32, #tpu.memory_space<hbm>>) dst(%arg13 : memref<8x128xi32, #tpu.memory_space<vmem>>)
        tpu.yield
      }) : () -> ()
      %dma_start3A = arith.constant 0 : i32
      %dma_start3A_49 = arith.constant 0 : i32
      %dma_start3A_50 = arith.constant 0 : i32
      %dma_start3A_51 = arith.constant 0 : i32
      %dma_start3A_52 = tpu.memref_slice %arg14[%dma_start3A_49, %dma_start3A_50, %dma_start3A_51] : memref<2x128x128xf32, #tpu.memory_space<vmem>> -> memref<1x128x128xf32, #tpu.memory_space<vmem>>
      %dma_start3A_53 = tpu.memref_squeeze %dma_start3A_52 : memref<1x128x128xf32, #tpu.memory_space<vmem>> -> memref<128x128xf32, #tpu.memory_space<vmem>>
      %dma_start3A_54 = arith.constant 0 : i32
      %dma_start3A_55 = tpu.memref_slice %arg12[%dma_start3A, %dma_start3A_54] : memref<8x128xi32, #tpu.memory_space<vmem>> -> memref<1x128xi32, #tpu.memory_space<vmem>>
      %dma_start3A_56 = tpu.memref_squeeze %dma_start3A_55 : memref<1x128xi32, #tpu.memory_space<vmem>> -> memref<128xi32, #tpu.memory_space<vmem>>
      %dma_start3A_57 = arith.constant 0 : i32
      %dma_start3A_58 = arith.constant 0 : i32
      %dma_start3A_59 = tpu.memref_slice %arg3[%dma_start3A_57, %dma_start3A_58] : memref<10000x128xf32, #tpu.memory_space<hbm>> -> memref<10000x128xf32, #tpu.memory_space<hbm>>
      tpu.enqueue_indirect_dma source(%dma_start3A_59 : memref<10000x128xf32, #tpu.memory_space<hbm>>) target(%dma_start3A_53 : memref<128x128xf32, #tpu.memory_space<vmem>>) offsets(%dma_start3A_56 : memref<128xi32, #tpu.memory_space<vmem>>) semaphore(%arg15 : memref<!tpu.dma_semaphore, #tpu.memory_space<semaphore_mem>>)
      %dma_wait3A = arith.constant 0 : i32
      %dma_wait3A_60 = arith.constant 0 : i32
      %dma_wait3A_61 = arith.constant 0 : i32
      %dma_wait3A_62 = arith.constant 0 : i32
      %dma_wait3A_63 = tpu.memref_slice %arg14[%dma_wait3A_60, %dma_wait3A_61, %dma_wait3A_62] : memref<2x128x128xf32, #tpu.memory_space<vmem>> -> memref<1x128x128xf32, #tpu.memory_space<vmem>>
      %dma_wait3A_64 = tpu.memref_squeeze %dma_wait3A_63 : memref<1x128x128xf32, #tpu.memory_space<vmem>> -> memref<128x128xf32, #tpu.memory_space<vmem>>
      %dma_wait3A_65 = arith.constant 0 : i32
      %dma_wait3A_66 = tpu.memref_slice %arg12[%dma_wait3A, %dma_wait3A_65] : memref<8x128xi32, #tpu.memory_space<vmem>> -> memref<1x128xi32, #tpu.memory_space<vmem>>
      %dma_wait3A_67 = tpu.memref_squeeze %dma_wait3A_66 : memref<1x128xi32, #tpu.memory_space<vmem>> -> memref<128xi32, #tpu.memory_space<vmem>>
      %dma_wait3A_68 = arith.constant 0 : i32
      %dma_wait3A_69 = arith.constant 0 : i32
      %dma_wait3A_70 = tpu.memref_slice %arg3[%dma_wait3A_68, %dma_wait3A_69] : memref<10000x128xf32, #tpu.memory_space<hbm>> -> memref<10000x128xf32, #tpu.memory_space<hbm>>
      tpu.wait_indirect_dma semaphore(%arg15 : memref<!tpu.dma_semaphore, #tpu.memory_space<semaphore_mem>>) src(%dma_wait3A_70 : memref<10000x128xf32, #tpu.memory_space<hbm>>) dst(%dma_wait3A_64 : memref<128x128xf32, #tpu.memory_space<vmem>>)
      %dma_start3A_71 = arith.constant 0 : i32
      %dma_start3A_72 = arith.constant 0 : i32
      %dma_start3A_73 = arith.constant 0 : i32
      %dma_start3A_74 = arith.constant 0 : i32
      %dma_start3A_75 = tpu.memref_slice %arg14[%dma_start3A_71, %dma_start3A_73, %dma_start3A_74] : memref<2x128x128xf32, #tpu.memory_space<vmem>> -> memref<1x128x128xf32, #tpu.memory_space<vmem>>
      %dma_start3A_76 = tpu.memref_squeeze %dma_start3A_75 : memref<1x128x128xf32, #tpu.memory_space<vmem>> -> memref<128x128xf32, #tpu.memory_space<vmem>>
      %dma_start3A_77 = arith.constant 0 : i32
      %dma_start3A_78 = tpu.memref_slice %arg13[%dma_start3A_72, %dma_start3A_77] : memref<8x128xi32, #tpu.memory_space<vmem>> -> memref<1x128xi32, #tpu.memory_space<vmem>>
      %dma_start3A_79 = tpu.memref_squeeze %dma_start3A_78 : memref<1x128xi32, #tpu.memory_space<vmem>> -> memref<128xi32, #tpu.memory_space<vmem>>
      %dma_start3A_80 = arith.constant 0 : i32
      %dma_start3A_81 = arith.constant 0 : i32
      %dma_start3A_82 = tpu.memref_slice %arg11[%dma_start3A_80, %dma_start3A_81] : memref<10112x128xf32, #tpu.memory_space<vmem_shared>> -> memref<10112x128xf32, #tpu.memory_space<vmem_shared>>
      tpu.enqueue_indirect_dma source(%dma_start3A_76 : memref<128x128xf32, #tpu.memory_space<vmem>>) target(%dma_start3A_82 : memref<10112x128xf32, #tpu.memory_space<vmem_shared>>) offsets(%dma_start3A_79 : memref<128xi32, #tpu.memory_space<vmem>>) semaphore(%arg17 : memref<!tpu.dma_semaphore, #tpu.memory_space<semaphore_mem>>) {add = true}
      %dma_start3A_83 = arith.constant 1 : i32
      %dma_start3A_84 = arith.constant 1 : i32
      %dma_start3A_85 = arith.constant 0 : i32
      %dma_start3A_86 = arith.constant 0 : i32
      %dma_start3A_87 = tpu.memref_slice %arg14[%dma_start3A_84, %dma_start3A_85, %dma_start3A_86] : memref<2x128x128xf32, #tpu.memory_space<vmem>> -> memref<1x128x128xf32, #tpu.memory_space<vmem>>
      %dma_start3A_88 = tpu.memref_squeeze %dma_start3A_87 : memref<1x128x128xf32, #tpu.memory_space<vmem>> -> memref<128x128xf32, #tpu.memory_space<vmem>>
      %dma_start3A_89 = arith.constant 0 : i32
      %dma_start3A_90 = tpu.memref_slice %arg12[%dma_start3A_83, %dma_start3A_89] : memref<8x128xi32, #tpu.memory_space<vmem>> -> memref<1x128xi32, #tpu.memory_space<vmem>>
      %dma_start3A_91 = tpu.memref_squeeze %dma_start3A_90 : memref<1x128xi32, #tpu.memory_space<vmem>> -> memref<128xi32, #tpu.memory_space<vmem>>
      %dma_start3A_92 = arith.constant 0 : i32
      %dma_start3A_93 = arith.constant 0 : i32
      %dma_start3A_94 = tpu.memref_slice %arg3[%dma_start3A_92, %dma_start3A_93] : memref<10000x128xf32, #tpu.memory_space<hbm>> -> memref<10000x128xf32, #tpu.memory_space<hbm>>
      tpu.enqueue_indirect_dma source(%dma_start3A_94 : memref<10000x128xf32, #tpu.memory_space<hbm>>) target(%dma_start3A_88 : memref<128x128xf32, #tpu.memory_space<vmem>>) offsets(%dma_start3A_91 : memref<128xi32, #tpu.memory_space<vmem>>) semaphore(%arg16 : memref<!tpu.dma_semaphore, #tpu.memory_space<semaphore_mem>>)
      %dma_wait3A_95 = arith.constant 1 : i32
      %dma_wait3A_96 = arith.constant 1 : i32
      %dma_wait3A_97 = arith.constant 0 : i32
      %dma_wait3A_98 = arith.constant 0 : i32
      %dma_wait3A_99 = tpu.memref_slice %arg14[%dma_wait3A_96, %dma_wait3A_97, %dma_wait3A_98] : memref<2x128x128xf32, #tpu.memory_space<vmem>> -> memref<1x128x128xf32, #tpu.memory_space<vmem>>
      %dma_wait3A_100 = tpu.memref_squeeze %dma_wait3A_99 : memref<1x128x128xf32, #tpu.memory_space<vmem>> -> memref<128x128xf32, #tpu.memory_space<vmem>>
      %dma_wait3A_101 = arith.constant 0 : i32
      %dma_wait3A_102 = tpu.memref_slice %arg12[%dma_wait3A_95, %dma_wait3A_101] : memref<8x128xi32, #tpu.memory_space<vmem>> -> memref<1x128xi32, #tpu.memory_space<vmem>>
      %dma_wait3A_103 = tpu.memref_squeeze %dma_wait3A_102 : memref<1x128xi32, #tpu.memory_space<vmem>> -> memref<128xi32, #tpu.memory_space<vmem>>
      %dma_wait3A_104 = arith.constant 0 : i32
      %dma_wait3A_105 = arith.constant 0 : i32
      %dma_wait3A_106 = tpu.memref_slice %arg3[%dma_wait3A_104, %dma_wait3A_105] : memref<10000x128xf32, #tpu.memory_space<hbm>> -> memref<10000x128xf32, #tpu.memory_space<hbm>>
      tpu.wait_indirect_dma semaphore(%arg16 : memref<!tpu.dma_semaphore, #tpu.memory_space<semaphore_mem>>) src(%dma_wait3A_106 : memref<10000x128xf32, #tpu.memory_space<hbm>>) dst(%dma_wait3A_100 : memref<128x128xf32, #tpu.memory_space<vmem>>)
      %dma_start3A_107 = arith.constant 1 : i32
      %dma_start3A_108 = arith.constant 1 : i32
      %dma_start3A_109 = arith.constant 0 : i32
      %dma_start3A_110 = arith.constant 0 : i32
      %dma_start3A_111 = tpu.memref_slice %arg14[%dma_start3A_107, %dma_start3A_109, %dma_start3A_110] : memref<2x128x128xf32, #tpu.memory_space<vmem>> -> memref<1x128x128xf32, #tpu.memory_space<vmem>>
      %dma_start3A_112 = tpu.memref_squeeze %dma_start3A_111 : memref<1x128x128xf32, #tpu.memory_space<vmem>> -> memref<128x128xf32, #tpu.memory_space<vmem>>
      %dma_start3A_113 = arith.constant 0 : i32
      %dma_start3A_114 = tpu.memref_slice %arg13[%dma_start3A_108, %dma_start3A_113] : memref<8x128xi32, #tpu.memory_space<vmem>> -> memref<1x128xi32, #tpu.memory_space<vmem>>
      %dma_start3A_115 = tpu.memref_squeeze %dma_start3A_114 : memref<1x128xi32, #tpu.memory_space<vmem>> -> memref<128xi32, #tpu.memory_space<vmem>>
      %dma_start3A_116 = arith.constant 0 : i32
      %dma_start3A_117 = arith.constant 0 : i32
      %dma_start3A_118 = tpu.memref_slice %arg11[%dma_start3A_116, %dma_start3A_117] : memref<10112x128xf32, #tpu.memory_space<vmem_shared>> -> memref<10112x128xf32, #tpu.memory_space<vmem_shared>>
      tpu.enqueue_indirect_dma source(%dma_start3A_112 : memref<128x128xf32, #tpu.memory_space<vmem>>) target(%dma_start3A_118 : memref<10112x128xf32, #tpu.memory_space<vmem_shared>>) offsets(%dma_start3A_115 : memref<128xi32, #tpu.memory_space<vmem>>) semaphore(%arg18 : memref<!tpu.dma_semaphore, #tpu.memory_space<semaphore_mem>>) {add = true}
      %dma_wait3A_119 = arith.constant 0 : i32
      %dma_wait3A_120 = arith.constant 0 : i32
      %dma_wait3A_121 = arith.constant 0 : i32
      %dma_wait3A_122 = arith.constant 0 : i32
      %dma_wait3A_123 = tpu.memref_slice %arg14[%dma_wait3A_119, %dma_wait3A_121, %dma_wait3A_122] : memref<2x128x128xf32, #tpu.memory_space<vmem>> -> memref<1x128x128xf32, #tpu.memory_space<vmem>>
      %dma_wait3A_124 = tpu.memref_squeeze %dma_wait3A_123 : memref<1x128x128xf32, #tpu.memory_space<vmem>> -> memref<128x128xf32, #tpu.memory_space<vmem>>
      %dma_wait3A_125 = arith.constant 0 : i32
      %dma_wait3A_126 = tpu.memref_slice %arg13[%dma_wait3A_120, %dma_wait3A_125] : memref<8x128xi32, #tpu.memory_space<vmem>> -> memref<1x128xi32, #tpu.memory_space<vmem>>
      %dma_wait3A_127 = tpu.memref_squeeze %dma_wait3A_126 : memref<1x128xi32, #tpu.memory_space<vmem>> -> memref<128xi32, #tpu.memory_space<vmem>>
      %dma_wait3A_128 = arith.constant 0 : i32
      %dma_wait3A_129 = arith.constant 0 : i32
      %dma_wait3A_130 = tpu.memref_slice %arg11[%dma_wait3A_128, %dma_wait3A_129] : memref<10112x128xf32, #tpu.memory_space<vmem_shared>> -> memref<10112x128xf32, #tpu.memory_space<vmem_shared>>
      tpu.wait_indirect_dma semaphore(%arg17 : memref<!tpu.dma_semaphore, #tpu.memory_space<semaphore_mem>>) src(%dma_wait3A_124 : memref<128x128xf32, #tpu.memory_space<vmem>>) dst(%dma_wait3A_130 : memref<10112x128xf32, #tpu.memory_space<vmem_shared>>)
      %dma_start3A_131 = arith.constant 2 : i32
      %dma_start3A_132 = arith.constant 0 : i32
      %dma_start3A_133 = arith.constant 0 : i32
      %dma_start3A_134 = arith.constant 0 : i32
      %dma_start3A_135 = tpu.memref_slice %arg14[%dma_start3A_132, %dma_start3A_133, %dma_start3A_134] : memref<2x128x128xf32, #tpu.memory_space<vmem>> -> memref<1x128x128xf32, #tpu.memory_space<vmem>>
      %dma_start3A_136 = tpu.memref_squeeze %dma_start3A_135 : memref<1x128x128xf32, #tpu.memory_space<vmem>> -> memref<128x128xf32, #tpu.memory_space<vmem>>
      %dma_start3A_137 = arith.constant 0 : i32
      %dma_start3A_138 = tpu.memref_slice %arg12[%dma_start3A_131, %dma_start3A_137] : memref<8x128xi32, #tpu.memory_space<vmem>> -> memref<1x128xi32, #tpu.memory_space<vmem>>
      %dma_start3A_139 = tpu.memref_squeeze %dma_start3A_138 : memref<1x128xi32, #tpu.memory_space<vmem>> -> memref<128xi32, #tpu.memory_space<vmem>>
      %dma_start3A_140 = arith.constant 0 : i32
      %dma_start3A_141 = arith.constant 0 : i32
      %dma_start3A_142 = tpu.memref_slice %arg3[%dma_start3A_140, %dma_start3A_141] : memref<10000x128xf32, #tpu.memory_space<hbm>> -> memref<10000x128xf32, #tpu.memory_space<hbm>>
      tpu.enqueue_indirect_dma source(%dma_start3A_142 : memref<10000x128xf32, #tpu.memory_space<hbm>>) target(%dma_start3A_136 : memref<128x128xf32, #tpu.memory_space<vmem>>) offsets(%dma_start3A_139 : memref<128xi32, #tpu.memory_space<vmem>>) semaphore(%arg15 : memref<!tpu.dma_semaphore, #tpu.memory_space<semaphore_mem>>)
      %dma_wait3A_143 = arith.constant 2 : i32
      %dma_wait3A_144 = arith.constant 0 : i32
      %dma_wait3A_145 = arith.constant 0 : i32
      %dma_wait3A_146 = arith.constant 0 : i32
      %dma_wait3A_147 = tpu.memref_slice %arg14[%dma_wait3A_144, %dma_wait3A_145, %dma_wait3A_146] : memref<2x128x128xf32, #tpu.memory_space<vmem>> -> memref<1x128x128xf32, #tpu.memory_space<vmem>>
      %dma_wait3A_148 = tpu.memref_squeeze %dma_wait3A_147 : memref<1x128x128xf32, #tpu.memory_space<vmem>> -> memref<128x128xf32, #tpu.memory_space<vmem>>
      %dma_wait3A_149 = arith.constant 0 : i32
      %dma_wait3A_150 = tpu.memref_slice %arg12[%dma_wait3A_143, %dma_wait3A_149] : memref<8x128xi32, #tpu.memory_space<vmem>> -> memref<1x128xi32, #tpu.memory_space<vmem>>
      %dma_wait3A_151 = tpu.memref_squeeze %dma_wait3A_150 : memref<1x128xi32, #tpu.memory_space<vmem>> -> memref<128xi32, #tpu.memory_space<vmem>>
      %dma_wait3A_152 = arith.constant 0 : i32
      %dma_wait3A_153 = arith.constant 0 : i32
      %dma_wait3A_154 = tpu.memref_slice %arg3[%dma_wait3A_152, %dma_wait3A_153] : memref<10000x128xf32, #tpu.memory_space<hbm>> -> memref<10000x128xf32, #tpu.memory_space<hbm>>
      tpu.wait_indirect_dma semaphore(%arg15 : memref<!tpu.dma_semaphore, #tpu.memory_space<semaphore_mem>>) src(%dma_wait3A_154 : memref<10000x128xf32, #tpu.memory_space<hbm>>) dst(%dma_wait3A_148 : memref<128x128xf32, #tpu.memory_space<vmem>>)
      %dma_start3A_155 = arith.constant 0 : i32
      %dma_start3A_156 = arith.constant 2 : i32
      %dma_start3A_157 = arith.constant 0 : i32
      %dma_start3A_158 = arith.constant 0 : i32
      %dma_start3A_159 = tpu.memref_slice %arg14[%dma_start3A_155, %dma_start3A_157, %dma_start3A_158] : memref<2x128x128xf32, #tpu.memory_space<vmem>> -> memref<1x128x128xf32, #tpu.memory_space<vmem>>
      %dma_start3A_160 = tpu.memref_squeeze %dma_start3A_159 : memref<1x128x128xf32, #tpu.memory_space<vmem>> -> memref<128x128xf32, #tpu.memory_space<vmem>>
      %dma_start3A_161 = arith.constant 0 : i32
      %dma_start3A_162 = tpu.memref_slice %arg13[%dma_start3A_156, %dma_start3A_161] : memref<8x128xi32, #tpu.memory_space<vmem>> -> memref<1x128xi32, #tpu.memory_space<vmem>>
      %dma_start3A_163 = tpu.memref_squeeze %dma_start3A_162 : memref<1x128xi32, #tpu.memory_space<vmem>> -> memref<128xi32, #tpu.memory_space<vmem>>
      %dma_start3A_164 = arith.constant 0 : i32
      %dma_start3A_165 = arith.constant 0 : i32
      %dma_start3A_166 = tpu.memref_slice %arg11[%dma_start3A_164, %dma_start3A_165] : memref<10112x128xf32, #tpu.memory_space<vmem_shared>> -> memref<10112x128xf32, #tpu.memory_space<vmem_shared>>
      tpu.enqueue_indirect_dma source(%dma_start3A_160 : memref<128x128xf32, #tpu.memory_space<vmem>>) target(%dma_start3A_166 : memref<10112x128xf32, #tpu.memory_space<vmem_shared>>) offsets(%dma_start3A_163 : memref<128xi32, #tpu.memory_space<vmem>>) semaphore(%arg17 : memref<!tpu.dma_semaphore, #tpu.memory_space<semaphore_mem>>) {add = true}
      %dma_wait3A_167 = arith.constant 1 : i32
      %dma_wait3A_168 = arith.constant 1 : i32
      %dma_wait3A_169 = arith.constant 0 : i32
      %dma_wait3A_170 = arith.constant 0 : i32
      %dma_wait3A_171 = tpu.memref_slice %arg14[%dma_wait3A_167, %dma_wait3A_169, %dma_wait3A_170] : memref<2x128x128xf32, #tpu.memory_space<vmem>> -> memref<1x128x128xf32, #tpu.memory_space<vmem>>
      %dma_wait3A_172 = tpu.memref_squeeze %dma_wait3A_171 : memref<1x128x128xf32, #tpu.memory_space<vmem>> -> memref<128x128xf32, #tpu.memory_space<vmem>>
      %dma_wait3A_173 = arith.constant 0 : i32
      %dma_wait3A_174 = tpu.memref_slice %arg13[%dma_wait3A_168, %dma_wait3A_173] : memref<8x128xi32, #tpu.memory_space<vmem>> -> memref<1x128xi32, #tpu.memory_space<vmem>>
      %dma_wait3A_175 = tpu.memref_squeeze %dma_wait3A_174 : memref<1x128xi32, #tpu.memory_space<vmem>> -> memref<128xi32, #tpu.memory_space<vmem>>
      %dma_wait3A_176 = arith.constant 0 : i32
      %dma_wait3A_177 = arith.constant 0 : i32
      %dma_wait3A_178 = tpu.memref_slice %arg11[%dma_wait3A_176, %dma_wait3A_177] : memref<10112x128xf32, #tpu.memory_space<vmem_shared>> -> memref<10112x128xf32, #tpu.memory_space<vmem_shared>>
      tpu.wait_indirect_dma semaphore(%arg18 : memref<!tpu.dma_semaphore, #tpu.memory_space<semaphore_mem>>) src(%dma_wait3A_172 : memref<128x128xf32, #tpu.memory_space<vmem>>) dst(%dma_wait3A_178 : memref<10112x128xf32, #tpu.memory_space<vmem_shared>>)
      %dma_start3A_179 = arith.constant 3 : i32
      %dma_start3A_180 = arith.constant 1 : i32
      %dma_start3A_181 = arith.constant 0 : i32
      %dma_start3A_182 = arith.constant 0 : i32
      %dma_start3A_183 = tpu.memref_slice %arg14[%dma_start3A_180, %dma_start3A_181, %dma_start3A_182] : memref<2x128x128xf32, #tpu.memory_space<vmem>> -> memref<1x128x128xf32, #tpu.memory_space<vmem>>
      %dma_start3A_184 = tpu.memref_squeeze %dma_start3A_183 : memref<1x128x128xf32, #tpu.memory_space<vmem>> -> memref<128x128xf32, #tpu.memory_space<vmem>>
      %dma_start3A_185 = arith.constant 0 : i32
      %dma_start3A_186 = tpu.memref_slice %arg12[%dma_start3A_179, %dma_start3A_185] : memref<8x128xi32, #tpu.memory_space<vmem>> -> memref<1x128xi32, #tpu.memory_space<vmem>>
      %dma_start3A_187 = tpu.memref_squeeze %dma_start3A_186 : memref<1x128xi32, #tpu.memory_space<vmem>> -> memref<128xi32, #tpu.memory_space<vmem>>
      %dma_start3A_188 = arith.constant 0 : i32
      %dma_start3A_189 = arith.constant 0 : i32
      %dma_start3A_190 = tpu.memref_slice %arg3[%dma_start3A_188, %dma_start3A_189] : memref<10000x128xf32, #tpu.memory_space<hbm>> -> memref<10000x128xf32, #tpu.memory_space<hbm>>
      tpu.enqueue_indirect_dma source(%dma_start3A_190 : memref<10000x128xf32, #tpu.memory_space<hbm>>) target(%dma_start3A_184 : memref<128x128xf32, #tpu.memory_space<vmem>>) offsets(%dma_start3A_187 : memref<128xi32, #tpu.memory_space<vmem>>) semaphore(%arg16 : memref<!tpu.dma_semaphore, #tpu.memory_space<semaphore_mem>>)
      %dma_wait3A_191 = arith.constant 3 : i32
      %dma_wait3A_192 = arith.constant 1 : i32
      %dma_wait3A_193 = arith.constant 0 : i32
      %dma_wait3A_194 = arith.constant 0 : i32
      %dma_wait3A_195 = tpu.memref_slice %arg14[%dma_wait3A_192, %dma_wait3A_193, %dma_wait3A_194] : memref<2x128x128xf32, #tpu.memory_space<vmem>> -> memref<1x128x128xf32, #tpu.memory_space<vmem>>
      %dma_wait3A_196 = tpu.memref_squeeze %dma_wait3A_195 : memref<1x128x128xf32, #tpu.memory_space<vmem>> -> memref<128x128xf32, #tpu.memory_space<vmem>>
      %dma_wait3A_197 = arith.constant 0 : i32
      %dma_wait3A_198 = tpu.memref_slice %arg12[%dma_wait3A_191, %dma_wait3A_197] : memref<8x128xi32, #tpu.memory_space<vmem>> -> memref<1x128xi32, #tpu.memory_space<vmem>>
      %dma_wait3A_199 = tpu.memref_squeeze %dma_wait3A_198 : memref<1x128xi32, #tpu.memory_space<vmem>> -> memref<128xi32, #tpu.memory_space<vmem>>
      %dma_wait3A_200 = arith.constant 0 : i32
      %dma_wait3A_201 = arith.constant 0 : i32
      %dma_wait3A_202 = tpu.memref_slice %arg3[%dma_wait3A_200, %dma_wait3A_201] : memref<10000x128xf32, #tpu.memory_space<hbm>> -> memref<10000x128xf32, #tpu.memory_space<hbm>>
      tpu.wait_indirect_dma semaphore(%arg16 : memref<!tpu.dma_semaphore, #tpu.memory_space<semaphore_mem>>) src(%dma_wait3A_202 : memref<10000x128xf32, #tpu.memory_space<hbm>>) dst(%dma_wait3A_196 : memref<128x128xf32, #tpu.memory_space<vmem>>)
      %dma_start3A_203 = arith.constant 1 : i32
      %dma_start3A_204 = arith.constant 3 : i32
      %dma_start3A_205 = arith.constant 0 : i32
      %dma_start3A_206 = arith.constant 0 : i32
      %dma_start3A_207 = tpu.memref_slice %arg14[%dma_start3A_203, %dma_start3A_205, %dma_start3A_206] : memref<2x128x128xf32, #tpu.memory_space<vmem>> -> memref<1x128x128xf32, #tpu.memory_space<vmem>>
      %dma_start3A_208 = tpu.memref_squeeze %dma_start3A_207 : memref<1x128x128xf32, #tpu.memory_space<vmem>> -> memref<128x128xf32, #tpu.memory_space<vmem>>
      %dma_start3A_209 = arith.constant 0 : i32
      %dma_start3A_210 = tpu.memref_slice %arg13[%dma_start3A_204, %dma_start3A_209] : memref<8x128xi32, #tpu.memory_space<vmem>> -> memref<1x128xi32, #tpu.memory_space<vmem>>
      %dma_start3A_211 = tpu.memref_squeeze %dma_start3A_210 : memref<1x128xi32, #tpu.memory_space<vmem>> -> memref<128xi32, #tpu.memory_space<vmem>>
      %dma_start3A_212 = arith.constant 0 : i32
      %dma_start3A_213 = arith.constant 0 : i32
      %dma_start3A_214 = tpu.memref_slice %arg11[%dma_start3A_212, %dma_start3A_213] : memref<10112x128xf32, #tpu.memory_space<vmem_shared>> -> memref<10112x128xf32, #tpu.memory_space<vmem_shared>>
      tpu.enqueue_indirect_dma source(%dma_start3A_208 : memref<128x128xf32, #tpu.memory_space<vmem>>) target(%dma_start3A_214 : memref<10112x128xf32, #tpu.memory_space<vmem_shared>>) offsets(%dma_start3A_211 : memref<128xi32, #tpu.memory_space<vmem>>) semaphore(%arg18 : memref<!tpu.dma_semaphore, #tpu.memory_space<semaphore_mem>>) {add = true}
      %dma_wait3A_215 = arith.constant 0 : i32
      %dma_wait3A_216 = arith.constant 2 : i32
      %dma_wait3A_217 = arith.constant 0 : i32
      %dma_wait3A_218 = arith.constant 0 : i32
      %dma_wait3A_219 = tpu.memref_slice %arg14[%dma_wait3A_215, %dma_wait3A_217, %dma_wait3A_218] : memref<2x128x128xf32, #tpu.memory_space<vmem>> -> memref<1x128x128xf32, #tpu.memory_space<vmem>>
      %dma_wait3A_220 = tpu.memref_squeeze %dma_wait3A_219 : memref<1x128x128xf32, #tpu.memory_space<vmem>> -> memref<128x128xf32, #tpu.memory_space<vmem>>
      %dma_wait3A_221 = arith.constant 0 : i32
      %dma_wait3A_222 = tpu.memref_slice %arg13[%dma_wait3A_216, %dma_wait3A_221] : memref<8x128xi32, #tpu.memory_space<vmem>> -> memref<1x128xi32, #tpu.memory_space<vmem>>
      %dma_wait3A_223 = tpu.memref_squeeze %dma_wait3A_222 : memref<1x128xi32, #tpu.memory_space<vmem>> -> memref<128xi32, #tpu.memory_space<vmem>>
      %dma_wait3A_224 = arith.constant 0 : i32
      %dma_wait3A_225 = arith.constant 0 : i32
      %dma_wait3A_226 = tpu.memref_slice %arg11[%dma_wait3A_224, %dma_wait3A_225] : memref<10112x128xf32, #tpu.memory_space<vmem_shared>> -> memref<10112x128xf32, #tpu.memory_space<vmem_shared>>
      tpu.wait_indirect_dma semaphore(%arg17 : memref<!tpu.dma_semaphore, #tpu.memory_space<semaphore_mem>>) src(%dma_wait3A_220 : memref<128x128xf32, #tpu.memory_space<vmem>>) dst(%dma_wait3A_226 : memref<10112x128xf32, #tpu.memory_space<vmem_shared>>)
      %dma_start3A_227 = arith.constant 4 : i32
      %dma_start3A_228 = arith.constant 0 : i32
      %dma_start3A_229 = arith.constant 0 : i32
      %dma_start3A_230 = arith.constant 0 : i32
      %dma_start3A_231 = tpu.memref_slice %arg14[%dma_start3A_228, %dma_start3A_229, %dma_start3A_230] : memref<2x128x128xf32, #tpu.memory_space<vmem>> -> memref<1x128x128xf32, #tpu.memory_space<vmem>>
      %dma_start3A_232 = tpu.memref_squeeze %dma_start3A_231 : memref<1x128x128xf32, #tpu.memory_space<vmem>> -> memref<128x128xf32, #tpu.memory_space<vmem>>
      %dma_start3A_233 = arith.constant 0 : i32
      %dma_start3A_234 = tpu.memref_slice %arg12[%dma_start3A_227, %dma_start3A_233] : memref<8x128xi32, #tpu.memory_space<vmem>> -> memref<1x128xi32, #tpu.memory_space<vmem>>
      %dma_start3A_235 = tpu.memref_squeeze %dma_start3A_234 : memref<1x128xi32, #tpu.memory_space<vmem>> -> memref<128xi32, #tpu.memory_space<vmem>>
      %dma_start3A_236 = arith.constant 0 : i32
      %dma_start3A_237 = arith.constant 0 : i32
      %dma_start3A_238 = tpu.memref_slice %arg3[%dma_start3A_236, %dma_start3A_237] : memref<10000x128xf32, #tpu.memory_space<hbm>> -> memref<10000x128xf32, #tpu.memory_space<hbm>>
      tpu.enqueue_indirect_dma source(%dma_start3A_238 : memref<10000x128xf32, #tpu.memory_space<hbm>>) target(%dma_start3A_232 : memref<128x128xf32, #tpu.memory_space<vmem>>) offsets(%dma_start3A_235 : memref<128xi32, #tpu.memory_space<vmem>>) semaphore(%arg15 : memref<!tpu.dma_semaphore, #tpu.memory_space<semaphore_mem>>)
      %dma_wait3A_239 = arith.constant 4 : i32
      %dma_wait3A_240 = arith.constant 0 : i32
      %dma_wait3A_241 = arith.constant 0 : i32
      %dma_wait3A_242 = arith.constant 0 : i32
      %dma_wait3A_243 = tpu.memref_slice %arg14[%dma_wait3A_240, %dma_wait3A_241, %dma_wait3A_242] : memref<2x128x128xf32, #tpu.memory_space<vmem>> -> memref<1x128x128xf32, #tpu.memory_space<vmem>>
      %dma_wait3A_244 = tpu.memref_squeeze %dma_wait3A_243 : memref<1x128x128xf32, #tpu.memory_space<vmem>> -> memref<128x128xf32, #tpu.memory_space<vmem>>
      %dma_wait3A_245 = arith.constant 0 : i32
      %dma_wait3A_246 = tpu.memref_slice %arg12[%dma_wait3A_239, %dma_wait3A_245] : memref<8x128xi32, #tpu.memory_space<vmem>> -> memref<1x128xi32, #tpu.memory_space<vmem>>
      %dma_wait3A_247 = tpu.memref_squeeze %dma_wait3A_246 : memref<1x128xi32, #tpu.memory_space<vmem>> -> memref<128xi32, #tpu.memory_space<vmem>>
      %dma_wait3A_248 = arith.constant 0 : i32
      %dma_wait3A_249 = arith.constant 0 : i32
      %dma_wait3A_250 = tpu.memref_slice %arg3[%dma_wait3A_248, %dma_wait3A_249] : memref<10000x128xf32, #tpu.memory_space<hbm>> -> memref<10000x128xf32, #tpu.memory_space<hbm>>
      tpu.wait_indirect_dma semaphore(%arg15 : memref<!tpu.dma_semaphore, #tpu.memory_space<semaphore_mem>>) src(%dma_wait3A_250 : memref<10000x128xf32, #tpu.memory_space<hbm>>) dst(%dma_wait3A_244 : memref<128x128xf32, #tpu.memory_space<vmem>>)
      %dma_start3A_251 = arith.constant 0 : i32
      %dma_start3A_252 = arith.constant 4 : i32
      %dma_start3A_253 = arith.constant 0 : i32
      %dma_start3A_254 = arith.constant 0 : i32
      %dma_start3A_255 = tpu.memref_slice %arg14[%dma_start3A_251, %dma_start3A_253, %dma_start3A_254] : memref<2x128x128xf32, #tpu.memory_space<vmem>> -> memref<1x128x128xf32, #tpu.memory_space<vmem>>
      %dma_start3A_256 = tpu.memref_squeeze %dma_start3A_255 : memref<1x128x128xf32, #tpu.memory_space<vmem>> -> memref<128x128xf32, #tpu.memory_space<vmem>>
      %dma_start3A_257 = arith.constant 0 : i32
      %dma_start3A_258 = tpu.memref_slice %arg13[%dma_start3A_252, %dma_start3A_257] : memref<8x128xi32, #tpu.memory_space<vmem>> -> memref<1x128xi32, #tpu.memory_space<vmem>>
      %dma_start3A_259 = tpu.memref_squeeze %dma_start3A_258 : memref<1x128xi32, #tpu.memory_space<vmem>> -> memref<128xi32, #tpu.memory_space<vmem>>
      %dma_start3A_260 = arith.constant 0 : i32
      %dma_start3A_261 = arith.constant 0 : i32
      %dma_start3A_262 = tpu.memref_slice %arg11[%dma_start3A_260, %dma_start3A_261] : memref<10112x128xf32, #tpu.memory_space<vmem_shared>> -> memref<10112x128xf32, #tpu.memory_space<vmem_shared>>
      tpu.enqueue_indirect_dma source(%dma_start3A_256 : memref<128x128xf32, #tpu.memory_space<vmem>>) target(%dma_start3A_262 : memref<10112x128xf32, #tpu.memory_space<vmem_shared>>) offsets(%dma_start3A_259 : memref<128xi32, #tpu.memory_space<vmem>>) semaphore(%arg17 : memref<!tpu.dma_semaphore, #tpu.memory_space<semaphore_mem>>) {add = true}
      %dma_wait3A_263 = arith.constant 1 : i32
      %dma_wait3A_264 = arith.constant 3 : i32
      %dma_wait3A_265 = arith.constant 0 : i32
      %dma_wait3A_266 = arith.constant 0 : i32
      %dma_wait3A_267 = tpu.memref_slice %arg14[%dma_wait3A_263, %dma_wait3A_265, %dma_wait3A_266] : memref<2x128x128xf32, #tpu.memory_space<vmem>> -> memref<1x128x128xf32, #tpu.memory_space<vmem>>
      %dma_wait3A_268 = tpu.memref_squeeze %dma_wait3A_267 : memref<1x128x128xf32, #tpu.memory_space<vmem>> -> memref<128x128xf32, #tpu.memory_space<vmem>>
      %dma_wait3A_269 = arith.constant 0 : i32
      %dma_wait3A_270 = tpu.memref_slice %arg13[%dma_wait3A_264, %dma_wait3A_269] : memref<8x128xi32, #tpu.memory_space<vmem>> -> memref<1x128xi32, #tpu.memory_space<vmem>>
      %dma_wait3A_271 = tpu.memref_squeeze %dma_wait3A_270 : memref<1x128xi32, #tpu.memory_space<vmem>> -> memref<128xi32, #tpu.memory_space<vmem>>
      %dma_wait3A_272 = arith.constant 0 : i32
      %dma_wait3A_273 = arith.constant 0 : i32
      %dma_wait3A_274 = tpu.memref_slice %arg11[%dma_wait3A_272, %dma_wait3A_273] : memref<10112x128xf32, #tpu.memory_space<vmem_shared>> -> memref<10112x128xf32, #tpu.memory_space<vmem_shared>>
      tpu.wait_indirect_dma semaphore(%arg18 : memref<!tpu.dma_semaphore, #tpu.memory_space<semaphore_mem>>) src(%dma_wait3A_268 : memref<128x128xf32, #tpu.memory_space<vmem>>) dst(%dma_wait3A_274 : memref<10112x128xf32, #tpu.memory_space<vmem_shared>>)
      %dma_start3A_275 = arith.constant 5 : i32
      %dma_start3A_276 = arith.constant 1 : i32
      %dma_start3A_277 = arith.constant 0 : i32
      %dma_start3A_278 = arith.constant 0 : i32
      %dma_start3A_279 = tpu.memref_slice %arg14[%dma_start3A_276, %dma_start3A_277, %dma_start3A_278] : memref<2x128x128xf32, #tpu.memory_space<vmem>> -> memref<1x128x128xf32, #tpu.memory_space<vmem>>
      %dma_start3A_280 = tpu.memref_squeeze %dma_start3A_279 : memref<1x128x128xf32, #tpu.memory_space<vmem>> -> memref<128x128xf32, #tpu.memory_space<vmem>>
      %dma_start3A_281 = arith.constant 0 : i32
      %dma_start3A_282 = tpu.memref_slice %arg12[%dma_start3A_275, %dma_start3A_281] : memref<8x128xi32, #tpu.memory_space<vmem>> -> memref<1x128xi32, #tpu.memory_space<vmem>>
      %dma_start3A_283 = tpu.memref_squeeze %dma_start3A_282 : memref<1x128xi32, #tpu.memory_space<vmem>> -> memref<128xi32, #tpu.memory_space<vmem>>
      %dma_start3A_284 = arith.constant 0 : i32
      %dma_start3A_285 = arith.constant 0 : i32
      %dma_start3A_286 = tpu.memref_slice %arg3[%dma_start3A_284, %dma_start3A_285] : memref<10000x128xf32, #tpu.memory_space<hbm>> -> memref<10000x128xf32, #tpu.memory_space<hbm>>
      tpu.enqueue_indirect_dma source(%dma_start3A_286 : memref<10000x128xf32, #tpu.memory_space<hbm>>) target(%dma_start3A_280 : memref<128x128xf32, #tpu.memory_space<vmem>>) offsets(%dma_start3A_283 : memref<128xi32, #tpu.memory_space<vmem>>) semaphore(%arg16 : memref<!tpu.dma_semaphore, #tpu.memory_space<semaphore_mem>>)
      %dma_wait3A_287 = arith.constant 5 : i32
      %dma_wait3A_288 = arith.constant 1 : i32
      %dma_wait3A_289 = arith.constant 0 : i32
      %dma_wait3A_290 = arith.constant 0 : i32
      %dma_wait3A_291 = tpu.memref_slice %arg14[%dma_wait3A_288, %dma_wait3A_289, %dma_wait3A_290] : memref<2x128x128xf32, #tpu.memory_space<vmem>> -> memref<1x128x128xf32, #tpu.memory_space<vmem>>
      %dma_wait3A_292 = tpu.memref_squeeze %dma_wait3A_291 : memref<1x128x128xf32, #tpu.memory_space<vmem>> -> memref<128x128xf32, #tpu.memory_space<vmem>>
      %dma_wait3A_293 = arith.constant 0 : i32
      %dma_wait3A_294 = tpu.memref_slice %arg12[%dma_wait3A_287, %dma_wait3A_293] : memref<8x128xi32, #tpu.memory_space<vmem>> -> memref<1x128xi32, #tpu.memory_space<vmem>>
      %dma_wait3A_295 = tpu.memref_squeeze %dma_wait3A_294 : memref<1x128xi32, #tpu.memory_space<vmem>> -> memref<128xi32, #tpu.memory_space<vmem>>
      %dma_wait3A_296 = arith.constant 0 : i32
      %dma_wait3A_297 = arith.constant 0 : i32
      %dma_wait3A_298 = tpu.memref_slice %arg3[%dma_wait3A_296, %dma_wait3A_297] : memref<10000x128xf32, #tpu.memory_space<hbm>> -> memref<10000x128xf32, #tpu.memory_space<hbm>>
      tpu.wait_indirect_dma semaphore(%arg16 : memref<!tpu.dma_semaphore, #tpu.memory_space<semaphore_mem>>) src(%dma_wait3A_298 : memref<10000x128xf32, #tpu.memory_space<hbm>>) dst(%dma_wait3A_292 : memref<128x128xf32, #tpu.memory_space<vmem>>)
      %dma_start3A_299 = arith.constant 1 : i32
      %dma_start3A_300 = arith.constant 5 : i32
      %dma_start3A_301 = arith.constant 0 : i32
      %dma_start3A_302 = arith.constant 0 : i32
      %dma_start3A_303 = tpu.memref_slice %arg14[%dma_start3A_299, %dma_start3A_301, %dma_start3A_302] : memref<2x128x128xf32, #tpu.memory_space<vmem>> -> memref<1x128x128xf32, #tpu.memory_space<vmem>>
      %dma_start3A_304 = tpu.memref_squeeze %dma_start3A_303 : memref<1x128x128xf32, #tpu.memory_space<vmem>> -> memref<128x128xf32, #tpu.memory_space<vmem>>
      %dma_start3A_305 = arith.constant 0 : i32
      %dma_start3A_306 = tpu.memref_slice %arg13[%dma_start3A_300, %dma_start3A_305] : memref<8x128xi32, #tpu.memory_space<vmem>> -> memref<1x128xi32, #tpu.memory_space<vmem>>
      %dma_start3A_307 = tpu.memref_squeeze %dma_start3A_306 : memref<1x128xi32, #tpu.memory_space<vmem>> -> memref<128xi32, #tpu.memory_space<vmem>>
      %dma_start3A_308 = arith.constant 0 : i32
      %dma_start3A_309 = arith.constant 0 : i32
      %dma_start3A_310 = tpu.memref_slice %arg11[%dma_start3A_308, %dma_start3A_309] : memref<10112x128xf32, #tpu.memory_space<vmem_shared>> -> memref<10112x128xf32, #tpu.memory_space<vmem_shared>>
      tpu.enqueue_indirect_dma source(%dma_start3A_304 : memref<128x128xf32, #tpu.memory_space<vmem>>) target(%dma_start3A_310 : memref<10112x128xf32, #tpu.memory_space<vmem_shared>>) offsets(%dma_start3A_307 : memref<128xi32, #tpu.memory_space<vmem>>) semaphore(%arg18 : memref<!tpu.dma_semaphore, #tpu.memory_space<semaphore_mem>>) {add = true}
      %dma_wait3A_311 = arith.constant 0 : i32
      %dma_wait3A_312 = arith.constant 4 : i32
      %dma_wait3A_313 = arith.constant 0 : i32
      %dma_wait3A_314 = arith.constant 0 : i32
      %dma_wait3A_315 = tpu.memref_slice %arg14[%dma_wait3A_311, %dma_wait3A_313, %dma_wait3A_314] : memref<2x128x128xf32, #tpu.memory_space<vmem>> -> memref<1x128x128xf32, #tpu.memory_space<vmem>>
      %dma_wait3A_316 = tpu.memref_squeeze %dma_wait3A_315 : memref<1x128x128xf32, #tpu.memory_space<vmem>> -> memref<128x128xf32, #tpu.memory_space<vmem>>
      %dma_wait3A_317 = arith.constant 0 : i32
      %dma_wait3A_318 = tpu.memref_slice %arg13[%dma_wait3A_312, %dma_wait3A_317] : memref<8x128xi32, #tpu.memory_space<vmem>> -> memref<1x128xi32, #tpu.memory_space<vmem>>
      %dma_wait3A_319 = tpu.memref_squeeze %dma_wait3A_318 : memref<1x128xi32, #tpu.memory_space<vmem>> -> memref<128xi32, #tpu.memory_space<vmem>>
      %dma_wait3A_320 = arith.constant 0 : i32
      %dma_wait3A_321 = arith.constant 0 : i32
      %dma_wait3A_322 = tpu.memref_slice %arg11[%dma_wait3A_320, %dma_wait3A_321] : memref<10112x128xf32, #tpu.memory_space<vmem_shared>> -> memref<10112x128xf32, #tpu.memory_space<vmem_shared>>
      tpu.wait_indirect_dma semaphore(%arg17 : memref<!tpu.dma_semaphore, #tpu.memory_space<semaphore_mem>>) src(%dma_wait3A_316 : memref<128x128xf32, #tpu.memory_space<vmem>>) dst(%dma_wait3A_322 : memref<10112x128xf32, #tpu.memory_space<vmem_shared>>)
      %dma_start3A_323 = arith.constant 6 : i32
      %dma_start3A_324 = arith.constant 0 : i32
      %dma_start3A_325 = arith.constant 0 : i32
      %dma_start3A_326 = arith.constant 0 : i32
      %dma_start3A_327 = tpu.memref_slice %arg14[%dma_start3A_324, %dma_start3A_325, %dma_start3A_326] : memref<2x128x128xf32, #tpu.memory_space<vmem>> -> memref<1x128x128xf32, #tpu.memory_space<vmem>>
      %dma_start3A_328 = tpu.memref_squeeze %dma_start3A_327 : memref<1x128x128xf32, #tpu.memory_space<vmem>> -> memref<128x128xf32, #tpu.memory_space<vmem>>
      %dma_start3A_329 = arith.constant 0 : i32
      %dma_start3A_330 = tpu.memref_slice %arg12[%dma_start3A_323, %dma_start3A_329] : memref<8x128xi32, #tpu.memory_space<vmem>> -> memref<1x128xi32, #tpu.memory_space<vmem>>
      %dma_start3A_331 = tpu.memref_squeeze %dma_start3A_330 : memref<1x128xi32, #tpu.memory_space<vmem>> -> memref<128xi32, #tpu.memory_space<vmem>>
      %dma_start3A_332 = arith.constant 0 : i32
      %dma_start3A_333 = arith.constant 0 : i32
      %dma_start3A_334 = tpu.memref_slice %arg3[%dma_start3A_332, %dma_start3A_333] : memref<10000x128xf32, #tpu.memory_space<hbm>> -> memref<10000x128xf32, #tpu.memory_space<hbm>>
      tpu.enqueue_indirect_dma source(%dma_start3A_334 : memref<10000x128xf32, #tpu.memory_space<hbm>>) target(%dma_start3A_328 : memref<128x128xf32, #tpu.memory_space<vmem>>) offsets(%dma_start3A_331 : memref<128xi32, #tpu.memory_space<vmem>>) semaphore(%arg15 : memref<!tpu.dma_semaphore, #tpu.memory_space<semaphore_mem>>)
      %dma_wait3A_335 = arith.constant 6 : i32
      %dma_wait3A_336 = arith.constant 0 : i32
      %dma_wait3A_337 = arith.constant 0 : i32
      %dma_wait3A_338 = arith.constant 0 : i32
      %dma_wait3A_339 = tpu.memref_slice %arg14[%dma_wait3A_336, %dma_wait3A_337, %dma_wait3A_338] : memref<2x128x128xf32, #tpu.memory_space<vmem>> -> memref<1x128x128xf32, #tpu.memory_space<vmem>>
      %dma_wait3A_340 = tpu.memref_squeeze %dma_wait3A_339 : memref<1x128x128xf32, #tpu.memory_space<vmem>> -> memref<128x128xf32, #tpu.memory_space<vmem>>
      %dma_wait3A_341 = arith.constant 0 : i32
      %dma_wait3A_342 = tpu.memref_slice %arg12[%dma_wait3A_335, %dma_wait3A_341] : memref<8x128xi32, #tpu.memory_space<vmem>> -> memref<1x128xi32, #tpu.memory_space<vmem>>
      %dma_wait3A_343 = tpu.memref_squeeze %dma_wait3A_342 : memref<1x128xi32, #tpu.memory_space<vmem>> -> memref<128xi32, #tpu.memory_space<vmem>>
      %dma_wait3A_344 = arith.constant 0 : i32
      %dma_wait3A_345 = arith.constant 0 : i32
      %dma_wait3A_346 = tpu.memref_slice %arg3[%dma_wait3A_344, %dma_wait3A_345] : memref<10000x128xf32, #tpu.memory_space<hbm>> -> memref<10000x128xf32, #tpu.memory_space<hbm>>
      tpu.wait_indirect_dma semaphore(%arg15 : memref<!tpu.dma_semaphore, #tpu.memory_space<semaphore_mem>>) src(%dma_wait3A_346 : memref<10000x128xf32, #tpu.memory_space<hbm>>) dst(%dma_wait3A_340 : memref<128x128xf32, #tpu.memory_space<vmem>>)
      %dma_start3A_347 = arith.constant 0 : i32
      %dma_start3A_348 = arith.constant 6 : i32
      %dma_start3A_349 = arith.constant 0 : i32
      %dma_start3A_350 = arith.constant 0 : i32
      %dma_start3A_351 = tpu.memref_slice %arg14[%dma_start3A_347, %dma_start3A_349, %dma_start3A_350] : memref<2x128x128xf32, #tpu.memory_space<vmem>> -> memref<1x128x128xf32, #tpu.memory_space<vmem>>
      %dma_start3A_352 = tpu.memref_squeeze %dma_start3A_351 : memref<1x128x128xf32, #tpu.memory_space<vmem>> -> memref<128x128xf32, #tpu.memory_space<vmem>>
      %dma_start3A_353 = arith.constant 0 : i32
      %dma_start3A_354 = tpu.memref_slice %arg13[%dma_start3A_348, %dma_start3A_353] : memref<8x128xi32, #tpu.memory_space<vmem>> -> memref<1x128xi32, #tpu.memory_space<vmem>>
      %dma_start3A_355 = tpu.memref_squeeze %dma_start3A_354 : memref<1x128xi32, #tpu.memory_space<vmem>> -> memref<128xi32, #tpu.memory_space<vmem>>
      %dma_start3A_356 = arith.constant 0 : i32
      %dma_start3A_357 = arith.constant 0 : i32
      %dma_start3A_358 = tpu.memref_slice %arg11[%dma_start3A_356, %dma_start3A_357] : memref<10112x128xf32, #tpu.memory_space<vmem_shared>> -> memref<10112x128xf32, #tpu.memory_space<vmem_shared>>
      tpu.enqueue_indirect_dma source(%dma_start3A_352 : memref<128x128xf32, #tpu.memory_space<vmem>>) target(%dma_start3A_358 : memref<10112x128xf32, #tpu.memory_space<vmem_shared>>) offsets(%dma_start3A_355 : memref<128xi32, #tpu.memory_space<vmem>>) semaphore(%arg17 : memref<!tpu.dma_semaphore, #tpu.memory_space<semaphore_mem>>) {add = true}
      %dma_wait3A_359 = arith.constant 1 : i32
      %dma_wait3A_360 = arith.constant 5 : i32
      %dma_wait3A_361 = arith.constant 0 : i32
      %dma_wait3A_362 = arith.constant 0 : i32
      %dma_wait3A_363 = tpu.memref_slice %arg14[%dma_wait3A_359, %dma_wait3A_361, %dma_wait3A_362] : memref<2x128x128xf32, #tpu.memory_space<vmem>> -> memref<1x128x128xf32, #tpu.memory_space<vmem>>
      %dma_wait3A_364 = tpu.memref_squeeze %dma_wait3A_363 : memref<1x128x128xf32, #tpu.memory_space<vmem>> -> memref<128x128xf32, #tpu.memory_space<vmem>>
      %dma_wait3A_365 = arith.constant 0 : i32
      %dma_wait3A_366 = tpu.memref_slice %arg13[%dma_wait3A_360, %dma_wait3A_365] : memref<8x128xi32, #tpu.memory_space<vmem>> -> memref<1x128xi32, #tpu.memory_space<vmem>>
      %dma_wait3A_367 = tpu.memref_squeeze %dma_wait3A_366 : memref<1x128xi32, #tpu.memory_space<vmem>> -> memref<128xi32, #tpu.memory_space<vmem>>
      %dma_wait3A_368 = arith.constant 0 : i32
      %dma_wait3A_369 = arith.constant 0 : i32
      %dma_wait3A_370 = tpu.memref_slice %arg11[%dma_wait3A_368, %dma_wait3A_369] : memref<10112x128xf32, #tpu.memory_space<vmem_shared>> -> memref<10112x128xf32, #tpu.memory_space<vmem_shared>>
      tpu.wait_indirect_dma semaphore(%arg18 : memref<!tpu.dma_semaphore, #tpu.memory_space<semaphore_mem>>) src(%dma_wait3A_364 : memref<128x128xf32, #tpu.memory_space<vmem>>) dst(%dma_wait3A_370 : memref<10112x128xf32, #tpu.memory_space<vmem_shared>>)
      %dma_start3A_371 = arith.constant 7 : i32
      %dma_start3A_372 = arith.constant 1 : i32
      %dma_start3A_373 = arith.constant 0 : i32
      %dma_start3A_374 = arith.constant 0 : i32
      %dma_start3A_375 = tpu.memref_slice %arg14[%dma_start3A_372, %dma_start3A_373, %dma_start3A_374] : memref<2x128x128xf32, #tpu.memory_space<vmem>> -> memref<1x128x128xf32, #tpu.memory_space<vmem>>
      %dma_start3A_376 = tpu.memref_squeeze %dma_start3A_375 : memref<1x128x128xf32, #tpu.memory_space<vmem>> -> memref<128x128xf32, #tpu.memory_space<vmem>>
      %dma_start3A_377 = arith.constant 0 : i32
      %dma_start3A_378 = tpu.memref_slice %arg12[%dma_start3A_371, %dma_start3A_377] : memref<8x128xi32, #tpu.memory_space<vmem>> -> memref<1x128xi32, #tpu.memory_space<vmem>>
      %dma_start3A_379 = tpu.memref_squeeze %dma_start3A_378 : memref<1x128xi32, #tpu.memory_space<vmem>> -> memref<128xi32, #tpu.memory_space<vmem>>
      %dma_start3A_380 = arith.constant 0 : i32
      %dma_start3A_381 = arith.constant 0 : i32
      %dma_start3A_382 = tpu.memref_slice %arg3[%dma_start3A_380, %dma_start3A_381] : memref<10000x128xf32, #tpu.memory_space<hbm>> -> memref<10000x128xf32, #tpu.memory_space<hbm>>
      tpu.enqueue_indirect_dma source(%dma_start3A_382 : memref<10000x128xf32, #tpu.memory_space<hbm>>) target(%dma_start3A_376 : memref<128x128xf32, #tpu.memory_space<vmem>>) offsets(%dma_start3A_379 : memref<128xi32, #tpu.memory_space<vmem>>) semaphore(%arg16 : memref<!tpu.dma_semaphore, #tpu.memory_space<semaphore_mem>>)
      %dma_wait3A_383 = arith.constant 7 : i32
      %dma_wait3A_384 = arith.constant 1 : i32
      %dma_wait3A_385 = arith.constant 0 : i32
      %dma_wait3A_386 = arith.constant 0 : i32
      %dma_wait3A_387 = tpu.memref_slice %arg14[%dma_wait3A_384, %dma_wait3A_385, %dma_wait3A_386] : memref<2x128x128xf32, #tpu.memory_space<vmem>> -> memref<1x128x128xf32, #tpu.memory_space<vmem>>
      %dma_wait3A_388 = tpu.memref_squeeze %dma_wait3A_387 : memref<1x128x128xf32, #tpu.memory_space<vmem>> -> memref<128x128xf32, #tpu.memory_space<vmem>>
      %dma_wait3A_389 = arith.constant 0 : i32
      %dma_wait3A_390 = tpu.memref_slice %arg12[%dma_wait3A_383, %dma_wait3A_389] : memref<8x128xi32, #tpu.memory_space<vmem>> -> memref<1x128xi32, #tpu.memory_space<vmem>>
      %dma_wait3A_391 = tpu.memref_squeeze %dma_wait3A_390 : memref<1x128xi32, #tpu.memory_space<vmem>> -> memref<128xi32, #tpu.memory_space<vmem>>
      %dma_wait3A_392 = arith.constant 0 : i32
      %dma_wait3A_393 = arith.constant 0 : i32
      %dma_wait3A_394 = tpu.memref_slice %arg3[%dma_wait3A_392, %dma_wait3A_393] : memref<10000x128xf32, #tpu.memory_space<hbm>> -> memref<10000x128xf32, #tpu.memory_space<hbm>>
      tpu.wait_indirect_dma semaphore(%arg16 : memref<!tpu.dma_semaphore, #tpu.memory_space<semaphore_mem>>) src(%dma_wait3A_394 : memref<10000x128xf32, #tpu.memory_space<hbm>>) dst(%dma_wait3A_388 : memref<128x128xf32, #tpu.memory_space<vmem>>)
      %dma_start3A_395 = arith.constant 1 : i32
      %dma_start3A_396 = arith.constant 7 : i32
      %dma_start3A_397 = arith.constant 0 : i32
      %dma_start3A_398 = arith.constant 0 : i32
      %dma_start3A_399 = tpu.memref_slice %arg14[%dma_start3A_395, %dma_start3A_397, %dma_start3A_398] : memref<2x128x128xf32, #tpu.memory_space<vmem>> -> memref<1x128x128xf32, #tpu.memory_space<vmem>>
      %dma_start3A_400 = tpu.memref_squeeze %dma_start3A_399 : memref<1x128x128xf32, #tpu.memory_space<vmem>> -> memref<128x128xf32, #tpu.memory_space<vmem>>
      %dma_start3A_401 = arith.constant 0 : i32
      %dma_start3A_402 = tpu.memref_slice %arg13[%dma_start3A_396, %dma_start3A_401] : memref<8x128xi32, #tpu.memory_space<vmem>> -> memref<1x128xi32, #tpu.memory_space<vmem>>
      %dma_start3A_403 = tpu.memref_squeeze %dma_start3A_402 : memref<1x128xi32, #tpu.memory_space<vmem>> -> memref<128xi32, #tpu.memory_space<vmem>>
      %dma_start3A_404 = arith.constant 0 : i32
      %dma_start3A_405 = arith.constant 0 : i32
      %dma_start3A_406 = tpu.memref_slice %arg11[%dma_start3A_404, %dma_start3A_405] : memref<10112x128xf32, #tpu.memory_space<vmem_shared>> -> memref<10112x128xf32, #tpu.memory_space<vmem_shared>>
      tpu.enqueue_indirect_dma source(%dma_start3A_400 : memref<128x128xf32, #tpu.memory_space<vmem>>) target(%dma_start3A_406 : memref<10112x128xf32, #tpu.memory_space<vmem_shared>>) offsets(%dma_start3A_403 : memref<128xi32, #tpu.memory_space<vmem>>) semaphore(%arg18 : memref<!tpu.dma_semaphore, #tpu.memory_space<semaphore_mem>>) {add = true}
      %dma_wait3A_407 = arith.constant 0 : i32
      %dma_wait3A_408 = arith.constant 6 : i32
      %dma_wait3A_409 = arith.constant 0 : i32
      %dma_wait3A_410 = arith.constant 0 : i32
      %dma_wait3A_411 = tpu.memref_slice %arg14[%dma_wait3A_407, %dma_wait3A_409, %dma_wait3A_410] : memref<2x128x128xf32, #tpu.memory_space<vmem>> -> memref<1x128x128xf32, #tpu.memory_space<vmem>>
      %dma_wait3A_412 = tpu.memref_squeeze %dma_wait3A_411 : memref<1x128x128xf32, #tpu.memory_space<vmem>> -> memref<128x128xf32, #tpu.memory_space<vmem>>
      %dma_wait3A_413 = arith.constant 0 : i32
      %dma_wait3A_414 = tpu.memref_slice %arg13[%dma_wait3A_408, %dma_wait3A_413] : memref<8x128xi32, #tpu.memory_space<vmem>> -> memref<1x128xi32, #tpu.memory_space<vmem>>
      %dma_wait3A_415 = tpu.memref_squeeze %dma_wait3A_414 : memref<1x128xi32, #tpu.memory_space<vmem>> -> memref<128xi32, #tpu.memory_space<vmem>>
      %dma_wait3A_416 = arith.constant 0 : i32
      %dma_wait3A_417 = arith.constant 0 : i32
      %dma_wait3A_418 = tpu.memref_slice %arg11[%dma_wait3A_416, %dma_wait3A_417] : memref<10112x128xf32, #tpu.memory_space<vmem_shared>> -> memref<10112x128xf32, #tpu.memory_space<vmem_shared>>
      tpu.wait_indirect_dma semaphore(%arg17 : memref<!tpu.dma_semaphore, #tpu.memory_space<semaphore_mem>>) src(%dma_wait3A_412 : memref<128x128xf32, #tpu.memory_space<vmem>>) dst(%dma_wait3A_418 : memref<10112x128xf32, #tpu.memory_space<vmem_shared>>)
      %dma_wait3A_419 = arith.constant 1 : i32
      %dma_wait3A_420 = arith.constant 7 : i32
      %dma_wait3A_421 = arith.constant 0 : i32
      %dma_wait3A_422 = arith.constant 0 : i32
      %dma_wait3A_423 = tpu.memref_slice %arg14[%dma_wait3A_419, %dma_wait3A_421, %dma_wait3A_422] : memref<2x128x128xf32, #tpu.memory_space<vmem>> -> memref<1x128x128xf32, #tpu.memory_space<vmem>>
      %dma_wait3A_424 = tpu.memref_squeeze %dma_wait3A_423 : memref<1x128x128xf32, #tpu.memory_space<vmem>> -> memref<128x128xf32, #tpu.memory_space<vmem>>
      %dma_wait3A_425 = arith.constant 0 : i32
      %dma_wait3A_426 = tpu.memref_slice %arg13[%dma_wait3A_420, %dma_wait3A_425] : memref<8x128xi32, #tpu.memory_space<vmem>> -> memref<1x128xi32, #tpu.memory_space<vmem>>
      %dma_wait3A_427 = tpu.memref_squeeze %dma_wait3A_426 : memref<1x128xi32, #tpu.memory_space<vmem>> -> memref<128xi32, #tpu.memory_space<vmem>>
      %dma_wait3A_428 = arith.constant 0 : i32
      %dma_wait3A_429 = arith.constant 0 : i32
      %dma_wait3A_430 = tpu.memref_slice %arg11[%dma_wait3A_428, %dma_wait3A_429] : memref<10112x128xf32, #tpu.memory_space<vmem_shared>> -> memref<10112x128xf32, #tpu.memory_space<vmem_shared>>
      tpu.wait_indirect_dma semaphore(%arg18 : memref<!tpu.dma_semaphore, #tpu.memory_space<semaphore_mem>>) src(%dma_wait3A_424 : memref<128x128xf32, #tpu.memory_space<vmem>>) dst(%dma_wait3A_430 : memref<10112x128xf32, #tpu.memory_space<vmem_shared>>)
    }
    %while3A_43 = arith.constant 1 : i32
    scf.for %while3A_45 = %while3A_41 to %while3A_37 step %while3A_43  : i32 {
      %mul3A_46 = arith.constant 8 : i32
      %mul3A_47 = arith.muli %while3A_45, %mul3A_46 : i32
      %add3A_48 = arith.addi %select_n3A, %mul3A_47 : i32
      "tpu.region"() ({
        %run_scoped3A_431 = tpu.sem_alloc : memref<!tpu.dma_semaphore, #tpu.memory_space<semaphore_mem>>
        %dma_start3A_432 = arith.constant 0 : i32
        %dma_start3A_433 = tpu.memref_slice %arg4[%add3A_48, %dma_start3A_432] : memref<2560x128xi32, #tpu.memory_space<hbm>> -> memref<8x128xi32, #tpu.memory_space<hbm>>
        %dma_start3A_434 = arith.constant 0 : i32
        %dma_start3A_435 = tpu.memref_slice %arg4[%add3A_48, %dma_start3A_434] : memref<2560x128xi32, #tpu.memory_space<hbm>> -> memref<8x128xi32, #tpu.memory_space<hbm>>
        tpu.enqueue_dma source(%dma_start3A_435 : memref<8x128xi32, #tpu.memory_space<hbm>>) target(%arg12 : memref<8x128xi32, #tpu.memory_space<vmem>>) target_semaphore(%run_scoped3A_431 : memref<!tpu.dma_semaphore, #tpu.memory_space<semaphore_mem>>)
        %dma_wait3A_436 = arith.constant 0 : i32
        %dma_wait3A_437 = tpu.memref_slice %arg4[%add3A_48, %dma_wait3A_436] : memref<2560x128xi32, #tpu.memory_space<hbm>> -> memref<8x128xi32, #tpu.memory_space<hbm>>
        %dma_wait3A_438 = arith.constant 0 : i32
        %dma_wait3A_439 = tpu.memref_slice %arg4[%add3A_48, %dma_wait3A_438] : memref<2560x128xi32, #tpu.memory_space<hbm>> -> memref<8x128xi32, #tpu.memory_space<hbm>>
        tpu.wait_dma2 semaphore(%run_scoped3A_431 : memref<!tpu.dma_semaphore, #tpu.memory_space<semaphore_mem>>) src(%dma_wait3A_439 : memref<8x128xi32, #tpu.memory_space<hbm>>) dst(%arg12 : memref<8x128xi32, #tpu.memory_space<vmem>>)
        tpu.yield
      }) : () -> ()
      "tpu.region"() ({
        %run_scoped3A_431 = tpu.sem_alloc : memref<!tpu.dma_semaphore, #tpu.memory_space<semaphore_mem>>
        %dma_start3A_432 = arith.constant 0 : i32
        %dma_start3A_433 = tpu.memref_slice %arg5[%add3A_48, %dma_start3A_432] : memref<2560x128xi32, #tpu.memory_space<hbm>> -> memref<8x128xi32, #tpu.memory_space<hbm>>
        %dma_start3A_434 = arith.constant 0 : i32
        %dma_start3A_435 = tpu.memref_slice %arg5[%add3A_48, %dma_start3A_434] : memref<2560x128xi32, #tpu.memory_space<hbm>> -> memref<8x128xi32, #tpu.memory_space<hbm>>
        tpu.enqueue_dma source(%dma_start3A_435 : memref<8x128xi32, #tpu.memory_space<hbm>>) target(%arg13 : memref<8x128xi32, #tpu.memory_space<vmem>>) target_semaphore(%run_scoped3A_431 : memref<!tpu.dma_semaphore, #tpu.memory_space<semaphore_mem>>)
        %dma_wait3A_436 = arith.constant 0 : i32
        %dma_wait3A_437 = tpu.memref_slice %arg5[%add3A_48, %dma_wait3A_436] : memref<2560x128xi32, #tpu.memory_space<hbm>> -> memref<8x128xi32, #tpu.memory_space<hbm>>
        %dma_wait3A_438 = arith.constant 0 : i32
        %dma_wait3A_439 = tpu.memref_slice %arg5[%add3A_48, %dma_wait3A_438] : memref<2560x128xi32, #tpu.memory_space<hbm>> -> memref<8x128xi32, #tpu.memory_space<hbm>>
        tpu.wait_dma2 semaphore(%run_scoped3A_431 : memref<!tpu.dma_semaphore, #tpu.memory_space<semaphore_mem>>) src(%dma_wait3A_439 : memref<8x128xi32, #tpu.memory_space<hbm>>) dst(%arg13 : memref<8x128xi32, #tpu.memory_space<vmem>>)
        tpu.yield
      }) : () -> ()
      %dma_start3A = arith.constant 0 : i32
      %dma_start3A_49 = arith.constant 0 : i32
      %dma_start3A_50 = arith.constant 0 : i32
      %dma_start3A_51 = arith.constant 0 : i32
      %dma_start3A_52 = tpu.memref_slice %arg14[%dma_start3A_49, %dma_start3A_50, %dma_start3A_51] : memref<2x128x128xf32, #tpu.memory_space<vmem>> -> memref<1x128x128xf32, #tpu.memory_space<vmem>>
      %dma_start3A_53 = tpu.memref_squeeze %dma_start3A_52 : memref<1x128x128xf32, #tpu.memory_space<vmem>> -> memref<128x128xf32, #tpu.memory_space<vmem>>
      %dma_start3A_54 = arith.constant 0 : i32
      %dma_start3A_55 = tpu.memref_slice %arg12[%dma_start3A, %dma_start3A_54] : memref<8x128xi32, #tpu.memory_space<vmem>> -> memref<1x128xi32, #tpu.memory_space<vmem>>
      %dma_start3A_56 = tpu.memref_squeeze %dma_start3A_55 : memref<1x128xi32, #tpu.memory_space<vmem>> -> memref<128xi32, #tpu.memory_space<vmem>>
      %dma_start3A_57 = arith.constant 0 : i32
      %dma_start3A_58 = arith.constant 0 : i32
      %dma_start3A_59 = tpu.memref_slice %arg3[%dma_start3A_57, %dma_start3A_58] : memref<10000x128xf32, #tpu.memory_space<hbm>> -> memref<10000x128xf32, #tpu.memory_space<hbm>>
      tpu.enqueue_indirect_dma source(%dma_start3A_59 : memref<10000x128xf32, #tpu.memory_space<hbm>>) target(%dma_start3A_53 : memref<128x128xf32, #tpu.memory_space<vmem>>) offsets(%dma_start3A_56 : memref<128xi32, #tpu.memory_space<vmem>>) semaphore(%arg15 : memref<!tpu.dma_semaphore, #tpu.memory_space<semaphore_mem>>)
      %dma_wait3A = arith.constant 0 : i32
      %dma_wait3A_60 = arith.constant 0 : i32
      %dma_wait3A_61 = arith.constant 0 : i32
      %dma_wait3A_62 = arith.constant 0 : i32
      %dma_wait3A_63 = tpu.memref_slice %arg14[%dma_wait3A_60, %dma_wait3A_61, %dma_wait3A_62] : memref<2x128x128xf32, #tpu.memory_space<vmem>> -> memref<1x128x128xf32, #tpu.memory_space<vmem>>
      %dma_wait3A_64 = tpu.memref_squeeze %dma_wait3A_63 : memref<1x128x128xf32, #tpu.memory_space<vmem>> -> memref<128x128xf32, #tpu.memory_space<vmem>>
      %dma_wait3A_65 = arith.constant 0 : i32
      %dma_wait3A_66 = tpu.memref_slice %arg12[%dma_wait3A, %dma_wait3A_65] : memref<8x128xi32, #tpu.memory_space<vmem>> -> memref<1x128xi32, #tpu.memory_space<vmem>>
      %dma_wait3A_67 = tpu.memref_squeeze %dma_wait3A_66 : memref<1x128xi32, #tpu.memory_space<vmem>> -> memref<128xi32, #tpu.memory_space<vmem>>
      %dma_wait3A_68 = arith.constant 0 : i32
      %dma_wait3A_69 = arith.constant 0 : i32
      %dma_wait3A_70 = tpu.memref_slice %arg3[%dma_wait3A_68, %dma_wait3A_69] : memref<10000x128xf32, #tpu.memory_space<hbm>> -> memref<10000x128xf32, #tpu.memory_space<hbm>>
      tpu.wait_indirect_dma semaphore(%arg15 : memref<!tpu.dma_semaphore, #tpu.memory_space<semaphore_mem>>) src(%dma_wait3A_70 : memref<10000x128xf32, #tpu.memory_space<hbm>>) dst(%dma_wait3A_64 : memref<128x128xf32, #tpu.memory_space<vmem>>)
      %dma_start3A_71 = arith.constant 0 : i32
      %dma_start3A_72 = arith.constant 0 : i32
      %dma_start3A_73 = arith.constant 0 : i32
      %dma_start3A_74 = arith.constant 0 : i32
      %dma_start3A_75 = tpu.memref_slice %arg14[%dma_start3A_71, %dma_start3A_73, %dma_start3A_74] : memref<2x128x128xf32, #tpu.memory_space<vmem>> -> memref<1x128x128xf32, #tpu.memory_space<vmem>>
      %dma_start3A_76 = tpu.memref_squeeze %dma_start3A_75 : memref<1x128x128xf32, #tpu.memory_space<vmem>> -> memref<128x128xf32, #tpu.memory_space<vmem>>
      %dma_start3A_77 = arith.constant 0 : i32
      %dma_start3A_78 = tpu.memref_slice %arg13[%dma_start3A_72, %dma_start3A_77] : memref<8x128xi32, #tpu.memory_space<vmem>> -> memref<1x128xi32, #tpu.memory_space<vmem>>
      %dma_start3A_79 = tpu.memref_squeeze %dma_start3A_78 : memref<1x128xi32, #tpu.memory_space<vmem>> -> memref<128xi32, #tpu.memory_space<vmem>>
      %dma_start3A_80 = arith.constant 0 : i32
      %dma_start3A_81 = arith.constant 0 : i32
      %dma_start3A_82 = tpu.memref_slice %arg11[%dma_start3A_80, %dma_start3A_81] : memref<10112x128xf32, #tpu.memory_space<vmem_shared>> -> memref<10112x128xf32, #tpu.memory_space<vmem_shared>>
      tpu.enqueue_indirect_dma source(%dma_start3A_76 : memref<128x128xf32, #tpu.memory_space<vmem>>) target(%dma_start3A_82 : memref<10112x128xf32, #tpu.memory_space<vmem_shared>>) offsets(%dma_start3A_79 : memref<128xi32, #tpu.memory_space<vmem>>) semaphore(%arg17 : memref<!tpu.dma_semaphore, #tpu.memory_space<semaphore_mem>>) {add = true}
      %dma_start3A_83 = arith.constant 1 : i32
      %dma_start3A_84 = arith.constant 1 : i32
      %dma_start3A_85 = arith.constant 0 : i32
      %dma_start3A_86 = arith.constant 0 : i32
      %dma_start3A_87 = tpu.memref_slice %arg14[%dma_start3A_84, %dma_start3A_85, %dma_start3A_86] : memref<2x128x128xf32, #tpu.memory_space<vmem>> -> memref<1x128x128xf32, #tpu.memory_space<vmem>>
      %dma_start3A_88 = tpu.memref_squeeze %dma_start3A_87 : memref<1x128x128xf32, #tpu.memory_space<vmem>> -> memref<128x128xf32, #tpu.memory_space<vmem>>
      %dma_start3A_89 = arith.constant 0 : i32
      %dma_start3A_90 = tpu.memref_slice %arg12[%dma_start3A_83, %dma_start3A_89] : memref<8x128xi32, #tpu.memory_space<vmem>> -> memref<1x128xi32, #tpu.memory_space<vmem>>
      %dma_start3A_91 = tpu.memref_squeeze %dma_start3A_90 : memref<1x128xi32, #tpu.memory_space<vmem>> -> memref<128xi32, #tpu.memory_space<vmem>>
      %dma_start3A_92 = arith.constant 0 : i32
      %dma_start3A_93 = arith.constant 0 : i32
      %dma_start3A_94 = tpu.memref_slice %arg3[%dma_start3A_92, %dma_start3A_93] : memref<10000x128xf32, #tpu.memory_space<hbm>> -> memref<10000x128xf32, #tpu.memory_space<hbm>>
      tpu.enqueue_indirect_dma source(%dma_start3A_94 : memref<10000x128xf32, #tpu.memory_space<hbm>>) target(%dma_start3A_88 : memref<128x128xf32, #tpu.memory_space<vmem>>) offsets(%dma_start3A_91 : memref<128xi32, #tpu.memory_space<vmem>>) semaphore(%arg16 : memref<!tpu.dma_semaphore, #tpu.memory_space<semaphore_mem>>)
      %dma_wait3A_95 = arith.constant 1 : i32
      %dma_wait3A_96 = arith.constant 1 : i32
      %dma_wait3A_97 = arith.constant 0 : i32
      %dma_wait3A_98 = arith.constant 0 : i32
      %dma_wait3A_99 = tpu.memref_slice %arg14[%dma_wait3A_96, %dma_wait3A_97, %dma_wait3A_98] : memref<2x128x128xf32, #tpu.memory_space<vmem>> -> memref<1x128x128xf32, #tpu.memory_space<vmem>>
      %dma_wait3A_100 = tpu.memref_squeeze %dma_wait3A_99 : memref<1x128x128xf32, #tpu.memory_space<vmem>> -> memref<128x128xf32, #tpu.memory_space<vmem>>
      %dma_wait3A_101 = arith.constant 0 : i32
      %dma_wait3A_102 = tpu.memref_slice %arg12[%dma_wait3A_95, %dma_wait3A_101] : memref<8x128xi32, #tpu.memory_space<vmem>> -> memref<1x128xi32, #tpu.memory_space<vmem>>
      %dma_wait3A_103 = tpu.memref_squeeze %dma_wait3A_102 : memref<1x128xi32, #tpu.memory_space<vmem>> -> memref<128xi32, #tpu.memory_space<vmem>>
      %dma_wait3A_104 = arith.constant 0 : i32
      %dma_wait3A_105 = arith.constant 0 : i32
      %dma_wait3A_106 = tpu.memref_slice %arg3[%dma_wait3A_104, %dma_wait3A_105] : memref<10000x128xf32, #tpu.memory_space<hbm>> -> memref<10000x128xf32, #tpu.memory_space<hbm>>
      tpu.wait_indirect_dma semaphore(%arg16 : memref<!tpu.dma_semaphore, #tpu.memory_space<semaphore_mem>>) src(%dma_wait3A_106 : memref<10000x128xf32, #tpu.memory_space<hbm>>) dst(%dma_wait3A_100 : memref<128x128xf32, #tpu.memory_space<vmem>>)
      %dma_start3A_107 = arith.constant 1 : i32
      %dma_start3A_108 = arith.constant 1 : i32
      %dma_start3A_109 = arith.constant 0 : i32
      %dma_start3A_110 = arith.constant 0 : i32
      %dma_start3A_111 = tpu.memref_slice %arg14[%dma_start3A_107, %dma_start3A_109, %dma_start3A_110] : memref<2x128x128xf32, #tpu.memory_space<vmem>> -> memref<1x128x128xf32, #tpu.memory_space<vmem>>
      %dma_start3A_112 = tpu.memref_squeeze %dma_start3A_111 : memref<1x128x128xf32, #tpu.memory_space<vmem>> -> memref<128x128xf32, #tpu.memory_space<vmem>>
      %dma_start3A_113 = arith.constant 0 : i32
      %dma_start3A_114 = tpu.memref_slice %arg13[%dma_start3A_108, %dma_start3A_113] : memref<8x128xi32, #tpu.memory_space<vmem>> -> memref<1x128xi32, #tpu.memory_space<vmem>>
      %dma_start3A_115 = tpu.memref_squeeze %dma_start3A_114 : memref<1x128xi32, #tpu.memory_space<vmem>> -> memref<128xi32, #tpu.memory_space<vmem>>
      %dma_start3A_116 = arith.constant 0 : i32
      %dma_start3A_117 = arith.constant 0 : i32
      %dma_start3A_118 = tpu.memref_slice %arg11[%dma_start3A_116, %dma_start3A_117] : memref<10112x128xf32, #tpu.memory_space<vmem_shared>> -> memref<10112x128xf32, #tpu.memory_space<vmem_shared>>
      tpu.enqueue_indirect_dma source(%dma_start3A_112 : memref<128x128xf32, #tpu.memory_space<vmem>>) target(%dma_start3A_118 : memref<10112x128xf32, #tpu.memory_space<vmem_shared>>) offsets(%dma_start3A_115 : memref<128xi32, #tpu.memory_space<vmem>>) semaphore(%arg18 : memref<!tpu.dma_semaphore, #tpu.memory_space<semaphore_mem>>) {add = true}
      %dma_wait3A_119 = arith.constant 0 : i32
      %dma_wait3A_120 = arith.constant 0 : i32
      %dma_wait3A_121 = arith.constant 0 : i32
      %dma_wait3A_122 = arith.constant 0 : i32
      %dma_wait3A_123 = tpu.memref_slice %arg14[%dma_wait3A_119, %dma_wait3A_121, %dma_wait3A_122] : memref<2x128x128xf32, #tpu.memory_space<vmem>> -> memref<1x128x128xf32, #tpu.memory_space<vmem>>
      %dma_wait3A_124 = tpu.memref_squeeze %dma_wait3A_123 : memref<1x128x128xf32, #tpu.memory_space<vmem>> -> memref<128x128xf32, #tpu.memory_space<vmem>>
      %dma_wait3A_125 = arith.constant 0 : i32
      %dma_wait3A_126 = tpu.memref_slice %arg13[%dma_wait3A_120, %dma_wait3A_125] : memref<8x128xi32, #tpu.memory_space<vmem>> -> memref<1x128xi32, #tpu.memory_space<vmem>>
      %dma_wait3A_127 = tpu.memref_squeeze %dma_wait3A_126 : memref<1x128xi32, #tpu.memory_space<vmem>> -> memref<128xi32, #tpu.memory_space<vmem>>
      %dma_wait3A_128 = arith.constant 0 : i32
      %dma_wait3A_129 = arith.constant 0 : i32
      %dma_wait3A_130 = tpu.memref_slice %arg11[%dma_wait3A_128, %dma_wait3A_129] : memref<10112x128xf32, #tpu.memory_space<vmem_shared>> -> memref<10112x128xf32, #tpu.memory_space<vmem_shared>>
      tpu.wait_indirect_dma semaphore(%arg17 : memref<!tpu.dma_semaphore, #tpu.memory_space<semaphore_mem>>) src(%dma_wait3A_124 : memref<128x128xf32, #tpu.memory_space<vmem>>) dst(%dma_wait3A_130 : memref<10112x128xf32, #tpu.memory_space<vmem_shared>>)
      %dma_start3A_131 = arith.constant 2 : i32
      %dma_start3A_132 = arith.constant 0 : i32
      %dma_start3A_133 = arith.constant 0 : i32
      %dma_start3A_134 = arith.constant 0 : i32
      %dma_start3A_135 = tpu.memref_slice %arg14[%dma_start3A_132, %dma_start3A_133, %dma_start3A_134] : memref<2x128x128xf32, #tpu.memory_space<vmem>> -> memref<1x128x128xf32, #tpu.memory_space<vmem>>
      %dma_start3A_136 = tpu.memref_squeeze %dma_start3A_135 : memref<1x128x128xf32, #tpu.memory_space<vmem>> -> memref<128x128xf32, #tpu.memory_space<vmem>>
      %dma_start3A_137 = arith.constant 0 : i32
      %dma_start3A_138 = tpu.memref_slice %arg12[%dma_start3A_131, %dma_start3A_137] : memref<8x128xi32, #tpu.memory_space<vmem>> -> memref<1x128xi32, #tpu.memory_space<vmem>>
      %dma_start3A_139 = tpu.memref_squeeze %dma_start3A_138 : memref<1x128xi32, #tpu.memory_space<vmem>> -> memref<128xi32, #tpu.memory_space<vmem>>
      %dma_start3A_140 = arith.constant 0 : i32
      %dma_start3A_141 = arith.constant 0 : i32
      %dma_start3A_142 = tpu.memref_slice %arg3[%dma_start3A_140, %dma_start3A_141] : memref<10000x128xf32, #tpu.memory_space<hbm>> -> memref<10000x128xf32, #tpu.memory_space<hbm>>
      tpu.enqueue_indirect_dma source(%dma_start3A_142 : memref<10000x128xf32, #tpu.memory_space<hbm>>) target(%dma_start3A_136 : memref<128x128xf32, #tpu.memory_space<vmem>>) offsets(%dma_start3A_139 : memref<128xi32, #tpu.memory_space<vmem>>) semaphore(%arg15 : memref<!tpu.dma_semaphore, #tpu.memory_space<semaphore_mem>>)
      %dma_wait3A_143 = arith.constant 2 : i32
      %dma_wait3A_144 = arith.constant 0 : i32
      %dma_wait3A_145 = arith.constant 0 : i32
      %dma_wait3A_146 = arith.constant 0 : i32
      %dma_wait3A_147 = tpu.memref_slice %arg14[%dma_wait3A_144, %dma_wait3A_145, %dma_wait3A_146] : memref<2x128x128xf32, #tpu.memory_space<vmem>> -> memref<1x128x128xf32, #tpu.memory_space<vmem>>
      %dma_wait3A_148 = tpu.memref_squeeze %dma_wait3A_147 : memref<1x128x128xf32, #tpu.memory_space<vmem>> -> memref<128x128xf32, #tpu.memory_space<vmem>>
      %dma_wait3A_149 = arith.constant 0 : i32
      %dma_wait3A_150 = tpu.memref_slice %arg12[%dma_wait3A_143, %dma_wait3A_149] : memref<8x128xi32, #tpu.memory_space<vmem>> -> memref<1x128xi32, #tpu.memory_space<vmem>>
      %dma_wait3A_151 = tpu.memref_squeeze %dma_wait3A_150 : memref<1x128xi32, #tpu.memory_space<vmem>> -> memref<128xi32, #tpu.memory_space<vmem>>
      %dma_wait3A_152 = arith.constant 0 : i32
      %dma_wait3A_153 = arith.constant 0 : i32
      %dma_wait3A_154 = tpu.memref_slice %arg3[%dma_wait3A_152, %dma_wait3A_153] : memref<10000x128xf32, #tpu.memory_space<hbm>> -> memref<10000x128xf32, #tpu.memory_space<hbm>>
      tpu.wait_indirect_dma semaphore(%arg15 : memref<!tpu.dma_semaphore, #tpu.memory_space<semaphore_mem>>) src(%dma_wait3A_154 : memref<10000x128xf32, #tpu.memory_space<hbm>>) dst(%dma_wait3A_148 : memref<128x128xf32, #tpu.memory_space<vmem>>)
      %dma_start3A_155 = arith.constant 0 : i32
      %dma_start3A_156 = arith.constant 2 : i32
      %dma_start3A_157 = arith.constant 0 : i32
      %dma_start3A_158 = arith.constant 0 : i32
      %dma_start3A_159 = tpu.memref_slice %arg14[%dma_start3A_155, %dma_start3A_157, %dma_start3A_158] : memref<2x128x128xf32, #tpu.memory_space<vmem>> -> memref<1x128x128xf32, #tpu.memory_space<vmem>>
      %dma_start3A_160 = tpu.memref_squeeze %dma_start3A_159 : memref<1x128x128xf32, #tpu.memory_space<vmem>> -> memref<128x128xf32, #tpu.memory_space<vmem>>
      %dma_start3A_161 = arith.constant 0 : i32
      %dma_start3A_162 = tpu.memref_slice %arg13[%dma_start3A_156, %dma_start3A_161] : memref<8x128xi32, #tpu.memory_space<vmem>> -> memref<1x128xi32, #tpu.memory_space<vmem>>
      %dma_start3A_163 = tpu.memref_squeeze %dma_start3A_162 : memref<1x128xi32, #tpu.memory_space<vmem>> -> memref<128xi32, #tpu.memory_space<vmem>>
      %dma_start3A_164 = arith.constant 0 : i32
      %dma_start3A_165 = arith.constant 0 : i32
      %dma_start3A_166 = tpu.memref_slice %arg11[%dma_start3A_164, %dma_start3A_165] : memref<10112x128xf32, #tpu.memory_space<vmem_shared>> -> memref<10112x128xf32, #tpu.memory_space<vmem_shared>>
      tpu.enqueue_indirect_dma source(%dma_start3A_160 : memref<128x128xf32, #tpu.memory_space<vmem>>) target(%dma_start3A_166 : memref<10112x128xf32, #tpu.memory_space<vmem_shared>>) offsets(%dma_start3A_163 : memref<128xi32, #tpu.memory_space<vmem>>) semaphore(%arg17 : memref<!tpu.dma_semaphore, #tpu.memory_space<semaphore_mem>>) {add = true}
      %dma_wait3A_167 = arith.constant 1 : i32
      %dma_wait3A_168 = arith.constant 1 : i32
      %dma_wait3A_169 = arith.constant 0 : i32
      %dma_wait3A_170 = arith.constant 0 : i32
      %dma_wait3A_171 = tpu.memref_slice %arg14[%dma_wait3A_167, %dma_wait3A_169, %dma_wait3A_170] : memref<2x128x128xf32, #tpu.memory_space<vmem>> -> memref<1x128x128xf32, #tpu.memory_space<vmem>>
      %dma_wait3A_172 = tpu.memref_squeeze %dma_wait3A_171 : memref<1x128x128xf32, #tpu.memory_space<vmem>> -> memref<128x128xf32, #tpu.memory_space<vmem>>
      %dma_wait3A_173 = arith.constant 0 : i32
      %dma_wait3A_174 = tpu.memref_slice %arg13[%dma_wait3A_168, %dma_wait3A_173] : memref<8x128xi32, #tpu.memory_space<vmem>> -> memref<1x128xi32, #tpu.memory_space<vmem>>
      %dma_wait3A_175 = tpu.memref_squeeze %dma_wait3A_174 : memref<1x128xi32, #tpu.memory_space<vmem>> -> memref<128xi32, #tpu.memory_space<vmem>>
      %dma_wait3A_176 = arith.constant 0 : i32
      %dma_wait3A_177 = arith.constant 0 : i32
      %dma_wait3A_178 = tpu.memref_slice %arg11[%dma_wait3A_176, %dma_wait3A_177] : memref<10112x128xf32, #tpu.memory_space<vmem_shared>> -> memref<10112x128xf32, #tpu.memory_space<vmem_shared>>
      tpu.wait_indirect_dma semaphore(%arg18 : memref<!tpu.dma_semaphore, #tpu.memory_space<semaphore_mem>>) src(%dma_wait3A_172 : memref<128x128xf32, #tpu.memory_space<vmem>>) dst(%dma_wait3A_178 : memref<10112x128xf32, #tpu.memory_space<vmem_shared>>)
      %dma_start3A_179 = arith.constant 3 : i32
      %dma_start3A_180 = arith.constant 1 : i32
      %dma_start3A_181 = arith.constant 0 : i32
      %dma_start3A_182 = arith.constant 0 : i32
      %dma_start3A_183 = tpu.memref_slice %arg14[%dma_start3A_180, %dma_start3A_181, %dma_start3A_182] : memref<2x128x128xf32, #tpu.memory_space<vmem>> -> memref<1x128x128xf32, #tpu.memory_space<vmem>>
      %dma_start3A_184 = tpu.memref_squeeze %dma_start3A_183 : memref<1x128x128xf32, #tpu.memory_space<vmem>> -> memref<128x128xf32, #tpu.memory_space<vmem>>
      %dma_start3A_185 = arith.constant 0 : i32
      %dma_start3A_186 = tpu.memref_slice %arg12[%dma_start3A_179, %dma_start3A_185] : memref<8x128xi32, #tpu.memory_space<vmem>> -> memref<1x128xi32, #tpu.memory_space<vmem>>
      %dma_start3A_187 = tpu.memref_squeeze %dma_start3A_186 : memref<1x128xi32, #tpu.memory_space<vmem>> -> memref<128xi32, #tpu.memory_space<vmem>>
      %dma_start3A_188 = arith.constant 0 : i32
      %dma_start3A_189 = arith.constant 0 : i32
      %dma_start3A_190 = tpu.memref_slice %arg3[%dma_start3A_188, %dma_start3A_189] : memref<10000x128xf32, #tpu.memory_space<hbm>> -> memref<10000x128xf32, #tpu.memory_space<hbm>>
      tpu.enqueue_indirect_dma source(%dma_start3A_190 : memref<10000x128xf32, #tpu.memory_space<hbm>>) target(%dma_start3A_184 : memref<128x128xf32, #tpu.memory_space<vmem>>) offsets(%dma_start3A_187 : memref<128xi32, #tpu.memory_space<vmem>>) semaphore(%arg16 : memref<!tpu.dma_semaphore, #tpu.memory_space<semaphore_mem>>)
      %dma_wait3A_191 = arith.constant 3 : i32
      %dma_wait3A_192 = arith.constant 1 : i32
      %dma_wait3A_193 = arith.constant 0 : i32
      %dma_wait3A_194 = arith.constant 0 : i32
      %dma_wait3A_195 = tpu.memref_slice %arg14[%dma_wait3A_192, %dma_wait3A_193, %dma_wait3A_194] : memref<2x128x128xf32, #tpu.memory_space<vmem>> -> memref<1x128x128xf32, #tpu.memory_space<vmem>>
      %dma_wait3A_196 = tpu.memref_squeeze %dma_wait3A_195 : memref<1x128x128xf32, #tpu.memory_space<vmem>> -> memref<128x128xf32, #tpu.memory_space<vmem>>
      %dma_wait3A_197 = arith.constant 0 : i32
      %dma_wait3A_198 = tpu.memref_slice %arg12[%dma_wait3A_191, %dma_wait3A_197] : memref<8x128xi32, #tpu.memory_space<vmem>> -> memref<1x128xi32, #tpu.memory_space<vmem>>
      %dma_wait3A_199 = tpu.memref_squeeze %dma_wait3A_198 : memref<1x128xi32, #tpu.memory_space<vmem>> -> memref<128xi32, #tpu.memory_space<vmem>>
      %dma_wait3A_200 = arith.constant 0 : i32
      %dma_wait3A_201 = arith.constant 0 : i32
      %dma_wait3A_202 = tpu.memref_slice %arg3[%dma_wait3A_200, %dma_wait3A_201] : memref<10000x128xf32, #tpu.memory_space<hbm>> -> memref<10000x128xf32, #tpu.memory_space<hbm>>
      tpu.wait_indirect_dma semaphore(%arg16 : memref<!tpu.dma_semaphore, #tpu.memory_space<semaphore_mem>>) src(%dma_wait3A_202 : memref<10000x128xf32, #tpu.memory_space<hbm>>) dst(%dma_wait3A_196 : memref<128x128xf32, #tpu.memory_space<vmem>>)
      %dma_start3A_203 = arith.constant 1 : i32
      %dma_start3A_204 = arith.constant 3 : i32
      %dma_start3A_205 = arith.constant 0 : i32
      %dma_start3A_206 = arith.constant 0 : i32
      %dma_start3A_207 = tpu.memref_slice %arg14[%dma_start3A_203, %dma_start3A_205, %dma_start3A_206] : memref<2x128x128xf32, #tpu.memory_space<vmem>> -> memref<1x128x128xf32, #tpu.memory_space<vmem>>
      %dma_start3A_208 = tpu.memref_squeeze %dma_start3A_207 : memref<1x128x128xf32, #tpu.memory_space<vmem>> -> memref<128x128xf32, #tpu.memory_space<vmem>>
      %dma_start3A_209 = arith.constant 0 : i32
      %dma_start3A_210 = tpu.memref_slice %arg13[%dma_start3A_204, %dma_start3A_209] : memref<8x128xi32, #tpu.memory_space<vmem>> -> memref<1x128xi32, #tpu.memory_space<vmem>>
      %dma_start3A_211 = tpu.memref_squeeze %dma_start3A_210 : memref<1x128xi32, #tpu.memory_space<vmem>> -> memref<128xi32, #tpu.memory_space<vmem>>
      %dma_start3A_212 = arith.constant 0 : i32
      %dma_start3A_213 = arith.constant 0 : i32
      %dma_start3A_214 = tpu.memref_slice %arg11[%dma_start3A_212, %dma_start3A_213] : memref<10112x128xf32, #tpu.memory_space<vmem_shared>> -> memref<10112x128xf32, #tpu.memory_space<vmem_shared>>
      tpu.enqueue_indirect_dma source(%dma_start3A_208 : memref<128x128xf32, #tpu.memory_space<vmem>>) target(%dma_start3A_214 : memref<10112x128xf32, #tpu.memory_space<vmem_shared>>) offsets(%dma_start3A_211 : memref<128xi32, #tpu.memory_space<vmem>>) semaphore(%arg18 : memref<!tpu.dma_semaphore, #tpu.memory_space<semaphore_mem>>) {add = true}
      %dma_wait3A_215 = arith.constant 0 : i32
      %dma_wait3A_216 = arith.constant 2 : i32
      %dma_wait3A_217 = arith.constant 0 : i32
      %dma_wait3A_218 = arith.constant 0 : i32
      %dma_wait3A_219 = tpu.memref_slice %arg14[%dma_wait3A_215, %dma_wait3A_217, %dma_wait3A_218] : memref<2x128x128xf32, #tpu.memory_space<vmem>> -> memref<1x128x128xf32, #tpu.memory_space<vmem>>
      %dma_wait3A_220 = tpu.memref_squeeze %dma_wait3A_219 : memref<1x128x128xf32, #tpu.memory_space<vmem>> -> memref<128x128xf32, #tpu.memory_space<vmem>>
      %dma_wait3A_221 = arith.constant 0 : i32
      %dma_wait3A_222 = tpu.memref_slice %arg13[%dma_wait3A_216, %dma_wait3A_221] : memref<8x128xi32, #tpu.memory_space<vmem>> -> memref<1x128xi32, #tpu.memory_space<vmem>>
      %dma_wait3A_223 = tpu.memref_squeeze %dma_wait3A_222 : memref<1x128xi32, #tpu.memory_space<vmem>> -> memref<128xi32, #tpu.memory_space<vmem>>
      %dma_wait3A_224 = arith.constant 0 : i32
      %dma_wait3A_225 = arith.constant 0 : i32
      %dma_wait3A_226 = tpu.memref_slice %arg11[%dma_wait3A_224, %dma_wait3A_225] : memref<10112x128xf32, #tpu.memory_space<vmem_shared>> -> memref<10112x128xf32, #tpu.memory_space<vmem_shared>>
      tpu.wait_indirect_dma semaphore(%arg17 : memref<!tpu.dma_semaphore, #tpu.memory_space<semaphore_mem>>) src(%dma_wait3A_220 : memref<128x128xf32, #tpu.memory_space<vmem>>) dst(%dma_wait3A_226 : memref<10112x128xf32, #tpu.memory_space<vmem_shared>>)
      %dma_start3A_227 = arith.constant 4 : i32
      %dma_start3A_228 = arith.constant 0 : i32
      %dma_start3A_229 = arith.constant 0 : i32
      %dma_start3A_230 = arith.constant 0 : i32
      %dma_start3A_231 = tpu.memref_slice %arg14[%dma_start3A_228, %dma_start3A_229, %dma_start3A_230] : memref<2x128x128xf32, #tpu.memory_space<vmem>> -> memref<1x128x128xf32, #tpu.memory_space<vmem>>
      %dma_start3A_232 = tpu.memref_squeeze %dma_start3A_231 : memref<1x128x128xf32, #tpu.memory_space<vmem>> -> memref<128x128xf32, #tpu.memory_space<vmem>>
      %dma_start3A_233 = arith.constant 0 : i32
      %dma_start3A_234 = tpu.memref_slice %arg12[%dma_start3A_227, %dma_start3A_233] : memref<8x128xi32, #tpu.memory_space<vmem>> -> memref<1x128xi32, #tpu.memory_space<vmem>>
      %dma_start3A_235 = tpu.memref_squeeze %dma_start3A_234 : memref<1x128xi32, #tpu.memory_space<vmem>> -> memref<128xi32, #tpu.memory_space<vmem>>
      %dma_start3A_236 = arith.constant 0 : i32
      %dma_start3A_237 = arith.constant 0 : i32
      %dma_start3A_238 = tpu.memref_slice %arg3[%dma_start3A_236, %dma_start3A_237] : memref<10000x128xf32, #tpu.memory_space<hbm>> -> memref<10000x128xf32, #tpu.memory_space<hbm>>
      tpu.enqueue_indirect_dma source(%dma_start3A_238 : memref<10000x128xf32, #tpu.memory_space<hbm>>) target(%dma_start3A_232 : memref<128x128xf32, #tpu.memory_space<vmem>>) offsets(%dma_start3A_235 : memref<128xi32, #tpu.memory_space<vmem>>) semaphore(%arg15 : memref<!tpu.dma_semaphore, #tpu.memory_space<semaphore_mem>>)
      %dma_wait3A_239 = arith.constant 4 : i32
      %dma_wait3A_240 = arith.constant 0 : i32
      %dma_wait3A_241 = arith.constant 0 : i32
      %dma_wait3A_242 = arith.constant 0 : i32
      %dma_wait3A_243 = tpu.memref_slice %arg14[%dma_wait3A_240, %dma_wait3A_241, %dma_wait3A_242] : memref<2x128x128xf32, #tpu.memory_space<vmem>> -> memref<1x128x128xf32, #tpu.memory_space<vmem>>
      %dma_wait3A_244 = tpu.memref_squeeze %dma_wait3A_243 : memref<1x128x128xf32, #tpu.memory_space<vmem>> -> memref<128x128xf32, #tpu.memory_space<vmem>>
      %dma_wait3A_245 = arith.constant 0 : i32
      %dma_wait3A_246 = tpu.memref_slice %arg12[%dma_wait3A_239, %dma_wait3A_245] : memref<8x128xi32, #tpu.memory_space<vmem>> -> memref<1x128xi32, #tpu.memory_space<vmem>>
      %dma_wait3A_247 = tpu.memref_squeeze %dma_wait3A_246 : memref<1x128xi32, #tpu.memory_space<vmem>> -> memref<128xi32, #tpu.memory_space<vmem>>
      %dma_wait3A_248 = arith.constant 0 : i32
      %dma_wait3A_249 = arith.constant 0 : i32
      %dma_wait3A_250 = tpu.memref_slice %arg3[%dma_wait3A_248, %dma_wait3A_249] : memref<10000x128xf32, #tpu.memory_space<hbm>> -> memref<10000x128xf32, #tpu.memory_space<hbm>>
      tpu.wait_indirect_dma semaphore(%arg15 : memref<!tpu.dma_semaphore, #tpu.memory_space<semaphore_mem>>) src(%dma_wait3A_250 : memref<10000x128xf32, #tpu.memory_space<hbm>>) dst(%dma_wait3A_244 : memref<128x128xf32, #tpu.memory_space<vmem>>)
      %dma_start3A_251 = arith.constant 0 : i32
      %dma_start3A_252 = arith.constant 4 : i32
      %dma_start3A_253 = arith.constant 0 : i32
      %dma_start3A_254 = arith.constant 0 : i32
      %dma_start3A_255 = tpu.memref_slice %arg14[%dma_start3A_251, %dma_start3A_253, %dma_start3A_254] : memref<2x128x128xf32, #tpu.memory_space<vmem>> -> memref<1x128x128xf32, #tpu.memory_space<vmem>>
      %dma_start3A_256 = tpu.memref_squeeze %dma_start3A_255 : memref<1x128x128xf32, #tpu.memory_space<vmem>> -> memref<128x128xf32, #tpu.memory_space<vmem>>
      %dma_start3A_257 = arith.constant 0 : i32
      %dma_start3A_258 = tpu.memref_slice %arg13[%dma_start3A_252, %dma_start3A_257] : memref<8x128xi32, #tpu.memory_space<vmem>> -> memref<1x128xi32, #tpu.memory_space<vmem>>
      %dma_start3A_259 = tpu.memref_squeeze %dma_start3A_258 : memref<1x128xi32, #tpu.memory_space<vmem>> -> memref<128xi32, #tpu.memory_space<vmem>>
      %dma_start3A_260 = arith.constant 0 : i32
      %dma_start3A_261 = arith.constant 0 : i32
      %dma_start3A_262 = tpu.memref_slice %arg11[%dma_start3A_260, %dma_start3A_261] : memref<10112x128xf32, #tpu.memory_space<vmem_shared>> -> memref<10112x128xf32, #tpu.memory_space<vmem_shared>>
      tpu.enqueue_indirect_dma source(%dma_start3A_256 : memref<128x128xf32, #tpu.memory_space<vmem>>) target(%dma_start3A_262 : memref<10112x128xf32, #tpu.memory_space<vmem_shared>>) offsets(%dma_start3A_259 : memref<128xi32, #tpu.memory_space<vmem>>) semaphore(%arg17 : memref<!tpu.dma_semaphore, #tpu.memory_space<semaphore_mem>>) {add = true}
      %dma_wait3A_263 = arith.constant 1 : i32
      %dma_wait3A_264 = arith.constant 3 : i32
      %dma_wait3A_265 = arith.constant 0 : i32
      %dma_wait3A_266 = arith.constant 0 : i32
      %dma_wait3A_267 = tpu.memref_slice %arg14[%dma_wait3A_263, %dma_wait3A_265, %dma_wait3A_266] : memref<2x128x128xf32, #tpu.memory_space<vmem>> -> memref<1x128x128xf32, #tpu.memory_space<vmem>>
      %dma_wait3A_268 = tpu.memref_squeeze %dma_wait3A_267 : memref<1x128x128xf32, #tpu.memory_space<vmem>> -> memref<128x128xf32, #tpu.memory_space<vmem>>
      %dma_wait3A_269 = arith.constant 0 : i32
      %dma_wait3A_270 = tpu.memref_slice %arg13[%dma_wait3A_264, %dma_wait3A_269] : memref<8x128xi32, #tpu.memory_space<vmem>> -> memref<1x128xi32, #tpu.memory_space<vmem>>
      %dma_wait3A_271 = tpu.memref_squeeze %dma_wait3A_270 : memref<1x128xi32, #tpu.memory_space<vmem>> -> memref<128xi32, #tpu.memory_space<vmem>>
      %dma_wait3A_272 = arith.constant 0 : i32
      %dma_wait3A_273 = arith.constant 0 : i32
      %dma_wait3A_274 = tpu.memref_slice %arg11[%dma_wait3A_272, %dma_wait3A_273] : memref<10112x128xf32, #tpu.memory_space<vmem_shared>> -> memref<10112x128xf32, #tpu.memory_space<vmem_shared>>
      tpu.wait_indirect_dma semaphore(%arg18 : memref<!tpu.dma_semaphore, #tpu.memory_space<semaphore_mem>>) src(%dma_wait3A_268 : memref<128x128xf32, #tpu.memory_space<vmem>>) dst(%dma_wait3A_274 : memref<10112x128xf32, #tpu.memory_space<vmem_shared>>)
      %dma_start3A_275 = arith.constant 5 : i32
      %dma_start3A_276 = arith.constant 1 : i32
      %dma_start3A_277 = arith.constant 0 : i32
      %dma_start3A_278 = arith.constant 0 : i32
      %dma_start3A_279 = tpu.memref_slice %arg14[%dma_start3A_276, %dma_start3A_277, %dma_start3A_278] : memref<2x128x128xf32, #tpu.memory_space<vmem>> -> memref<1x128x128xf32, #tpu.memory_space<vmem>>
      %dma_start3A_280 = tpu.memref_squeeze %dma_start3A_279 : memref<1x128x128xf32, #tpu.memory_space<vmem>> -> memref<128x128xf32, #tpu.memory_space<vmem>>
      %dma_start3A_281 = arith.constant 0 : i32
      %dma_start3A_282 = tpu.memref_slice %arg12[%dma_start3A_275, %dma_start3A_281] : memref<8x128xi32, #tpu.memory_space<vmem>> -> memref<1x128xi32, #tpu.memory_space<vmem>>
      %dma_start3A_283 = tpu.memref_squeeze %dma_start3A_282 : memref<1x128xi32, #tpu.memory_space<vmem>> -> memref<128xi32, #tpu.memory_space<vmem>>
      %dma_start3A_284 = arith.constant 0 : i32
      %dma_start3A_285 = arith.constant 0 : i32
      %dma_start3A_286 = tpu.memref_slice %arg3[%dma_start3A_284, %dma_start3A_285] : memref<10000x128xf32, #tpu.memory_space<hbm>> -> memref<10000x128xf32, #tpu.memory_space<hbm>>
      tpu.enqueue_indirect_dma source(%dma_start3A_286 : memref<10000x128xf32, #tpu.memory_space<hbm>>) target(%dma_start3A_280 : memref<128x128xf32, #tpu.memory_space<vmem>>) offsets(%dma_start3A_283 : memref<128xi32, #tpu.memory_space<vmem>>) semaphore(%arg16 : memref<!tpu.dma_semaphore, #tpu.memory_space<semaphore_mem>>)
      %dma_wait3A_287 = arith.constant 5 : i32
      %dma_wait3A_288 = arith.constant 1 : i32
      %dma_wait3A_289 = arith.constant 0 : i32
      %dma_wait3A_290 = arith.constant 0 : i32
      %dma_wait3A_291 = tpu.memref_slice %arg14[%dma_wait3A_288, %dma_wait3A_289, %dma_wait3A_290] : memref<2x128x128xf32, #tpu.memory_space<vmem>> -> memref<1x128x128xf32, #tpu.memory_space<vmem>>
      %dma_wait3A_292 = tpu.memref_squeeze %dma_wait3A_291 : memref<1x128x128xf32, #tpu.memory_space<vmem>> -> memref<128x128xf32, #tpu.memory_space<vmem>>
      %dma_wait3A_293 = arith.constant 0 : i32
      %dma_wait3A_294 = tpu.memref_slice %arg12[%dma_wait3A_287, %dma_wait3A_293] : memref<8x128xi32, #tpu.memory_space<vmem>> -> memref<1x128xi32, #tpu.memory_space<vmem>>
      %dma_wait3A_295 = tpu.memref_squeeze %dma_wait3A_294 : memref<1x128xi32, #tpu.memory_space<vmem>> -> memref<128xi32, #tpu.memory_space<vmem>>
      %dma_wait3A_296 = arith.constant 0 : i32
      %dma_wait3A_297 = arith.constant 0 : i32
      %dma_wait3A_298 = tpu.memref_slice %arg3[%dma_wait3A_296, %dma_wait3A_297] : memref<10000x128xf32, #tpu.memory_space<hbm>> -> memref<10000x128xf32, #tpu.memory_space<hbm>>
      tpu.wait_indirect_dma semaphore(%arg16 : memref<!tpu.dma_semaphore, #tpu.memory_space<semaphore_mem>>) src(%dma_wait3A_298 : memref<10000x128xf32, #tpu.memory_space<hbm>>) dst(%dma_wait3A_292 : memref<128x128xf32, #tpu.memory_space<vmem>>)
      %dma_start3A_299 = arith.constant 1 : i32
      %dma_start3A_300 = arith.constant 5 : i32
      %dma_start3A_301 = arith.constant 0 : i32
      %dma_start3A_302 = arith.constant 0 : i32
      %dma_start3A_303 = tpu.memref_slice %arg14[%dma_start3A_299, %dma_start3A_301, %dma_start3A_302] : memref<2x128x128xf32, #tpu.memory_space<vmem>> -> memref<1x128x128xf32, #tpu.memory_space<vmem>>
      %dma_start3A_304 = tpu.memref_squeeze %dma_start3A_303 : memref<1x128x128xf32, #tpu.memory_space<vmem>> -> memref<128x128xf32, #tpu.memory_space<vmem>>
      %dma_start3A_305 = arith.constant 0 : i32
      %dma_start3A_306 = tpu.memref_slice %arg13[%dma_start3A_300, %dma_start3A_305] : memref<8x128xi32, #tpu.memory_space<vmem>> -> memref<1x128xi32, #tpu.memory_space<vmem>>
      %dma_start3A_307 = tpu.memref_squeeze %dma_start3A_306 : memref<1x128xi32, #tpu.memory_space<vmem>> -> memref<128xi32, #tpu.memory_space<vmem>>
      %dma_start3A_308 = arith.constant 0 : i32
      %dma_start3A_309 = arith.constant 0 : i32
      %dma_start3A_310 = tpu.memref_slice %arg11[%dma_start3A_308, %dma_start3A_309] : memref<10112x128xf32, #tpu.memory_space<vmem_shared>> -> memref<10112x128xf32, #tpu.memory_space<vmem_shared>>
      tpu.enqueue_indirect_dma source(%dma_start3A_304 : memref<128x128xf32, #tpu.memory_space<vmem>>) target(%dma_start3A_310 : memref<10112x128xf32, #tpu.memory_space<vmem_shared>>) offsets(%dma_start3A_307 : memref<128xi32, #tpu.memory_space<vmem>>) semaphore(%arg18 : memref<!tpu.dma_semaphore, #tpu.memory_space<semaphore_mem>>) {add = true}
      %dma_wait3A_311 = arith.constant 0 : i32
      %dma_wait3A_312 = arith.constant 4 : i32
      %dma_wait3A_313 = arith.constant 0 : i32
      %dma_wait3A_314 = arith.constant 0 : i32
      %dma_wait3A_315 = tpu.memref_slice %arg14[%dma_wait3A_311, %dma_wait3A_313, %dma_wait3A_314] : memref<2x128x128xf32, #tpu.memory_space<vmem>> -> memref<1x128x128xf32, #tpu.memory_space<vmem>>
      %dma_wait3A_316 = tpu.memref_squeeze %dma_wait3A_315 : memref<1x128x128xf32, #tpu.memory_space<vmem>> -> memref<128x128xf32, #tpu.memory_space<vmem>>
      %dma_wait3A_317 = arith.constant 0 : i32
      %dma_wait3A_318 = tpu.memref_slice %arg13[%dma_wait3A_312, %dma_wait3A_317] : memref<8x128xi32, #tpu.memory_space<vmem>> -> memref<1x128xi32, #tpu.memory_space<vmem>>
      %dma_wait3A_319 = tpu.memref_squeeze %dma_wait3A_318 : memref<1x128xi32, #tpu.memory_space<vmem>> -> memref<128xi32, #tpu.memory_space<vmem>>
      %dma_wait3A_320 = arith.constant 0 : i32
      %dma_wait3A_321 = arith.constant 0 : i32
      %dma_wait3A_322 = tpu.memref_slice %arg11[%dma_wait3A_320, %dma_wait3A_321] : memref<10112x128xf32, #tpu.memory_space<vmem_shared>> -> memref<10112x128xf32, #tpu.memory_space<vmem_shared>>
      tpu.wait_indirect_dma semaphore(%arg17 : memref<!tpu.dma_semaphore, #tpu.memory_space<semaphore_mem>>) src(%dma_wait3A_316 : memref<128x128xf32, #tpu.memory_space<vmem>>) dst(%dma_wait3A_322 : memref<10112x128xf32, #tpu.memory_space<vmem_shared>>)
      %dma_start3A_323 = arith.constant 6 : i32
      %dma_start3A_324 = arith.constant 0 : i32
      %dma_start3A_325 = arith.constant 0 : i32
      %dma_start3A_326 = arith.constant 0 : i32
      %dma_start3A_327 = tpu.memref_slice %arg14[%dma_start3A_324, %dma_start3A_325, %dma_start3A_326] : memref<2x128x128xf32, #tpu.memory_space<vmem>> -> memref<1x128x128xf32, #tpu.memory_space<vmem>>
      %dma_start3A_328 = tpu.memref_squeeze %dma_start3A_327 : memref<1x128x128xf32, #tpu.memory_space<vmem>> -> memref<128x128xf32, #tpu.memory_space<vmem>>
      %dma_start3A_329 = arith.constant 0 : i32
      %dma_start3A_330 = tpu.memref_slice %arg12[%dma_start3A_323, %dma_start3A_329] : memref<8x128xi32, #tpu.memory_space<vmem>> -> memref<1x128xi32, #tpu.memory_space<vmem>>
      %dma_start3A_331 = tpu.memref_squeeze %dma_start3A_330 : memref<1x128xi32, #tpu.memory_space<vmem>> -> memref<128xi32, #tpu.memory_space<vmem>>
      %dma_start3A_332 = arith.constant 0 : i32
      %dma_start3A_333 = arith.constant 0 : i32
      %dma_start3A_334 = tpu.memref_slice %arg3[%dma_start3A_332, %dma_start3A_333] : memref<10000x128xf32, #tpu.memory_space<hbm>> -> memref<10000x128xf32, #tpu.memory_space<hbm>>
      tpu.enqueue_indirect_dma source(%dma_start3A_334 : memref<10000x128xf32, #tpu.memory_space<hbm>>) target(%dma_start3A_328 : memref<128x128xf32, #tpu.memory_space<vmem>>) offsets(%dma_start3A_331 : memref<128xi32, #tpu.memory_space<vmem>>) semaphore(%arg15 : memref<!tpu.dma_semaphore, #tpu.memory_space<semaphore_mem>>)
      %dma_wait3A_335 = arith.constant 6 : i32
      %dma_wait3A_336 = arith.constant 0 : i32
      %dma_wait3A_337 = arith.constant 0 : i32
      %dma_wait3A_338 = arith.constant 0 : i32
      %dma_wait3A_339 = tpu.memref_slice %arg14[%dma_wait3A_336, %dma_wait3A_337, %dma_wait3A_338] : memref<2x128x128xf32, #tpu.memory_space<vmem>> -> memref<1x128x128xf32, #tpu.memory_space<vmem>>
      %dma_wait3A_340 = tpu.memref_squeeze %dma_wait3A_339 : memref<1x128x128xf32, #tpu.memory_space<vmem>> -> memref<128x128xf32, #tpu.memory_space<vmem>>
      %dma_wait3A_341 = arith.constant 0 : i32
      %dma_wait3A_342 = tpu.memref_slice %arg12[%dma_wait3A_335, %dma_wait3A_341] : memref<8x128xi32, #tpu.memory_space<vmem>> -> memref<1x128xi32, #tpu.memory_space<vmem>>
      %dma_wait3A_343 = tpu.memref_squeeze %dma_wait3A_342 : memref<1x128xi32, #tpu.memory_space<vmem>> -> memref<128xi32, #tpu.memory_space<vmem>>
      %dma_wait3A_344 = arith.constant 0 : i32
      %dma_wait3A_345 = arith.constant 0 : i32
      %dma_wait3A_346 = tpu.memref_slice %arg3[%dma_wait3A_344, %dma_wait3A_345] : memref<10000x128xf32, #tpu.memory_space<hbm>> -> memref<10000x128xf32, #tpu.memory_space<hbm>>
      tpu.wait_indirect_dma semaphore(%arg15 : memref<!tpu.dma_semaphore, #tpu.memory_space<semaphore_mem>>) src(%dma_wait3A_346 : memref<10000x128xf32, #tpu.memory_space<hbm>>) dst(%dma_wait3A_340 : memref<128x128xf32, #tpu.memory_space<vmem>>)
      %dma_start3A_347 = arith.constant 0 : i32
      %dma_start3A_348 = arith.constant 6 : i32
      %dma_start3A_349 = arith.constant 0 : i32
      %dma_start3A_350 = arith.constant 0 : i32
      %dma_start3A_351 = tpu.memref_slice %arg14[%dma_start3A_347, %dma_start3A_349, %dma_start3A_350] : memref<2x128x128xf32, #tpu.memory_space<vmem>> -> memref<1x128x128xf32, #tpu.memory_space<vmem>>
      %dma_start3A_352 = tpu.memref_squeeze %dma_start3A_351 : memref<1x128x128xf32, #tpu.memory_space<vmem>> -> memref<128x128xf32, #tpu.memory_space<vmem>>
      %dma_start3A_353 = arith.constant 0 : i32
      %dma_start3A_354 = tpu.memref_slice %arg13[%dma_start3A_348, %dma_start3A_353] : memref<8x128xi32, #tpu.memory_space<vmem>> -> memref<1x128xi32, #tpu.memory_space<vmem>>
      %dma_start3A_355 = tpu.memref_squeeze %dma_start3A_354 : memref<1x128xi32, #tpu.memory_space<vmem>> -> memref<128xi32, #tpu.memory_space<vmem>>
      %dma_start3A_356 = arith.constant 0 : i32
      %dma_start3A_357 = arith.constant 0 : i32
      %dma_start3A_358 = tpu.memref_slice %arg11[%dma_start3A_356, %dma_start3A_357] : memref<10112x128xf32, #tpu.memory_space<vmem_shared>> -> memref<10112x128xf32, #tpu.memory_space<vmem_shared>>
      tpu.enqueue_indirect_dma source(%dma_start3A_352 : memref<128x128xf32, #tpu.memory_space<vmem>>) target(%dma_start3A_358 : memref<10112x128xf32, #tpu.memory_space<vmem_shared>>) offsets(%dma_start3A_355 : memref<128xi32, #tpu.memory_space<vmem>>) semaphore(%arg17 : memref<!tpu.dma_semaphore, #tpu.memory_space<semaphore_mem>>) {add = true}
      %dma_wait3A_359 = arith.constant 1 : i32
      %dma_wait3A_360 = arith.constant 5 : i32
      %dma_wait3A_361 = arith.constant 0 : i32
      %dma_wait3A_362 = arith.constant 0 : i32
      %dma_wait3A_363 = tpu.memref_slice %arg14[%dma_wait3A_359, %dma_wait3A_361, %dma_wait3A_362] : memref<2x128x128xf32, #tpu.memory_space<vmem>> -> memref<1x128x128xf32, #tpu.memory_space<vmem>>
      %dma_wait3A_364 = tpu.memref_squeeze %dma_wait3A_363 : memref<1x128x128xf32, #tpu.memory_space<vmem>> -> memref<128x128xf32, #tpu.memory_space<vmem>>
      %dma_wait3A_365 = arith.constant 0 : i32
      %dma_wait3A_366 = tpu.memref_slice %arg13[%dma_wait3A_360, %dma_wait3A_365] : memref<8x128xi32, #tpu.memory_space<vmem>> -> memref<1x128xi32, #tpu.memory_space<vmem>>
      %dma_wait3A_367 = tpu.memref_squeeze %dma_wait3A_366 : memref<1x128xi32, #tpu.memory_space<vmem>> -> memref<128xi32, #tpu.memory_space<vmem>>
      %dma_wait3A_368 = arith.constant 0 : i32
      %dma_wait3A_369 = arith.constant 0 : i32
      %dma_wait3A_370 = tpu.memref_slice %arg11[%dma_wait3A_368, %dma_wait3A_369] : memref<10112x128xf32, #tpu.memory_space<vmem_shared>> -> memref<10112x128xf32, #tpu.memory_space<vmem_shared>>
      tpu.wait_indirect_dma semaphore(%arg18 : memref<!tpu.dma_semaphore, #tpu.memory_space<semaphore_mem>>) src(%dma_wait3A_364 : memref<128x128xf32, #tpu.memory_space<vmem>>) dst(%dma_wait3A_370 : memref<10112x128xf32, #tpu.memory_space<vmem_shared>>)
      %dma_start3A_371 = arith.constant 7 : i32
      %dma_start3A_372 = arith.constant 1 : i32
      %dma_start3A_373 = arith.constant 0 : i32
      %dma_start3A_374 = arith.constant 0 : i32
      %dma_start3A_375 = tpu.memref_slice %arg14[%dma_start3A_372, %dma_start3A_373, %dma_start3A_374] : memref<2x128x128xf32, #tpu.memory_space<vmem>> -> memref<1x128x128xf32, #tpu.memory_space<vmem>>
      %dma_start3A_376 = tpu.memref_squeeze %dma_start3A_375 : memref<1x128x128xf32, #tpu.memory_space<vmem>> -> memref<128x128xf32, #tpu.memory_space<vmem>>
      %dma_start3A_377 = arith.constant 0 : i32
      %dma_start3A_378 = tpu.memref_slice %arg12[%dma_start3A_371, %dma_start3A_377] : memref<8x128xi32, #tpu.memory_space<vmem>> -> memref<1x128xi32, #tpu.memory_space<vmem>>
      %dma_start3A_379 = tpu.memref_squeeze %dma_start3A_378 : memref<1x128xi32, #tpu.memory_space<vmem>> -> memref<128xi32, #tpu.memory_space<vmem>>
      %dma_start3A_380 = arith.constant 0 : i32
      %dma_start3A_381 = arith.constant 0 : i32
      %dma_start3A_382 = tpu.memref_slice %arg3[%dma_start3A_380, %dma_start3A_381] : memref<10000x128xf32, #tpu.memory_space<hbm>> -> memref<10000x128xf32, #tpu.memory_space<hbm>>
      tpu.enqueue_indirect_dma source(%dma_start3A_382 : memref<10000x128xf32, #tpu.memory_space<hbm>>) target(%dma_start3A_376 : memref<128x128xf32, #tpu.memory_space<vmem>>) offsets(%dma_start3A_379 : memref<128xi32, #tpu.memory_space<vmem>>) semaphore(%arg16 : memref<!tpu.dma_semaphore, #tpu.memory_space<semaphore_mem>>)
      %dma_wait3A_383 = arith.constant 7 : i32
      %dma_wait3A_384 = arith.constant 1 : i32
      %dma_wait3A_385 = arith.constant 0 : i32
      %dma_wait3A_386 = arith.constant 0 : i32
      %dma_wait3A_387 = tpu.memref_slice %arg14[%dma_wait3A_384, %dma_wait3A_385, %dma_wait3A_386] : memref<2x128x128xf32, #tpu.memory_space<vmem>> -> memref<1x128x128xf32, #tpu.memory_space<vmem>>
      %dma_wait3A_388 = tpu.memref_squeeze %dma_wait3A_387 : memref<1x128x128xf32, #tpu.memory_space<vmem>> -> memref<128x128xf32, #tpu.memory_space<vmem>>
      %dma_wait3A_389 = arith.constant 0 : i32
      %dma_wait3A_390 = tpu.memref_slice %arg12[%dma_wait3A_383, %dma_wait3A_389] : memref<8x128xi32, #tpu.memory_space<vmem>> -> memref<1x128xi32, #tpu.memory_space<vmem>>
      %dma_wait3A_391 = tpu.memref_squeeze %dma_wait3A_390 : memref<1x128xi32, #tpu.memory_space<vmem>> -> memref<128xi32, #tpu.memory_space<vmem>>
      %dma_wait3A_392 = arith.constant 0 : i32
      %dma_wait3A_393 = arith.constant 0 : i32
      %dma_wait3A_394 = tpu.memref_slice %arg3[%dma_wait3A_392, %dma_wait3A_393] : memref<10000x128xf32, #tpu.memory_space<hbm>> -> memref<10000x128xf32, #tpu.memory_space<hbm>>
      tpu.wait_indirect_dma semaphore(%arg16 : memref<!tpu.dma_semaphore, #tpu.memory_space<semaphore_mem>>) src(%dma_wait3A_394 : memref<10000x128xf32, #tpu.memory_space<hbm>>) dst(%dma_wait3A_388 : memref<128x128xf32, #tpu.memory_space<vmem>>)
      %dma_start3A_395 = arith.constant 1 : i32
      %dma_start3A_396 = arith.constant 7 : i32
      %dma_start3A_397 = arith.constant 0 : i32
      %dma_start3A_398 = arith.constant 0 : i32
      %dma_start3A_399 = tpu.memref_slice %arg14[%dma_start3A_395, %dma_start3A_397, %dma_start3A_398] : memref<2x128x128xf32, #tpu.memory_space<vmem>> -> memref<1x128x128xf32, #tpu.memory_space<vmem>>
      %dma_start3A_400 = tpu.memref_squeeze %dma_start3A_399 : memref<1x128x128xf32, #tpu.memory_space<vmem>> -> memref<128x128xf32, #tpu.memory_space<vmem>>
      %dma_start3A_401 = arith.constant 0 : i32
      %dma_start3A_402 = tpu.memref_slice %arg13[%dma_start3A_396, %dma_start3A_401] : memref<8x128xi32, #tpu.memory_space<vmem>> -> memref<1x128xi32, #tpu.memory_space<vmem>>
      %dma_start3A_403 = tpu.memref_squeeze %dma_start3A_402 : memref<1x128xi32, #tpu.memory_space<vmem>> -> memref<128xi32, #tpu.memory_space<vmem>>
      %dma_start3A_404 = arith.constant 0 : i32
      %dma_start3A_405 = arith.constant 0 : i32
      %dma_start3A_406 = tpu.memref_slice %arg11[%dma_start3A_404, %dma_start3A_405] : memref<10112x128xf32, #tpu.memory_space<vmem_shared>> -> memref<10112x128xf32, #tpu.memory_space<vmem_shared>>
      tpu.enqueue_indirect_dma source(%dma_start3A_400 : memref<128x128xf32, #tpu.memory_space<vmem>>) target(%dma_start3A_406 : memref<10112x128xf32, #tpu.memory_space<vmem_shared>>) offsets(%dma_start3A_403 : memref<128xi32, #tpu.memory_space<vmem>>) semaphore(%arg18 : memref<!tpu.dma_semaphore, #tpu.memory_space<semaphore_mem>>) {add = true}
      %dma_wait3A_407 = arith.constant 0 : i32
      %dma_wait3A_408 = arith.constant 6 : i32
      %dma_wait3A_409 = arith.constant 0 : i32
      %dma_wait3A_410 = arith.constant 0 : i32
      %dma_wait3A_411 = tpu.memref_slice %arg14[%dma_wait3A_407, %dma_wait3A_409, %dma_wait3A_410] : memref<2x128x128xf32, #tpu.memory_space<vmem>> -> memref<1x128x128xf32, #tpu.memory_space<vmem>>
      %dma_wait3A_412 = tpu.memref_squeeze %dma_wait3A_411 : memref<1x128x128xf32, #tpu.memory_space<vmem>> -> memref<128x128xf32, #tpu.memory_space<vmem>>
      %dma_wait3A_413 = arith.constant 0 : i32
      %dma_wait3A_414 = tpu.memref_slice %arg13[%dma_wait3A_408, %dma_wait3A_413] : memref<8x128xi32, #tpu.memory_space<vmem>> -> memref<1x128xi32, #tpu.memory_space<vmem>>
      %dma_wait3A_415 = tpu.memref_squeeze %dma_wait3A_414 : memref<1x128xi32, #tpu.memory_space<vmem>> -> memref<128xi32, #tpu.memory_space<vmem>>
      %dma_wait3A_416 = arith.constant 0 : i32
      %dma_wait3A_417 = arith.constant 0 : i32
      %dma_wait3A_418 = tpu.memref_slice %arg11[%dma_wait3A_416, %dma_wait3A_417] : memref<10112x128xf32, #tpu.memory_space<vmem_shared>> -> memref<10112x128xf32, #tpu.memory_space<vmem_shared>>
      tpu.wait_indirect_dma semaphore(%arg17 : memref<!tpu.dma_semaphore, #tpu.memory_space<semaphore_mem>>) src(%dma_wait3A_412 : memref<128x128xf32, #tpu.memory_space<vmem>>) dst(%dma_wait3A_418 : memref<10112x128xf32, #tpu.memory_space<vmem_shared>>)
      %dma_wait3A_419 = arith.constant 1 : i32
      %dma_wait3A_420 = arith.constant 7 : i32
      %dma_wait3A_421 = arith.constant 0 : i32
      %dma_wait3A_422 = arith.constant 0 : i32
      %dma_wait3A_423 = tpu.memref_slice %arg14[%dma_wait3A_419, %dma_wait3A_421, %dma_wait3A_422] : memref<2x128x128xf32, #tpu.memory_space<vmem>> -> memref<1x128x128xf32, #tpu.memory_space<vmem>>
      %dma_wait3A_424 = tpu.memref_squeeze %dma_wait3A_423 : memref<1x128x128xf32, #tpu.memory_space<vmem>> -> memref<128x128xf32, #tpu.memory_space<vmem>>
      %dma_wait3A_425 = arith.constant 0 : i32
      %dma_wait3A_426 = tpu.memref_slice %arg13[%dma_wait3A_420, %dma_wait3A_425] : memref<8x128xi32, #tpu.memory_space<vmem>> -> memref<1x128xi32, #tpu.memory_space<vmem>>
      %dma_wait3A_427 = tpu.memref_squeeze %dma_wait3A_426 : memref<1x128xi32, #tpu.memory_space<vmem>> -> memref<128xi32, #tpu.memory_space<vmem>>
      %dma_wait3A_428 = arith.constant 0 : i32
      %dma_wait3A_429 = arith.constant 0 : i32
      %dma_wait3A_430 = tpu.memref_slice %arg11[%dma_wait3A_428, %dma_wait3A_429] : memref<10112x128xf32, #tpu.memory_space<vmem_shared>> -> memref<10112x128xf32, #tpu.memory_space<vmem_shared>>
      tpu.wait_indirect_dma semaphore(%arg18 : memref<!tpu.dma_semaphore, #tpu.memory_space<semaphore_mem>>) src(%dma_wait3A_424 : memref<128x128xf32, #tpu.memory_space<vmem>>) dst(%dma_wait3A_430 : memref<10112x128xf32, #tpu.memory_space<vmem_shared>>)
    }
    %barrier3A_44 = arith.constant 0 : index
    tpu.barrier barrier_id(%barrier3A_44)
    "tpu.region"() ({
      %run_scoped3A_45 = tpu.sem_alloc : memref<!tpu.dma_semaphore, #tpu.memory_space<semaphore_mem>>
      %dma_start3A = arith.constant 0 : i32
      %dma_start3A_46 = arith.constant 0 : i32
      %dma_start3A_47 = tpu.memref_slice %arg9[%arg0, %dma_start3A, %dma_start3A_46] : memref<2x10112x128xf32, #tpu.memory_space<hbm>> -> memref<1x10112x128xf32, #tpu.memory_space<hbm>>
      %dma_start3A_48 = tpu.memref_squeeze %dma_start3A_47 : memref<1x10112x128xf32, #tpu.memory_space<hbm>> -> memref<10112x128xf32, #tpu.memory_space<hbm>>
      %dma_start3A_49 = arith.constant 0 : i32
      %dma_start3A_50 = tpu.memref_slice %dma_start3A_48[%mul3A_0, %dma_start3A_49] : memref<10112x128xf32, #tpu.memory_space<hbm>> -> memref<632x128xf32, #tpu.memory_space<hbm>>
      %dma_start3A_51 = arith.constant 0 : i32
      %dma_start3A_52 = tpu.memref_slice %arg11[%mul3A_0, %dma_start3A_51] : memref<10112x128xf32, #tpu.memory_space<vmem_shared>> -> memref<632x128xf32, #tpu.memory_space<vmem_shared>>
      tpu.enqueue_dma source(%dma_start3A_52 : memref<632x128xf32, #tpu.memory_space<vmem_shared>>) target(%dma_start3A_50 : memref<632x128xf32, #tpu.memory_space<hbm>>) target_semaphore(%run_scoped3A_45 : memref<!tpu.dma_semaphore, #tpu.memory_space<semaphore_mem>>)
      %dma_wait3A = arith.constant 0 : i32
      %dma_wait3A_53 = arith.constant 0 : i32
      %dma_wait3A_54 = tpu.memref_slice %arg9[%arg0, %dma_wait3A, %dma_wait3A_53] : memref<2x10112x128xf32, #tpu.memory_space<hbm>> -> memref<1x10112x128xf32, #tpu.memory_space<hbm>>
      %dma_wait3A_55 = tpu.memref_squeeze %dma_wait3A_54 : memref<1x10112x128xf32, #tpu.memory_space<hbm>> -> memref<10112x128xf32, #tpu.memory_space<hbm>>
      %dma_wait3A_56 = arith.constant 0 : i32
      %dma_wait3A_57 = tpu.memref_slice %dma_wait3A_55[%mul3A_0, %dma_wait3A_56] : memref<10112x128xf32, #tpu.memory_space<hbm>> -> memref<632x128xf32, #tpu.memory_space<hbm>>
      %dma_wait3A_58 = arith.constant 0 : i32
      %dma_wait3A_59 = tpu.memref_slice %arg11[%mul3A_0, %dma_wait3A_58] : memref<10112x128xf32, #tpu.memory_space<vmem_shared>> -> memref<632x128xf32, #tpu.memory_space<vmem_shared>>
      tpu.wait_dma2 semaphore(%run_scoped3A_45 : memref<!tpu.dma_semaphore, #tpu.memory_space<semaphore_mem>>) src(%dma_wait3A_59 : memref<632x128xf32, #tpu.memory_space<vmem_shared>>) dst(%dma_wait3A_57 : memref<632x128xf32, #tpu.memory_space<hbm>>)
      tpu.yield
    }) : () -> ()
    return
  }
}

module attributes {stable_mosaic.version = 14 : i64} {
  func.func @_tc_body(%arg0: i32, %arg1: memref<2x400x128xf32, #tpu.memory_space<vmem>>, %arg2: memref<2x400x128xf32, #tpu.memory_space<vmem>>, %arg3: memref<2x400x128xf32, #tpu.memory_space<vmem>>, %arg4: memref<400x128xf32, #tpu.memory_space<vmem>>, %arg5: memref<400x128xf32, #tpu.memory_space<vmem>>, %arg6: memref<400x128xf32, #tpu.memory_space<vmem>>, %arg7: memref<512x512xf32, #tpu.memory_space<vmem>>, %arg8: memref<1x512xf32, #tpu.memory_space<vmem>>, %arg9: memref<1x128xf32, #tpu.memory_space<vmem>>, %arg10: memref<1x128xf32, #tpu.memory_space<vmem>>, %arg11: memref<1x128xf32, #tpu.memory_space<vmem>>, %arg12: memref<1x128xf32, #tpu.memory_space<vmem>>, %arg13: memref<1x128xf32, #tpu.memory_space<vmem>>, %arg14: memref<1x128xf32, #tpu.memory_space<vmem>>, %arg15: memref<1x128xf32, #tpu.memory_space<vmem>>, %arg16: memref<400x128xf32, #tpu.memory_space<vmem>>, %arg17: memref<400x128xf32, #tpu.memory_space<vmem>>, %arg18: memref<400x128xf32, #tpu.memory_space<vmem>>) attributes {dimension_semantics = [#tpu.dimension_semantics<arbitrary>], iteration_bounds = array<i64: 25>, scalar_prefetch = 0 : i64, scratch_operands = 0 : i64, tpu.core_type = #tpu.core_type<tc>, window_params = [{transform_indices = @transform_0, window_bounds = array<i64: 2, 400, 128>}, {transform_indices = @transform_1, window_bounds = array<i64: 2, 400, 128>}, {transform_indices = @transform_2, window_bounds = array<i64: 2, 400, 128>}, {transform_indices = @transform_3, window_bounds = array<i64: 400, 128>}, {transform_indices = @transform_4, window_bounds = array<i64: 400, 128>}, {transform_indices = @transform_5, window_bounds = array<i64: 400, 128>}, {pipeline_mode = #tpu.pipeline_mode<synchronous>, transform_indices = @transform_6, window_bounds = array<i64: 512, 512>}, {pipeline_mode = #tpu.pipeline_mode<synchronous>, transform_indices = @transform_7, window_bounds = array<i64: 1, 512>}, {pipeline_mode = #tpu.pipeline_mode<synchronous>, transform_indices = @transform_8, window_bounds = array<i64: 1, 128>}, {pipeline_mode = #tpu.pipeline_mode<synchronous>, transform_indices = @transform_9, window_bounds = array<i64: 1, 128>}, {pipeline_mode = #tpu.pipeline_mode<synchronous>, transform_indices = @transform_10, window_bounds = array<i64: 1, 128>}, {pipeline_mode = #tpu.pipeline_mode<synchronous>, transform_indices = @transform_11, window_bounds = array<i64: 1, 128>}, {pipeline_mode = #tpu.pipeline_mode<synchronous>, transform_indices = @transform_12, window_bounds = array<i64: 1, 128>}, {pipeline_mode = #tpu.pipeline_mode<synchronous>, transform_indices = @transform_13, window_bounds = array<i64: 1, 128>}, {pipeline_mode = #tpu.pipeline_mode<synchronous>, transform_indices = @transform_14, window_bounds = array<i64: 1, 128>}, {transform_indices = @transform_15, window_bounds = array<i64: 400, 128>}, {transform_indices = @transform_16, window_bounds = array<i64: 400, 128>}, {transform_indices = @transform_17, window_bounds = array<i64: 400, 128>}]} {
    %get3A = arith.constant 0 : index
    %get3A_0 = arith.constant 0 : index
    %get3A_1 = arith.constant 0 : index
    %get3A_2 = vector.load %arg1[%get3A, %get3A_0, %get3A_1] : memref<2x400x128xf32, #tpu.memory_space<vmem>>, vector<1x400x128xf32>
    %get3A_3 = vector.shape_cast %get3A_2 : vector<1x400x128xf32> to vector<400x128xf32>
    %get3A_4 = arith.constant 1 : index
    %get3A_5 = arith.constant 0 : index
    %get3A_6 = arith.constant 0 : index
    %get3A_7 = vector.load %arg1[%get3A_4, %get3A_5, %get3A_6] : memref<2x400x128xf32, #tpu.memory_space<vmem>>, vector<1x400x128xf32>
    %get3A_8 = vector.shape_cast %get3A_7 : vector<1x400x128xf32> to vector<400x128xf32>
    %add3A = arith.addf %get3A_3, %get3A_8 : vector<400x128xf32>
    %get3A_9 = arith.constant 0 : index
    %get3A_10 = arith.constant 0 : index
    %get3A_11 = arith.constant 0 : index
    %get3A_12 = vector.load %arg2[%get3A_9, %get3A_10, %get3A_11] : memref<2x400x128xf32, #tpu.memory_space<vmem>>, vector<1x400x128xf32>
    %get3A_13 = vector.shape_cast %get3A_12 : vector<1x400x128xf32> to vector<400x128xf32>
    %get3A_14 = arith.constant 1 : index
    %get3A_15 = arith.constant 0 : index
    %get3A_16 = arith.constant 0 : index
    %get3A_17 = vector.load %arg2[%get3A_14, %get3A_15, %get3A_16] : memref<2x400x128xf32, #tpu.memory_space<vmem>>, vector<1x400x128xf32>
    %get3A_18 = vector.shape_cast %get3A_17 : vector<1x400x128xf32> to vector<400x128xf32>
    %add3A_19 = arith.addf %get3A_13, %get3A_18 : vector<400x128xf32>
    %get3A_20 = arith.constant 0 : index
    %get3A_21 = arith.constant 0 : index
    %get3A_22 = arith.constant 0 : index
    %get3A_23 = vector.load %arg3[%get3A_20, %get3A_21, %get3A_22] : memref<2x400x128xf32, #tpu.memory_space<vmem>>, vector<1x400x128xf32>
    %get3A_24 = vector.shape_cast %get3A_23 : vector<1x400x128xf32> to vector<400x128xf32>
    %slice3A = vector.extract_strided_slice %get3A_24 {offsets = [0, 0], sizes = [400, 1], strides = [1, 1]} : vector<400x128xf32> to vector<400x1xf32>
    %get3A_25 = arith.constant 1 : index
    %get3A_26 = arith.constant 0 : index
    %get3A_27 = arith.constant 0 : index
    %get3A_28 = vector.load %arg3[%get3A_25, %get3A_26, %get3A_27] : memref<2x400x128xf32, #tpu.memory_space<vmem>>, vector<1x400x128xf32>
    %get3A_29 = vector.shape_cast %get3A_28 : vector<1x400x128xf32> to vector<400x128xf32>
    %slice3A_30 = vector.extract_strided_slice %get3A_29 {offsets = [0, 0], sizes = [400, 1], strides = [1, 1]} : vector<400x128xf32> to vector<400x1xf32>
    %add3A_31 = arith.addf %slice3A, %slice3A_30 : vector<400x1xf32>
    %max3A = arith.constant 1.000000e+00 : f32
    %max3A_32 = vector.broadcast %max3A : f32 to vector<400x1xf32>
    %max3A_33 = arith.maximumf %add3A_31, %max3A_32 : vector<400x1xf32>
    %div3A = vector.broadcast %max3A_33 : vector<400x1xf32> to vector<400x128xf32>
    %div3A_34 = arith.divf %add3A, %div3A : vector<400x128xf32>
    %div3A_35 = vector.broadcast %max3A_33 : vector<400x1xf32> to vector<400x128xf32>
    %div3A_36 = arith.divf %add3A_19, %div3A_35 : vector<400x128xf32>
    %get3A_37 = arith.constant 0 : index
    %get3A_38 = arith.constant 0 : index
    %get3A_39 = vector.load %arg4[%get3A_37, %get3A_38] : memref<400x128xf32, #tpu.memory_space<vmem>>, vector<400x128xf32>
    %get3A_40 = arith.constant 0 : index
    %get3A_41 = arith.constant 0 : index
    %get3A_42 = vector.load %arg5[%get3A_40, %get3A_41] : memref<400x128xf32, #tpu.memory_space<vmem>>, vector<400x128xf32>
    %concatenate3A = tpu.concatenate %div3A_34, %get3A_39, %div3A_36, %get3A_42 in 1 : vector<400x128xf32>, vector<400x128xf32>, vector<400x128xf32>, vector<400x128xf32> -> vector<400x512xf32>
    %get3A_43 = arith.constant 0 : index
    %get3A_44 = arith.constant 0 : index
    %get3A_45 = vector.load %arg7[%get3A_43, %get3A_44] : memref<512x512xf32, #tpu.memory_space<vmem>>, vector<512x512xf32>
    %dot_general3A = arith.constant dense<0.000000e+00> : vector<400x512xf32>
    %dot_general3A_46 = tpu.matmul %concatenate3A, %get3A_45, %dot_general3A {dimension_numbers = #tpu.dot_dimension_numbers<[1], [0], [0], [1], [0, 0, 1, 1], [], []>, transpose_lhs_hint = false} : vector<400x512xf32>, vector<512x512xf32>, vector<400x512xf32> -> vector<400x512xf32>
    %get3A_47 = arith.constant 0 : index
    %get3A_48 = arith.constant 0 : index
    %get3A_49 = vector.load %arg8[%get3A_47, %get3A_48] : memref<1x512xf32, #tpu.memory_space<vmem>>, vector<1x512xf32>
    %add3A_50 = vector.broadcast %get3A_49 : vector<1x512xf32> to vector<400x512xf32>
    %add3A_51 = arith.addf %dot_general3A_46, %add3A_50 : vector<400x512xf32>
    %get3A_52 = arith.constant 0 : index
    %get3A_53 = arith.constant 0 : index
    %get3A_54 = vector.load %arg6[%get3A_52, %get3A_53] : memref<400x128xf32, #tpu.memory_space<vmem>>, vector<400x128xf32>
    %slice3A_55 = vector.extract_strided_slice %add3A_51 {offsets = [0, 0], sizes = [400, 128], strides = [1, 1]} : vector<400x512xf32> to vector<400x128xf32>
    %slice3A_56 = vector.extract_strided_slice %add3A_51 {offsets = [0, 128], sizes = [400, 128], strides = [1, 1]} : vector<400x512xf32> to vector<400x128xf32>
    %slice3A_57 = vector.extract_strided_slice %add3A_51 {offsets = [0, 256], sizes = [400, 128], strides = [1, 1]} : vector<400x512xf32> to vector<400x128xf32>
    %slice3A_58 = vector.extract_strided_slice %add3A_51 {offsets = [0, 384], sizes = [400, 128], strides = [1, 1]} : vector<400x512xf32> to vector<400x128xf32>
    %get3A_59 = arith.constant 0 : index
    %get3A_60 = arith.constant 0 : index
    %get3A_61 = vector.load %arg9[%get3A_59, %get3A_60] : memref<1x128xf32, #tpu.memory_space<vmem>>, vector<1x128xf32>
    %mul3A = vector.broadcast %get3A_61 : vector<1x128xf32> to vector<400x128xf32>
    %mul3A_62 = arith.mulf %mul3A, %get3A_54 : vector<400x128xf32>
    %add3A_63 = arith.addf %slice3A_55, %mul3A_62 : vector<400x128xf32>
    %get3A_64 = arith.constant 0 : index
    %get3A_65 = arith.constant 0 : index
    %get3A_66 = vector.load %arg12[%get3A_64, %get3A_65] : memref<1x128xf32, #tpu.memory_space<vmem>>, vector<1x128xf32>
    %add3A_67 = vector.broadcast %get3A_66 : vector<1x128xf32> to vector<400x128xf32>
    %add3A_68 = arith.addf %add3A_63, %add3A_67 : vector<400x128xf32>
    %logistic3A = arith.negf %add3A_68 : vector<400x128xf32>
    %logistic3A_69 = math.exp %logistic3A : vector<400x128xf32>
    %logistic3A_70 = arith.constant 1.000000e+00 : f32
    %logistic3A_71 = vector.broadcast %logistic3A_70 : f32 to vector<400x128xf32>
    %logistic3A_72 = arith.addf %logistic3A_71, %logistic3A_69 : vector<400x128xf32>
    %logistic3A_73 = arith.divf %logistic3A_71, %logistic3A_72 : vector<400x128xf32>
    %get3A_74 = arith.constant 0 : index
    %get3A_75 = arith.constant 0 : index
    %get3A_76 = vector.load %arg10[%get3A_74, %get3A_75] : memref<1x128xf32, #tpu.memory_space<vmem>>, vector<1x128xf32>
    %mul3A_77 = vector.broadcast %get3A_76 : vector<1x128xf32> to vector<400x128xf32>
    %mul3A_78 = arith.mulf %mul3A_77, %get3A_54 : vector<400x128xf32>
    %add3A_79 = arith.addf %slice3A_56, %mul3A_78 : vector<400x128xf32>
    %get3A_80 = arith.constant 0 : index
    %get3A_81 = arith.constant 0 : index
    %get3A_82 = vector.load %arg13[%get3A_80, %get3A_81] : memref<1x128xf32, #tpu.memory_space<vmem>>, vector<1x128xf32>
    %add3A_83 = vector.broadcast %get3A_82 : vector<1x128xf32> to vector<400x128xf32>
    %add3A_84 = arith.addf %add3A_79, %add3A_83 : vector<400x128xf32>
    %logistic3A_85 = arith.negf %add3A_84 : vector<400x128xf32>
    %logistic3A_86 = math.exp %logistic3A_85 : vector<400x128xf32>
    %logistic3A_87 = arith.constant 1.000000e+00 : f32
    %logistic3A_88 = vector.broadcast %logistic3A_87 : f32 to vector<400x128xf32>
    %logistic3A_89 = arith.addf %logistic3A_88, %logistic3A_86 : vector<400x128xf32>
    %logistic3A_90 = arith.divf %logistic3A_88, %logistic3A_89 : vector<400x128xf32>
    %mul3A_91 = arith.mulf %logistic3A_90, %get3A_54 : vector<400x128xf32>
    %get3A_92 = arith.constant 0 : index
    %get3A_93 = arith.constant 0 : index
    %get3A_94 = vector.load %arg14[%get3A_92, %get3A_93] : memref<1x128xf32, #tpu.memory_space<vmem>>, vector<1x128xf32>
    %add3A_95 = vector.broadcast %get3A_94 : vector<1x128xf32> to vector<400x128xf32>
    %add3A_96 = arith.addf %slice3A_57, %add3A_95 : vector<400x128xf32>
    %tanh3A = math.tanh %add3A_96 : vector<400x128xf32>
    %mul3A_97 = arith.mulf %logistic3A_73, %tanh3A : vector<400x128xf32>
    %add3A_98 = arith.addf %mul3A_91, %mul3A_97 : vector<400x128xf32>
    %get3A_99 = arith.constant 0 : index
    %get3A_100 = arith.constant 0 : index
    %get3A_101 = vector.load %arg11[%get3A_99, %get3A_100] : memref<1x128xf32, #tpu.memory_space<vmem>>, vector<1x128xf32>
    %mul3A_102 = vector.broadcast %get3A_101 : vector<1x128xf32> to vector<400x128xf32>
    %mul3A_103 = arith.mulf %mul3A_102, %add3A_98 : vector<400x128xf32>
    %add3A_104 = arith.addf %slice3A_58, %mul3A_103 : vector<400x128xf32>
    %get3A_105 = arith.constant 0 : index
    %get3A_106 = arith.constant 0 : index
    %get3A_107 = vector.load %arg15[%get3A_105, %get3A_106] : memref<1x128xf32, #tpu.memory_space<vmem>>, vector<1x128xf32>
    %add3A_108 = vector.broadcast %get3A_107 : vector<1x128xf32> to vector<400x128xf32>
    %add3A_109 = arith.addf %add3A_104, %add3A_108 : vector<400x128xf32>
    %logistic3A_110 = arith.negf %add3A_109 : vector<400x128xf32>
    %logistic3A_111 = math.exp %logistic3A_110 : vector<400x128xf32>
    %logistic3A_112 = arith.constant 1.000000e+00 : f32
    %logistic3A_113 = vector.broadcast %logistic3A_112 : f32 to vector<400x128xf32>
    %logistic3A_114 = arith.addf %logistic3A_113, %logistic3A_111 : vector<400x128xf32>
    %logistic3A_115 = arith.divf %logistic3A_113, %logistic3A_114 : vector<400x128xf32>
    %swap3A = arith.constant 0 : index
    %swap3A_116 = arith.constant 0 : index
    %swap3A_117 = vector.load %arg16[%swap3A, %swap3A_116] : memref<400x128xf32, #tpu.memory_space<vmem>>, vector<400x128xf32>
    tpu.vector_store %arg16[%swap3A, %swap3A_116], %logistic3A_115 {strides = array<i32>} : memref<400x128xf32, #tpu.memory_space<vmem>>, vector<400x128xf32>,
    %tanh3A_118 = math.tanh %add3A_98 : vector<400x128xf32>
    %mul3A_119 = arith.mulf %logistic3A_115, %tanh3A_118 : vector<400x128xf32>
    %swap3A_120 = arith.constant 0 : index
    %swap3A_121 = arith.constant 0 : index
    %swap3A_122 = vector.load %arg17[%swap3A_120, %swap3A_121] : memref<400x128xf32, #tpu.memory_space<vmem>>, vector<400x128xf32>
    tpu.vector_store %arg17[%swap3A_120, %swap3A_121], %mul3A_119 {strides = array<i32>} : memref<400x128xf32, #tpu.memory_space<vmem>>, vector<400x128xf32>,
    %swap3A_123 = arith.constant 0 : index
    %swap3A_124 = arith.constant 0 : index
    %swap3A_125 = vector.load %arg18[%swap3A_123, %swap3A_124] : memref<400x128xf32, #tpu.memory_space<vmem>>, vector<400x128xf32>
    tpu.vector_store %arg18[%swap3A_123, %swap3A_124], %add3A_98 {strides = array<i32>} : memref<400x128xf32, #tpu.memory_space<vmem>>, vector<400x128xf32>,
    return
  }
  func.func @transform_0(%arg0: i32) -> (i32, i32, i32) {
    %c0_i32 = arith.constant 0 : i32
    %c0_i32_0 = arith.constant 0 : i32
    %c0_i32_1 = arith.constant 0 : i32
    return %c0_i32, %arg0, %c0_i32_0 : i32, i32, i32
  }
  func.func @transform_1(%arg0: i32) -> (i32, i32, i32) {
    %c0_i32 = arith.constant 0 : i32
    %c0_i32_0 = arith.constant 0 : i32
    %c0_i32_1 = arith.constant 0 : i32
    return %c0_i32, %arg0, %c0_i32_0 : i32, i32, i32
  }
  func.func @transform_2(%arg0: i32) -> (i32, i32, i32) {
    %c0_i32 = arith.constant 0 : i32
    %c0_i32_0 = arith.constant 0 : i32
    %c0_i32_1 = arith.constant 0 : i32
    return %c0_i32, %arg0, %c0_i32_0 : i32, i32, i32
  }
  func.func @transform_3(%arg0: i32) -> (i32, i32) {
    %c0_i32 = arith.constant 0 : i32
    %c0_i32_0 = arith.constant 0 : i32
    return %arg0, %c0_i32 : i32, i32
  }
  func.func @transform_4(%arg0: i32) -> (i32, i32) {
    %c0_i32 = arith.constant 0 : i32
    %c0_i32_0 = arith.constant 0 : i32
    return %arg0, %c0_i32 : i32, i32
  }
  func.func @transform_5(%arg0: i32) -> (i32, i32) {
    %c0_i32 = arith.constant 0 : i32
    %c0_i32_0 = arith.constant 0 : i32
    return %arg0, %c0_i32 : i32, i32
  }
  func.func @transform_6(%arg0: i32) -> (i32, i32) {
    %c0_i32 = arith.constant 0 : i32
    %c0_i32_0 = arith.constant 0 : i32
    %c0_i32_1 = arith.constant 0 : i32
    return %c0_i32, %c0_i32_0 : i32, i32
  }
  func.func @transform_7(%arg0: i32) -> (i32, i32) {
    %c0_i32 = arith.constant 0 : i32
    %c0_i32_0 = arith.constant 0 : i32
    %c0_i32_1 = arith.constant 0 : i32
    return %c0_i32, %c0_i32_0 : i32, i32
  }
  func.func @transform_8(%arg0: i32) -> (i32, i32) {
    %c0_i32 = arith.constant 0 : i32
    %c0_i32_0 = arith.constant 0 : i32
    %c0_i32_1 = arith.constant 0 : i32
    return %c0_i32, %c0_i32_0 : i32, i32
  }
  func.func @transform_9(%arg0: i32) -> (i32, i32) {
    %c0_i32 = arith.constant 0 : i32
    %c0_i32_0 = arith.constant 0 : i32
    %c0_i32_1 = arith.constant 0 : i32
    return %c0_i32, %c0_i32_0 : i32, i32
  }
  func.func @transform_10(%arg0: i32) -> (i32, i32) {
    %c0_i32 = arith.constant 0 : i32
    %c0_i32_0 = arith.constant 0 : i32
    %c0_i32_1 = arith.constant 0 : i32
    return %c0_i32, %c0_i32_0 : i32, i32
  }
  func.func @transform_11(%arg0: i32) -> (i32, i32) {
    %c0_i32 = arith.constant 0 : i32
    %c0_i32_0 = arith.constant 0 : i32
    %c0_i32_1 = arith.constant 0 : i32
    return %c0_i32, %c0_i32_0 : i32, i32
  }
  func.func @transform_12(%arg0: i32) -> (i32, i32) {
    %c0_i32 = arith.constant 0 : i32
    %c0_i32_0 = arith.constant 0 : i32
    %c0_i32_1 = arith.constant 0 : i32
    return %c0_i32, %c0_i32_0 : i32, i32
  }
  func.func @transform_13(%arg0: i32) -> (i32, i32) {
    %c0_i32 = arith.constant 0 : i32
    %c0_i32_0 = arith.constant 0 : i32
    %c0_i32_1 = arith.constant 0 : i32
    return %c0_i32, %c0_i32_0 : i32, i32
  }
  func.func @transform_14(%arg0: i32) -> (i32, i32) {
    %c0_i32 = arith.constant 0 : i32
    %c0_i32_0 = arith.constant 0 : i32
    %c0_i32_1 = arith.constant 0 : i32
    return %c0_i32, %c0_i32_0 : i32, i32
  }
  func.func @transform_15(%arg0: i32) -> (i32, i32) {
    %c0_i32 = arith.constant 0 : i32
    %c0_i32_0 = arith.constant 0 : i32
    return %arg0, %c0_i32 : i32, i32
  }
  func.func @transform_16(%arg0: i32) -> (i32, i32) {
    %c0_i32 = arith.constant 0 : i32
    %c0_i32_0 = arith.constant 0 : i32
    return %arg0, %c0_i32 : i32, i32
  }
  func.func @transform_17(%arg0: i32) -> (i32, i32) {
    %c0_i32 = arith.constant 0 : i32
    %c0_i32_0 = arith.constant 0 : i32
    return %arg0, %c0_i32 : i32, i32
  }
}

</mosaic_0001>

<sc_bundles>
// kernel: kernel.4.cloned.1.call-start
scs
__scs_entry_jumppad:
0x0: {  	(pc) =	sbr.rel $0x88, $3  }
0x1: {  	(tag) =	ssettag $0x0;
	lr =	simm.s32 $0x1  }
0x2: {  	[smem:$0x3F7E] =	sst lr;
	_ =	strace $0xD0000000  }
0x3: {  	_ = 	snop  }
0x4: {  	_ = 	snop  }
0x5: {  	_ = 	snop  }
0x6: {  	_ = 	snop  }
0x7: {  	_ = 	snop  }
__scs_overlays_trampoline_lowered:
0x8: {  	[smem:$0x3F8D] =	sst s0  }
0x9: {  	[smem:$0x3F8E] =	sst s1  }
0xa: {  	[smem:$0x3F8F] =	sst s2  }
0xb: {  	[smem:$0x3F90] =	sst s3  }
0xc: {  	[smem:$0x3F91] =	sst s4  }
0xd: {  	[smem:$0x3F92] =	sst s5  }
0xe: {  	[smem:$0x3F93] =	sst s6  }
0xf: {  	[smem:$0x3F94] =	sst s7  }
0x10: {  	[smem:$0x3F95] =	sst s8  }
0x11: {  	[smem:$0x3F96] =	sst s9;
	s0 =	simm.s32 @!p0 $0x0  }
0x12: {  	s1 =	sld [smem:$0x3F7C];
	s0 =	simm.s32 @p0 $0x1  }
0x13: {  	[smem:$0x3F97] =	sst s0;
	s0 =	simm.s32 @!p1 $0x0  }
0x14: {  	s2 =	sld [smem:$0x3F7B];
	s0 =	simm.s32 @p1 $0x1  }
0x15: {  	[smem:$0x3F98] =	sst s0;
	s0 =	simm.s32 @!p2 $0x0  }
0x16: {  	s3 =	sld [smem:$0x3FDB];
	s0 =	simm.s32 @p2 $0x1  }
0x17: {  	s4 =	simm.s32 $0x1BF5;
	[smem:$0x3F9A] =	sst s0  }
0x18: {  	s0 =	sld [smem:$0x3F7D];
	_ =	swait.ge [sflag:s4], $0x0  }
0x19: {  	s7 =	sld [smem:$0x3F7E]  }
0x1a: {  	s8 =	sadd.s32 $0xFFFFE003, lr  }
0x1b: {  	s9 =	sadd.s32 $0xFFFFFEF7, lr;
	s5 =	simm.s32 $0xFFFFFFFF;
	p2 =	slt.u32 s8, $0xFFFFF086  }
0x1c: {  	p1 =	slt.u32 s9, $0xF7A;
	s5 =	simm.s32 @!p2 $0x0  }
0x1d: {  	s5 =	simm.s32 @p1 $0x1;
	p0 =	seq.s32 s7, s2  }
0x1e: {  	s7 =	smul.u32 @!p0 $0xF7A, s2;
	p2 =	seq.s32 @!p0 s5, $0x0  }
0x1f: {  	s9 =	smul.u32 $0xF7A, s1;
	s8 =	simm.s32 @!p0 $0x1BF5;
	p2 =	por !p2, p0  }
0x20: {  	[sflag:s8] =	ssyncset.s32 @!p0 $0xFFFFF086;
	s6 =	sadd.s32 @!p0 s3, s7;
	s7 =	simm.s32 @!p0 $0x108  }
0x21: {  	s3 =	sadd.s32 s3, s9;
	s6 =	sadd.s32 @!p0 $0x88, s6;
	s7 =	simm.s32 @p2 $0x1082  }
0x22: {  	[simem:s7], [sflag:s8] =	dma.local @!p0 [hbm:s6], $0xF7A  }
0x23: {  	s9 =	sor.u32 $0xD0000000, s2;
	s6 =	simm.s32 $0x108;
	_ =	swait.ge @!p0 [sflag:s8], $0x0  }
0x24: {  	s3 =	sadd.s32 $0x88, s3;
	s6 =	simm.s32 @!p1 $0x1082;
	[sflag:s4] =	ssyncset.s32 $0xFFFFF086  }
0x25: {  	[simem:s6], [sflag:s4] =	dma.local [hbm:s3], $0xF7A  }
0x26: {  	[smem:$0x3F7E] =	sst s1;
	(tag) =	ssettag s2;
	_ =	strace s9  }
0x27: {  	s1 =	sld [smem:$0x3F8E]  }
0x28: {  	s2 =	sld [smem:$0x3F8F]  }
0x29: {  	s4 =	sld [smem:$0x3F91]  }
0x2a: {  	p0 =	seq.s32 s5, $0x0;
	s5 =	sld [smem:$0x3F92]  }
0x2b: {  	s6 =	sld [smem:$0x3F93]  }
0x2c: {  	s7 =	sld [smem:$0x3F94]  }
0x2d: {  	s3 =	simm.s32 $0x108;
	s8 =	sld [smem:$0x3F95]  }
0x2e: {  	s3 =	simm.s32 @!p0 $0x1082;
	s9 =	sld [smem:$0x3F96]  }
0x2f: {  	lr =	sadd.s32 s0, s3;
	s0 =	sld [smem:$0x3F8D]  }
0x30: {  	s3 =	sld [smem:$0x3F90]  }
0x31: {  	[smem:$0x3F99] =	sst s10  }
0x32: {  	s10 =	sld [smem:$0x3F97];
	_ =	sdelay $0x3  }
0x33: {  	p0 =	seq.s32 s10, $0x1;
	s10 =	sld [smem:$0x3F99];
	_ =	sdelay $0x3  }
0x34: {  	[smem:$0x3F99] =	sst s10  }
0x35: {  	s10 =	sld [smem:$0x3F98];
	_ =	sdelay $0x3  }
0x36: {  	p1 =	seq.s32 s10, $0x1;
	s10 =	sld [smem:$0x3F99];
	_ =	sdelay $0x3  }
0x37: {  	[smem:$0x3F99] =	sst s10  }
0x38: {  	s10 =	sld [smem:$0x3F9A]  }
0x39: {  	_ = 	snop;
	(pc) =	sbr.ind lr, $3  }
0x3a: {  	_ = 	snop  }
0x3b: {  	_ = 	snop  }
0x3c: {  	p2 =	seq.s32 s10, $0x1;
	s10 =	sld [smem:$0x3F99]  }
0x3d: {  	_ =	shalt  }
0x3e: {  	_ =	shalt  }
0x3f: {  	_ =	shalt  }
0x40: {  	_ =	shalt  }
0x41: {  	_ =	shalt  }
0x42: {  	_ =	shalt  }
0x43: {  	_ =	shalt  }
0x44: {  	_ =	shalt  }
0x45: {  	_ =	shalt  }
0x46: {  	_ =	shalt  }
0x47: {  	_ =	shalt  }
0x48: {  	_ =	shalt  }
0x49: {  	_ =	shalt  }
0x4a: {  	_ =	shalt  }
0x4b: {  	_ =	shalt  }
0x4c: {  	_ =	shalt  }
0x4d: {  	_ =	shalt  }
0x4e: {  	_ =	shalt  }
0x4f: {  	_ =	shalt  }
0x50: {  	_ =	shalt  }
0x51: {  	_ =	shalt  }
0x52: {  	_ =	shalt  }
0x53: {  	_ =	shalt  }
0x54: {  	_ =	shalt  }
0x55: {  	_ =	shalt  }
0x56: {  	_ =	shalt  }
0x57: {  	_ =	shalt  }
0x58: {  	_ =	shalt  }
0x59: {  	_ =	shalt  }
0x5a: {  	_ =	shalt  }
0x5b: {  	_ =	shalt  }
0x5c: {  	_ =	shalt  }
0x5d: {  	_ =	shalt  }
0x5e: {  	_ =	shalt  }
0x5f: {  	_ =	shalt  }
0x60: {  	_ =	shalt  }
0x61: {  	_ =	shalt  }
0x62: {  	_ =	shalt  }
0x63: {  	_ =	shalt  }
0x64: {  	_ =	shalt  }
0x65: {  	_ =	shalt  }
0x66: {  	_ =	shalt  }
0x67: {  	_ =	shalt  }
0x68: {  	_ =	shalt  }
0x69: {  	_ =	shalt  }
0x6a: {  	_ =	shalt  }
0x6b: {  	_ =	shalt  }
0x6c: {  	_ =	shalt  }
0x6d: {  	_ =	shalt  }
0x6e: {  	_ =	shalt  }
0x6f: {  	_ =	shalt  }
0x70: {  	_ =	shalt  }
0x71: {  	_ =	shalt  }
0x72: {  	_ =	shalt  }
0x73: {  	_ =	shalt  }
0x74: {  	_ =	shalt  }
0x75: {  	_ =	shalt  }
0x76: {  	_ =	shalt  }
0x77: {  	_ =	shalt  }
0x78: {  	_ =	shalt  }
0x79: {  	_ =	shalt  }
0x7a: {  	_ =	shalt  }
0x7b: {  	_ =	shalt  }
0x7c: {  	_ =	shalt  }
0x7d: {  	_ =	shalt  }
0x7e: {  	_ =	shalt  }
0x7f: {  	_ =	shalt  }
0x80: {  	_ =	shalt  }
0x81: {  	_ =	shalt  }
0x82: {  	_ =	shalt  }
0x83: {  	_ =	shalt  }
0x84: {  	_ =	shalt  }
0x85: {  	_ =	shalt  }
0x86: {  	_ =	shalt  }
0x87: {  	_ =	shalt  }
.Lfunc_end0:
.L_simem_size_0:
called_computation_lowered:
.L_overlay_start_0:
0x88: {  	s2 =	sld [smem:$0x3FD9]  }
0x89: {  	s3 =	sld [smem:$0x3FFE];
	_ =	sdelay $0x1  }
0x8a: {  	s1 =	srdreg.scid  }
0x8b: {  	s0 =	sand.u32 $0x1, s1  }
0x8c: {  	s14 =	sshll.u32 s0, $0xA;
	s2 =	sadd.s32 s3, s2  }
0x8d: {  	s2 =	sadd.s32 s2, s14  }
0x8e: {  	[smem:$0x3FA5] =	sst s2  }
0x8f: {  	_ = 	snop  }
0x90: {  	s2 =	sld [smem:$0x3FD0];
	_ =	sdelay $0x1  }
0x91: {  	s15 =	sld [smem:$0x3FC9]  }
0x92: {  	s5 =	simm.s32 $0xA;
	s6 =	simm.s32 $0x10;
	s4 =	sld [smem:$0x3FC7]  }
0x93: {  	[smem:s6], [sflag:s5] =	dma.local [hbm:s2], $0x1  }
0x94: {  	_ =	swait.eq [sflag:s5], $0x1  }
0x95: {  	s16 =	sld [smem:$0x10];
	[sflag:s5] =	ssyncset.done $0x0  }
0x96: {  	s17 =	sld [smem:$0x11];
	[sflag:s5] =	ssyncadd.s32 $0xFFFFFFFF  }
0x97: {  	s18 =	sld [smem:$0x12];
	(tm) =	ssettm $0x1  }
0x98: {  	s7 =	sld [smem:$0x3FFB];
	_ =	sdelay $0x3  }
0x99: {  	_ =	strace s7  }
0x9a: {  	s7 =	sld [smem:$0x3FFC];
	_ =	sdelay $0x3  }
0x9b: {  	_ =	strace s7  }
0x9c: {  	s7 =	sld [smem:$0x3FFD];
	_ =	sdelay $0x3  }
0x9d: {  	_ =	strace s7  }
0x9e: {  	_ =	strace $0x8FFFFFFF  }
0x9f: {  	s19 =	sld [smem:$0x3FDB];
	_ =	sdelay $0x1  }
0xa0: {  	s8 =	simm.s32 $_scs_section_size  }
0xa1: {  	s9 =	simm.s32 $_size__tile_overlayer_lowered;
	s10 =	simm.s32 $_tile_overlayer_lowered  }
0xa2: {  	s22 =	simm.s32 $0x1BFF;
	s21 =	sshll.u32 s10, $0x1;
	s7 =	sadd.s32 s8, s19  }
0xa3: {  	s11 =	simm.s32 $0x0;
	s20 =	sshll.u32 s9, $0x1;
	s9 =	sadd.s32 s21, s7  }
0xa4: {  	[timem:s11], [sflag:s22] =	dma.local [hbm:s9], s20  }
0xa5: {  	_ =	swait.ge [sflag:s22], s20  }
0xa6: {  	s8 =	ssub.s32 $0x0, s20;
	[sflag:s22] =	ssyncset.done $0x0  }
0xa7: {  	[sflag:s22] =	ssyncadd.s32 s8;
	_ =	sdelay $0x1  }
0xa8: {  	s23 =	simm.s32 $0x1B8B  }
0xa9: {  	_ =	swait.ge [sflag:s23], $0x1  }
0xaa: {  	[sflag:s23] =	ssyncset.done $0x0  }
0xab: {  	s25 =	simm.s32 $0x1B8E;
	s24 =	sld [smem:$0x3FFE];
	[sflag:s23] =	ssyncadd.s32 $0xFFFFFFFF  }
0xac: {  	s26 =	simm.s32 $execute0_lowered;
	[smem:$0x3FD2] =	sst s25  }
0xad: {  	s9 =	sshll.u32 s26, $0x1;
	_ =	strace $0x80000046;
	[dreg:$0x1] =	wrdreg $0xFFFFFFFF  }
0xae: {  	s28 =	simm.s32 $_size_execute0_lowered;
	s7 =	sadd.s32 s7, s9;
	[dreg:$0x0] =	wrdreg $0x0  }
0xaf: {  	s9 =	sshll.u32 s28, $0x1;
	[dreg:$0x2] =	wrdreg s7  }
0xb0: {  	[dreg:$0x3] =	wrdreg s9  }
0xb1: {  	[dreg:$0x4] =	wrdreg $0xC0  }
0xb2: {  	_ =	task [dreg:s11], $0x5FFFF  }
0xb3: {  	[dreg:$0x1] =	wrdreg $0xFFFFFFFF  }
0xb4: {  	[dreg:$0x0] =	wrdreg $0x60  }
0xb5: {  	[dreg:$0x2] =	wrdreg s15  }
0xb6: {  	[dreg:$0x3] =	wrdreg s4  }
0xb7: {  	[dreg:$0x4] =	wrdreg s17  }
0xb8: {  	[dreg:$0x5] =	wrdreg s18  }
0xb9: {  	[dreg:$0x6] =	wrdreg s16  }
0xba: {  	[dreg:$0x7] =	wrdreg s24  }
0xbb: {  	[dreg:$0x8] =	wrdreg $0x0  }
0xbc: {  	[dreg:$0x9] =	wrdreg $0x9  }
0xbd: {  	_ =	task.clear_ibuf [dreg:s11], $0xAFFFF;
	_ =	strace $0x90000046  }
0xbe: {  	s29 =	simm.s32 $0x9;
	_ =	strace $0x80000048  }
0xbf: {  	_ =	swait.ge [sflag:s29], $0x1  }
0xc0: {  	[sflag:s29] =	ssyncadd.s32 $0xFFFFFFFF  }
0xc1: {  	_ =	strace $0x90000048  }
0xc2: {  	_ =	sfence  }
0xc3: {  	s30 =	sld [smem:$0x0];
	_ =	sdelay $0x2  }
0xc4: {  	s31 =	sshll.u32 s1, $0xD;
	s1 =	sshrl.u32 s1, $0x2  }
0xc5: {  	s3 =	sand.u32 $0x4000, s31;
	s1 =	sadd.s32 s1, s30  }
0xc6: {  	s0 =	sor.u32 s3, s0;
	s1 =	sshll.u32 s1, $0x11  }
0xc7: {  	s0 =	sor.u32 s1, s0  }
0xc8: {  	s0 =	sadd.s32 $0x8F2B, s0  }
0xc9: {  	[sflag:s0] =	ssyncadd.remote.s32 $0x1  }
0xca: {  	_ =	sfence.sel $0xFFFF  }
0xcb: {  	[dreg:$0x0] =	wrdreg $0xFFFFFFFF;
	(pc) =	sbr.abs _section_cstart, $3  }
0xcc: {  	[dreg:$0x1] =	wrdreg $0xFFFFFFFF  }
0xcd: {  	_ =	task.clear_ibuf [dreg:s11], $0x2FFFF;
	_ =	strace $0x9FFFFFFF  }
0xce: {  	(tm) =	ssettm $0x7FFFFFFF  }
0xcf: {  	_ =	shalt  }
tec
execute0_lowered:
.L_overlay_start_1:
0x0: {  	(tag) =	ssettag $0x1  }
0x1: {  	s0 =	rddreg [dreg:$0x0]  }
0x2: {  	s1 =	rddreg [dreg:$0x1]  }
0x3: {  	s2 =	rddreg [dreg:$0x2]  }
0x4: {  	s3 =	rddreg [dreg:$0x3]  }
0x5: {  	s6 =	rddreg [dreg:$0x5]  }
0x6: {  	s4 =	rddreg [dreg:$0x6];
	s7 =	srdreg.scid  }
0x7: {  	s5 =	simm.s32 $0x0;
	s12 =	stileid.u32;
	s14 =	simm.s32 $0x5  }
0x8: {  	s15 =	simm.s32 $0x14400;
	s16 =	simm.s32 $0x14000;
	s17 =	simm.s32 $0x80  }
0x9: {  	s18 =	simm.s32 $0x14080;
	s19 =	simm.s32 $0x3;
	s28 =	simm.s32 $0x14280  }
0xa: {  	s29 =	simm.s32 $0x14300;
	s30 =	simm.s32 $0x14380;
	s31 =	simm.s32 $0x13C00  }
0xb: {  	s7 =	sand.u32 $0x1, s7;
	[smem:$0x7FF] =	sst s5;
	s10 =	smul.u32 $0x90, s12  }
0xc: {  	s9 =	sadd.s32 $0x5800, s6;
	s11 =	sshll.u32 s12, $0x4;
	s22 =	smul.u32 $0x4F000, s12  }
0xd: {  	s24 =	sshll.u32 s12, $0x6;
	s26 =	smul.u32 $0x2780, s12;
	s12 =	simm.s32 $0x13F80  }
0xe: {  	s8 =	smul.u32 $0x27800, s7;
	_ =	strace $0x80000047;
	[dreg:$0x8] =	wrdreg s9  }
0xf: {  	s20 =	ssub.s32 $0x2, s7;
	p0 =	seq.s32 s7, $0x0;
	s7 =	sor.u32 $0x900, s11  }
0x10: {  	s9 =	simm.s32 $0x12;
	s13 =	sor.u32 $0x1C05, s24;
	s21 =	sshrl.u32 s20, $0x1  }
0x11: {  	s7 =	smov.u32 @p0 s10;
	s9 =	simm.s32 @!p0 $0x2;
	s23 =	sshrl.u32 s22, $0x2  }
0x12: {  	s10 =	simm.s32 $0x2;
	[dreg:$0xa] =	wrdreg s13;
	s6 =	sadd.s32 s8, s6  }
0x13: {  	s8 =	ssub.s32 s20, s21;
	[dreg:$0x9] =	wrdreg s9;
	s9 =	sadd.s32 s23, s4  }
0x14: {  	s7 =	sshll.u32 s7, $0x4;
	s20 =	simm.s32 $0x14100;
	s21 =	simm.s32 $0x4  }
0x15: {  	s25 =	sadd.s32 $0xA4000, s6;
	s22 =	sadd.s32 $0x6000, s6;
	s8 =	smax.u32 s8, $0x1  }
0x16: {  	s6 =	sadd.s32 $0x55000, s6;
	s3 =	sadd.s32 s7, s3;
	[dreg:$0xb] =	wrdreg s8  }
0x17: {  	s2 =	sadd.s32 s7, s2;
	s23 =	sshrl.u32 s9, $0x3;
	[dreg:$0xc] =	wrdreg s3  }
0x18: {  	s7 =	simm.s32 $0x18400;
	s9 =	simm.s32 $0x0;
	[dreg:$0xd] =	wrdreg s2  }
0x19: {  	s24 =	sadd.s32 s26, s25;
	s25 =	sadd.s32 s26, s22;
	s26 =	sadd.s32 s26, s6  }
0x1a: {  	s11 =	smov.u32 s23;
	s2 =	simm.s32 $0x1;
	[dreg:$0x12] =	wrdreg s9  }
0x1b: {  	s6 =	simm.s32 $0x13C80;
	s22 =	simm.s32 $0x13D00;
	[dreg:$0xf] =	wrdreg s24  }
0x1c: {  	s23 =	simm.s32 $0x13D80;
	s3 =	simm.s32 $0x13E80;
	[dreg:$0x10] =	wrdreg s25  }
0x1d: {  	s8 =	simm.s32 $0x13F00;
	[dreg:$0x11] =	wrdreg s26;
	s25 =	simm.s32 $0x14180  }
0x1e: {  	s26 =	simm.s32 $0x14200;
	s24 =	simm.s32 $0x13E00;
	[dreg:$0xe] =	wrdreg s11  }
.LBB2_1:
0x1f: {  	s9 =	rddreg [dreg:$0x4]  }
0x20: {  	[spmem:s11], [sflag:s13] =	dma.local [hbm:s9], $0x2780  }
0x21: {  	_ =	swait.ge [sflag:s14], $0x2780  }
0x22: {  	[sflag:s14] =	ssyncset.done $0x0  }
0x23: {  	[sflag:s14] =	ssyncadd.s32 $0xFFFFD880  }
0x24: {  	[bflag:$0x0] =	sbarrier.arrive $0xFFFF  }
0x25: {  	s11 =	rddreg [dreg:$0x8]  }
0x26: {  	[tilespmem:s15], [sflag:$0x5] =	stream.linear.gather [hbm4b:s11+s5], $0x4000, $0x38;
	[tilespmem:$0x1C400] =	vst v63  }
0x27: {  	_ =	swait.ge [sflag:s14], $0x4000  }
0x28: {  	[sflag:s14] =	ssyncset.done $0x0  }
0x29: {  	s11 =	rddreg [dreg:$0xc];
	[sflag:s14] =	ssyncadd.s32 $0xFFFFC000  }
0x2a: {  	[tilespmem:s16], [sflag:$0x5] =	stream.linear.gather [hbm4b:s11+s5], $0x400, $0x38;
	[tilespmem:$0x1C400] =	vst v63  }
0x2b: {  	_ =	swait.ge [sflag:s14], $0x400  }
0x2c: {  	[sflag:s14] =	ssyncset.done $0x0  }
0x2d: {  	[sflag:s14] =	ssyncadd.s32 $0xFFFFFC00  }
0x2e: {  	[spmem:s4] =	stream.indirect.scatter.add.f32 [tilespmem:s15], [sflag:$0x3], $0x80, s16, s17, $0xb8;
	[tilespmem:$0x1C400] =	vst v63  }
0x2f: {  	_ = 	snop  }
0x30: {  	[spmem:s4] =	stream.indirect.scatter.add.f32 [tilespmem:s15], [sflag:$0x4], $0x80, s18, s17, $0xb8;
	[tilespmem:$0x1C400] =	vst v63  }
0x31: {  	_ =	swait.ge [sflag:s19], $0x4000  }
0x32: {  	[sflag:s19] =	ssyncset.done $0x0  }
0x33: {  	[sflag:s19] =	ssyncadd.s32 $0xFFFFC000  }
0x34: {  	[spmem:s4] =	stream.indirect.scatter.add.f32 [tilespmem:s15], [sflag:$0x3], $0x80, s20, s17, $0xb8;
	[tilespmem:$0x1C400] =	vst v63  }
0x35: {  	_ =	swait.ge [sflag:s21], $0x4000  }
0x36: {  	[sflag:s21] =	ssyncset.done $0x0  }
0x37: {  	[sflag:s21] =	ssyncadd.s32 $0xFFFFC000  }
0x38: {  	[spmem:s4] =	stream.indirect.scatter.add.f32 [tilespmem:s15], [sflag:$0x4], $0x80, s25, s17, $0xb8;
	[tilespmem:$0x1C400] =	vst v63  }
0x39: {  	_ =	swait.ge [sflag:s19], $0x4000  }
0x3a: {  	[sflag:s19] =	ssyncset.done $0x0  }
0x3b: {  	[sflag:s19] =	ssyncadd.s32 $0xFFFFC000  }
0x3c: {  	[spmem:s4] =	stream.indirect.scatter.add.f32 [tilespmem:s15], [sflag:$0x3], $0x80, s26, s17, $0xb8;
	[tilespmem:$0x1C400] =	vst v63  }
0x3d: {  	_ =	swait.ge [sflag:s21], $0x4000  }
0x3e: {  	[sflag:s21] =	ssyncset.done $0x0  }
0x3f: {  	[sflag:s21] =	ssyncadd.s32 $0xFFFFC000  }
0x40: {  	[spmem:s4] =	stream.indirect.scatter.add.f32 [tilespmem:s15], [sflag:$0x4], $0x80, s28, s17, $0xb8;
	[tilespmem:$0x1C400] =	vst v63  }
0x41: {  	_ =	swait.ge [sflag:s19], $0x4000  }
0x42: {  	[sflag:s19] =	ssyncset.done $0x0  }
0x43: {  	[sflag:s19] =	ssyncadd.s32 $0xFFFFC000  }
0x44: {  	[spmem:s4] =	stream.indirect.scatter.add.f32 [tilespmem:s15], [sflag:$0x3], $0x80, s29, s17, $0xb8;
	[tilespmem:$0x1C400] =	vst v63  }
0x45: {  	_ =	swait.ge [sflag:s21], $0x4000  }
0x46: {  	[sflag:s21] =	ssyncset.done $0x0  }
0x47: {  	[sflag:s21] =	ssyncadd.s32 $0xFFFFC000  }
0x48: {  	[spmem:s4] =	stream.indirect.scatter.add.f32 [tilespmem:s15], [sflag:$0x4], $0x80, s30, s17, $0xb8;
	[tilespmem:$0x1C400] =	vst v63  }
0x49: {  	_ =	swait.ge [sflag:s19], $0x4000  }
0x4a: {  	s9 =	rddreg [dreg:$0x9]  }
0x4b: {  	p0 =	sne.s32 s9, $0x1  }
.Ltmp0:
0x4c: {  	_ = 	snop;
	(pc) =	sbr.rel @!p0 .LBB2_3-.Ltmp0, $4  }
0x4d: {  	[sflag:s19] =	ssyncset.done $0x0  }
0x4e: {  	[sflag:s19] =	ssyncadd.s32 $0xFFFFC000  }
0x4f: {  	_ =	swait.ge [sflag:s21], $0x4000  }
0x50: {  	s9 =	sadd.s32 $0xFFFFFFFF, s9;
	[sflag:s21] =	ssyncset.done $0x0  }
.LBB2_2:
0x51: {  	p1 =	sne.s32 s9, $0x1;
	[sflag:s21] =	ssyncadd.s32 $0xFFFFC000;
	s11 =	sadd.s32 $0x80, s11  }
0x52: {  	[tilespmem:s16], [sflag:$0x5] =	stream.linear.gather [hbm4b:s11+s5], $0x400, $0x38;
	[tilespmem:$0x1C400] =	vst v63  }
0x53: {  	s9 =	sadd.s32 $0xFFFFFFFF, s9;
	_ =	swait.ge [sflag:s14], $0x400  }
0x54: {  	[sflag:s14] =	ssyncset.done $0x0  }
0x55: {  	[sflag:s14] =	ssyncadd.s32 $0xFFFFFC00  }
0x56: {  	[spmem:s4] =	stream.indirect.scatter.add.f32 [tilespmem:s15], [sflag:$0x3], $0x80, s16, s17, $0xb8;
	[tilespmem:$0x1C400] =	vst v63  }
0x57: {  	_ = 	snop  }
0x58: {  	[spmem:s4] =	stream.indirect.scatter.add.f32 [tilespmem:s15], [sflag:$0x4], $0x80, s18, s17, $0xb8;
	[tilespmem:$0x1C400] =	vst v63  }
0x59: {  	_ =	swait.ge [sflag:s19], $0x4000  }
0x5a: {  	[sflag:s19] =	ssyncset.done $0x0  }
0x5b: {  	[sflag:s19] =	ssyncadd.s32 $0xFFFFC000  }
0x5c: {  	[spmem:s4] =	stream.indirect.scatter.add.f32 [tilespmem:s15], [sflag:$0x3], $0x80, s20, s17, $0xb8;
	[tilespmem:$0x1C400] =	vst v63  }
0x5d: {  	_ =	swait.ge [sflag:s21], $0x4000  }
0x5e: {  	[sflag:s21] =	ssyncset.done $0x0  }
0x5f: {  	[sflag:s21] =	ssyncadd.s32 $0xFFFFC000  }
0x60: {  	[spmem:s4] =	stream.indirect.scatter.add.f32 [tilespmem:s15], [sflag:$0x4], $0x80, s25, s17, $0xb8;
	[tilespmem:$0x1C400] =	vst v63  }
0x61: {  	_ =	swait.ge [sflag:s19], $0x4000  }
0x62: {  	[sflag:s19] =	ssyncset.done $0x0  }
0x63: {  	[sflag:s19] =	ssyncadd.s32 $0xFFFFC000  }
0x64: {  	[spmem:s4] =	stream.indirect.scatter.add.f32 [tilespmem:s15], [sflag:$0x3], $0x80, s26, s17, $0xb8;
	[tilespmem:$0x1C400] =	vst v63  }
0x65: {  	_ =	swait.ge [sflag:s21], $0x4000  }
0x66: {  	[sflag:s21] =	ssyncset.done $0x0  }
0x67: {  	[sflag:s21] =	ssyncadd.s32 $0xFFFFC000  }
0x68: {  	[spmem:s4] =	stream.indirect.scatter.add.f32 [tilespmem:s15], [sflag:$0x4], $0x80, s28, s17, $0xb8;
	[tilespmem:$0x1C400] =	vst v63  }
0x69: {  	_ =	swait.ge [sflag:s19], $0x4000  }
0x6a: {  	[sflag:s19] =	ssyncset.done $0x0  }
0x6b: {  	[sflag:s19] =	ssyncadd.s32 $0xFFFFC000  }
0x6c: {  	[spmem:s4] =	stream.indirect.scatter.add.f32 [tilespmem:s15], [sflag:$0x3], $0x80, s29, s17, $0xb8;
	[tilespmem:$0x1C400] =	vst v63  }
0x6d: {  	_ =	swait.ge [sflag:s21], $0x4000  }
0x6e: {  	[sflag:s21] =	ssyncset.done $0x0  }
0x6f: {  	[sflag:s21] =	ssyncadd.s32 $0xFFFFC000  }
0x70: {  	[spmem:s4] =	stream.indirect.scatter.add.f32 [tilespmem:s15], [sflag:$0x4], $0x80, s30, s17, $0xb8;
	[tilespmem:$0x1C400] =	vst v63  }
.Ltmp1:
0x71: {  	_ =	swait.ge [sflag:s19], $0x4000;
	(pc) =	sbr.rel @p1 .LBB2_2-.Ltmp1, $4  }
0x72: {  	[sflag:s19] =	ssyncset.done $0x0  }
0x73: {  	[sflag:s19] =	ssyncadd.s32 $0xFFFFC000  }
0x74: {  	_ =	swait.ge [sflag:s21], $0x4000  }
0x75: {  	[sflag:s21] =	ssyncset.done $0x0  }
.LBB2_3:
0x76: {  	[sflag:s21] =	ssyncadd.s32 $0xFFFFC000  }
0x77: {  	[bflag:$0x0] =	sbarrier.arrive $0xFFFF  }
0x78: {  	s11 =	rddreg [dreg:$0xe]  }
0x79: {  	s9 =	rddreg [dreg:$0xf]  }
0x7a: {  	[hbm:s9], [sflag:s13] =	dma.local [spmem:s11], $0x2780  }
0x7b: {  	_ =	swait.ge [sflag:s14], $0x2780  }
0x7c: {  	[sflag:s14] =	ssyncset.done $0x0  }
0x7d: {  	[sflag:s14] =	ssyncadd.s32 $0xFFFFD880  }
0x7e: {  	s9 =	rddreg [dreg:$0x4]  }
0x7f: {  	[spmem:s11], [sflag:s13] =	dma.local [hbm:s9], $0x2780  }
0x80: {  	_ =	swait.ge [sflag:s14], $0x2780  }
0x81: {  	[sflag:s14] =	ssyncset.done $0x0  }
0x82: {  	[sflag:s14] =	ssyncadd.s32 $0xFFFFD880  }
0x83: {  	[bflag:$0x0] =	sbarrier.arrive $0xFFFF  }
0x84: {  	s11 =	rddreg [dreg:$0xd]  }
0x85: {  	[tilespmem:s31], [sflag:$0x5] =	stream.linear.gather [hbm4b:s11+s5], $0x400, $0x38;
	[tilespmem:$0x1C400] =	vst v63  }
0x86: {  	_ =	swait.ge [sflag:s14], $0x400  }
0x87: {  	[sflag:s14] =	ssyncset.done $0x0  }
0x88: {  	s11 =	rddreg [dreg:$0xc];
	[sflag:s14] =	ssyncadd.s32 $0xFFFFFC00  }
0x89: {  	[tilespmem:s16], [sflag:$0x5] =	stream.linear.gather [hbm4b:s11+s5], $0x400, $0x38;
	[tilespmem:$0x1C400] =	vst v63  }
0x8a: {  	_ =	swait.ge [sflag:s14], $0x400  }
0x8b: {  	[sflag:s14] =	ssyncset.done $0x0  }
0x8c: {  	[sflag:s14] =	ssyncadd.s32 $0xFFFFFC00  }
0x8d: {  	[tilespmem:s15], [sflag:$0x1] =	stream.indirect.gather [hbm4b:s0+s17], $0x80, s31, s17, $0xb8;
	[tilespmem:$0x1C400] =	vst v63  }
0x8e: {  	_ =	swait.ge [sflag:s2], $0x4000  }
0x8f: {  	[sflag:s2] =	ssyncset.done $0x0  }
0x90: {  	[sflag:s2] =	ssyncadd.s32 $0xFFFFC000  }
0x91: {  	[spmem:s4] =	stream.indirect.scatter.add.f32 [tilespmem:s15], [sflag:$0x3], $0x80, s16, s17, $0xb8;
	[tilespmem:$0x1C400] =	vst v63  }
0x92: {  	_ = 	snop  }
0x93: {  	[tilespmem:s7], [sflag:$0x2] =	stream.indirect.gather [hbm4b:s0+s17], $0x80, s6, s17, $0xb8;
	[tilespmem:$0x1C400] =	vst v63  }
0x94: {  	_ =	swait.ge [sflag:s10], $0x4000  }
0x95: {  	[sflag:s10] =	ssyncset.done $0x0  }
0x96: {  	[sflag:s10] =	ssyncadd.s32 $0xFFFFC000  }
0x97: {  	[spmem:s4] =	stream.indirect.scatter.add.f32 [tilespmem:s7], [sflag:$0x4], $0x80, s18, s17, $0xb8;
	[tilespmem:$0x1C400] =	vst v63  }
0x98: {  	_ =	swait.ge [sflag:s19], $0x4000  }
0x99: {  	[sflag:s19] =	ssyncset.done $0x0  }
0x9a: {  	[sflag:s19] =	ssyncadd.s32 $0xFFFFC000  }
0x9b: {  	[tilespmem:s15], [sflag:$0x1] =	stream.indirect.gather [hbm4b:s0+s17], $0x80, s22, s17, $0xb8;
	[tilespmem:$0x1C400] =	vst v63  }
0x9c: {  	_ =	swait.ge [sflag:s2], $0x4000  }
0x9d: {  	[sflag:s2] =	ssyncset.done $0x0  }
0x9e: {  	[sflag:s2] =	ssyncadd.s32 $0xFFFFC000  }
0x9f: {  	[spmem:s4] =	stream.indirect.scatter.add.f32 [tilespmem:s15], [sflag:$0x3], $0x80, s20, s17, $0xb8;
	[tilespmem:$0x1C400] =	vst v63  }
0xa0: {  	_ =	swait.ge [sflag:s21], $0x4000  }
0xa1: {  	[sflag:s21] =	ssyncset.done $0x0  }
0xa2: {  	[sflag:s21] =	ssyncadd.s32 $0xFFFFC000  }
0xa3: {  	[tilespmem:s7], [sflag:$0x2] =	stream.indirect.gather [hbm4b:s0+s17], $0x80, s23, s17, $0xb8;
	[tilespmem:$0x1C400] =	vst v63  }
0xa4: {  	_ =	swait.ge [sflag:s10], $0x4000  }
0xa5: {  	[sflag:s10] =	ssyncset.done $0x0  }
0xa6: {  	[sflag:s10] =	ssyncadd.s32 $0xFFFFC000  }
0xa7: {  	[spmem:s4] =	stream.indirect.scatter.add.f32 [tilespmem:s7], [sflag:$0x4], $0x80, s25, s17, $0xb8;
	[tilespmem:$0x1C400] =	vst v63  }
0xa8: {  	_ =	swait.ge [sflag:s19], $0x4000  }
0xa9: {  	[sflag:s19] =	ssyncset.done $0x0  }
0xaa: {  	[sflag:s19] =	ssyncadd.s32 $0xFFFFC000  }
0xab: {  	[tilespmem:s15], [sflag:$0x1] =	stream.indirect.gather [hbm4b:s0+s17], $0x80, s24, s17, $0xb8;
	[tilespmem:$0x1C400] =	vst v63  }
0xac: {  	_ =	swait.ge [sflag:s2], $0x4000  }
0xad: {  	[sflag:s2] =	ssyncset.done $0x0  }
0xae: {  	[sflag:s2] =	ssyncadd.s32 $0xFFFFC000  }
0xaf: {  	[spmem:s4] =	stream.indirect.scatter.add.f32 [tilespmem:s15], [sflag:$0x3], $0x80, s26, s17, $0xb8;
	[tilespmem:$0x1C400] =	vst v63  }
0xb0: {  	_ =	swait.ge [sflag:s21], $0x4000  }
0xb1: {  	[sflag:s21] =	ssyncset.done $0x0  }
0xb2: {  	[sflag:s21] =	ssyncadd.s32 $0xFFFFC000  }
0xb3: {  	[tilespmem:s7], [sflag:$0x2] =	stream.indirect.gather [hbm4b:s0+s17], $0x80, s3, s17, $0xb8;
	[tilespmem:$0x1C400] =	vst v63  }
0xb4: {  	_ =	swait.ge [sflag:s10], $0x4000  }
0xb5: {  	[sflag:s10] =	ssyncset.done $0x0  }
0xb6: {  	[sflag:s10] =	ssyncadd.s32 $0xFFFFC000  }
0xb7: {  	[spmem:s4] =	stream.indirect.scatter.add.f32 [tilespmem:s7], [sflag:$0x4], $0x80, s28, s17, $0xb8;
	[tilespmem:$0x1C400] =	vst v63  }
0xb8: {  	_ =	swait.ge [sflag:s19], $0x4000  }
0xb9: {  	[sflag:s19] =	ssyncset.done $0x0  }
0xba: {  	[sflag:s19] =	ssyncadd.s32 $0xFFFFC000  }
0xbb: {  	[tilespmem:s15], [sflag:$0x1] =	stream.indirect.gather [hbm4b:s0+s17], $0x80, s8, s17, $0xb8;
	[tilespmem:$0x1C400] =	vst v63  }
0xbc: {  	_ =	swait.ge [sflag:s2], $0x4000  }
0xbd: {  	[sflag:s2] =	ssyncset.done $0x0  }
0xbe: {  	[sflag:s2] =	ssyncadd.s32 $0xFFFFC000  }
0xbf: {  	[spmem:s4] =	stream.indirect.scatter.add.f32 [tilespmem:s15], [sflag:$0x3], $0x80, s29, s17, $0xb8;
	[tilespmem:$0x1C400] =	vst v63  }
0xc0: {  	_ =	swait.ge [sflag:s21], $0x4000  }
0xc1: {  	[sflag:s21] =	ssyncset.done $0x0  }
0xc2: {  	[sflag:s21] =	ssyncadd.s32 $0xFFFFC000  }
0xc3: {  	[tilespmem:s7], [sflag:$0x2] =	stream.indirect.gather [hbm4b:s0+s17], $0x80, s12, s17, $0xb8;
	[tilespmem:$0x1C400] =	vst v63  }
0xc4: {  	_ =	swait.ge [sflag:s10], $0x4000  }
0xc5: {  	[sflag:s10] =	ssyncset.done $0x0  }
0xc6: {  	[sflag:s10] =	ssyncadd.s32 $0xFFFFC000  }
0xc7: {  	[spmem:s4] =	stream.indirect.scatter.add.f32 [tilespmem:s7], [sflag:$0x4], $0x80, s30, s17, $0xb8;
	[tilespmem:$0x1C400] =	vst v63  }
0xc8: {  	_ =	swait.ge [sflag:s19], $0x4000  }
.Ltmp2:
0xc9: {  	[sflag:s19] =	ssyncset.done $0x0;
	(pc) =	sbr.rel @!p0 .LBB2_5-.Ltmp2, $4  }
0xca: {  	[sflag:s19] =	ssyncadd.s32 $0xFFFFC000  }
0xcb: {  	_ =	swait.ge [sflag:s21], $0x4000  }
0xcc: {  	s13 =	rddreg [dreg:$0x9]  }
0xcd: {  	[sflag:s21] =	ssyncset.done $0x0;
	s9 =	rddreg [dreg:$0xd];
	s13 =	sadd.s32 $0xFFFFFFFF, s13  }
.LBB2_4:
0xce: {  	[sflag:s21] =	ssyncadd.s32 $0xFFFFC000;
	s11 =	sadd.s32 $0x80, s11;
	s9 =	sadd.s32 $0x80, s9  }
0xcf: {  	[tilespmem:s31], [sflag:$0x5] =	stream.linear.gather [hbm4b:s9+s5], $0x400, $0x38;
	[tilespmem:$0x1C400] =	vst v63  }
0xd0: {  	p1 =	sne.s32 s13, $0x1;
	s13 =	sadd.s32 $0xFFFFFFFF, s13;
	_ =	swait.ge [sflag:s14], $0x400  }
0xd1: {  	[sflag:s14] =	ssyncset.done $0x0  }
0xd2: {  	[sflag:s14] =	ssyncadd.s32 $0xFFFFFC00  }
0xd3: {  	[tilespmem:s16], [sflag:$0x5] =	stream.linear.gather [hbm4b:s11+s5], $0x400, $0x38;
	[tilespmem:$0x1C400] =	vst v63  }
0xd4: {  	_ =	swait.ge [sflag:s14], $0x400  }
0xd5: {  	[sflag:s14] =	ssyncset.done $0x0  }
0xd6: {  	[sflag:s14] =	ssyncadd.s32 $0xFFFFFC00  }
0xd7: {  	[tilespmem:s15], [sflag:$0x1] =	stream.indirect.gather [hbm4b:s0+s17], $0x80, s31, s17, $0xb8;
	[tilespmem:$0x1C400] =	vst v63  }
0xd8: {  	_ =	swait.ge [sflag:s2], $0x4000  }
0xd9: {  	[sflag:s2] =	ssyncset.done $0x0  }
0xda: {  	[sflag:s2] =	ssyncadd.s32 $0xFFFFC000  }
0xdb: {  	[spmem:s4] =	stream.indirect.scatter.add.f32 [tilespmem:s15], [sflag:$0x3], $0x80, s16, s17, $0xb8;
	[tilespmem:$0x1C400] =	vst v63  }
0xdc: {  	_ = 	snop  }
0xdd: {  	[tilespmem:s7], [sflag:$0x2] =	stream.indirect.gather [hbm4b:s0+s17], $0x80, s6, s17, $0xb8;
	[tilespmem:$0x1C400] =	vst v63  }
0xde: {  	_ =	swait.ge [sflag:s10], $0x4000  }
0xdf: {  	[sflag:s10] =	ssyncset.done $0x0  }
0xe0: {  	[sflag:s10] =	ssyncadd.s32 $0xFFFFC000  }
0xe1: {  	[spmem:s4] =	stream.indirect.scatter.add.f32 [tilespmem:s7], [sflag:$0x4], $0x80, s18, s17, $0xb8;
	[tilespmem:$0x1C400] =	vst v63  }
0xe2: {  	_ =	swait.ge [sflag:s19], $0x4000  }
0xe3: {  	[sflag:s19] =	ssyncset.done $0x0  }
0xe4: {  	[sflag:s19] =	ssyncadd.s32 $0xFFFFC000  }
0xe5: {  	[tilespmem:s15], [sflag:$0x1] =	stream.indirect.gather [hbm4b:s0+s17], $0x80, s22, s17, $0xb8;
	[tilespmem:$0x1C400] =	vst v63  }
0xe6: {  	_ =	swait.ge [sflag:s2], $0x4000  }
0xe7: {  	[sflag:s2] =	ssyncset.done $0x0  }
0xe8: {  	[sflag:s2] =	ssyncadd.s32 $0xFFFFC000  }
0xe9: {  	[spmem:s4] =	stream.indirect.scatter.add.f32 [tilespmem:s15], [sflag:$0x3], $0x80, s20, s17, $0xb8;
	[tilespmem:$0x1C400] =	vst v63  }
0xea: {  	_ =	swait.ge [sflag:s21], $0x4000  }
0xeb: {  	[sflag:s21] =	ssyncset.done $0x0  }
0xec: {  	[sflag:s21] =	ssyncadd.s32 $0xFFFFC000  }
0xed: {  	[tilespmem:s7], [sflag:$0x2] =	stream.indirect.gather [hbm4b:s0+s17], $0x80, s23, s17, $0xb8;
	[tilespmem:$0x1C400] =	vst v63  }
0xee: {  	_ =	swait.ge [sflag:s10], $0x4000  }
0xef: {  	[sflag:s10] =	ssyncset.done $0x0  }
0xf0: {  	[sflag:s10] =	ssyncadd.s32 $0xFFFFC000  }
0xf1: {  	[spmem:s4] =	stream.indirect.scatter.add.f32 [tilespmem:s7], [sflag:$0x4], $0x80, s25, s17, $0xb8;
	[tilespmem:$0x1C400] =	vst v63  }
0xf2: {  	_ =	swait.ge [sflag:s19], $0x4000  }
0xf3: {  	[sflag:s19] =	ssyncset.done $0x0  }
0xf4: {  	[sflag:s19] =	ssyncadd.s32 $0xFFFFC000  }
0xf5: {  	[tilespmem:s15], [sflag:$0x1] =	stream.indirect.gather [hbm4b:s0+s17], $0x80, s24, s17, $0xb8;
	[tilespmem:$0x1C400] =	vst v63  }
0xf6: {  	_ =	swait.ge [sflag:s2], $0x4000  }
0xf7: {  	[sflag:s2] =	ssyncset.done $0x0  }
0xf8: {  	[sflag:s2] =	ssyncadd.s32 $0xFFFFC000  }
0xf9: {  	[spmem:s4] =	stream.indirect.scatter.add.f32 [tilespmem:s15], [sflag:$0x3], $0x80, s26, s17, $0xb8;
	[tilespmem:$0x1C400] =	vst v63  }
0xfa: {  	_ =	swait.ge [sflag:s21], $0x4000  }
0xfb: {  	[sflag:s21] =	ssyncset.done $0x0  }
0xfc: {  	[sflag:s21] =	ssyncadd.s32 $0xFFFFC000  }
0xfd: {  	[tilespmem:s7], [sflag:$0x2] =	stream.indirect.gather [hbm4b:s0+s17], $0x80, s3, s17, $0xb8;
	[tilespmem:$0x1C400] =	vst v63  }
0xfe: {  	_ =	swait.ge [sflag:s10], $0x4000  }
0xff: {  	[sflag:s10] =	ssyncset.done $0x0  }
0x100: {  	[sflag:s10] =	ssyncadd.s32 $0xFFFFC000  }
0x101: {  	[spmem:s4] =	stream.indirect.scatter.add.f32 [tilespmem:s7], [sflag:$0x4], $0x80, s28, s17, $0xb8;
	[tilespmem:$0x1C400] =	vst v63  }
0x102: {  	_ =	swait.ge [sflag:s19], $0x4000  }
0x103: {  	[sflag:s19] =	ssyncset.done $0x0  }
0x104: {  	[sflag:s19] =	ssyncadd.s32 $0xFFFFC000  }
0x105: {  	[tilespmem:s15], [sflag:$0x1] =	stream.indirect.gather [hbm4b:s0+s17], $0x80, s8, s17, $0xb8;
	[tilespmem:$0x1C400] =	vst v63  }
0x106: {  	_ =	swait.ge [sflag:s2], $0x4000  }
0x107: {  	[sflag:s2] =	ssyncset.done $0x0  }
0x108: {  	[sflag:s2] =	ssyncadd.s32 $0xFFFFC000  }
0x109: {  	[spmem:s4] =	stream.indirect.scatter.add.f32 [tilespmem:s15], [sflag:$0x3], $0x80, s29, s17, $0xb8;
	[tilespmem:$0x1C400] =	vst v63  }
0x10a: {  	_ =	swait.ge [sflag:s21], $0x4000  }
0x10b: {  	[sflag:s21] =	ssyncset.done $0x0  }
0x10c: {  	[sflag:s21] =	ssyncadd.s32 $0xFFFFC000  }
0x10d: {  	[tilespmem:s7], [sflag:$0x2] =	stream.indirect.gather [hbm4b:s0+s17], $0x80, s12, s17, $0xb8;
	[tilespmem:$0x1C400] =	vst v63  }
0x10e: {  	_ =	swait.ge [sflag:s10], $0x4000  }
0x10f: {  	[sflag:s10] =	ssyncset.done $0x0  }
0x110: {  	[sflag:s10] =	ssyncadd.s32 $0xFFFFC000  }
0x111: {  	[spmem:s4] =	stream.indirect.scatter.add.f32 [tilespmem:s7], [sflag:$0x4], $0x80, s30, s17, $0xb8;
	[tilespmem:$0x1C400] =	vst v63  }
.Ltmp3:
0x112: {  	_ =	swait.ge [sflag:s19], $0x4000;
	(pc) =	sbr.rel @p1 .LBB2_4-.Ltmp3, $4  }
0x113: {  	[sflag:s19] =	ssyncset.done $0x0  }
0x114: {  	[sflag:s19] =	ssyncadd.s32 $0xFFFFC000  }
0x115: {  	_ =	swait.ge [sflag:s21], $0x4000  }
0x116: {  	[sflag:s21] =	ssyncset.done $0x0  }
.LBB2_5:
0x117: {  	[sflag:s21] =	ssyncadd.s32 $0xFFFFC000  }
0x118: {  	[bflag:$0x0] =	sbarrier.arrive $0xFFFF  }
0x119: {  	s11 =	rddreg [dreg:$0xa]  }
0x11a: {  	s13 =	rddreg [dreg:$0xe]  }
0x11b: {  	s9 =	rddreg [dreg:$0x10]  }
0x11c: {  	[hbm:s9], [sflag:s11] =	dma.local [spmem:s13], $0x2780  }
0x11d: {  	_ =	swait.ge [sflag:s14], $0x2780  }
0x11e: {  	[sflag:s14] =	ssyncset.done $0x0  }
0x11f: {  	[sflag:s14] =	ssyncadd.s32 $0xFFFFD880  }
0x120: {  	s9 =	rddreg [dreg:$0x4]  }
0x121: {  	[spmem:s13], [sflag:s11] =	dma.local [hbm:s9], $0x2780  }
0x122: {  	_ =	swait.ge [sflag:s14], $0x2780  }
0x123: {  	[sflag:s14] =	ssyncset.done $0x0  }
0x124: {  	[sflag:s14] =	ssyncadd.s32 $0xFFFFD880  }
0x125: {  	[bflag:$0x0] =	sbarrier.arrive $0xFFFF  }
0x126: {  	s11 =	rddreg [dreg:$0xd]  }
0x127: {  	[tilespmem:s31], [sflag:$0x5] =	stream.linear.gather [hbm4b:s11+s5], $0x400, $0x38;
	[tilespmem:$0x1C400] =	vst v63  }
0x128: {  	_ =	swait.ge [sflag:s14], $0x400  }
0x129: {  	[sflag:s14] =	ssyncset.done $0x0  }
0x12a: {  	s11 =	rddreg [dreg:$0xc];
	[sflag:s14] =	ssyncadd.s32 $0xFFFFFC00  }
0x12b: {  	[tilespmem:s16], [sflag:$0x5] =	stream.linear.gather [hbm4b:s11+s5], $0x400, $0x38;
	[tilespmem:$0x1C400] =	vst v63  }
0x12c: {  	_ =	swait.ge [sflag:s14], $0x400  }
0x12d: {  	[sflag:s14] =	ssyncset.done $0x0  }
0x12e: {  	[sflag:s14] =	ssyncadd.s32 $0xFFFFFC00  }
0x12f: {  	[tilespmem:s15], [sflag:$0x1] =	stream.indirect.gather [hbm4b:s1+s17], $0x80, s31, s17, $0xb8;
	[tilespmem:$0x1C400] =	vst v63  }
0x130: {  	_ =	swait.ge [sflag:s2], $0x4000  }
0x131: {  	[sflag:s2] =	ssyncset.done $0x0  }
0x132: {  	[sflag:s2] =	ssyncadd.s32 $0xFFFFC000  }
0x133: {  	[spmem:s4] =	stream.indirect.scatter.add.f32 [tilespmem:s15], [sflag:$0x3], $0x80, s16, s17, $0xb8;
	[tilespmem:$0x1C400] =	vst v63  }
0x134: {  	_ = 	snop  }
0x135: {  	[tilespmem:s7], [sflag:$0x2] =	stream.indirect.gather [hbm4b:s1+s17], $0x80, s6, s17, $0xb8;
	[tilespmem:$0x1C400] =	vst v63  }
0x136: {  	_ =	swait.ge [sflag:s10], $0x4000  }
0x137: {  	[sflag:s10] =	ssyncset.done $0x0  }
0x138: {  	[sflag:s10] =	ssyncadd.s32 $0xFFFFC000  }
0x139: {  	[spmem:s4] =	stream.indirect.scatter.add.f32 [tilespmem:s7], [sflag:$0x4], $0x80, s18, s17, $0xb8;
	[tilespmem:$0x1C400] =	vst v63  }
0x13a: {  	_ =	swait.ge [sflag:s19], $0x4000  }
0x13b: {  	[sflag:s19] =	ssyncset.done $0x0  }
0x13c: {  	[sflag:s19] =	ssyncadd.s32 $0xFFFFC000  }
0x13d: {  	[tilespmem:s15], [sflag:$0x1] =	stream.indirect.gather [hbm4b:s1+s17], $0x80, s22, s17, $0xb8;
	[tilespmem:$0x1C400] =	vst v63  }
0x13e: {  	_ =	swait.ge [sflag:s2], $0x4000  }
0x13f: {  	[sflag:s2] =	ssyncset.done $0x0  }
0x140: {  	[sflag:s2] =	ssyncadd.s32 $0xFFFFC000  }
0x141: {  	[spmem:s4] =	stream.indirect.scatter.add.f32 [tilespmem:s15], [sflag:$0x3], $0x80, s20, s17, $0xb8;
	[tilespmem:$0x1C400] =	vst v63  }
0x142: {  	_ =	swait.ge [sflag:s21], $0x4000  }
0x143: {  	[sflag:s21] =	ssyncset.done $0x0  }
0x144: {  	[sflag:s21] =	ssyncadd.s32 $0xFFFFC000  }
0x145: {  	[tilespmem:s7], [sflag:$0x2] =	stream.indirect.gather [hbm4b:s1+s17], $0x80, s23, s17, $0xb8;
	[tilespmem:$0x1C400] =	vst v63  }
0x146: {  	_ =	swait.ge [sflag:s10], $0x4000  }
0x147: {  	[sflag:s10] =	ssyncset.done $0x0  }
0x148: {  	[sflag:s10] =	ssyncadd.s32 $0xFFFFC000  }
0x149: {  	[spmem:s4] =	stream.indirect.scatter.add.f32 [tilespmem:s7], [sflag:$0x4], $0x80, s25, s17, $0xb8;
	[tilespmem:$0x1C400] =	vst v63  }
0x14a: {  	_ =	swait.ge [sflag:s19], $0x4000  }
0x14b: {  	[sflag:s19] =	ssyncset.done $0x0  }
0x14c: {  	[sflag:s19] =	ssyncadd.s32 $0xFFFFC000  }
0x14d: {  	[tilespmem:s15], [sflag:$0x1] =	stream.indirect.gather [hbm4b:s1+s17], $0x80, s24, s17, $0xb8;
	[tilespmem:$0x1C400] =	vst v63  }
0x14e: {  	_ =	swait.ge [sflag:s2], $0x4000  }
0x14f: {  	[sflag:s2] =	ssyncset.done $0x0  }
0x150: {  	[sflag:s2] =	ssyncadd.s32 $0xFFFFC000  }
0x151: {  	[spmem:s4] =	stream.indirect.scatter.add.f32 [tilespmem:s15], [sflag:$0x3], $0x80, s26, s17, $0xb8;
	[tilespmem:$0x1C400] =	vst v63  }
0x152: {  	_ =	swait.ge [sflag:s21], $0x4000  }
0x153: {  	[sflag:s21] =	ssyncset.done $0x0  }
0x154: {  	[sflag:s21] =	ssyncadd.s32 $0xFFFFC000  }
0x155: {  	[tilespmem:s7], [sflag:$0x2] =	stream.indirect.gather [hbm4b:s1+s17], $0x80, s3, s17, $0xb8;
	[tilespmem:$0x1C400] =	vst v63  }
0x156: {  	_ =	swait.ge [sflag:s10], $0x4000  }
0x157: {  	[sflag:s10] =	ssyncset.done $0x0  }
0x158: {  	[sflag:s10] =	ssyncadd.s32 $0xFFFFC000  }
0x159: {  	[spmem:s4] =	stream.indirect.scatter.add.f32 [tilespmem:s7], [sflag:$0x4], $0x80, s28, s17, $0xb8;
	[tilespmem:$0x1C400] =	vst v63  }
0x15a: {  	_ =	swait.ge [sflag:s19], $0x4000  }
0x15b: {  	[sflag:s19] =	ssyncset.done $0x0  }
0x15c: {  	[sflag:s19] =	ssyncadd.s32 $0xFFFFC000  }
0x15d: {  	[tilespmem:s15], [sflag:$0x1] =	stream.indirect.gather [hbm4b:s1+s17], $0x80, s8, s17, $0xb8;
	[tilespmem:$0x1C400] =	vst v63  }
0x15e: {  	_ =	swait.ge [sflag:s2], $0x4000  }
0x15f: {  	[sflag:s2] =	ssyncset.done $0x0  }
0x160: {  	[sflag:s2] =	ssyncadd.s32 $0xFFFFC000  }
0x161: {  	[spmem:s4] =	stream.indirect.scatter.add.f32 [tilespmem:s15], [sflag:$0x3], $0x80, s29, s17, $0xb8;
	[tilespmem:$0x1C400] =	vst v63  }
0x162: {  	_ =	swait.ge [sflag:s21], $0x4000  }
0x163: {  	[sflag:s21] =	ssyncset.done $0x0  }
0x164: {  	[sflag:s21] =	ssyncadd.s32 $0xFFFFC000  }
0x165: {  	[tilespmem:s7], [sflag:$0x2] =	stream.indirect.gather [hbm4b:s1+s17], $0x80, s12, s17, $0xb8;
	[tilespmem:$0x1C400] =	vst v63  }
0x166: {  	_ =	swait.ge [sflag:s10], $0x4000  }
0x167: {  	[sflag:s10] =	ssyncset.done $0x0  }
0x168: {  	[sflag:s10] =	ssyncadd.s32 $0xFFFFC000  }
0x169: {  	[spmem:s4] =	stream.indirect.scatter.add.f32 [tilespmem:s7], [sflag:$0x4], $0x80, s30, s17, $0xb8;
	[tilespmem:$0x1C400] =	vst v63  }
0x16a: {  	_ =	swait.ge [sflag:s19], $0x4000  }
.Ltmp4:
0x16b: {  	[sflag:s19] =	ssyncset.done $0x0;
	(pc) =	sbr.rel @!p0 .LBB2_7-.Ltmp4, $4  }
0x16c: {  	[sflag:s19] =	ssyncadd.s32 $0xFFFFC000  }
0x16d: {  	_ =	swait.ge [sflag:s21], $0x4000  }
0x16e: {  	s13 =	rddreg [dreg:$0x9]  }
0x16f: {  	[sflag:s21] =	ssyncset.done $0x0;
	s9 =	rddreg [dreg:$0xd];
	s13 =	sadd.s32 $0xFFFFFFFF, s13  }
.LBB2_6:
0x170: {  	[sflag:s21] =	ssyncadd.s32 $0xFFFFC000;
	s11 =	sadd.s32 $0x80, s11;
	s9 =	sadd.s32 $0x80, s9  }
0x171: {  	[tilespmem:s31], [sflag:$0x5] =	stream.linear.gather [hbm4b:s9+s5], $0x400, $0x38;
	[tilespmem:$0x1C400] =	vst v63  }
0x172: {  	p0 =	sne.s32 s13, $0x1;
	s13 =	sadd.s32 $0xFFFFFFFF, s13;
	_ =	swait.ge [sflag:s14], $0x400  }
0x173: {  	[sflag:s14] =	ssyncset.done $0x0  }
0x174: {  	[sflag:s14] =	ssyncadd.s32 $0xFFFFFC00  }
0x175: {  	[tilespmem:s16], [sflag:$0x5] =	stream.linear.gather [hbm4b:s11+s5], $0x400, $0x38;
	[tilespmem:$0x1C400] =	vst v63  }
0x176: {  	_ =	swait.ge [sflag:s14], $0x400  }
0x177: {  	[sflag:s14] =	ssyncset.done $0x0  }
0x178: {  	[sflag:s14] =	ssyncadd.s32 $0xFFFFFC00  }
0x179: {  	[tilespmem:s15], [sflag:$0x1] =	stream.indirect.gather [hbm4b:s1+s17], $0x80, s31, s17, $0xb8;
	[tilespmem:$0x1C400] =	vst v63  }
0x17a: {  	_ =	swait.ge [sflag:s2], $0x4000  }
0x17b: {  	[sflag:s2] =	ssyncset.done $0x0  }
0x17c: {  	[sflag:s2] =	ssyncadd.s32 $0xFFFFC000  }
0x17d: {  	[spmem:s4] =	stream.indirect.scatter.add.f32 [tilespmem:s15], [sflag:$0x3], $0x80, s16, s17, $0xb8;
	[tilespmem:$0x1C400] =	vst v63  }
0x17e: {  	_ = 	snop  }
0x17f: {  	[tilespmem:s7], [sflag:$0x2] =	stream.indirect.gather [hbm4b:s1+s17], $0x80, s6, s17, $0xb8;
	[tilespmem:$0x1C400] =	vst v63  }
0x180: {  	_ =	swait.ge [sflag:s10], $0x4000  }
0x181: {  	[sflag:s10] =	ssyncset.done $0x0  }
0x182: {  	[sflag:s10] =	ssyncadd.s32 $0xFFFFC000  }
0x183: {  	[spmem:s4] =	stream.indirect.scatter.add.f32 [tilespmem:s7], [sflag:$0x4], $0x80, s18, s17, $0xb8;
	[tilespmem:$0x1C400] =	vst v63  }
0x184: {  	_ =	swait.ge [sflag:s19], $0x4000  }
0x185: {  	[sflag:s19] =	ssyncset.done $0x0  }
0x186: {  	[sflag:s19] =	ssyncadd.s32 $0xFFFFC000  }
0x187: {  	[tilespmem:s15], [sflag:$0x1] =	stream.indirect.gather [hbm4b:s1+s17], $0x80, s22, s17, $0xb8;
	[tilespmem:$0x1C400] =	vst v63  }
0x188: {  	_ =	swait.ge [sflag:s2], $0x4000  }
0x189: {  	[sflag:s2] =	ssyncset.done $0x0  }
0x18a: {  	[sflag:s2] =	ssyncadd.s32 $0xFFFFC000  }
0x18b: {  	[spmem:s4] =	stream.indirect.scatter.add.f32 [tilespmem:s15], [sflag:$0x3], $0x80, s20, s17, $0xb8;
	[tilespmem:$0x1C400] =	vst v63  }
0x18c: {  	_ =	swait.ge [sflag:s21], $0x4000  }
0x18d: {  	[sflag:s21] =	ssyncset.done $0x0  }
0x18e: {  	[sflag:s21] =	ssyncadd.s32 $0xFFFFC000  }
0x18f: {  	[tilespmem:s7], [sflag:$0x2] =	stream.indirect.gather [hbm4b:s1+s17], $0x80, s23, s17, $0xb8;
	[tilespmem:$0x1C400] =	vst v63  }
0x190: {  	_ =	swait.ge [sflag:s10], $0x4000  }
0x191: {  	[sflag:s10] =	ssyncset.done $0x0  }
0x192: {  	[sflag:s10] =	ssyncadd.s32 $0xFFFFC000  }
0x193: {  	[spmem:s4] =	stream.indirect.scatter.add.f32 [tilespmem:s7], [sflag:$0x4], $0x80, s25, s17, $0xb8;
	[tilespmem:$0x1C400] =	vst v63  }
0x194: {  	_ =	swait.ge [sflag:s19], $0x4000  }
0x195: {  	[sflag:s19] =	ssyncset.done $0x0  }
0x196: {  	[sflag:s19] =	ssyncadd.s32 $0xFFFFC000  }
0x197: {  	[tilespmem:s15], [sflag:$0x1] =	stream.indirect.gather [hbm4b:s1+s17], $0x80, s24, s17, $0xb8;
	[tilespmem:$0x1C400] =	vst v63  }
0x198: {  	_ =	swait.ge [sflag:s2], $0x4000  }
0x199: {  	[sflag:s2] =	ssyncset.done $0x0  }
0x19a: {  	[sflag:s2] =	ssyncadd.s32 $0xFFFFC000  }
0x19b: {  	[spmem:s4] =	stream.indirect.scatter.add.f32 [tilespmem:s15], [sflag:$0x3], $0x80, s26, s17, $0xb8;
	[tilespmem:$0x1C400] =	vst v63  }
0x19c: {  	_ =	swait.ge [sflag:s21], $0x4000  }
0x19d: {  	[sflag:s21] =	ssyncset.done $0x0  }
0x19e: {  	[sflag:s21] =	ssyncadd.s32 $0xFFFFC000  }
0x19f: {  	[tilespmem:s7], [sflag:$0x2] =	stream.indirect.gather [hbm4b:s1+s17], $0x80, s3, s17, $0xb8;
	[tilespmem:$0x1C400] =	vst v63  }
0x1a0: {  	_ =	swait.ge [sflag:s10], $0x4000  }
0x1a1: {  	[sflag:s10] =	ssyncset.done $0x0  }
0x1a2: {  	[sflag:s10] =	ssyncadd.s32 $0xFFFFC000  }
0x1a3: {  	[spmem:s4] =	stream.indirect.scatter.add.f32 [tilespmem:s7], [sflag:$0x4], $0x80, s28, s17, $0xb8;
	[tilespmem:$0x1C400] =	vst v63  }
0x1a4: {  	_ =	swait.ge [sflag:s19], $0x4000  }
0x1a5: {  	[sflag:s19] =	ssyncset.done $0x0  }
0x1a6: {  	[sflag:s19] =	ssyncadd.s32 $0xFFFFC000  }
0x1a7: {  	[tilespmem:s15], [sflag:$0x1] =	stream.indirect.gather [hbm4b:s1+s17], $0x80, s8, s17, $0xb8;
	[tilespmem:$0x1C400] =	vst v63  }
0x1a8: {  	_ =	swait.ge [sflag:s2], $0x4000  }
0x1a9: {  	[sflag:s2] =	ssyncset.done $0x0  }
0x1aa: {  	[sflag:s2] =	ssyncadd.s32 $0xFFFFC000  }
0x1ab: {  	[spmem:s4] =	stream.indirect.scatter.add.f32 [tilespmem:s15], [sflag:$0x3], $0x80, s29, s17, $0xb8;
	[tilespmem:$0x1C400] =	vst v63  }
0x1ac: {  	_ =	swait.ge [sflag:s21], $0x4000  }
0x1ad: {  	[sflag:s21] =	ssyncset.done $0x0  }
0x1ae: {  	[sflag:s21] =	ssyncadd.s32 $0xFFFFC000  }
0x1af: {  	[tilespmem:s7], [sflag:$0x2] =	stream.indirect.gather [hbm4b:s1+s17], $0x80, s12, s17, $0xb8;
	[tilespmem:$0x1C400] =	vst v63  }
0x1b0: {  	_ =	swait.ge [sflag:s10], $0x4000  }
0x1b1: {  	[sflag:s10] =	ssyncset.done $0x0  }
0x1b2: {  	[sflag:s10] =	ssyncadd.s32 $0xFFFFC000  }
0x1b3: {  	[spmem:s4] =	stream.indirect.scatter.add.f32 [tilespmem:s7], [sflag:$0x4], $0x80, s30, s17, $0xb8;
	[tilespmem:$0x1C400] =	vst v63  }
.Ltmp5:
0x1b4: {  	_ =	swait.ge [sflag:s19], $0x4000;
	(pc) =	sbr.rel @p0 .LBB2_6-.Ltmp5, $4  }
0x1b5: {  	[sflag:s19] =	ssyncset.done $0x0  }
0x1b6: {  	[sflag:s19] =	ssyncadd.s32 $0xFFFFC000  }
0x1b7: {  	_ =	swait.ge [sflag:s21], $0x4000  }
0x1b8: {  	[sflag:s21] =	ssyncset.done $0x0  }
.LBB2_7:
0x1b9: {  	[sflag:s21] =	ssyncadd.s32 $0xFFFFC000  }
0x1ba: {  	[bflag:$0x0] =	sbarrier.arrive $0xFFFF  }
0x1bb: {  	s13 =	rddreg [dreg:$0xa]  }
0x1bc: {  	s11 =	rddreg [dreg:$0xe]  }
0x1bd: {  	s9 =	rddreg [dreg:$0x11]  }
0x1be: {  	[hbm:s9], [sflag:s13] =	dma.local [spmem:s11], $0x2780  }
0x1bf: {  	_ =	swait.ge [sflag:s14], $0x2780  }
0x1c0: {  	s9 =	rddreg [dreg:$0x12]  }
0x1c1: {  	s13 =	sadd.s32 $0x1, s9;
	s9 =	rddreg [dreg:$0xb]  }
0x1c2: {  	p0 =	sne.s32 s13, s9  }
.Ltmp6:
0x1c3: {  	_ = 	snop;
	(pc) =	sbr.rel @p0 .LBB2_1-.Ltmp6, $3  }
0x1c4: {  	_ =	sdelay $0x1  }
0x1c5: {  	[sflag:s14] =	ssyncset.done $0x0;
	[dreg:$0x12] =	wrdreg s13  }
0x1c6: {  	[sflag:s14] =	ssyncadd.s32 $0xFFFFD880;
	s13 =	rddreg [dreg:$0xa]  }
0x1c7: {  	_ =	sfence.sel $0x180000  }
0x1c8: {  	[bflag:$0x0] =	sbarrier.arrive $0xFFFF  }
0x1c9: {  	_ =	strace $0x90000047  }
0x1ca: {  	s0 =	stileid.u32;
	[bflag:$0x2] =	sbarrier.arrive $0xFFFF  }
0x1cb: {  	p0 =	sne.s32 s0, $0x0;
	s0 =	rddreg [dreg:$0x7]  }
0x1cc: {  	s0 =	sadd.s32 @!p0 $0x100000, s0  }
0x1cd: {  	[sflag:s0] =	ssyncadd.tile.s32 @!p0 $0x1;
	_ =	shalt  }
.Lfunc_end2:
_tile_overlayer_lowered:
.L_overlay_start_2:
0x1ce: {  	(tag) =	ssettag $0x2  }
0x1cf: {  	s0 =	rddreg [dreg:$0x0];
	s2 =	stileid.u32  }
0x1d0: {  	s1 =	rddreg [dreg:$0x1];
	p0 =	sne.s32 s2, $0x0  }
0x1d1: {  	s3 =	rddreg [dreg:$0x2];
	[bflag:$0x3] =	sbarrier.arrive $0xFFFF;
	s2 =	simm.s32 @!p0 $0x1C05  }
0x1d2: {  	[timem:s3], [sflag:s2] =	dma.local @!p0 [hbm:s0], s1  }
0x1d3: {  	s0 =	simm.s32 @!p0 $0x5  }
0x1d4: {  	_ =	swait.ge @!p0 [sflag:s0], s1  }
0x1d5: {  	s1 =	ssub.s32 @!p0 $0x0, s1;
	[sflag:s0] =	ssyncset.done @!p0 $0x0  }
0x1d6: {  	[sflag:s0] =	ssyncadd.s32 @!p0 s1  }
0x1d7: {  	[bflag:$0x3] =	sbarrier.arrive $0xFFFF  }
0x1d8: {  	_ =	shalt  }

</sc_bundles>
